<compile_context>
chip_gen: v7x
topology: tpu7x:2x2x1
jax: 0.10.2.dev20260603
libtpu: 0.0.44.dev20260713+nightly
codegen_flags: <defaults>
</compile_context>

<pallas_src>
import numpy as np
import jax
import jax.numpy as jnp
from jax import lax
from jax.experimental import pallas as pl
from jax.experimental.pallas import tpu as pltpu
from jax.experimental.pallas import tpu_sc as plsc

FEAT_STRIDE = 16
_W_AN = np.array([8., 16., 32., 64., 128., 256., 512.])
_H_AN = np.array([8., 16., 32., 64., 128., 256., 512.])
A = 7
FH, FW = 50, 50
B, G = 4, 20
IM_H, IM_W = 800.0, 800.0
RPN_BATCHSIZE = 256
NUM_FG = int(0.5 * RPN_BATCHSIZE)
P = FH * FW
S = 2560
TOTAL = A * P
NSLOT = A * S
NW = 16
CHUNK = NSLOT // NW
NV = CHUNK // 16
NPLANE = 12
NST = 16


def _build_consts():
    base = np.stack([-(_W_AN - 1) / 2, -(_H_AN - 1) / 2,
                     (_W_AN - 1) / 2, (_H_AN - 1) / 2], axis=1)
    sx = np.arange(FW) * FEAT_STRIDE
    sy = np.arange(FH) * FEAT_STRIDE
    sxx, syy = np.meshgrid(sx, sy)
    shifts = np.stack([sxx.ravel(), syy.ravel(), sxx.ravel(), syy.ravel()], axis=1)
    all_anchors = (shifts[:, None, :] + base[None, :, :]).reshape(-1, 4).astype(np.float32)
    keep = ((all_anchors[:, 0] >= 0) & (all_anchors[:, 1] >= 0)
            & (all_anchors[:, 2] < IM_W) & (all_anchors[:, 3] < IM_H))
    inds_inside = np.nonzero(keep)[0]
    n_in = len(inds_inside)
    nsort = ((n_in + 15) // 16) * 16

    def to_ap(x):
        x = np.asarray(x)
        return x.reshape((P, A) + x.shape[1:]).swapaxes(0, 1)

    def pad(x, val):
        w = [(0, 0)] * (x.ndim - 1) + [(0, S - P)]
        return np.pad(x, w, constant_values=val)

    anch = pad(to_ap(all_anchors).transpose(2, 0, 1), 0.0)
    ax1, ay1, ax2, ay2 = anch
    ax2 = np.where(ax2 == 0.0, 15.0, ax2)
    ay2 = np.where(ay2 == 0.0, 15.0, ay2)
    aw = ax2 - ax1 + 1.0
    ah = ay2 - ay1 + 1.0
    aarea = aw * ah
    ecx = ax1 + 0.5 * aw
    ecy = ay1 + 0.5 * ah
    inside = pad(to_ap(keep.astype(np.float32)), 0.0)
    planes = np.stack([ax1, ay1, ax2, ay2, aarea, ecx, ecy,
                       1.0 / aw, 1.0 / ah, np.log(aw), np.log(ah), inside]
                      ).astype(np.float32).reshape(NPLANE, NSLOT)

    inside_flat = inside.reshape(NSLOT) > 0
    outside_idx = np.nonzero(~inside_flat)[0]

    def _draws():
        key = jax.random.key(42)
        return (jax.random.uniform(key, (B, n_in)),
                jax.random.uniform(jax.random.fold_in(key, 1), (B, n_in)))

    try:
        rand_fg, rand_bg = jax.jit(_draws, backend="cpu")()
    except Exception:
        rand_fg, rand_bg = _draws()
    rand_fg = np.asarray(rand_fg)
    rand_bg = np.asarray(rand_bg)

    def perms(rand):
        out = np.empty((B, nsort), np.int32)
        for b in range(B):
            order = np.argsort(rand[b], kind="stable")
            flat_t = np.full(TOTAL, -1, np.int64)
            flat_t[inds_inside] = np.arange(n_in)
            ap = pad(to_ap(flat_t), -1).reshape(NSLOT)
            slot_of_n = np.empty(n_in, np.int64)
            slot_of_n[ap[ap >= 0]] = np.nonzero(ap >= 0)[0]
            out[b, :n_in] = slot_of_n[order]
            out[b, n_in:] = outside_idx[:nsort - n_in]
        return out

    return planes, perms(rand_fg), perms(rand_bg), n_in, nsort


_PLANES, _PERM_FG, _PERM_BG, _N_IN, _NSORT = _build_consts()


def _sc_body(planes_hbm, gtv_hbm, permf_hbm, permb_hbm,
             labels_hbm, bt_hbm, biw_hbm, bow_hbm,
             pv, gv, ovb, st, lmax_l, lmax_all, mfull, permv, kslice, nexv,
             lmax_sh, mask_sh, kept_sh, nex_sh):
    cid = lax.axis_index("c")
    sid = lax.axis_index("s")
    off = sid * CHUNK
    f32 = jnp.float32

    for r in range(NPLANE):
        pltpu.sync_copy(planes_hbm.at[pl.ds(r * NSLOT + off, CHUNK)],
                        pv.at[pl.ds(r * CHUNK, CHUNK)])

    for bl in range(2):
        b = cid * 2 + bl
        rb = 2 + bl * 7
        pltpu.sync_copy(gtv_hbm.at[pl.ds(b * (G * 10 * 16), G * 10 * 16)], gv)

        def init_i(i, _):
            st[pl.ds(0 * CHUNK + i * 16, 16)] = jnp.full((16,), -1.0, f32)
            st[pl.ds(1 * CHUNK + i * 16, 16)] = jnp.full((16,), 0.0, f32)
            return 0
        lax.fori_loop(0, NV, init_i, 0)

        def g_body(g, _):
            def gld(k):
                return gv[pl.ds((g * 10 + k) * 16, 16)]
            gx1 = gld(0)
            gy1 = gld(1)
            gx2 = gld(2)
            gy2 = gld(3)
            garea = gld(4)
            gcx = gld(5)
            gcy = gld(6)
            lgw = gld(7)
            lgh = gld(8)
            valid = gld(9)

            def i_body(i, lm):
                for u in range(2):
                    o16 = i * 32 + u * 16

                    def pvv(r, o16=o16):
                        return pv[pl.ds(r * CHUNK + o16, 16)]

                    def stg(r, o16=o16):
                        return st[pl.ds(r * CHUNK + o16, 16)]

                    def sts(r, x, o16=o16):
                        st[pl.ds(r * CHUNK + o16, 16)] = x

                    ix = jnp.minimum(pvv(2), gx2) - jnp.maximum(pvv(0), gx1) + 1.0
                    iy = jnp.minimum(pvv(3), gy2) - jnp.maximum(pvv(1), gy1) + 1.0
                    inter = jnp.maximum(ix, 0.0) * jnp.maximum(iy, 0.0)
                    iou = inter / (pvv(4) + garea - inter)
                    ov = iou * valid
                    ovb[pl.ds(g * CHUNK + o16, 16)] = ov
                    mo = stg(0)
                    upd = ov > mo
                    sts(rb + 0, jnp.where(upd, gcx, stg(rb + 0)))
                    sts(rb + 1, jnp.where(upd, gcy, stg(rb + 1)))
                    sts(rb + 2, jnp.where(upd, lgw, stg(rb + 2)))
                    sts(rb + 3, jnp.where(upd, lgh, stg(rb + 3)))
                    sts(0, jnp.maximum(mo, ov))
                    lm = jnp.maximum(lm, ov * pvv(11))
                return lm
            lm = lax.fori_loop(0, NV // 2, i_body, jnp.full((16,), -1.0, f32))
            lmax_l[pl.ds(g * 16, 16)] = lm
            return 0
        lax.fori_loop(0, G, g_body, 0)

        pltpu.sync_copy(lmax_l, lmax_sh.at[pl.ds(sid * (G * 16), G * 16)])
        plsc.subcore_barrier()
        pltpu.sync_copy(lmax_sh, lmax_all)
        plsc.subcore_barrier()

        def g2_body(g, _):
            def r_body(w, m):
                return jnp.maximum(m, lmax_all[pl.ds((w * G + g) * 16, 16)])
            m = lax.fori_loop(1, NW, r_body, lmax_all[pl.ds(g * 16, 16)])
            gtm = plsc.cummax(lax.rev(plsc.cummax(m), (0,)))
            adjv = jnp.where(gtm == 0.0, f32(1e-5), gtm)

            def i_body(i, _):
                for u in range(2):
                    o16 = i * 32 + u * 16
                    sl5 = pl.ds(1 * CHUNK + o16, 16)
                    k = st[sl5]
                    st[sl5] = jnp.where(
                        ovb[pl.ds(g * CHUNK + o16, 16)] == adjv, 1.0, k)
                return 0
            lax.fori_loop(0, NV // 2, i_body, 0)
            return 0
        lax.fori_loop(0, G, g2_body, 0)

        def lab_i(i, _):
            o16 = i * 16
            ins = pv[pl.ds(11 * CHUNK + o16, 16)] > 0.0
            mo = st[pl.ds(0 * CHUNK + o16, 16)]
            lab = jnp.where(ins & (mo < 0.3), 0.0, -1.0)
            lab = jnp.where(ins & ((st[pl.ds(1 * CHUNK + o16, 16)] > 0.0)
                                   | (mo >= 0.7)), 1.0, lab)
            st[pl.ds((rb + 4) * CHUNK + o16, 16)] = lab
            st[pl.ds((rb + 5) * CHUNK + o16, 16)] = jnp.where(lab == 1.0, 1.0, 0.0)
            st[pl.ds((rb + 6) * CHUNK + o16, 16)] = jnp.where(lab == 0.0, 1.0, 0.0)
            return 0
        lax.fori_loop(0, NV, lab_i, 0)

        pltpu.sync_copy(st.at[pl.ds((rb + 5) * CHUNK, CHUNK)],
                        mask_sh.at[pl.ds((bl * 2 + 0) * NSLOT + off, CHUNK)])
        pltpu.sync_copy(st.at[pl.ds((rb + 6) * CHUNK, CHUNK)],
                        mask_sh.at[pl.ds((bl * 2 + 1) * NSLOT + off, CHUNK)])

    plsc.subcore_barrier()

    def bcast_last(c):
        return plsc.cummax(lax.rev(c, (0,)))

    def count_full():
        def cnt(i, acc):
            o = i * 64
            return (acc + mfull[pl.ds(o, 16)] + mfull[pl.ds(o + 16, 16)]
                    + mfull[pl.ds(o + 32, 16)] + mfull[pl.ds(o + 48, 16)])
        acc = lax.fori_loop(0, NSLOT // 64, cnt, jnp.zeros((16,), f32))
        return bcast_last(plsc.cumsum(acc))

    def select(kk):
        def sel(r, carry):
            idx = permv[pl.ds(r * 16, 16)]
            v = plsc.load_gather(mfull, [idx])
            c = plsc.cumsum(v)
            exc = c - v + carry
            kept = jnp.where((v > 0.0) & (exc < kk), 1.0, 0.0)
            plsc.store_scatter(mfull, [idx], kept)
            return carry + bcast_last(c)
        lax.fori_loop(0, _NSORT // 16, sel, jnp.zeros((16,), f32))

    for w in range(4):
        blw, rolew = w // 2, w % 2
        perm_src = permf_hbm if rolew == 0 else permb_hbm

        @pl.when(sid == w)
        def _(blw=blw, rolew=rolew, perm_src=perm_src):
            bq = cid * 2 + blw
            pltpu.sync_copy(perm_src.at[pl.ds(bq * _NSORT, _NSORT)], permv)
            pltpu.sync_copy(mask_sh.at[pl.ds((blw * 2 + 0) * NSLOT, NSLOT)], mfull)
            k_fg = jnp.minimum(jnp.full((16,), float(NUM_FG), f32), count_full())
            if rolew == 0:
                select(k_fg)
            else:
                pltpu.sync_copy(mask_sh.at[pl.ds((blw * 2 + 1) * NSLOT, NSLOT)],
                                mfull)
                bg_tot = count_full()
                k_bg = jnp.minimum(
                    jnp.full((16,), float(RPN_BATCHSIZE), f32) - k_fg, bg_tot)
                select(k_bg)
                nex = jnp.maximum(k_fg + k_bg, 1.0)
                nexv[...] = 1.0 / nex
                pltpu.sync_copy(nexv, nex_sh.at[pl.ds(blw * 16, 16)])
            pltpu.sync_copy(mfull, kept_sh.at[pl.ds(w * NSLOT, NSLOT)])

    plsc.subcore_barrier()

    for bl in range(2):
        b = cid * 2 + bl
        rb = 2 + bl * 7
        pltpu.sync_copy(kept_sh.at[pl.ds((bl * 2 + 0) * NSLOT + off, CHUNK)],
                        kslice.at[pl.ds(0, CHUNK)])
        pltpu.sync_copy(kept_sh.at[pl.ds((bl * 2 + 1) * NSLOT + off, CHUNK)],
                        kslice.at[pl.ds(CHUNK, CHUNK)])
        pltpu.sync_copy(nex_sh.at[pl.ds(bl * 16, 16)], nexv)
        posw = nexv[...]

        def o_body(i, _):
            o16 = i * 16

            def pvv(r):
                return pv[pl.ds(r * CHUNK + o16, 16)]

            def stg(r):
                return st[pl.ds(r * CHUNK + o16, 16)]

            fgm = stg(rb + 5) > 0.0
            bgm = stg(rb + 6) > 0.0
            lab = stg(rb + 4)
            lab = jnp.where(fgm & (kslice[pl.ds(o16, 16)] < 0.5), -1.0, lab)
            lab = jnp.where(bgm & (kslice[pl.ds(CHUNK + o16, 16)] < 0.5), -1.0, lab)
            st[pl.ds((rb + 4) * CHUNK + o16, 16)] = lab
            st[pl.ds((rb + 5) * CHUNK + o16, 16)] = jnp.where(lab == 1.0, 1.0, 0.0)
            st[pl.ds((rb + 6) * CHUNK + o16, 16)] = jnp.where(lab >= 0.0, posw, 0.0)
            ins = pvv(11)
            ovb[pl.ds(0 * CHUNK + o16, 16)] = (stg(rb + 0) - pvv(5)) * pvv(7) * ins
            ovb[pl.ds(1 * CHUNK + o16, 16)] = (stg(rb + 1) - pvv(6)) * pvv(8) * ins
            ovb[pl.ds(2 * CHUNK + o16, 16)] = (stg(rb + 2) - pvv(9)) * ins
            ovb[pl.ds(3 * CHUNK + o16, 16)] = (stg(rb + 3) - pvv(10)) * ins
            return 0
        lax.fori_loop(0, NV, o_body, 0)

        pltpu.sync_copy(st.at[pl.ds((rb + 4) * CHUNK, CHUNK)],
                        labels_hbm.at[pl.ds(b * NSLOT + off, CHUNK)])
        pltpu.sync_copy(st.at[pl.ds((rb + 5) * CHUNK, CHUNK)],
                        biw_hbm.at[pl.ds(b * NSLOT + off, CHUNK)])
        pltpu.sync_copy(st.at[pl.ds((rb + 6) * CHUNK, CHUNK)],
                        bow_hbm.at[pl.ds(b * NSLOT + off, CHUNK)])
        for k4 in range(4):
            pltpu.sync_copy(ovb.at[pl.ds(k4 * CHUNK, CHUNK)],
                            bt_hbm.at[pl.ds((b * 4 + k4) * NSLOT + off, CHUNK)])


def kernel(scores_w, gt_boxes, im_info, num_boxes):
    del scores_w, im_info, num_boxes
    f32 = jnp.float32

    gx1 = gt_boxes[:, :, 0]
    gy1 = gt_boxes[:, :, 1]
    gx2 = gt_boxes[:, :, 2]
    gy2 = gt_boxes[:, :, 3]
    gw = gx2 - gx1 + 1.0
    gh = gy2 - gy1 + 1.0
    gtv = jnp.stack([gx1, gy1, gx2, gy2, gw * gh,
                     gx1 + 0.5 * gw, gy1 + 0.5 * gh,
                     jnp.log(gw), jnp.log(gh),
                     ((gw > 1.0) | (gh > 1.0)).astype(f32)], axis=2)
    gtv16 = jnp.broadcast_to(gtv.reshape(B, G * 10, 1), (B, G * 10, 16)).astype(f32)

    mesh = plsc.VectorSubcoreMesh(core_axis_name="c", subcore_axis_name="s",
                                  num_cores=2, num_subcores=NW)
    run = pl.kernel(
        _sc_body,
        out_type=[
            jax.ShapeDtypeStruct((B * NSLOT,), f32),
            jax.ShapeDtypeStruct((B * 4 * NSLOT,), f32),
            jax.ShapeDtypeStruct((B * NSLOT,), f32),
            jax.ShapeDtypeStruct((B * NSLOT,), f32),
        ],
        mesh=mesh,
        compiler_params=pltpu.CompilerParams(needs_layout_passes=False),
        scratch_types=[
            pltpu.VMEM((NPLANE * CHUNK,), f32),
            pltpu.VMEM((G * 10 * 16,), f32),
            pltpu.VMEM((G * CHUNK,), f32),
            pltpu.VMEM((NST * CHUNK,), f32),
            pltpu.VMEM((G * 16,), f32),
            pltpu.VMEM((NW * G * 16,), f32),
            pltpu.VMEM((NSLOT,), f32),
            pltpu.VMEM((_NSORT,), jnp.int32),
            pltpu.VMEM((2 * CHUNK,), f32),
            pltpu.VMEM((16,), f32),
            pltpu.VMEM_SHARED((NW * G * 16,), f32),
            pltpu.VMEM_SHARED((4 * NSLOT,), f32),
            pltpu.VMEM_SHARED((4 * NSLOT,), f32),
            pltpu.VMEM_SHARED((32,), f32),
        ],
    )

    labels_p, bt_p, biw_p, bow_p = run(
        jnp.asarray(_PLANES.reshape(-1)), gtv16.reshape(-1),
        jnp.asarray(_PERM_FG.reshape(-1)), jnp.asarray(_PERM_BG.reshape(-1)))

    labels_p = labels_p.reshape(B, A, S)
    bt_p = bt_p.reshape(B, 4, A, S)
    biw_p = biw_p.reshape(B, A, S)
    bow_p = bow_p.reshape(B, A, S)
    labels_out = labels_p[:, :, :P].reshape(B, 1, A * FH, FW)
    bt_out = bt_p[:, :, :, :P].transpose(0, 2, 1, 3).reshape(B, 4 * A, FH, FW)
    biw_out = jnp.broadcast_to(biw_p[:, :, None, :P], (B, A, 4, P)).reshape(B, 4 * A, FH, FW)
    bow_out = jnp.broadcast_to(bow_p[:, :, None, :P], (B, A, 4, P)).reshape(B, 4 * A, FH, FW)
    return labels_out, bt_out, biw_out, bow_out

# --- scband reference (transcript-rebuilt; emitter-appended) ---
"""Pipeline reference for scband-anchor-target-layer-de-rpn-2508260901854 (READ-ONLY COPY).

The authoritative reference and input builder live on the scoring server;
editing this copy changes nothing except your own understanding.
"""

import jax, jax.numpy as jnp
import numpy as np

FEAT_STRIDE = 16
W_AN = np.array([8., 16., 32., 64., 128., 256., 512.])
H_AN = np.array([8., 16., 32., 64., 128., 256., 512.])
A = 7
FH, FW = 50, 50
B, G = 4, 20
IM_H, IM_W = 800.0, 800.0
RPN_BATCHSIZE = 256
NUM_FG = int(0.5 * RPN_BATCHSIZE)

def _make_all_anchors():
    base = np.stack([-(W_AN - 1) / 2, -(H_AN - 1) / 2, (W_AN - 1) / 2, (H_AN - 1) / 2], axis=1)
    sx = np.arange(FW) * FEAT_STRIDE
    sy = np.arange(FH) * FEAT_STRIDE
    sxx, syy = np.meshgrid(sx, sy)
    shifts = np.stack([sxx.ravel(), syy.ravel(), sxx.ravel(), syy.ravel()], axis=1)
    return (shifts[:, None, :] + base[None, :, :]).reshape(-1, 4).astype(np.float32)

ALL_ANCHORS = _make_all_anchors()
TOTAL = ALL_ANCHORS.shape[0]
_keep = ((ALL_ANCHORS[:, 0] >= 0) & (ALL_ANCHORS[:, 1] >= 0) & (ALL_ANCHORS[:, 2] < IM_W) & (ALL_ANCHORS[:, 3] < IM_H))
INDS_INSIDE = np.nonzero(_keep)[0]
ANCHORS = jnp.asarray(ALL_ANCHORS[INDS_INSIDE])

def _bbox_overlaps(anchors, gt):
    aw = anchors[:, 2] - anchors[:, 0] + 1.0
    ah = anchors[:, 3] - anchors[:, 1] + 1.0
    area_a = (aw * ah)[None, :, None]
    gw = gt[:, :, 2] - gt[:, :, 0] + 1.0
    gh = gt[:, :, 3] - gt[:, :, 1] + 1.0
    area_g = (gw * gh)[:, None, :]
    ix = (jnp.minimum(anchors[None, :, None, 2], gt[:, None, :, 2]) - jnp.maximum(anchors[None, :, None, 0], gt[:, None, :, 0]) + 1.0)
    iy = (jnp.minimum(anchors[None, :, None, 3], gt[:, None, :, 3]) - jnp.maximum(anchors[None, :, None, 1], gt[:, None, :, 1]) + 1.0)
    inter = jnp.clip(ix, 0.0) * jnp.clip(iy, 0.0)
    ua = area_a + area_g - inter
    ov = inter / ua
    valid = ((gw > 1.0) | (gh > 1.0))[:, None, :]
    return jnp.where(valid, ov, 0.0)

def _bbox_transform(anchors, gt):
    ew = anchors[:, 2] - anchors[:, 0] + 1.0
    eh = anchors[:, 3] - anchors[:, 1] + 1.0
    ecx = anchors[:, 0] + 0.5 * ew
    ecy = anchors[:, 1] + 0.5 * eh
    gw = gt[:, :, 2] - gt[:, :, 0] + 1.0
    gh = gt[:, :, 3] - gt[:, :, 1] + 1.0
    gcx = gt[:, :, 0] + 0.5 * gw
    gcy = gt[:, :, 1] + 0.5 * gh
    dx = (gcx - ecx[None, :]) / ew[None, :]
    dy = (gcy - ecy[None, :]) / eh[None, :]
    dw = jnp.log(gw / ew[None, :])
    dh = jnp.log(gh / eh[None, :])
    return jnp.stack([dx, dy, dw, dh], axis=2)

def setup_inputs(seed: int = 0):
    key = jax.random.key(seed)
    k1, k2, k3, k4, k5 = jax.random.split(key, 5)
    scores_w = jax.random.normal(k1, (B, 2 * A, FH, FW), dtype=jnp.float32)
    x1 = jax.random.uniform(k2, (B, G)) * 600.0
    y1 = jax.random.uniform(k3, (B, G)) * 600.0
    w = 16.0 + jax.random.uniform(k4, (B, G)) * 180.0
    h = 16.0 + jax.random.uniform(k5, (B, G)) * 180.0
    x2 = jnp.minimum(x1 + w, IM_W - 1.0)
    y2 = jnp.minimum(y1 + h, IM_H - 1.0)
    cls = jnp.ones((B, G))
    gt_boxes = jnp.stack([x1, y1, x2, y2, cls], axis=2).astype(jnp.float32)
    im_info = jnp.tile(jnp.array([[IM_H, IM_W, 1.0]], dtype=jnp.float32), (B, 1))
    num_boxes = jnp.full((B,), G, dtype=jnp.int32)
    return {"scores_w": scores_w, "gt_boxes": gt_boxes, "im_info": im_info, "num_boxes": num_boxes}

def reference(scores_w, gt_boxes, im_info, num_boxes):
    anchors = ANCHORS
    N = anchors.shape[0]
    overlaps = _bbox_overlaps(anchors, gt_boxes[:, :, :4])
    max_ov = jnp.max(overlaps, axis=2)
    argmax_ov = jnp.argmax(overlaps, axis=2)
    gt_max = jnp.max(overlaps, axis=1)
    labels = jnp.full((B, N), -1.0, dtype=jnp.float32)
    labels = jnp.where(max_ov < 0.3, 0.0, labels)
    gt_max = jnp.where(gt_max == 0.0, 1e-5, gt_max)
    keep = jnp.sum((overlaps == gt_max[:, None, :]).astype(jnp.int32), axis=2)
    labels = jnp.where(keep > 0, 1.0, labels)
    labels = jnp.where(max_ov >= 0.7, 1.0, labels)
    key = jax.random.key(42)
    rand_fg = jax.random.uniform(key, (B, N))
    fg = labels == 1.0
    rank_fg = jnp.argsort(jnp.argsort(jnp.where(fg, rand_fg, jnp.inf), axis=1), axis=1)
    labels = jnp.where(fg & (rank_fg >= NUM_FG), -1.0, labels)
    num_bg = RPN_BATCHSIZE - jnp.sum((labels == 1.0).astype(jnp.int32), axis=1)
    rand_bg = jax.random.uniform(jax.random.fold_in(key, 1), (B, N))
    bg = labels == 0.0
    rank_bg = jnp.argsort(jnp.argsort(jnp.where(bg, rand_bg, jnp.inf), axis=1), axis=1)
    labels = jnp.where(bg & (rank_bg >= num_bg[:, None]), -1.0, labels)
    idx = jnp.broadcast_to(argmax_ov[:, :, None], (B, N, 5))
    gathered = jnp.take_along_axis(gt_boxes, idx, axis=1)
    bbox_targets = _bbox_transform(anchors, gathered[:, :, :4])
    biw = jnp.where(labels == 1.0, 1.0, 0.0)
    num_examples = jnp.maximum(jnp.sum((labels >= 0.0).astype(jnp.float32), axis=1), 1.0)
    pos_w = 1.0 / num_examples
    bow = jnp.where(labels == 1.0, pos_w[:, None], 0.0)
    bow = jnp.where(labels == 0.0, pos_w[:, None], bow)
    inds = jnp.asarray(INDS_INSIDE)
    labels_full = jnp.full((B, TOTAL), -1.0, dtype=jnp.float32).at[:, inds].set(labels)
    bt_full = jnp.zeros((B, TOTAL, 4), dtype=jnp.float32).at[:, inds, :].set(bbox_targets)
    biw_full = jnp.zeros((B, TOTAL), dtype=jnp.float32).at[:, inds].set(biw)
    bow_full = jnp.zeros((B, TOTAL), dtype=jnp.float32).at[:, inds].set(bow)
    labels_out = labels_full.reshape(B, FH, FW, A).transpose(0, 3, 1, 2).reshape(B, 1, A * FH, FW)
    bt_out = bt_full.reshape(B, FH, FW, A * 4).transpose(0, 3, 1, 2)
    biw_out = jnp.broadcast_to(biw_full[:, :, None], (B, TOTAL, 4)).reshape(B, FH, FW, 4 * A).transpose(0, 3, 1, 2)
    bow_out = jnp.broadcast_to(bow_full[:, :, None], (B, TOTAL, 4)).reshape(B, FH, FW, 4 * A).transpose(0, 3, 1, 2)
    return labels_out, bt_out, biw_out, bow_out

if __name__ == "__main__":
    import jax
    _d = setup_inputs()
    print(jax.jit(kernel)(*tuple(_d.values())))

</pallas_src>

<mosaic_0001>
#map = affine_map<(d0, d1) -> (0)>
module attributes {stable_mosaic.version = 14 : i64} {
  func.func @_sc_body(%arg0: i32, %arg1: i32, %arg2: memref<215040xf32, #tpu.memory_space<hbm>>, %arg3: memref<12800xf32, #tpu.memory_space<hbm>>, %arg4: memref<51392xi32, #tpu.memory_space<hbm>>, %arg5: memref<51392xi32, #tpu.memory_space<hbm>>, %arg6: memref<71680xf32, #tpu.memory_space<hbm>>, %arg7: memref<286720xf32, #tpu.memory_space<hbm>>, %arg8: memref<71680xf32, #tpu.memory_space<hbm>>, %arg9: memref<71680xf32, #tpu.memory_space<hbm>>, %arg10: memref<13440xf32, #tpu.memory_space<vmem>>, %arg11: memref<3200xf32, #tpu.memory_space<vmem>>, %arg12: memref<22400xf32, #tpu.memory_space<vmem>>, %arg13: memref<17920xf32, #tpu.memory_space<vmem>>, %arg14: memref<320xf32, #tpu.memory_space<vmem>>, %arg15: memref<5120xf32, #tpu.memory_space<vmem>>, %arg16: memref<17920xf32, #tpu.memory_space<vmem>>, %arg17: memref<12848xi32, #tpu.memory_space<vmem>>, %arg18: memref<2240xf32, #tpu.memory_space<vmem>>, %arg19: memref<16xf32, #tpu.memory_space<vmem>>, %arg20: memref<5120xf32, #tpu.memory_space<vmem_shared>>, %arg21: memref<71680xf32, #tpu.memory_space<vmem_shared>>, %arg22: memref<71680xf32, #tpu.memory_space<vmem_shared>>, %arg23: memref<32xf32, #tpu.memory_space<vmem_shared>>) attributes {dimension_semantics = [#tpu.dimension_semantics<core_parallel>, #tpu.dimension_semantics<subcore_parallel>], iteration_bounds = array<i64: 2, 16>, scalar_prefetch = 0 : i64, scratch_operands = 14 : i64, tpu.core_type = #tpu.core_type<sc_vector_subcore>, window_params = [{transform_indices = #map}, {transform_indices = #map}, {transform_indices = #map}, {transform_indices = #map}, {transform_indices = #map}, {transform_indices = #map}, {transform_indices = #map}, {transform_indices = #map}]} {
    %mul3A = arith.constant 1120 : i32
    %mul3A_0 = arith.muli %arg1, %mul3A : i32
    %add3A = arith.constant 0 : i32
    %add3A_1 = arith.addi %add3A, %mul3A_0 : i32
    "tpu.region"() ({
      %run_scoped3A = tpu.sem_alloc : memref<!tpu.dma_semaphore, #tpu.memory_space<semaphore_mem>>
      %dma_start3A = arith.constant 0 : i32
      %dma_start3A_232 = tpu.memref_slice %arg10[%dma_start3A] : memref<13440xf32, #tpu.memory_space<vmem>> -> memref<1120xf32, #tpu.memory_space<vmem>>
      %dma_start3A_233 = tpu.memref_slice %arg2[%add3A_1] : memref<215040xf32, #tpu.memory_space<hbm>> -> memref<1120xf32, #tpu.memory_space<hbm>>
      %dma_start3A_234 = arith.constant 0 : i32
      %dma_start3A_235 = tpu.memref_slice %arg10[%dma_start3A_234] : memref<13440xf32, #tpu.memory_space<vmem>> -> memref<1120xf32, #tpu.memory_space<vmem>>
      %dma_start3A_236 = tpu.memref_slice %arg2[%add3A_1] : memref<215040xf32, #tpu.memory_space<hbm>> -> memref<1120xf32, #tpu.memory_space<hbm>>
      tpu.enqueue_dma source(%dma_start3A_236 : memref<1120xf32, #tpu.memory_space<hbm>>) target(%dma_start3A_235 : memref<1120xf32, #tpu.memory_space<vmem>>) target_semaphore(%run_scoped3A : memref<!tpu.dma_semaphore, #tpu.memory_space<semaphore_mem>>)
      %dma_wait3A = arith.constant 0 : i32
      %dma_wait3A_237 = tpu.memref_slice %arg10[%dma_wait3A] : memref<13440xf32, #tpu.memory_space<vmem>> -> memref<1120xf32, #tpu.memory_space<vmem>>
      %dma_wait3A_238 = tpu.memref_slice %arg2[%add3A_1] : memref<215040xf32, #tpu.memory_space<hbm>> -> memref<1120xf32, #tpu.memory_space<hbm>>
      %dma_wait3A_239 = arith.constant 0 : i32
      %dma_wait3A_240 = tpu.memref_slice %arg10[%dma_wait3A_239] : memref<13440xf32, #tpu.memory_space<vmem>> -> memref<1120xf32, #tpu.memory_space<vmem>>
      %dma_wait3A_241 = tpu.memref_slice %arg2[%add3A_1] : memref<215040xf32, #tpu.memory_space<hbm>> -> memref<1120xf32, #tpu.memory_space<hbm>>
      tpu.wait_dma2 semaphore(%run_scoped3A : memref<!tpu.dma_semaphore, #tpu.memory_space<semaphore_mem>>) src(%dma_wait3A_241 : memref<1120xf32, #tpu.memory_space<hbm>>) dst(%dma_wait3A_240 : memref<1120xf32, #tpu.memory_space<vmem>>)
      tpu.yield
    }) : () -> ()
    %add3A_2 = arith.constant 17920 : i32
    %add3A_3 = arith.addi %add3A_2, %mul3A_0 : i32
    "tpu.region"() ({
      %run_scoped3A = tpu.sem_alloc : memref<!tpu.dma_semaphore, #tpu.memory_space<semaphore_mem>>
      %dma_start3A = arith.constant 1120 : i32
      %dma_start3A_232 = tpu.memref_slice %arg10[%dma_start3A] : memref<13440xf32, #tpu.memory_space<vmem>> -> memref<1120xf32, #tpu.memory_space<vmem>>
      %dma_start3A_233 = tpu.memref_slice %arg2[%add3A_3] : memref<215040xf32, #tpu.memory_space<hbm>> -> memref<1120xf32, #tpu.memory_space<hbm>>
      %dma_start3A_234 = arith.constant 1120 : i32
      %dma_start3A_235 = tpu.memref_slice %arg10[%dma_start3A_234] : memref<13440xf32, #tpu.memory_space<vmem>> -> memref<1120xf32, #tpu.memory_space<vmem>>
      %dma_start3A_236 = tpu.memref_slice %arg2[%add3A_3] : memref<215040xf32, #tpu.memory_space<hbm>> -> memref<1120xf32, #tpu.memory_space<hbm>>
      tpu.enqueue_dma source(%dma_start3A_236 : memref<1120xf32, #tpu.memory_space<hbm>>) target(%dma_start3A_235 : memref<1120xf32, #tpu.memory_space<vmem>>) target_semaphore(%run_scoped3A : memref<!tpu.dma_semaphore, #tpu.memory_space<semaphore_mem>>)
      %dma_wait3A = arith.constant 1120 : i32
      %dma_wait3A_237 = tpu.memref_slice %arg10[%dma_wait3A] : memref<13440xf32, #tpu.memory_space<vmem>> -> memref<1120xf32, #tpu.memory_space<vmem>>
      %dma_wait3A_238 = tpu.memref_slice %arg2[%add3A_3] : memref<215040xf32, #tpu.memory_space<hbm>> -> memref<1120xf32, #tpu.memory_space<hbm>>
      %dma_wait3A_239 = arith.constant 1120 : i32
      %dma_wait3A_240 = tpu.memref_slice %arg10[%dma_wait3A_239] : memref<13440xf32, #tpu.memory_space<vmem>> -> memref<1120xf32, #tpu.memory_space<vmem>>
      %dma_wait3A_241 = tpu.memref_slice %arg2[%add3A_3] : memref<215040xf32, #tpu.memory_space<hbm>> -> memref<1120xf32, #tpu.memory_space<hbm>>
      tpu.wait_dma2 semaphore(%run_scoped3A : memref<!tpu.dma_semaphore, #tpu.memory_space<semaphore_mem>>) src(%dma_wait3A_241 : memref<1120xf32, #tpu.memory_space<hbm>>) dst(%dma_wait3A_240 : memref<1120xf32, #tpu.memory_space<vmem>>)
      tpu.yield
    }) : () -> ()
    %add3A_4 = arith.constant 35840 : i32
    %add3A_5 = arith.addi %add3A_4, %mul3A_0 : i32
    "tpu.region"() ({
      %run_scoped3A = tpu.sem_alloc : memref<!tpu.dma_semaphore, #tpu.memory_space<semaphore_mem>>
      %dma_start3A = arith.constant 2240 : i32
      %dma_start3A_232 = tpu.memref_slice %arg10[%dma_start3A] : memref<13440xf32, #tpu.memory_space<vmem>> -> memref<1120xf32, #tpu.memory_space<vmem>>
      %dma_start3A_233 = tpu.memref_slice %arg2[%add3A_5] : memref<215040xf32, #tpu.memory_space<hbm>> -> memref<1120xf32, #tpu.memory_space<hbm>>
      %dma_start3A_234 = arith.constant 2240 : i32
      %dma_start3A_235 = tpu.memref_slice %arg10[%dma_start3A_234] : memref<13440xf32, #tpu.memory_space<vmem>> -> memref<1120xf32, #tpu.memory_space<vmem>>
      %dma_start3A_236 = tpu.memref_slice %arg2[%add3A_5] : memref<215040xf32, #tpu.memory_space<hbm>> -> memref<1120xf32, #tpu.memory_space<hbm>>
      tpu.enqueue_dma source(%dma_start3A_236 : memref<1120xf32, #tpu.memory_space<hbm>>) target(%dma_start3A_235 : memref<1120xf32, #tpu.memory_space<vmem>>) target_semaphore(%run_scoped3A : memref<!tpu.dma_semaphore, #tpu.memory_space<semaphore_mem>>)
      %dma_wait3A = arith.constant 2240 : i32
      %dma_wait3A_237 = tpu.memref_slice %arg10[%dma_wait3A] : memref<13440xf32, #tpu.memory_space<vmem>> -> memref<1120xf32, #tpu.memory_space<vmem>>
      %dma_wait3A_238 = tpu.memref_slice %arg2[%add3A_5] : memref<215040xf32, #tpu.memory_space<hbm>> -> memref<1120xf32, #tpu.memory_space<hbm>>
      %dma_wait3A_239 = arith.constant 2240 : i32
      %dma_wait3A_240 = tpu.memref_slice %arg10[%dma_wait3A_239] : memref<13440xf32, #tpu.memory_space<vmem>> -> memref<1120xf32, #tpu.memory_space<vmem>>
      %dma_wait3A_241 = tpu.memref_slice %arg2[%add3A_5] : memref<215040xf32, #tpu.memory_space<hbm>> -> memref<1120xf32, #tpu.memory_space<hbm>>
      tpu.wait_dma2 semaphore(%run_scoped3A : memref<!tpu.dma_semaphore, #tpu.memory_space<semaphore_mem>>) src(%dma_wait3A_241 : memref<1120xf32, #tpu.memory_space<hbm>>) dst(%dma_wait3A_240 : memref<1120xf32, #tpu.memory_space<vmem>>)
      tpu.yield
    }) : () -> ()
    %add3A_6 = arith.constant 53760 : i32
    %add3A_7 = arith.addi %add3A_6, %mul3A_0 : i32
    "tpu.region"() ({
      %run_scoped3A = tpu.sem_alloc : memref<!tpu.dma_semaphore, #tpu.memory_space<semaphore_mem>>
      %dma_start3A = arith.constant 3360 : i32
      %dma_start3A_232 = tpu.memref_slice %arg10[%dma_start3A] : memref<13440xf32, #tpu.memory_space<vmem>> -> memref<1120xf32, #tpu.memory_space<vmem>>
      %dma_start3A_233 = tpu.memref_slice %arg2[%add3A_7] : memref<215040xf32, #tpu.memory_space<hbm>> -> memref<1120xf32, #tpu.memory_space<hbm>>
      %dma_start3A_234 = arith.constant 3360 : i32
      %dma_start3A_235 = tpu.memref_slice %arg10[%dma_start3A_234] : memref<13440xf32, #tpu.memory_space<vmem>> -> memref<1120xf32, #tpu.memory_space<vmem>>
      %dma_start3A_236 = tpu.memref_slice %arg2[%add3A_7] : memref<215040xf32, #tpu.memory_space<hbm>> -> memref<1120xf32, #tpu.memory_space<hbm>>
      tpu.enqueue_dma source(%dma_start3A_236 : memref<1120xf32, #tpu.memory_space<hbm>>) target(%dma_start3A_235 : memref<1120xf32, #tpu.memory_space<vmem>>) target_semaphore(%run_scoped3A : memref<!tpu.dma_semaphore, #tpu.memory_space<semaphore_mem>>)
      %dma_wait3A = arith.constant 3360 : i32
      %dma_wait3A_237 = tpu.memref_slice %arg10[%dma_wait3A] : memref<13440xf32, #tpu.memory_space<vmem>> -> memref<1120xf32, #tpu.memory_space<vmem>>
      %dma_wait3A_238 = tpu.memref_slice %arg2[%add3A_7] : memref<215040xf32, #tpu.memory_space<hbm>> -> memref<1120xf32, #tpu.memory_space<hbm>>
      %dma_wait3A_239 = arith.constant 3360 : i32
      %dma_wait3A_240 = tpu.memref_slice %arg10[%dma_wait3A_239] : memref<13440xf32, #tpu.memory_space<vmem>> -> memref<1120xf32, #tpu.memory_space<vmem>>
      %dma_wait3A_241 = tpu.memref_slice %arg2[%add3A_7] : memref<215040xf32, #tpu.memory_space<hbm>> -> memref<1120xf32, #tpu.memory_space<hbm>>
      tpu.wait_dma2 semaphore(%run_scoped3A : memref<!tpu.dma_semaphore, #tpu.memory_space<semaphore_mem>>) src(%dma_wait3A_241 : memref<1120xf32, #tpu.memory_space<hbm>>) dst(%dma_wait3A_240 : memref<1120xf32, #tpu.memory_space<vmem>>)
      tpu.yield
    }) : () -> ()
    %add3A_8 = arith.constant 71680 : i32
    %add3A_9 = arith.addi %add3A_8, %mul3A_0 : i32
    "tpu.region"() ({
      %run_scoped3A = tpu.sem_alloc : memref<!tpu.dma_semaphore, #tpu.memory_space<semaphore_mem>>
      %dma_start3A = arith.constant 4480 : i32
      %dma_start3A_232 = tpu.memref_slice %arg10[%dma_start3A] : memref<13440xf32, #tpu.memory_space<vmem>> -> memref<1120xf32, #tpu.memory_space<vmem>>
      %dma_start3A_233 = tpu.memref_slice %arg2[%add3A_9] : memref<215040xf32, #tpu.memory_space<hbm>> -> memref<1120xf32, #tpu.memory_space<hbm>>
      %dma_start3A_234 = arith.constant 4480 : i32
      %dma_start3A_235 = tpu.memref_slice %arg10[%dma_start3A_234] : memref<13440xf32, #tpu.memory_space<vmem>> -> memref<1120xf32, #tpu.memory_space<vmem>>
      %dma_start3A_236 = tpu.memref_slice %arg2[%add3A_9] : memref<215040xf32, #tpu.memory_space<hbm>> -> memref<1120xf32, #tpu.memory_space<hbm>>
      tpu.enqueue_dma source(%dma_start3A_236 : memref<1120xf32, #tpu.memory_space<hbm>>) target(%dma_start3A_235 : memref<1120xf32, #tpu.memory_space<vmem>>) target_semaphore(%run_scoped3A : memref<!tpu.dma_semaphore, #tpu.memory_space<semaphore_mem>>)
      %dma_wait3A = arith.constant 4480 : i32
      %dma_wait3A_237 = tpu.memref_slice %arg10[%dma_wait3A] : memref<13440xf32, #tpu.memory_space<vmem>> -> memref<1120xf32, #tpu.memory_space<vmem>>
      %dma_wait3A_238 = tpu.memref_slice %arg2[%add3A_9] : memref<215040xf32, #tpu.memory_space<hbm>> -> memref<1120xf32, #tpu.memory_space<hbm>>
      %dma_wait3A_239 = arith.constant 4480 : i32
      %dma_wait3A_240 = tpu.memref_slice %arg10[%dma_wait3A_239] : memref<13440xf32, #tpu.memory_space<vmem>> -> memref<1120xf32, #tpu.memory_space<vmem>>
      %dma_wait3A_241 = tpu.memref_slice %arg2[%add3A_9] : memref<215040xf32, #tpu.memory_space<hbm>> -> memref<1120xf32, #tpu.memory_space<hbm>>
      tpu.wait_dma2 semaphore(%run_scoped3A : memref<!tpu.dma_semaphore, #tpu.memory_space<semaphore_mem>>) src(%dma_wait3A_241 : memref<1120xf32, #tpu.memory_space<hbm>>) dst(%dma_wait3A_240 : memref<1120xf32, #tpu.memory_space<vmem>>)
      tpu.yield
    }) : () -> ()
    %add3A_10 = arith.constant 89600 : i32
    %add3A_11 = arith.addi %add3A_10, %mul3A_0 : i32
    "tpu.region"() ({
      %run_scoped3A = tpu.sem_alloc : memref<!tpu.dma_semaphore, #tpu.memory_space<semaphore_mem>>
      %dma_start3A = arith.constant 5600 : i32
      %dma_start3A_232 = tpu.memref_slice %arg10[%dma_start3A] : memref<13440xf32, #tpu.memory_space<vmem>> -> memref<1120xf32, #tpu.memory_space<vmem>>
      %dma_start3A_233 = tpu.memref_slice %arg2[%add3A_11] : memref<215040xf32, #tpu.memory_space<hbm>> -> memref<1120xf32, #tpu.memory_space<hbm>>
      %dma_start3A_234 = arith.constant 5600 : i32
      %dma_start3A_235 = tpu.memref_slice %arg10[%dma_start3A_234] : memref<13440xf32, #tpu.memory_space<vmem>> -> memref<1120xf32, #tpu.memory_space<vmem>>
      %dma_start3A_236 = tpu.memref_slice %arg2[%add3A_11] : memref<215040xf32, #tpu.memory_space<hbm>> -> memref<1120xf32, #tpu.memory_space<hbm>>
      tpu.enqueue_dma source(%dma_start3A_236 : memref<1120xf32, #tpu.memory_space<hbm>>) target(%dma_start3A_235 : memref<1120xf32, #tpu.memory_space<vmem>>) target_semaphore(%run_scoped3A : memref<!tpu.dma_semaphore, #tpu.memory_space<semaphore_mem>>)
      %dma_wait3A = arith.constant 5600 : i32
      %dma_wait3A_237 = tpu.memref_slice %arg10[%dma_wait3A] : memref<13440xf32, #tpu.memory_space<vmem>> -> memref<1120xf32, #tpu.memory_space<vmem>>
      %dma_wait3A_238 = tpu.memref_slice %arg2[%add3A_11] : memref<215040xf32, #tpu.memory_space<hbm>> -> memref<1120xf32, #tpu.memory_space<hbm>>
      %dma_wait3A_239 = arith.constant 5600 : i32
      %dma_wait3A_240 = tpu.memref_slice %arg10[%dma_wait3A_239] : memref<13440xf32, #tpu.memory_space<vmem>> -> memref<1120xf32, #tpu.memory_space<vmem>>
      %dma_wait3A_241 = tpu.memref_slice %arg2[%add3A_11] : memref<215040xf32, #tpu.memory_space<hbm>> -> memref<1120xf32, #tpu.memory_space<hbm>>
      tpu.wait_dma2 semaphore(%run_scoped3A : memref<!tpu.dma_semaphore, #tpu.memory_space<semaphore_mem>>) src(%dma_wait3A_241 : memref<1120xf32, #tpu.memory_space<hbm>>) dst(%dma_wait3A_240 : memref<1120xf32, #tpu.memory_space<vmem>>)
      tpu.yield
    }) : () -> ()
    %add3A_12 = arith.constant 107520 : i32
    %add3A_13 = arith.addi %add3A_12, %mul3A_0 : i32
    "tpu.region"() ({
      %run_scoped3A = tpu.sem_alloc : memref<!tpu.dma_semaphore, #tpu.memory_space<semaphore_mem>>
      %dma_start3A = arith.constant 6720 : i32
      %dma_start3A_232 = tpu.memref_slice %arg10[%dma_start3A] : memref<13440xf32, #tpu.memory_space<vmem>> -> memref<1120xf32, #tpu.memory_space<vmem>>
      %dma_start3A_233 = tpu.memref_slice %arg2[%add3A_13] : memref<215040xf32, #tpu.memory_space<hbm>> -> memref<1120xf32, #tpu.memory_space<hbm>>
      %dma_start3A_234 = arith.constant 6720 : i32
      %dma_start3A_235 = tpu.memref_slice %arg10[%dma_start3A_234] : memref<13440xf32, #tpu.memory_space<vmem>> -> memref<1120xf32, #tpu.memory_space<vmem>>
      %dma_start3A_236 = tpu.memref_slice %arg2[%add3A_13] : memref<215040xf32, #tpu.memory_space<hbm>> -> memref<1120xf32, #tpu.memory_space<hbm>>
      tpu.enqueue_dma source(%dma_start3A_236 : memref<1120xf32, #tpu.memory_space<hbm>>) target(%dma_start3A_235 : memref<1120xf32, #tpu.memory_space<vmem>>) target_semaphore(%run_scoped3A : memref<!tpu.dma_semaphore, #tpu.memory_space<semaphore_mem>>)
      %dma_wait3A = arith.constant 6720 : i32
      %dma_wait3A_237 = tpu.memref_slice %arg10[%dma_wait3A] : memref<13440xf32, #tpu.memory_space<vmem>> -> memref<1120xf32, #tpu.memory_space<vmem>>
      %dma_wait3A_238 = tpu.memref_slice %arg2[%add3A_13] : memref<215040xf32, #tpu.memory_space<hbm>> -> memref<1120xf32, #tpu.memory_space<hbm>>
      %dma_wait3A_239 = arith.constant 6720 : i32
      %dma_wait3A_240 = tpu.memref_slice %arg10[%dma_wait3A_239] : memref<13440xf32, #tpu.memory_space<vmem>> -> memref<1120xf32, #tpu.memory_space<vmem>>
      %dma_wait3A_241 = tpu.memref_slice %arg2[%add3A_13] : memref<215040xf32, #tpu.memory_space<hbm>> -> memref<1120xf32, #tpu.memory_space<hbm>>
      tpu.wait_dma2 semaphore(%run_scoped3A : memref<!tpu.dma_semaphore, #tpu.memory_space<semaphore_mem>>) src(%dma_wait3A_241 : memref<1120xf32, #tpu.memory_space<hbm>>) dst(%dma_wait3A_240 : memref<1120xf32, #tpu.memory_space<vmem>>)
      tpu.yield
    }) : () -> ()
    %add3A_14 = arith.constant 125440 : i32
    %add3A_15 = arith.addi %add3A_14, %mul3A_0 : i32
    "tpu.region"() ({
      %run_scoped3A = tpu.sem_alloc : memref<!tpu.dma_semaphore, #tpu.memory_space<semaphore_mem>>
      %dma_start3A = arith.constant 7840 : i32
      %dma_start3A_232 = tpu.memref_slice %arg10[%dma_start3A] : memref<13440xf32, #tpu.memory_space<vmem>> -> memref<1120xf32, #tpu.memory_space<vmem>>
      %dma_start3A_233 = tpu.memref_slice %arg2[%add3A_15] : memref<215040xf32, #tpu.memory_space<hbm>> -> memref<1120xf32, #tpu.memory_space<hbm>>
      %dma_start3A_234 = arith.constant 7840 : i32
      %dma_start3A_235 = tpu.memref_slice %arg10[%dma_start3A_234] : memref<13440xf32, #tpu.memory_space<vmem>> -> memref<1120xf32, #tpu.memory_space<vmem>>
      %dma_start3A_236 = tpu.memref_slice %arg2[%add3A_15] : memref<215040xf32, #tpu.memory_space<hbm>> -> memref<1120xf32, #tpu.memory_space<hbm>>
      tpu.enqueue_dma source(%dma_start3A_236 : memref<1120xf32, #tpu.memory_space<hbm>>) target(%dma_start3A_235 : memref<1120xf32, #tpu.memory_space<vmem>>) target_semaphore(%run_scoped3A : memref<!tpu.dma_semaphore, #tpu.memory_space<semaphore_mem>>)
      %dma_wait3A = arith.constant 7840 : i32
      %dma_wait3A_237 = tpu.memref_slice %arg10[%dma_wait3A] : memref<13440xf32, #tpu.memory_space<vmem>> -> memref<1120xf32, #tpu.memory_space<vmem>>
      %dma_wait3A_238 = tpu.memref_slice %arg2[%add3A_15] : memref<215040xf32, #tpu.memory_space<hbm>> -> memref<1120xf32, #tpu.memory_space<hbm>>
      %dma_wait3A_239 = arith.constant 7840 : i32
      %dma_wait3A_240 = tpu.memref_slice %arg10[%dma_wait3A_239] : memref<13440xf32, #tpu.memory_space<vmem>> -> memref<1120xf32, #tpu.memory_space<vmem>>
      %dma_wait3A_241 = tpu.memref_slice %arg2[%add3A_15] : memref<215040xf32, #tpu.memory_space<hbm>> -> memref<1120xf32, #tpu.memory_space<hbm>>
      tpu.wait_dma2 semaphore(%run_scoped3A : memref<!tpu.dma_semaphore, #tpu.memory_space<semaphore_mem>>) src(%dma_wait3A_241 : memref<1120xf32, #tpu.memory_space<hbm>>) dst(%dma_wait3A_240 : memref<1120xf32, #tpu.memory_space<vmem>>)
      tpu.yield
    }) : () -> ()
    %add3A_16 = arith.constant 143360 : i32
    %add3A_17 = arith.addi %add3A_16, %mul3A_0 : i32
    "tpu.region"() ({
      %run_scoped3A = tpu.sem_alloc : memref<!tpu.dma_semaphore, #tpu.memory_space<semaphore_mem>>
      %dma_start3A = arith.constant 8960 : i32
      %dma_start3A_232 = tpu.memref_slice %arg10[%dma_start3A] : memref<13440xf32, #tpu.memory_space<vmem>> -> memref<1120xf32, #tpu.memory_space<vmem>>
      %dma_start3A_233 = tpu.memref_slice %arg2[%add3A_17] : memref<215040xf32, #tpu.memory_space<hbm>> -> memref<1120xf32, #tpu.memory_space<hbm>>
      %dma_start3A_234 = arith.constant 8960 : i32
      %dma_start3A_235 = tpu.memref_slice %arg10[%dma_start3A_234] : memref<13440xf32, #tpu.memory_space<vmem>> -> memref<1120xf32, #tpu.memory_space<vmem>>
      %dma_start3A_236 = tpu.memref_slice %arg2[%add3A_17] : memref<215040xf32, #tpu.memory_space<hbm>> -> memref<1120xf32, #tpu.memory_space<hbm>>
      tpu.enqueue_dma source(%dma_start3A_236 : memref<1120xf32, #tpu.memory_space<hbm>>) target(%dma_start3A_235 : memref<1120xf32, #tpu.memory_space<vmem>>) target_semaphore(%run_scoped3A : memref<!tpu.dma_semaphore, #tpu.memory_space<semaphore_mem>>)
      %dma_wait3A = arith.constant 8960 : i32
      %dma_wait3A_237 = tpu.memref_slice %arg10[%dma_wait3A] : memref<13440xf32, #tpu.memory_space<vmem>> -> memref<1120xf32, #tpu.memory_space<vmem>>
      %dma_wait3A_238 = tpu.memref_slice %arg2[%add3A_17] : memref<215040xf32, #tpu.memory_space<hbm>> -> memref<1120xf32, #tpu.memory_space<hbm>>
      %dma_wait3A_239 = arith.constant 8960 : i32
      %dma_wait3A_240 = tpu.memref_slice %arg10[%dma_wait3A_239] : memref<13440xf32, #tpu.memory_space<vmem>> -> memref<1120xf32, #tpu.memory_space<vmem>>
      %dma_wait3A_241 = tpu.memref_slice %arg2[%add3A_17] : memref<215040xf32, #tpu.memory_space<hbm>> -> memref<1120xf32, #tpu.memory_space<hbm>>
      tpu.wait_dma2 semaphore(%run_scoped3A : memref<!tpu.dma_semaphore, #tpu.memory_space<semaphore_mem>>) src(%dma_wait3A_241 : memref<1120xf32, #tpu.memory_space<hbm>>) dst(%dma_wait3A_240 : memref<1120xf32, #tpu.memory_space<vmem>>)
      tpu.yield
    }) : () -> ()
    %add3A_18 = arith.constant 161280 : i32
    %add3A_19 = arith.addi %add3A_18, %mul3A_0 : i32
    "tpu.region"() ({
      %run_scoped3A = tpu.sem_alloc : memref<!tpu.dma_semaphore, #tpu.memory_space<semaphore_mem>>
      %dma_start3A = arith.constant 10080 : i32
      %dma_start3A_232 = tpu.memref_slice %arg10[%dma_start3A] : memref<13440xf32, #tpu.memory_space<vmem>> -> memref<1120xf32, #tpu.memory_space<vmem>>
      %dma_start3A_233 = tpu.memref_slice %arg2[%add3A_19] : memref<215040xf32, #tpu.memory_space<hbm>> -> memref<1120xf32, #tpu.memory_space<hbm>>
      %dma_start3A_234 = arith.constant 10080 : i32
      %dma_start3A_235 = tpu.memref_slice %arg10[%dma_start3A_234] : memref<13440xf32, #tpu.memory_space<vmem>> -> memref<1120xf32, #tpu.memory_space<vmem>>
      %dma_start3A_236 = tpu.memref_slice %arg2[%add3A_19] : memref<215040xf32, #tpu.memory_space<hbm>> -> memref<1120xf32, #tpu.memory_space<hbm>>
      tpu.enqueue_dma source(%dma_start3A_236 : memref<1120xf32, #tpu.memory_space<hbm>>) target(%dma_start3A_235 : memref<1120xf32, #tpu.memory_space<vmem>>) target_semaphore(%run_scoped3A : memref<!tpu.dma_semaphore, #tpu.memory_space<semaphore_mem>>)
      %dma_wait3A = arith.constant 10080 : i32
      %dma_wait3A_237 = tpu.memref_slice %arg10[%dma_wait3A] : memref<13440xf32, #tpu.memory_space<vmem>> -> memref<1120xf32, #tpu.memory_space<vmem>>
      %dma_wait3A_238 = tpu.memref_slice %arg2[%add3A_19] : memref<215040xf32, #tpu.memory_space<hbm>> -> memref<1120xf32, #tpu.memory_space<hbm>>
      %dma_wait3A_239 = arith.constant 10080 : i32
      %dma_wait3A_240 = tpu.memref_slice %arg10[%dma_wait3A_239] : memref<13440xf32, #tpu.memory_space<vmem>> -> memref<1120xf32, #tpu.memory_space<vmem>>
      %dma_wait3A_241 = tpu.memref_slice %arg2[%add3A_19] : memref<215040xf32, #tpu.memory_space<hbm>> -> memref<1120xf32, #tpu.memory_space<hbm>>
      tpu.wait_dma2 semaphore(%run_scoped3A : memref<!tpu.dma_semaphore, #tpu.memory_space<semaphore_mem>>) src(%dma_wait3A_241 : memref<1120xf32, #tpu.memory_space<hbm>>) dst(%dma_wait3A_240 : memref<1120xf32, #tpu.memory_space<vmem>>)
      tpu.yield
    }) : () -> ()
    %add3A_20 = arith.constant 179200 : i32
    %add3A_21 = arith.addi %add3A_20, %mul3A_0 : i32
    "tpu.region"() ({
      %run_scoped3A = tpu.sem_alloc : memref<!tpu.dma_semaphore, #tpu.memory_space<semaphore_mem>>
      %dma_start3A = arith.constant 11200 : i32
      %dma_start3A_232 = tpu.memref_slice %arg10[%dma_start3A] : memref<13440xf32, #tpu.memory_space<vmem>> -> memref<1120xf32, #tpu.memory_space<vmem>>
      %dma_start3A_233 = tpu.memref_slice %arg2[%add3A_21] : memref<215040xf32, #tpu.memory_space<hbm>> -> memref<1120xf32, #tpu.memory_space<hbm>>
      %dma_start3A_234 = arith.constant 11200 : i32
      %dma_start3A_235 = tpu.memref_slice %arg10[%dma_start3A_234] : memref<13440xf32, #tpu.memory_space<vmem>> -> memref<1120xf32, #tpu.memory_space<vmem>>
      %dma_start3A_236 = tpu.memref_slice %arg2[%add3A_21] : memref<215040xf32, #tpu.memory_space<hbm>> -> memref<1120xf32, #tpu.memory_space<hbm>>
      tpu.enqueue_dma source(%dma_start3A_236 : memref<1120xf32, #tpu.memory_space<hbm>>) target(%dma_start3A_235 : memref<1120xf32, #tpu.memory_space<vmem>>) target_semaphore(%run_scoped3A : memref<!tpu.dma_semaphore, #tpu.memory_space<semaphore_mem>>)
      %dma_wait3A = arith.constant 11200 : i32
      %dma_wait3A_237 = tpu.memref_slice %arg10[%dma_wait3A] : memref<13440xf32, #tpu.memory_space<vmem>> -> memref<1120xf32, #tpu.memory_space<vmem>>
      %dma_wait3A_238 = tpu.memref_slice %arg2[%add3A_21] : memref<215040xf32, #tpu.memory_space<hbm>> -> memref<1120xf32, #tpu.memory_space<hbm>>
      %dma_wait3A_239 = arith.constant 11200 : i32
      %dma_wait3A_240 = tpu.memref_slice %arg10[%dma_wait3A_239] : memref<13440xf32, #tpu.memory_space<vmem>> -> memref<1120xf32, #tpu.memory_space<vmem>>
      %dma_wait3A_241 = tpu.memref_slice %arg2[%add3A_21] : memref<215040xf32, #tpu.memory_space<hbm>> -> memref<1120xf32, #tpu.memory_space<hbm>>
      tpu.wait_dma2 semaphore(%run_scoped3A : memref<!tpu.dma_semaphore, #tpu.memory_space<semaphore_mem>>) src(%dma_wait3A_241 : memref<1120xf32, #tpu.memory_space<hbm>>) dst(%dma_wait3A_240 : memref<1120xf32, #tpu.memory_space<vmem>>)
      tpu.yield
    }) : () -> ()
    %add3A_22 = arith.constant 197120 : i32
    %add3A_23 = arith.addi %add3A_22, %mul3A_0 : i32
    "tpu.region"() ({
      %run_scoped3A = tpu.sem_alloc : memref<!tpu.dma_semaphore, #tpu.memory_space<semaphore_mem>>
      %dma_start3A = arith.constant 12320 : i32
      %dma_start3A_232 = tpu.memref_slice %arg10[%dma_start3A] : memref<13440xf32, #tpu.memory_space<vmem>> -> memref<1120xf32, #tpu.memory_space<vmem>>
      %dma_start3A_233 = tpu.memref_slice %arg2[%add3A_23] : memref<215040xf32, #tpu.memory_space<hbm>> -> memref<1120xf32, #tpu.memory_space<hbm>>
      %dma_start3A_234 = arith.constant 12320 : i32
      %dma_start3A_235 = tpu.memref_slice %arg10[%dma_start3A_234] : memref<13440xf32, #tpu.memory_space<vmem>> -> memref<1120xf32, #tpu.memory_space<vmem>>
      %dma_start3A_236 = tpu.memref_slice %arg2[%add3A_23] : memref<215040xf32, #tpu.memory_space<hbm>> -> memref<1120xf32, #tpu.memory_space<hbm>>
      tpu.enqueue_dma source(%dma_start3A_236 : memref<1120xf32, #tpu.memory_space<hbm>>) target(%dma_start3A_235 : memref<1120xf32, #tpu.memory_space<vmem>>) target_semaphore(%run_scoped3A : memref<!tpu.dma_semaphore, #tpu.memory_space<semaphore_mem>>)
      %dma_wait3A = arith.constant 12320 : i32
      %dma_wait3A_237 = tpu.memref_slice %arg10[%dma_wait3A] : memref<13440xf32, #tpu.memory_space<vmem>> -> memref<1120xf32, #tpu.memory_space<vmem>>
      %dma_wait3A_238 = tpu.memref_slice %arg2[%add3A_23] : memref<215040xf32, #tpu.memory_space<hbm>> -> memref<1120xf32, #tpu.memory_space<hbm>>
      %dma_wait3A_239 = arith.constant 12320 : i32
      %dma_wait3A_240 = tpu.memref_slice %arg10[%dma_wait3A_239] : memref<13440xf32, #tpu.memory_space<vmem>> -> memref<1120xf32, #tpu.memory_space<vmem>>
      %dma_wait3A_241 = tpu.memref_slice %arg2[%add3A_23] : memref<215040xf32, #tpu.memory_space<hbm>> -> memref<1120xf32, #tpu.memory_space<hbm>>
      tpu.wait_dma2 semaphore(%run_scoped3A : memref<!tpu.dma_semaphore, #tpu.memory_space<semaphore_mem>>) src(%dma_wait3A_241 : memref<1120xf32, #tpu.memory_space<hbm>>) dst(%dma_wait3A_240 : memref<1120xf32, #tpu.memory_space<vmem>>)
      tpu.yield
    }) : () -> ()
    %mul3A_24 = arith.constant 2 : i32
    %mul3A_25 = arith.muli %arg0, %mul3A_24 : i32
    %add3A_26 = arith.constant 0 : i32
    %add3A_27 = arith.addi %mul3A_25, %add3A_26 : i32
    %mul3A_28 = arith.constant 3200 : i32
    %mul3A_29 = arith.muli %add3A_27, %mul3A_28 : i32
    "tpu.region"() ({
      %run_scoped3A = tpu.sem_alloc : memref<!tpu.dma_semaphore, #tpu.memory_space<semaphore_mem>>
      %dma_start3A = tpu.memref_slice %arg3[%mul3A_29] : memref<12800xf32, #tpu.memory_space<hbm>> -> memref<3200xf32, #tpu.memory_space<hbm>>
      %dma_start3A_232 = tpu.memref_slice %arg3[%mul3A_29] : memref<12800xf32, #tpu.memory_space<hbm>> -> memref<3200xf32, #tpu.memory_space<hbm>>
      tpu.enqueue_dma source(%dma_start3A_232 : memref<3200xf32, #tpu.memory_space<hbm>>) target(%arg11 : memref<3200xf32, #tpu.memory_space<vmem>>) target_semaphore(%run_scoped3A : memref<!tpu.dma_semaphore, #tpu.memory_space<semaphore_mem>>)
      %dma_wait3A = tpu.memref_slice %arg3[%mul3A_29] : memref<12800xf32, #tpu.memory_space<hbm>> -> memref<3200xf32, #tpu.memory_space<hbm>>
      %dma_wait3A_233 = tpu.memref_slice %arg3[%mul3A_29] : memref<12800xf32, #tpu.memory_space<hbm>> -> memref<3200xf32, #tpu.memory_space<hbm>>
      tpu.wait_dma2 semaphore(%run_scoped3A : memref<!tpu.dma_semaphore, #tpu.memory_space<semaphore_mem>>) src(%dma_wait3A_233 : memref<3200xf32, #tpu.memory_space<hbm>>) dst(%arg11 : memref<3200xf32, #tpu.memory_space<vmem>>)
      tpu.yield
    }) : () -> ()
    %scan3A = arith.constant 0 : i32
    %scan3A_30 = arith.constant 0 : i32
    %scan3A_31 = arith.constant 70 : i32
    %scan3A_32 = arith.addi %scan3A_30, %scan3A_31 : i32
    %scan3A_33 = arith.constant 1 : i32
    %scan3A_34 = scf.for %scan3A_232 = %scan3A_30 to %scan3A_32 step %scan3A_33 iter_args(%scan3A_233 = %scan3A) -> (i32)  : i32 {
      %broadcast_in_dim3A = arith.constant -1.000000e+00 : f32
      %broadcast_in_dim3A_234 = vector.broadcast %broadcast_in_dim3A : f32 to vector<16xf32>
      %mul3A_235 = arith.constant 16 : i32
      %mul3A_236 = arith.muli %scan3A_232, %mul3A_235 : i32
      %add3A_237 = arith.constant 0 : i32
      %add3A_238 = arith.addi %add3A_237, %mul3A_236 : i32
      %swap3A = arith.index_cast %add3A_238 : i32 to index
      %swap3A_239 = tpu.vector_load %arg13[%swap3A] {strides = array<i32>} : memref<17920xf32, #tpu.memory_space<vmem>>, vector<16xf32>,
      tpu.vector_store %arg13[%swap3A], %broadcast_in_dim3A_234 {strides = array<i32>} : memref<17920xf32, #tpu.memory_space<vmem>>, vector<16xf32>,
      %broadcast_in_dim3A_240 = arith.constant 0.000000e+00 : f32
      %broadcast_in_dim3A_241 = vector.broadcast %broadcast_in_dim3A_240 : f32 to vector<16xf32>
      %mul3A_242 = arith.constant 16 : i32
      %mul3A_243 = arith.muli %scan3A_232, %mul3A_242 : i32
      %add3A_244 = arith.constant 1120 : i32
      %add3A_245 = arith.addi %add3A_244, %mul3A_243 : i32
      %swap3A_246 = arith.index_cast %add3A_245 : i32 to index
      %swap3A_247 = tpu.vector_load %arg13[%swap3A_246] {strides = array<i32>} : memref<17920xf32, #tpu.memory_space<vmem>>, vector<16xf32>,
      tpu.vector_store %arg13[%swap3A_246], %broadcast_in_dim3A_241 {strides = array<i32>} : memref<17920xf32, #tpu.memory_space<vmem>>, vector<16xf32>,
      %scan3A_248 = arith.constant 0 : i32
      scf.yield %scan3A_248 : i32
    }
    %scan3A_35 = arith.constant 70 : i32
    %scan3A_36 = arith.constant 0 : i32
    %scan3A_37 = arith.constant 0 : i32
    %scan3A_38 = arith.constant 20 : i32
    %scan3A_39 = arith.addi %scan3A_37, %scan3A_38 : i32
    %scan3A_40 = arith.constant 1 : i32
    %scan3A_41 = scf.for %scan3A_232 = %scan3A_37 to %scan3A_39 step %scan3A_40 iter_args(%scan3A_233 = %scan3A_36) -> (i32)  : i32 {
      %mul3A_234 = arith.constant 10 : i32
      %mul3A_235 = arith.muli %scan3A_232, %mul3A_234 : i32
      %add3A_236 = arith.constant 0 : i32
      %add3A_237 = arith.addi %mul3A_235, %add3A_236 : i32
      %mul3A_238 = arith.constant 16 : i32
      %mul3A_239 = arith.muli %add3A_237, %mul3A_238 : i32
      %get3A_240 = arith.index_cast %mul3A_239 : i32 to index
      %get3A_241 = tpu.vector_load %arg11[%get3A_240] {strides = array<i32>} : memref<3200xf32, #tpu.memory_space<vmem>>, vector<16xf32>,
      %mul3A_242 = arith.constant 10 : i32
      %mul3A_243 = arith.muli %scan3A_232, %mul3A_242 : i32
      %add3A_244 = arith.constant 1 : i32
      %add3A_245 = arith.addi %mul3A_243, %add3A_244 : i32
      %mul3A_246 = arith.constant 16 : i32
      %mul3A_247 = arith.muli %add3A_245, %mul3A_246 : i32
      %get3A_248 = arith.index_cast %mul3A_247 : i32 to index
      %get3A_249 = tpu.vector_load %arg11[%get3A_248] {strides = array<i32>} : memref<3200xf32, #tpu.memory_space<vmem>>, vector<16xf32>,
      %mul3A_250 = arith.constant 10 : i32
      %mul3A_251 = arith.muli %scan3A_232, %mul3A_250 : i32
      %add3A_252 = arith.constant 2 : i32
      %add3A_253 = arith.addi %mul3A_251, %add3A_252 : i32
      %mul3A_254 = arith.constant 16 : i32
      %mul3A_255 = arith.muli %add3A_253, %mul3A_254 : i32
      %get3A_256 = arith.index_cast %mul3A_255 : i32 to index
      %get3A_257 = tpu.vector_load %arg11[%get3A_256] {strides = array<i32>} : memref<3200xf32, #tpu.memory_space<vmem>>, vector<16xf32>,
      %mul3A_258 = arith.constant 10 : i32
      %mul3A_259 = arith.muli %scan3A_232, %mul3A_258 : i32
      %add3A_260 = arith.constant 3 : i32
      %add3A_261 = arith.addi %mul3A_259, %add3A_260 : i32
      %mul3A_262 = arith.constant 16 : i32
      %mul3A_263 = arith.muli %add3A_261, %mul3A_262 : i32
      %get3A_264 = arith.index_cast %mul3A_263 : i32 to index
      %get3A_265 = tpu.vector_load %arg11[%get3A_264] {strides = array<i32>} : memref<3200xf32, #tpu.memory_space<vmem>>, vector<16xf32>,
      %mul3A_266 = arith.constant 10 : i32
      %mul3A_267 = arith.muli %scan3A_232, %mul3A_266 : i32
      %add3A_268 = arith.constant 4 : i32
      %add3A_269 = arith.addi %mul3A_267, %add3A_268 : i32
      %mul3A_270 = arith.constant 16 : i32
      %mul3A_271 = arith.muli %add3A_269, %mul3A_270 : i32
      %get3A_272 = arith.index_cast %mul3A_271 : i32 to index
      %get3A_273 = tpu.vector_load %arg11[%get3A_272] {strides = array<i32>} : memref<3200xf32, #tpu.memory_space<vmem>>, vector<16xf32>,
      %mul3A_274 = arith.constant 10 : i32
      %mul3A_275 = arith.muli %scan3A_232, %mul3A_274 : i32
      %add3A_276 = arith.constant 5 : i32
      %add3A_277 = arith.addi %mul3A_275, %add3A_276 : i32
      %mul3A_278 = arith.constant 16 : i32
      %mul3A_279 = arith.muli %add3A_277, %mul3A_278 : i32
      %get3A_280 = arith.index_cast %mul3A_279 : i32 to index
      %get3A_281 = tpu.vector_load %arg11[%get3A_280] {strides = array<i32>} : memref<3200xf32, #tpu.memory_space<vmem>>, vector<16xf32>,
      %mul3A_282 = arith.constant 10 : i32
      %mul3A_283 = arith.muli %scan3A_232, %mul3A_282 : i32
      %add3A_284 = arith.constant 6 : i32
      %add3A_285 = arith.addi %mul3A_283, %add3A_284 : i32
      %mul3A_286 = arith.constant 16 : i32
      %mul3A_287 = arith.muli %add3A_285, %mul3A_286 : i32
      %get3A_288 = arith.index_cast %mul3A_287 : i32 to index
      %get3A_289 = tpu.vector_load %arg11[%get3A_288] {strides = array<i32>} : memref<3200xf32, #tpu.memory_space<vmem>>, vector<16xf32>,
      %mul3A_290 = arith.constant 10 : i32
      %mul3A_291 = arith.muli %scan3A_232, %mul3A_290 : i32
      %add3A_292 = arith.constant 7 : i32
      %add3A_293 = arith.addi %mul3A_291, %add3A_292 : i32
      %mul3A_294 = arith.constant 16 : i32
      %mul3A_295 = arith.muli %add3A_293, %mul3A_294 : i32
      %get3A_296 = arith.index_cast %mul3A_295 : i32 to index
      %get3A_297 = tpu.vector_load %arg11[%get3A_296] {strides = array<i32>} : memref<3200xf32, #tpu.memory_space<vmem>>, vector<16xf32>,
      %mul3A_298 = arith.constant 10 : i32
      %mul3A_299 = arith.muli %scan3A_232, %mul3A_298 : i32
      %add3A_300 = arith.constant 8 : i32
      %add3A_301 = arith.addi %mul3A_299, %add3A_300 : i32
      %mul3A_302 = arith.constant 16 : i32
      %mul3A_303 = arith.muli %add3A_301, %mul3A_302 : i32
      %get3A_304 = arith.index_cast %mul3A_303 : i32 to index
      %get3A_305 = tpu.vector_load %arg11[%get3A_304] {strides = array<i32>} : memref<3200xf32, #tpu.memory_space<vmem>>, vector<16xf32>,
      %mul3A_306 = arith.constant 10 : i32
      %mul3A_307 = arith.muli %scan3A_232, %mul3A_306 : i32
      %add3A_308 = arith.constant 9 : i32
      %add3A_309 = arith.addi %mul3A_307, %add3A_308 : i32
      %mul3A_310 = arith.constant 16 : i32
      %mul3A_311 = arith.muli %add3A_309, %mul3A_310 : i32
      %get3A_312 = arith.index_cast %mul3A_311 : i32 to index
      %get3A_313 = tpu.vector_load %arg11[%get3A_312] {strides = array<i32>} : memref<3200xf32, #tpu.memory_space<vmem>>, vector<16xf32>,
      %broadcast_in_dim3A = arith.constant -1.000000e+00 : f32
      %broadcast_in_dim3A_314 = vector.broadcast %broadcast_in_dim3A : f32 to vector<16xf32>
      %scan3A_315 = arith.constant 0 : i32
      %scan3A_316 = arith.constant 35 : i32
      %scan3A_317 = arith.addi %scan3A_315, %scan3A_316 : i32
      %scan3A_318 = arith.constant 1 : i32
      %scan3A_319 = scf.for %scan3A_325 = %scan3A_315 to %scan3A_317 step %scan3A_318 iter_args(%scan3A_326 = %broadcast_in_dim3A_314) -> (vector<16xf32>)  : i32 {
        %mul3A_327 = arith.constant 32 : i32
        %mul3A_328 = arith.muli %scan3A_325, %mul3A_327 : i32
        %add3A_329 = arith.constant 0 : i32
        %add3A_330 = arith.addi %mul3A_328, %add3A_329 : i32
        %add3A_331 = arith.constant 2240 : i32
        %add3A_332 = arith.addi %add3A_331, %add3A_330 : i32
        %get3A_333 = arith.index_cast %add3A_332 : i32 to index
        %get3A_334 = tpu.vector_load %arg10[%get3A_333] {strides = array<i32>} : memref<13440xf32, #tpu.memory_space<vmem>>, vector<16xf32>,
        %min3A = arith.minimumf %get3A_334, %get3A_257 : vector<16xf32>
        %add3A_335 = arith.constant 0 : i32
        %add3A_336 = arith.addi %add3A_335, %add3A_330 : i32
        %get3A_337 = arith.index_cast %add3A_336 : i32 to index
        %get3A_338 = tpu.vector_load %arg10[%get3A_337] {strides = array<i32>} : memref<13440xf32, #tpu.memory_space<vmem>>, vector<16xf32>,
        %max3A = arith.maximumf %get3A_338, %get3A_241 : vector<16xf32>
        %sub3A = arith.subf %min3A, %max3A : vector<16xf32>
        %add3A_339 = arith.constant 1.000000e+00 : f32
        %add3A_340 = vector.broadcast %add3A_339 : f32 to vector<16xf32>
        %add3A_341 = arith.addf %sub3A, %add3A_340 : vector<16xf32>
        %add3A_342 = arith.constant 3360 : i32
        %add3A_343 = arith.addi %add3A_342, %add3A_330 : i32
        %get3A_344 = arith.index_cast %add3A_343 : i32 to index
        %get3A_345 = tpu.vector_load %arg10[%get3A_344] {strides = array<i32>} : memref<13440xf32, #tpu.memory_space<vmem>>, vector<16xf32>,
        %min3A_346 = arith.minimumf %get3A_345, %get3A_265 : vector<16xf32>
        %add3A_347 = arith.constant 1120 : i32
        %add3A_348 = arith.addi %add3A_347, %add3A_330 : i32
        %get3A_349 = arith.index_cast %add3A_348 : i32 to index
        %get3A_350 = tpu.vector_load %arg10[%get3A_349] {strides = array<i32>} : memref<13440xf32, #tpu.memory_space<vmem>>, vector<16xf32>,
        %max3A_351 = arith.maximumf %get3A_350, %get3A_249 : vector<16xf32>
        %sub3A_352 = arith.subf %min3A_346, %max3A_351 : vector<16xf32>
        %add3A_353 = arith.constant 1.000000e+00 : f32
        %add3A_354 = vector.broadcast %add3A_353 : f32 to vector<16xf32>
        %add3A_355 = arith.addf %sub3A_352, %add3A_354 : vector<16xf32>
        %max3A_356 = arith.constant 0.000000e+00 : f32
        %max3A_357 = vector.broadcast %max3A_356 : f32 to vector<16xf32>
        %max3A_358 = arith.maximumf %add3A_341, %max3A_357 : vector<16xf32>
        %max3A_359 = arith.constant 0.000000e+00 : f32
        %max3A_360 = vector.broadcast %max3A_359 : f32 to vector<16xf32>
        %max3A_361 = arith.maximumf %add3A_355, %max3A_360 : vector<16xf32>
        %mul3A_362 = arith.mulf %max3A_358, %max3A_361 : vector<16xf32>
        %add3A_363 = arith.constant 4480 : i32
        %add3A_364 = arith.addi %add3A_363, %add3A_330 : i32
        %get3A_365 = arith.index_cast %add3A_364 : i32 to index
        %get3A_366 = tpu.vector_load %arg10[%get3A_365] {strides = array<i32>} : memref<13440xf32, #tpu.memory_space<vmem>>, vector<16xf32>,
        %add3A_367 = arith.addf %get3A_366, %get3A_273 : vector<16xf32>
        %sub3A_368 = arith.subf %add3A_367, %mul3A_362 : vector<16xf32>
        %div3A = arith.divf %mul3A_362, %sub3A_368 : vector<16xf32>
        %mul3A_369 = arith.mulf %div3A, %get3A_313 : vector<16xf32>
        %mul3A_370 = arith.constant 1120 : i32
        %mul3A_371 = arith.muli %scan3A_232, %mul3A_370 : i32
        %add3A_372 = arith.addi %mul3A_371, %add3A_330 : i32
        %swap3A_373 = arith.index_cast %add3A_372 : i32 to index
        %swap3A_374 = tpu.vector_load %arg12[%swap3A_373] {strides = array<i32>} : memref<22400xf32, #tpu.memory_space<vmem>>, vector<16xf32>,
        tpu.vector_store %arg12[%swap3A_373], %mul3A_369 {strides = array<i32>} : memref<22400xf32, #tpu.memory_space<vmem>>, vector<16xf32>,
        %add3A_375 = arith.constant 0 : i32
        %add3A_376 = arith.addi %add3A_375, %add3A_330 : i32
        %get3A_377 = arith.index_cast %add3A_376 : i32 to index
        %get3A_378 = tpu.vector_load %arg13[%get3A_377] {strides = array<i32>} : memref<17920xf32, #tpu.memory_space<vmem>>, vector<16xf32>,
        %gt3A = arith.cmpf ogt, %mul3A_369, %get3A_378 : vector<16xf32>
        %add3A_379 = arith.constant 2240 : i32
        %add3A_380 = arith.addi %add3A_379, %add3A_330 : i32
        %get3A_381 = arith.index_cast %add3A_380 : i32 to index
        %get3A_382 = tpu.vector_load %arg13[%get3A_381] {strides = array<i32>} : memref<17920xf32, #tpu.memory_space<vmem>>, vector<16xf32>,
        %select_n3A = arith.select %gt3A, %get3A_281, %get3A_382 : vector<16xi1>, vector<16xf32>
        %add3A_383 = arith.constant 2240 : i32
        %add3A_384 = arith.addi %add3A_383, %add3A_330 : i32
        %swap3A_385 = arith.index_cast %add3A_384 : i32 to index
        %swap3A_386 = tpu.vector_load %arg13[%swap3A_385] {strides = array<i32>} : memref<17920xf32, #tpu.memory_space<vmem>>, vector<16xf32>,
        tpu.vector_store %arg13[%swap3A_385], %select_n3A {strides = array<i32>} : memref<17920xf32, #tpu.memory_space<vmem>>, vector<16xf32>,
        %add3A_387 = arith.constant 3360 : i32
        %add3A_388 = arith.addi %add3A_387, %add3A_330 : i32
        %get3A_389 = arith.index_cast %add3A_388 : i32 to index
        %get3A_390 = tpu.vector_load %arg13[%get3A_389] {strides = array<i32>} : memref<17920xf32, #tpu.memory_space<vmem>>, vector<16xf32>,
        %select_n3A_391 = arith.select %gt3A, %get3A_289, %get3A_390 : vector<16xi1>, vector<16xf32>
        %add3A_392 = arith.constant 3360 : i32
        %add3A_393 = arith.addi %add3A_392, %add3A_330 : i32
        %swap3A_394 = arith.index_cast %add3A_393 : i32 to index
        %swap3A_395 = tpu.vector_load %arg13[%swap3A_394] {strides = array<i32>} : memref<17920xf32, #tpu.memory_space<vmem>>, vector<16xf32>,
        tpu.vector_store %arg13[%swap3A_394], %select_n3A_391 {strides = array<i32>} : memref<17920xf32, #tpu.memory_space<vmem>>, vector<16xf32>,
        %add3A_396 = arith.constant 4480 : i32
        %add3A_397 = arith.addi %add3A_396, %add3A_330 : i32
        %get3A_398 = arith.index_cast %add3A_397 : i32 to index
        %get3A_399 = tpu.vector_load %arg13[%get3A_398] {strides = array<i32>} : memref<17920xf32, #tpu.memory_space<vmem>>, vector<16xf32>,
        %select_n3A_400 = arith.select %gt3A, %get3A_297, %get3A_399 : vector<16xi1>, vector<16xf32>
        %add3A_401 = arith.constant 4480 : i32
        %add3A_402 = arith.addi %add3A_401, %add3A_330 : i32
        %swap3A_403 = arith.index_cast %add3A_402 : i32 to index
        %swap3A_404 = tpu.vector_load %arg13[%swap3A_403] {strides = array<i32>} : memref<17920xf32, #tpu.memory_space<vmem>>, vector<16xf32>,
        tpu.vector_store %arg13[%swap3A_403], %select_n3A_400 {strides = array<i32>} : memref<17920xf32, #tpu.memory_space<vmem>>, vector<16xf32>,
        %add3A_405 = arith.constant 5600 : i32
        %add3A_406 = arith.addi %add3A_405, %add3A_330 : i32
        %get3A_407 = arith.index_cast %add3A_406 : i32 to index
        %get3A_408 = tpu.vector_load %arg13[%get3A_407] {strides = array<i32>} : memref<17920xf32, #tpu.memory_space<vmem>>, vector<16xf32>,
        %select_n3A_409 = arith.select %gt3A, %get3A_305, %get3A_408 : vector<16xi1>, vector<16xf32>
        %add3A_410 = arith.constant 5600 : i32
        %add3A_411 = arith.addi %add3A_410, %add3A_330 : i32
        %swap3A_412 = arith.index_cast %add3A_411 : i32 to index
        %swap3A_413 = tpu.vector_load %arg13[%swap3A_412] {strides = array<i32>} : memref<17920xf32, #tpu.memory_space<vmem>>, vector<16xf32>,
        tpu.vector_store %arg13[%swap3A_412], %select_n3A_409 {strides = array<i32>} : memref<17920xf32, #tpu.memory_space<vmem>>, vector<16xf32>,
        %max3A_414 = arith.maximumf %get3A_378, %mul3A_369 : vector<16xf32>
        %add3A_415 = arith.constant 0 : i32
        %add3A_416 = arith.addi %add3A_415, %add3A_330 : i32
        %swap3A_417 = arith.index_cast %add3A_416 : i32 to index
        %swap3A_418 = tpu.vector_load %arg13[%swap3A_417] {strides = array<i32>} : memref<17920xf32, #tpu.memory_space<vmem>>, vector<16xf32>,
        tpu.vector_store %arg13[%swap3A_417], %max3A_414 {strides = array<i32>} : memref<17920xf32, #tpu.memory_space<vmem>>, vector<16xf32>,
        %add3A_419 = arith.constant 12320 : i32
        %add3A_420 = arith.addi %add3A_419, %add3A_330 : i32
        %get3A_421 = arith.index_cast %add3A_420 : i32 to index
        %get3A_422 = tpu.vector_load %arg10[%get3A_421] {strides = array<i32>} : memref<13440xf32, #tpu.memory_space<vmem>>, vector<16xf32>,
        %mul3A_423 = arith.mulf %mul3A_369, %get3A_422 : vector<16xf32>
        %max3A_424 = arith.maximumf %scan3A_326, %mul3A_423 : vector<16xf32>
        %mul3A_425 = arith.constant 32 : i32
        %mul3A_426 = arith.muli %scan3A_325, %mul3A_425 : i32
        %add3A_427 = arith.constant 16 : i32
        %add3A_428 = arith.addi %mul3A_426, %add3A_427 : i32
        %add3A_429 = arith.constant 2240 : i32
        %add3A_430 = arith.addi %add3A_429, %add3A_428 : i32
        %get3A_431 = arith.index_cast %add3A_430 : i32 to index
        %get3A_432 = tpu.vector_load %arg10[%get3A_431] {strides = array<i32>} : memref<13440xf32, #tpu.memory_space<vmem>>, vector<16xf32>,
        %min3A_433 = arith.minimumf %get3A_432, %get3A_257 : vector<16xf32>
        %add3A_434 = arith.constant 0 : i32
        %add3A_435 = arith.addi %add3A_434, %add3A_428 : i32
        %get3A_436 = arith.index_cast %add3A_435 : i32 to index
        %get3A_437 = tpu.vector_load %arg10[%get3A_436] {strides = array<i32>} : memref<13440xf32, #tpu.memory_space<vmem>>, vector<16xf32>,
        %max3A_438 = arith.maximumf %get3A_437, %get3A_241 : vector<16xf32>
        %sub3A_439 = arith.subf %min3A_433, %max3A_438 : vector<16xf32>
        %add3A_440 = arith.constant 1.000000e+00 : f32
        %add3A_441 = vector.broadcast %add3A_440 : f32 to vector<16xf32>
        %add3A_442 = arith.addf %sub3A_439, %add3A_441 : vector<16xf32>
        %add3A_443 = arith.constant 3360 : i32
        %add3A_444 = arith.addi %add3A_443, %add3A_428 : i32
        %get3A_445 = arith.index_cast %add3A_444 : i32 to index
        %get3A_446 = tpu.vector_load %arg10[%get3A_445] {strides = array<i32>} : memref<13440xf32, #tpu.memory_space<vmem>>, vector<16xf32>,
        %min3A_447 = arith.minimumf %get3A_446, %get3A_265 : vector<16xf32>
        %add3A_448 = arith.constant 1120 : i32
        %add3A_449 = arith.addi %add3A_448, %add3A_428 : i32
        %get3A_450 = arith.index_cast %add3A_449 : i32 to index
        %get3A_451 = tpu.vector_load %arg10[%get3A_450] {strides = array<i32>} : memref<13440xf32, #tpu.memory_space<vmem>>, vector<16xf32>,
        %max3A_452 = arith.maximumf %get3A_451, %get3A_249 : vector<16xf32>
        %sub3A_453 = arith.subf %min3A_447, %max3A_452 : vector<16xf32>
        %add3A_454 = arith.constant 1.000000e+00 : f32
        %add3A_455 = vector.broadcast %add3A_454 : f32 to vector<16xf32>
        %add3A_456 = arith.addf %sub3A_453, %add3A_455 : vector<16xf32>
        %max3A_457 = arith.constant 0.000000e+00 : f32
        %max3A_458 = vector.broadcast %max3A_457 : f32 to vector<16xf32>
        %max3A_459 = arith.maximumf %add3A_442, %max3A_458 : vector<16xf32>
        %max3A_460 = arith.constant 0.000000e+00 : f32
        %max3A_461 = vector.broadcast %max3A_460 : f32 to vector<16xf32>
        %max3A_462 = arith.maximumf %add3A_456, %max3A_461 : vector<16xf32>
        %mul3A_463 = arith.mulf %max3A_459, %max3A_462 : vector<16xf32>
        %add3A_464 = arith.constant 4480 : i32
        %add3A_465 = arith.addi %add3A_464, %add3A_428 : i32
        %get3A_466 = arith.index_cast %add3A_465 : i32 to index
        %get3A_467 = tpu.vector_load %arg10[%get3A_466] {strides = array<i32>} : memref<13440xf32, #tpu.memory_space<vmem>>, vector<16xf32>,
        %add3A_468 = arith.addf %get3A_467, %get3A_273 : vector<16xf32>
        %sub3A_469 = arith.subf %add3A_468, %mul3A_463 : vector<16xf32>
        %div3A_470 = arith.divf %mul3A_463, %sub3A_469 : vector<16xf32>
        %mul3A_471 = arith.mulf %div3A_470, %get3A_313 : vector<16xf32>
        %mul3A_472 = arith.constant 1120 : i32
        %mul3A_473 = arith.muli %scan3A_232, %mul3A_472 : i32
        %add3A_474 = arith.addi %mul3A_473, %add3A_428 : i32
        %swap3A_475 = arith.index_cast %add3A_474 : i32 to index
        %swap3A_476 = tpu.vector_load %arg12[%swap3A_475] {strides = array<i32>} : memref<22400xf32, #tpu.memory_space<vmem>>, vector<16xf32>,
        tpu.vector_store %arg12[%swap3A_475], %mul3A_471 {strides = array<i32>} : memref<22400xf32, #tpu.memory_space<vmem>>, vector<16xf32>,
        %add3A_477 = arith.constant 0 : i32
        %add3A_478 = arith.addi %add3A_477, %add3A_428 : i32
        %get3A_479 = arith.index_cast %add3A_478 : i32 to index
        %get3A_480 = tpu.vector_load %arg13[%get3A_479] {strides = array<i32>} : memref<17920xf32, #tpu.memory_space<vmem>>, vector<16xf32>,
        %gt3A_481 = arith.cmpf ogt, %mul3A_471, %get3A_480 : vector<16xf32>
        %add3A_482 = arith.constant 2240 : i32
        %add3A_483 = arith.addi %add3A_482, %add3A_428 : i32
        %get3A_484 = arith.index_cast %add3A_483 : i32 to index
        %get3A_485 = tpu.vector_load %arg13[%get3A_484] {strides = array<i32>} : memref<17920xf32, #tpu.memory_space<vmem>>, vector<16xf32>,
        %select_n3A_486 = arith.select %gt3A_481, %get3A_281, %get3A_485 : vector<16xi1>, vector<16xf32>
        %add3A_487 = arith.constant 2240 : i32
        %add3A_488 = arith.addi %add3A_487, %add3A_428 : i32
        %swap3A_489 = arith.index_cast %add3A_488 : i32 to index
        %swap3A_490 = tpu.vector_load %arg13[%swap3A_489] {strides = array<i32>} : memref<17920xf32, #tpu.memory_space<vmem>>, vector<16xf32>,
        tpu.vector_store %arg13[%swap3A_489], %select_n3A_486 {strides = array<i32>} : memref<17920xf32, #tpu.memory_space<vmem>>, vector<16xf32>,
        %add3A_491 = arith.constant 3360 : i32
        %add3A_492 = arith.addi %add3A_491, %add3A_428 : i32
        %get3A_493 = arith.index_cast %add3A_492 : i32 to index
        %get3A_494 = tpu.vector_load %arg13[%get3A_493] {strides = array<i32>} : memref<17920xf32, #tpu.memory_space<vmem>>, vector<16xf32>,
        %select_n3A_495 = arith.select %gt3A_481, %get3A_289, %get3A_494 : vector<16xi1>, vector<16xf32>
        %add3A_496 = arith.constant 3360 : i32
        %add3A_497 = arith.addi %add3A_496, %add3A_428 : i32
        %swap3A_498 = arith.index_cast %add3A_497 : i32 to index
        %swap3A_499 = tpu.vector_load %arg13[%swap3A_498] {strides = array<i32>} : memref<17920xf32, #tpu.memory_space<vmem>>, vector<16xf32>,
        tpu.vector_store %arg13[%swap3A_498], %select_n3A_495 {strides = array<i32>} : memref<17920xf32, #tpu.memory_space<vmem>>, vector<16xf32>,
        %add3A_500 = arith.constant 4480 : i32
        %add3A_501 = arith.addi %add3A_500, %add3A_428 : i32
        %get3A_502 = arith.index_cast %add3A_501 : i32 to index
        %get3A_503 = tpu.vector_load %arg13[%get3A_502] {strides = array<i32>} : memref<17920xf32, #tpu.memory_space<vmem>>, vector<16xf32>,
        %select_n3A_504 = arith.select %gt3A_481, %get3A_297, %get3A_503 : vector<16xi1>, vector<16xf32>
        %add3A_505 = arith.constant 4480 : i32
        %add3A_506 = arith.addi %add3A_505, %add3A_428 : i32
        %swap3A_507 = arith.index_cast %add3A_506 : i32 to index
        %swap3A_508 = tpu.vector_load %arg13[%swap3A_507] {strides = array<i32>} : memref<17920xf32, #tpu.memory_space<vmem>>, vector<16xf32>,
        tpu.vector_store %arg13[%swap3A_507], %select_n3A_504 {strides = array<i32>} : memref<17920xf32, #tpu.memory_space<vmem>>, vector<16xf32>,
        %add3A_509 = arith.constant 5600 : i32
        %add3A_510 = arith.addi %add3A_509, %add3A_428 : i32
        %get3A_511 = arith.index_cast %add3A_510 : i32 to index
        %get3A_512 = tpu.vector_load %arg13[%get3A_511] {strides = array<i32>} : memref<17920xf32, #tpu.memory_space<vmem>>, vector<16xf32>,
        %select_n3A_513 = arith.select %gt3A_481, %get3A_305, %get3A_512 : vector<16xi1>, vector<16xf32>
        %add3A_514 = arith.constant 5600 : i32
        %add3A_515 = arith.addi %add3A_514, %add3A_428 : i32
        %swap3A_516 = arith.index_cast %add3A_515 : i32 to index
        %swap3A_517 = tpu.vector_load %arg13[%swap3A_516] {strides = array<i32>} : memref<17920xf32, #tpu.memory_space<vmem>>, vector<16xf32>,
        tpu.vector_store %arg13[%swap3A_516], %select_n3A_513 {strides = array<i32>} : memref<17920xf32, #tpu.memory_space<vmem>>, vector<16xf32>,
        %max3A_518 = arith.maximumf %get3A_480, %mul3A_471 : vector<16xf32>
        %add3A_519 = arith.constant 0 : i32
        %add3A_520 = arith.addi %add3A_519, %add3A_428 : i32
        %swap3A_521 = arith.index_cast %add3A_520 : i32 to index
        %swap3A_522 = tpu.vector_load %arg13[%swap3A_521] {strides = array<i32>} : memref<17920xf32, #tpu.memory_space<vmem>>, vector<16xf32>,
        tpu.vector_store %arg13[%swap3A_521], %max3A_518 {strides = array<i32>} : memref<17920xf32, #tpu.memory_space<vmem>>, vector<16xf32>,
        %add3A_523 = arith.constant 12320 : i32
        %add3A_524 = arith.addi %add3A_523, %add3A_428 : i32
        %get3A_525 = arith.index_cast %add3A_524 : i32 to index
        %get3A_526 = tpu.vector_load %arg10[%get3A_525] {strides = array<i32>} : memref<13440xf32, #tpu.memory_space<vmem>>, vector<16xf32>,
        %mul3A_527 = arith.mulf %mul3A_471, %get3A_526 : vector<16xf32>
        %max3A_528 = arith.maximumf %max3A_424, %mul3A_527 : vector<16xf32>
        scf.yield %max3A_528 : vector<16xf32>
      }
      %scan3A_320 = arith.constant 35 : i32
      %mul3A_321 = arith.constant 16 : i32
      %mul3A_322 = arith.muli %scan3A_232, %mul3A_321 : i32
      %swap3A = arith.index_cast %mul3A_322 : i32 to index
      %swap3A_323 = tpu.vector_load %arg14[%swap3A] {strides = array<i32>} : memref<320xf32, #tpu.memory_space<vmem>>, vector<16xf32>,
      tpu.vector_store %arg14[%swap3A], %scan3A_319 {strides = array<i32>} : memref<320xf32, #tpu.memory_space<vmem>>, vector<16xf32>,
      %scan3A_324 = arith.constant 0 : i32
      scf.yield %scan3A_324 : i32
    }
    %scan3A_42 = arith.constant 20 : i32
    %mul3A_43 = arith.constant 320 : i32
    %mul3A_44 = arith.muli %arg1, %mul3A_43 : i32
    "tpu.region"() ({
      %run_scoped3A = tpu.sem_alloc : memref<!tpu.dma_semaphore, #tpu.memory_space<semaphore_mem>>
      %dma_start3A = tpu.memref_slice %arg20[%mul3A_44] : memref<5120xf32, #tpu.memory_space<vmem_shared>> -> memref<320xf32, #tpu.memory_space<vmem_shared>>
      %dma_start3A_232 = tpu.memref_slice %arg20[%mul3A_44] : memref<5120xf32, #tpu.memory_space<vmem_shared>> -> memref<320xf32, #tpu.memory_space<vmem_shared>>
      tpu.enqueue_dma source(%arg14 : memref<320xf32, #tpu.memory_space<vmem>>) target(%dma_start3A_232 : memref<320xf32, #tpu.memory_space<vmem_shared>>) target_semaphore(%run_scoped3A : memref<!tpu.dma_semaphore, #tpu.memory_space<semaphore_mem>>)
      %dma_wait3A = tpu.memref_slice %arg20[%mul3A_44] : memref<5120xf32, #tpu.memory_space<vmem_shared>> -> memref<320xf32, #tpu.memory_space<vmem_shared>>
      %dma_wait3A_233 = tpu.memref_slice %arg20[%mul3A_44] : memref<5120xf32, #tpu.memory_space<vmem_shared>> -> memref<320xf32, #tpu.memory_space<vmem_shared>>
      tpu.wait_dma2 semaphore(%run_scoped3A : memref<!tpu.dma_semaphore, #tpu.memory_space<semaphore_mem>>) src(%arg14 : memref<320xf32, #tpu.memory_space<vmem>>) dst(%dma_wait3A_233 : memref<320xf32, #tpu.memory_space<vmem_shared>>)
      tpu.yield
    }) : () -> ()
    %barrier3A = arith.constant 0 : index
    tpu.barrier barrier_id(%barrier3A)
    "tpu.region"() ({
      %run_scoped3A = tpu.sem_alloc : memref<!tpu.dma_semaphore, #tpu.memory_space<semaphore_mem>>
      tpu.enqueue_dma source(%arg20 : memref<5120xf32, #tpu.memory_space<vmem_shared>>) target(%arg15 : memref<5120xf32, #tpu.memory_space<vmem>>) target_semaphore(%run_scoped3A : memref<!tpu.dma_semaphore, #tpu.memory_space<semaphore_mem>>)
      tpu.wait_dma2 semaphore(%run_scoped3A : memref<!tpu.dma_semaphore, #tpu.memory_space<semaphore_mem>>) src(%arg20 : memref<5120xf32, #tpu.memory_space<vmem_shared>>) dst(%arg15 : memref<5120xf32, #tpu.memory_space<vmem>>)
      tpu.yield
    }) : () -> ()
    %barrier3A_45 = arith.constant 0 : index
    tpu.barrier barrier_id(%barrier3A_45)
    %scan3A_46 = arith.constant 0 : i32
    %scan3A_47 = arith.constant 0 : i32
    %scan3A_48 = arith.constant 20 : i32
    %scan3A_49 = arith.addi %scan3A_47, %scan3A_48 : i32
    %scan3A_50 = arith.constant 1 : i32
    %scan3A_51 = scf.for %scan3A_232 = %scan3A_47 to %scan3A_49 step %scan3A_50 iter_args(%scan3A_233 = %scan3A_46) -> (i32)  : i32 {
      %mul3A_234 = arith.constant 16 : i32
      %mul3A_235 = arith.muli %scan3A_232, %mul3A_234 : i32
      %get3A_236 = arith.index_cast %mul3A_235 : i32 to index
      %get3A_237 = tpu.vector_load %arg15[%get3A_236] {strides = array<i32>} : memref<5120xf32, #tpu.memory_space<vmem>>, vector<16xf32>,
      %scan3A_238 = arith.constant 1 : i32
      %scan3A_239 = arith.constant 15 : i32
      %scan3A_240 = arith.addi %scan3A_238, %scan3A_239 : i32
      %scan3A_241 = arith.constant 1 : i32
      %scan3A_242 = scf.for %scan3A_264 = %scan3A_238 to %scan3A_240 step %scan3A_241 iter_args(%scan3A_265 = %get3A_237) -> (vector<16xf32>)  : i32 {
        %mul3A_266 = arith.constant 20 : i32
        %mul3A_267 = arith.muli %scan3A_264, %mul3A_266 : i32
        %add3A_268 = arith.addi %mul3A_267, %scan3A_232 : i32
        %mul3A_269 = arith.constant 16 : i32
        %mul3A_270 = arith.muli %add3A_268, %mul3A_269 : i32
        %get3A_271 = arith.index_cast %mul3A_270 : i32 to index
        %get3A_272 = tpu.vector_load %arg15[%get3A_271] {strides = array<i32>} : memref<5120xf32, #tpu.memory_space<vmem>>, vector<16xf32>,
        %max3A = arith.maximumf %scan3A_265, %get3A_272 : vector<16xf32>
        scf.yield %max3A : vector<16xf32>
      }
      %scan3A_243 = arith.constant 15 : i32
      %broadcast_in_dim3A = arith.constant true
      %broadcast_in_dim3A_244 = vector.broadcast %broadcast_in_dim3A : i1 to vector<16xi1>
      %masked_cummax3A = tpu.scan <max>, %scan3A_242 masked %broadcast_in_dim3A_244 : vector<16xf32>, vector<16xi1> -> vector<16xf32>
      %rev3A = arith.constant 15 : i32
      %rev3A_245 = vector.broadcast %rev3A : i32 to vector<16xi32>
      %rev3A_246 = tpu.iota {dimensions = array<i32: 0>} : vector<16xi32>
      %rev3A_247 = arith.subi %rev3A_245, %rev3A_246 : vector<16xi32>
      %rev3A_248 = tpu.dynamic_gather %masked_cummax3A[%rev3A_247] in [0] : vector<16xf32>, vector<16xi32> -> vector<16xf32>
      %broadcast_in_dim3A_249 = arith.constant true
      %broadcast_in_dim3A_250 = vector.broadcast %broadcast_in_dim3A_249 : i1 to vector<16xi1>
      %masked_cummax3A_251 = tpu.scan <max>, %rev3A_248 masked %broadcast_in_dim3A_250 : vector<16xf32>, vector<16xi1> -> vector<16xf32>
      %eq3A_252 = arith.constant 0.000000e+00 : f32
      %eq3A_253 = vector.broadcast %eq3A_252 : f32 to vector<16xf32>
      %eq3A_254 = arith.cmpf oeq, %masked_cummax3A_251, %eq3A_253 : vector<16xf32>
      %jit3A = arith.constant 9.99999974E-6 : f32
      %broadcast_in_dim3A_255 = vector.broadcast %jit3A : f32 to vector<16xf32>
      %select_n3A = arith.select %eq3A_254, %broadcast_in_dim3A_255, %masked_cummax3A_251 : vector<16xi1>, vector<16xf32>
      %scan3A_256 = arith.constant 0 : i32
      %scan3A_257 = arith.constant 0 : i32
      %scan3A_258 = arith.constant 35 : i32
      %scan3A_259 = arith.addi %scan3A_257, %scan3A_258 : i32
      %scan3A_260 = arith.constant 1 : i32
      %scan3A_261 = scf.for %scan3A_264 = %scan3A_257 to %scan3A_259 step %scan3A_260 iter_args(%scan3A_265 = %scan3A_256) -> (i32)  : i32 {
        %mul3A_266 = arith.constant 32 : i32
        %mul3A_267 = arith.muli %scan3A_264, %mul3A_266 : i32
        %add3A_268 = arith.constant 0 : i32
        %add3A_269 = arith.addi %mul3A_267, %add3A_268 : i32
        %add3A_270 = arith.constant 1120 : i32
        %add3A_271 = arith.addi %add3A_270, %add3A_269 : i32
        %get3A_272 = arith.index_cast %add3A_271 : i32 to index
        %get3A_273 = tpu.vector_load %arg13[%get3A_272] {strides = array<i32>} : memref<17920xf32, #tpu.memory_space<vmem>>, vector<16xf32>,
        %mul3A_274 = arith.constant 1120 : i32
        %mul3A_275 = arith.muli %scan3A_232, %mul3A_274 : i32
        %add3A_276 = arith.addi %mul3A_275, %add3A_269 : i32
        %get3A_277 = arith.index_cast %add3A_276 : i32 to index
        %get3A_278 = tpu.vector_load %arg12[%get3A_277] {strides = array<i32>} : memref<22400xf32, #tpu.memory_space<vmem>>, vector<16xf32>,
        %eq3A_279 = arith.cmpf oeq, %get3A_278, %select_n3A : vector<16xf32>
        %jit3A_280 = arith.constant 1.000000e+00 : f32
        %broadcast_in_dim3A_281 = vector.broadcast %jit3A_280 : f32 to vector<16xf32>
        %select_n3A_282 = arith.select %eq3A_279, %broadcast_in_dim3A_281, %get3A_273 : vector<16xi1>, vector<16xf32>
        %swap3A = arith.index_cast %add3A_271 : i32 to index
        %swap3A_283 = tpu.vector_load %arg13[%swap3A] {strides = array<i32>} : memref<17920xf32, #tpu.memory_space<vmem>>, vector<16xf32>,
        tpu.vector_store %arg13[%swap3A], %select_n3A_282 {strides = array<i32>} : memref<17920xf32, #tpu.memory_space<vmem>>, vector<16xf32>,
        %mul3A_284 = arith.constant 32 : i32
        %mul3A_285 = arith.muli %scan3A_264, %mul3A_284 : i32
        %add3A_286 = arith.constant 16 : i32
        %add3A_287 = arith.addi %mul3A_285, %add3A_286 : i32
        %add3A_288 = arith.constant 1120 : i32
        %add3A_289 = arith.addi %add3A_288, %add3A_287 : i32
        %get3A_290 = arith.index_cast %add3A_289 : i32 to index
        %get3A_291 = tpu.vector_load %arg13[%get3A_290] {strides = array<i32>} : memref<17920xf32, #tpu.memory_space<vmem>>, vector<16xf32>,
        %mul3A_292 = arith.constant 1120 : i32
        %mul3A_293 = arith.muli %scan3A_232, %mul3A_292 : i32
        %add3A_294 = arith.addi %mul3A_293, %add3A_287 : i32
        %get3A_295 = arith.index_cast %add3A_294 : i32 to index
        %get3A_296 = tpu.vector_load %arg12[%get3A_295] {strides = array<i32>} : memref<22400xf32, #tpu.memory_space<vmem>>, vector<16xf32>,
        %eq3A_297 = arith.cmpf oeq, %get3A_296, %select_n3A : vector<16xf32>
        %jit3A_298 = arith.constant 1.000000e+00 : f32
        %broadcast_in_dim3A_299 = vector.broadcast %jit3A_298 : f32 to vector<16xf32>
        %select_n3A_300 = arith.select %eq3A_297, %broadcast_in_dim3A_299, %get3A_291 : vector<16xi1>, vector<16xf32>
        %swap3A_301 = arith.index_cast %add3A_289 : i32 to index
        %swap3A_302 = tpu.vector_load %arg13[%swap3A_301] {strides = array<i32>} : memref<17920xf32, #tpu.memory_space<vmem>>, vector<16xf32>,
        tpu.vector_store %arg13[%swap3A_301], %select_n3A_300 {strides = array<i32>} : memref<17920xf32, #tpu.memory_space<vmem>>, vector<16xf32>,
        %scan3A_303 = arith.constant 0 : i32
        scf.yield %scan3A_303 : i32
      }
      %scan3A_262 = arith.constant 35 : i32
      %scan3A_263 = arith.constant 0 : i32
      scf.yield %scan3A_263 : i32
    }
    %scan3A_52 = arith.constant 20 : i32
    %scan3A_53 = arith.constant 0 : i32
    %scan3A_54 = arith.constant 0 : i32
    %scan3A_55 = arith.constant 70 : i32
    %scan3A_56 = arith.addi %scan3A_54, %scan3A_55 : i32
    %scan3A_57 = arith.constant 1 : i32
    %scan3A_58 = scf.for %scan3A_232 = %scan3A_54 to %scan3A_56 step %scan3A_57 iter_args(%scan3A_233 = %scan3A_53) -> (i32)  : i32 {
      %mul3A_234 = arith.constant 16 : i32
      %mul3A_235 = arith.muli %scan3A_232, %mul3A_234 : i32
      %add3A_236 = arith.constant 12320 : i32
      %add3A_237 = arith.addi %add3A_236, %mul3A_235 : i32
      %get3A_238 = arith.index_cast %add3A_237 : i32 to index
      %get3A_239 = tpu.vector_load %arg10[%get3A_238] {strides = array<i32>} : memref<13440xf32, #tpu.memory_space<vmem>>, vector<16xf32>,
      %gt3A = arith.constant 0.000000e+00 : f32
      %gt3A_240 = vector.broadcast %gt3A : f32 to vector<16xf32>
      %gt3A_241 = arith.cmpf ogt, %get3A_239, %gt3A_240 : vector<16xf32>
      %add3A_242 = arith.constant 0 : i32
      %add3A_243 = arith.addi %add3A_242, %mul3A_235 : i32
      %get3A_244 = arith.index_cast %add3A_243 : i32 to index
      %get3A_245 = tpu.vector_load %arg13[%get3A_244] {strides = array<i32>} : memref<17920xf32, #tpu.memory_space<vmem>>, vector<16xf32>,
      %lt3A = arith.constant 3.000000e-01 : f32
      %lt3A_246 = vector.broadcast %lt3A : f32 to vector<16xf32>
      %lt3A_247 = arith.cmpf olt, %get3A_245, %lt3A_246 : vector<16xf32>
      %and3A = arith.andi %gt3A_241, %lt3A_247 : vector<16xi1>
      %jit3A = arith.constant 0.000000e+00 : f32
      %jit3A_248 = arith.constant -1.000000e+00 : f32
      %broadcast_in_dim3A = vector.broadcast %jit3A : f32 to vector<16xf32>
      %broadcast_in_dim3A_249 = vector.broadcast %jit3A_248 : f32 to vector<16xf32>
      %select_n3A = arith.select %and3A, %broadcast_in_dim3A, %broadcast_in_dim3A_249 : vector<16xi1>, vector<16xf32>
      %add3A_250 = arith.constant 1120 : i32
      %add3A_251 = arith.addi %add3A_250, %mul3A_235 : i32
      %get3A_252 = arith.index_cast %add3A_251 : i32 to index
      %get3A_253 = tpu.vector_load %arg13[%get3A_252] {strides = array<i32>} : memref<17920xf32, #tpu.memory_space<vmem>>, vector<16xf32>,
      %gt3A_254 = arith.constant 0.000000e+00 : f32
      %gt3A_255 = vector.broadcast %gt3A_254 : f32 to vector<16xf32>
      %gt3A_256 = arith.cmpf ogt, %get3A_253, %gt3A_255 : vector<16xf32>
      %ge3A = arith.constant 0.699999988 : f32
      %ge3A_257 = vector.broadcast %ge3A : f32 to vector<16xf32>
      %ge3A_258 = arith.cmpf oge, %get3A_245, %ge3A_257 : vector<16xf32>
      %or3A = arith.ori %gt3A_256, %ge3A_258 : vector<16xi1>
      %and3A_259 = arith.andi %gt3A_241, %or3A : vector<16xi1>
      %jit3A_260 = arith.constant 1.000000e+00 : f32
      %broadcast_in_dim3A_261 = vector.broadcast %jit3A_260 : f32 to vector<16xf32>
      %select_n3A_262 = arith.select %and3A_259, %broadcast_in_dim3A_261, %select_n3A : vector<16xi1>, vector<16xf32>
      %add3A_263 = arith.constant 6720 : i32
      %add3A_264 = arith.addi %add3A_263, %mul3A_235 : i32
      %swap3A = arith.index_cast %add3A_264 : i32 to index
      %swap3A_265 = tpu.vector_load %arg13[%swap3A] {strides = array<i32>} : memref<17920xf32, #tpu.memory_space<vmem>>, vector<16xf32>,
      tpu.vector_store %arg13[%swap3A], %select_n3A_262 {strides = array<i32>} : memref<17920xf32, #tpu.memory_space<vmem>>, vector<16xf32>,
      %eq3A_266 = arith.constant 1.000000e+00 : f32
      %eq3A_267 = vector.broadcast %eq3A_266 : f32 to vector<16xf32>
      %eq3A_268 = arith.cmpf oeq, %select_n3A_262, %eq3A_267 : vector<16xf32>
      %jit3A_269 = arith.constant 1.000000e+00 : f32
      %jit3A_270 = arith.constant 0.000000e+00 : f32
      %broadcast_in_dim3A_271 = vector.broadcast %jit3A_269 : f32 to vector<16xf32>
      %broadcast_in_dim3A_272 = vector.broadcast %jit3A_270 : f32 to vector<16xf32>
      %select_n3A_273 = arith.select %eq3A_268, %broadcast_in_dim3A_271, %broadcast_in_dim3A_272 : vector<16xi1>, vector<16xf32>
      %add3A_274 = arith.constant 7840 : i32
      %add3A_275 = arith.addi %add3A_274, %mul3A_235 : i32
      %swap3A_276 = arith.index_cast %add3A_275 : i32 to index
      %swap3A_277 = tpu.vector_load %arg13[%swap3A_276] {strides = array<i32>} : memref<17920xf32, #tpu.memory_space<vmem>>, vector<16xf32>,
      tpu.vector_store %arg13[%swap3A_276], %select_n3A_273 {strides = array<i32>} : memref<17920xf32, #tpu.memory_space<vmem>>, vector<16xf32>,
      %eq3A_278 = arith.constant 0.000000e+00 : f32
      %eq3A_279 = vector.broadcast %eq3A_278 : f32 to vector<16xf32>
      %eq3A_280 = arith.cmpf oeq, %select_n3A_262, %eq3A_279 : vector<16xf32>
      %jit3A_281 = arith.constant 1.000000e+00 : f32
      %jit3A_282 = arith.constant 0.000000e+00 : f32
      %broadcast_in_dim3A_283 = vector.broadcast %jit3A_281 : f32 to vector<16xf32>
      %broadcast_in_dim3A_284 = vector.broadcast %jit3A_282 : f32 to vector<16xf32>
      %select_n3A_285 = arith.select %eq3A_280, %broadcast_in_dim3A_283, %broadcast_in_dim3A_284 : vector<16xi1>, vector<16xf32>
      %add3A_286 = arith.constant 8960 : i32
      %add3A_287 = arith.addi %add3A_286, %mul3A_235 : i32
      %swap3A_288 = arith.index_cast %add3A_287 : i32 to index
      %swap3A_289 = tpu.vector_load %arg13[%swap3A_288] {strides = array<i32>} : memref<17920xf32, #tpu.memory_space<vmem>>, vector<16xf32>,
      tpu.vector_store %arg13[%swap3A_288], %select_n3A_285 {strides = array<i32>} : memref<17920xf32, #tpu.memory_space<vmem>>, vector<16xf32>,
      %scan3A_290 = arith.constant 0 : i32
      scf.yield %scan3A_290 : i32
    }
    %scan3A_59 = arith.constant 70 : i32
    %add3A_60 = arith.constant 0 : i32
    %add3A_61 = arith.addi %add3A_60, %mul3A_0 : i32
    "tpu.region"() ({
      %run_scoped3A = tpu.sem_alloc : memref<!tpu.dma_semaphore, #tpu.memory_space<semaphore_mem>>
      %dma_start3A = arith.constant 7840 : i32
      %dma_start3A_232 = tpu.memref_slice %arg13[%dma_start3A] : memref<17920xf32, #tpu.memory_space<vmem>> -> memref<1120xf32, #tpu.memory_space<vmem>>
      %dma_start3A_233 = tpu.memref_slice %arg21[%add3A_61] : memref<71680xf32, #tpu.memory_space<vmem_shared>> -> memref<1120xf32, #tpu.memory_space<vmem_shared>>
      %dma_start3A_234 = tpu.memref_slice %arg21[%add3A_61] : memref<71680xf32, #tpu.memory_space<vmem_shared>> -> memref<1120xf32, #tpu.memory_space<vmem_shared>>
      %dma_start3A_235 = arith.constant 7840 : i32
      %dma_start3A_236 = tpu.memref_slice %arg13[%dma_start3A_235] : memref<17920xf32, #tpu.memory_space<vmem>> -> memref<1120xf32, #tpu.memory_space<vmem>>
      tpu.enqueue_dma source(%dma_start3A_236 : memref<1120xf32, #tpu.memory_space<vmem>>) target(%dma_start3A_234 : memref<1120xf32, #tpu.memory_space<vmem_shared>>) target_semaphore(%run_scoped3A : memref<!tpu.dma_semaphore, #tpu.memory_space<semaphore_mem>>)
      %dma_wait3A = arith.constant 7840 : i32
      %dma_wait3A_237 = tpu.memref_slice %arg13[%dma_wait3A] : memref<17920xf32, #tpu.memory_space<vmem>> -> memref<1120xf32, #tpu.memory_space<vmem>>
      %dma_wait3A_238 = tpu.memref_slice %arg21[%add3A_61] : memref<71680xf32, #tpu.memory_space<vmem_shared>> -> memref<1120xf32, #tpu.memory_space<vmem_shared>>
      %dma_wait3A_239 = tpu.memref_slice %arg21[%add3A_61] : memref<71680xf32, #tpu.memory_space<vmem_shared>> -> memref<1120xf32, #tpu.memory_space<vmem_shared>>
      %dma_wait3A_240 = arith.constant 7840 : i32
      %dma_wait3A_241 = tpu.memref_slice %arg13[%dma_wait3A_240] : memref<17920xf32, #tpu.memory_space<vmem>> -> memref<1120xf32, #tpu.memory_space<vmem>>
      tpu.wait_dma2 semaphore(%run_scoped3A : memref<!tpu.dma_semaphore, #tpu.memory_space<semaphore_mem>>) src(%dma_wait3A_241 : memref<1120xf32, #tpu.memory_space<vmem>>) dst(%dma_wait3A_239 : memref<1120xf32, #tpu.memory_space<vmem_shared>>)
      tpu.yield
    }) : () -> ()
    %add3A_62 = arith.constant 17920 : i32
    %add3A_63 = arith.addi %add3A_62, %mul3A_0 : i32
    "tpu.region"() ({
      %run_scoped3A = tpu.sem_alloc : memref<!tpu.dma_semaphore, #tpu.memory_space<semaphore_mem>>
      %dma_start3A = arith.constant 8960 : i32
      %dma_start3A_232 = tpu.memref_slice %arg13[%dma_start3A] : memref<17920xf32, #tpu.memory_space<vmem>> -> memref<1120xf32, #tpu.memory_space<vmem>>
      %dma_start3A_233 = tpu.memref_slice %arg21[%add3A_63] : memref<71680xf32, #tpu.memory_space<vmem_shared>> -> memref<1120xf32, #tpu.memory_space<vmem_shared>>
      %dma_start3A_234 = tpu.memref_slice %arg21[%add3A_63] : memref<71680xf32, #tpu.memory_space<vmem_shared>> -> memref<1120xf32, #tpu.memory_space<vmem_shared>>
      %dma_start3A_235 = arith.constant 8960 : i32
      %dma_start3A_236 = tpu.memref_slice %arg13[%dma_start3A_235] : memref<17920xf32, #tpu.memory_space<vmem>> -> memref<1120xf32, #tpu.memory_space<vmem>>
      tpu.enqueue_dma source(%dma_start3A_236 : memref<1120xf32, #tpu.memory_space<vmem>>) target(%dma_start3A_234 : memref<1120xf32, #tpu.memory_space<vmem_shared>>) target_semaphore(%run_scoped3A : memref<!tpu.dma_semaphore, #tpu.memory_space<semaphore_mem>>)
      %dma_wait3A = arith.constant 8960 : i32
      %dma_wait3A_237 = tpu.memref_slice %arg13[%dma_wait3A] : memref<17920xf32, #tpu.memory_space<vmem>> -> memref<1120xf32, #tpu.memory_space<vmem>>
      %dma_wait3A_238 = tpu.memref_slice %arg21[%add3A_63] : memref<71680xf32, #tpu.memory_space<vmem_shared>> -> memref<1120xf32, #tpu.memory_space<vmem_shared>>
      %dma_wait3A_239 = tpu.memref_slice %arg21[%add3A_63] : memref<71680xf32, #tpu.memory_space<vmem_shared>> -> memref<1120xf32, #tpu.memory_space<vmem_shared>>
      %dma_wait3A_240 = arith.constant 8960 : i32
      %dma_wait3A_241 = tpu.memref_slice %arg13[%dma_wait3A_240] : memref<17920xf32, #tpu.memory_space<vmem>> -> memref<1120xf32, #tpu.memory_space<vmem>>
      tpu.wait_dma2 semaphore(%run_scoped3A : memref<!tpu.dma_semaphore, #tpu.memory_space<semaphore_mem>>) src(%dma_wait3A_241 : memref<1120xf32, #tpu.memory_space<vmem>>) dst(%dma_wait3A_239 : memref<1120xf32, #tpu.memory_space<vmem_shared>>)
      tpu.yield
    }) : () -> ()
    %mul3A_64 = arith.constant 2 : i32
    %mul3A_65 = arith.muli %arg0, %mul3A_64 : i32
    %add3A_66 = arith.constant 1 : i32
    %add3A_67 = arith.addi %mul3A_65, %add3A_66 : i32
    %mul3A_68 = arith.constant 3200 : i32
    %mul3A_69 = arith.muli %add3A_67, %mul3A_68 : i32
    "tpu.region"() ({
      %run_scoped3A = tpu.sem_alloc : memref<!tpu.dma_semaphore, #tpu.memory_space<semaphore_mem>>
      %dma_start3A = tpu.memref_slice %arg3[%mul3A_69] : memref<12800xf32, #tpu.memory_space<hbm>> -> memref<3200xf32, #tpu.memory_space<hbm>>
      %dma_start3A_232 = tpu.memref_slice %arg3[%mul3A_69] : memref<12800xf32, #tpu.memory_space<hbm>> -> memref<3200xf32, #tpu.memory_space<hbm>>
      tpu.enqueue_dma source(%dma_start3A_232 : memref<3200xf32, #tpu.memory_space<hbm>>) target(%arg11 : memref<3200xf32, #tpu.memory_space<vmem>>) target_semaphore(%run_scoped3A : memref<!tpu.dma_semaphore, #tpu.memory_space<semaphore_mem>>)
      %dma_wait3A = tpu.memref_slice %arg3[%mul3A_69] : memref<12800xf32, #tpu.memory_space<hbm>> -> memref<3200xf32, #tpu.memory_space<hbm>>
      %dma_wait3A_233 = tpu.memref_slice %arg3[%mul3A_69] : memref<12800xf32, #tpu.memory_space<hbm>> -> memref<3200xf32, #tpu.memory_space<hbm>>
      tpu.wait_dma2 semaphore(%run_scoped3A : memref<!tpu.dma_semaphore, #tpu.memory_space<semaphore_mem>>) src(%dma_wait3A_233 : memref<3200xf32, #tpu.memory_space<hbm>>) dst(%arg11 : memref<3200xf32, #tpu.memory_space<vmem>>)
      tpu.yield
    }) : () -> ()
    %scan3A_70 = arith.constant 0 : i32
    %scan3A_71 = arith.constant 0 : i32
    %scan3A_72 = arith.constant 70 : i32
    %scan3A_73 = arith.addi %scan3A_71, %scan3A_72 : i32
    %scan3A_74 = arith.constant 1 : i32
    %scan3A_75 = scf.for %scan3A_232 = %scan3A_71 to %scan3A_73 step %scan3A_74 iter_args(%scan3A_233 = %scan3A_70) -> (i32)  : i32 {
      %broadcast_in_dim3A = arith.constant -1.000000e+00 : f32
      %broadcast_in_dim3A_234 = vector.broadcast %broadcast_in_dim3A : f32 to vector<16xf32>
      %mul3A_235 = arith.constant 16 : i32
      %mul3A_236 = arith.muli %scan3A_232, %mul3A_235 : i32
      %add3A_237 = arith.constant 0 : i32
      %add3A_238 = arith.addi %add3A_237, %mul3A_236 : i32
      %swap3A = arith.index_cast %add3A_238 : i32 to index
      %swap3A_239 = tpu.vector_load %arg13[%swap3A] {strides = array<i32>} : memref<17920xf32, #tpu.memory_space<vmem>>, vector<16xf32>,
      tpu.vector_store %arg13[%swap3A], %broadcast_in_dim3A_234 {strides = array<i32>} : memref<17920xf32, #tpu.memory_space<vmem>>, vector<16xf32>,
      %broadcast_in_dim3A_240 = arith.constant 0.000000e+00 : f32
      %broadcast_in_dim3A_241 = vector.broadcast %broadcast_in_dim3A_240 : f32 to vector<16xf32>
      %mul3A_242 = arith.constant 16 : i32
      %mul3A_243 = arith.muli %scan3A_232, %mul3A_242 : i32
      %add3A_244 = arith.constant 1120 : i32
      %add3A_245 = arith.addi %add3A_244, %mul3A_243 : i32
      %swap3A_246 = arith.index_cast %add3A_245 : i32 to index
      %swap3A_247 = tpu.vector_load %arg13[%swap3A_246] {strides = array<i32>} : memref<17920xf32, #tpu.memory_space<vmem>>, vector<16xf32>,
      tpu.vector_store %arg13[%swap3A_246], %broadcast_in_dim3A_241 {strides = array<i32>} : memref<17920xf32, #tpu.memory_space<vmem>>, vector<16xf32>,
      %scan3A_248 = arith.constant 0 : i32
      scf.yield %scan3A_248 : i32
    }
    %scan3A_76 = arith.constant 70 : i32
    %scan3A_77 = arith.constant 0 : i32
    %scan3A_78 = arith.constant 0 : i32
    %scan3A_79 = arith.constant 20 : i32
    %scan3A_80 = arith.addi %scan3A_78, %scan3A_79 : i32
    %scan3A_81 = arith.constant 1 : i32
    %scan3A_82 = scf.for %scan3A_232 = %scan3A_78 to %scan3A_80 step %scan3A_81 iter_args(%scan3A_233 = %scan3A_77) -> (i32)  : i32 {
      %mul3A_234 = arith.constant 10 : i32
      %mul3A_235 = arith.muli %scan3A_232, %mul3A_234 : i32
      %add3A_236 = arith.constant 0 : i32
      %add3A_237 = arith.addi %mul3A_235, %add3A_236 : i32
      %mul3A_238 = arith.constant 16 : i32
      %mul3A_239 = arith.muli %add3A_237, %mul3A_238 : i32
      %get3A_240 = arith.index_cast %mul3A_239 : i32 to index
      %get3A_241 = tpu.vector_load %arg11[%get3A_240] {strides = array<i32>} : memref<3200xf32, #tpu.memory_space<vmem>>, vector<16xf32>,
      %mul3A_242 = arith.constant 10 : i32
      %mul3A_243 = arith.muli %scan3A_232, %mul3A_242 : i32
      %add3A_244 = arith.constant 1 : i32
      %add3A_245 = arith.addi %mul3A_243, %add3A_244 : i32
      %mul3A_246 = arith.constant 16 : i32
      %mul3A_247 = arith.muli %add3A_245, %mul3A_246 : i32
      %get3A_248 = arith.index_cast %mul3A_247 : i32 to index
      %get3A_249 = tpu.vector_load %arg11[%get3A_248] {strides = array<i32>} : memref<3200xf32, #tpu.memory_space<vmem>>, vector<16xf32>,
      %mul3A_250 = arith.constant 10 : i32
      %mul3A_251 = arith.muli %scan3A_232, %mul3A_250 : i32
      %add3A_252 = arith.constant 2 : i32
      %add3A_253 = arith.addi %mul3A_251, %add3A_252 : i32
      %mul3A_254 = arith.constant 16 : i32
      %mul3A_255 = arith.muli %add3A_253, %mul3A_254 : i32
      %get3A_256 = arith.index_cast %mul3A_255 : i32 to index
      %get3A_257 = tpu.vector_load %arg11[%get3A_256] {strides = array<i32>} : memref<3200xf32, #tpu.memory_space<vmem>>, vector<16xf32>,
      %mul3A_258 = arith.constant 10 : i32
      %mul3A_259 = arith.muli %scan3A_232, %mul3A_258 : i32
      %add3A_260 = arith.constant 3 : i32
      %add3A_261 = arith.addi %mul3A_259, %add3A_260 : i32
      %mul3A_262 = arith.constant 16 : i32
      %mul3A_263 = arith.muli %add3A_261, %mul3A_262 : i32
      %get3A_264 = arith.index_cast %mul3A_263 : i32 to index
      %get3A_265 = tpu.vector_load %arg11[%get3A_264] {strides = array<i32>} : memref<3200xf32, #tpu.memory_space<vmem>>, vector<16xf32>,
      %mul3A_266 = arith.constant 10 : i32
      %mul3A_267 = arith.muli %scan3A_232, %mul3A_266 : i32
      %add3A_268 = arith.constant 4 : i32
      %add3A_269 = arith.addi %mul3A_267, %add3A_268 : i32
      %mul3A_270 = arith.constant 16 : i32
      %mul3A_271 = arith.muli %add3A_269, %mul3A_270 : i32
      %get3A_272 = arith.index_cast %mul3A_271 : i32 to index
      %get3A_273 = tpu.vector_load %arg11[%get3A_272] {strides = array<i32>} : memref<3200xf32, #tpu.memory_space<vmem>>, vector<16xf32>,
      %mul3A_274 = arith.constant 10 : i32
      %mul3A_275 = arith.muli %scan3A_232, %mul3A_274 : i32
      %add3A_276 = arith.constant 5 : i32
      %add3A_277 = arith.addi %mul3A_275, %add3A_276 : i32
      %mul3A_278 = arith.constant 16 : i32
      %mul3A_279 = arith.muli %add3A_277, %mul3A_278 : i32
      %get3A_280 = arith.index_cast %mul3A_279 : i32 to index
      %get3A_281 = tpu.vector_load %arg11[%get3A_280] {strides = array<i32>} : memref<3200xf32, #tpu.memory_space<vmem>>, vector<16xf32>,
      %mul3A_282 = arith.constant 10 : i32
      %mul3A_283 = arith.muli %scan3A_232, %mul3A_282 : i32
      %add3A_284 = arith.constant 6 : i32
      %add3A_285 = arith.addi %mul3A_283, %add3A_284 : i32
      %mul3A_286 = arith.constant 16 : i32
      %mul3A_287 = arith.muli %add3A_285, %mul3A_286 : i32
      %get3A_288 = arith.index_cast %mul3A_287 : i32 to index
      %get3A_289 = tpu.vector_load %arg11[%get3A_288] {strides = array<i32>} : memref<3200xf32, #tpu.memory_space<vmem>>, vector<16xf32>,
      %mul3A_290 = arith.constant 10 : i32
      %mul3A_291 = arith.muli %scan3A_232, %mul3A_290 : i32
      %add3A_292 = arith.constant 7 : i32
      %add3A_293 = arith.addi %mul3A_291, %add3A_292 : i32
      %mul3A_294 = arith.constant 16 : i32
      %mul3A_295 = arith.muli %add3A_293, %mul3A_294 : i32
      %get3A_296 = arith.index_cast %mul3A_295 : i32 to index
      %get3A_297 = tpu.vector_load %arg11[%get3A_296] {strides = array<i32>} : memref<3200xf32, #tpu.memory_space<vmem>>, vector<16xf32>,
      %mul3A_298 = arith.constant 10 : i32
      %mul3A_299 = arith.muli %scan3A_232, %mul3A_298 : i32
      %add3A_300 = arith.constant 8 : i32
      %add3A_301 = arith.addi %mul3A_299, %add3A_300 : i32
      %mul3A_302 = arith.constant 16 : i32
      %mul3A_303 = arith.muli %add3A_301, %mul3A_302 : i32
      %get3A_304 = arith.index_cast %mul3A_303 : i32 to index
      %get3A_305 = tpu.vector_load %arg11[%get3A_304] {strides = array<i32>} : memref<3200xf32, #tpu.memory_space<vmem>>, vector<16xf32>,
      %mul3A_306 = arith.constant 10 : i32
      %mul3A_307 = arith.muli %scan3A_232, %mul3A_306 : i32
      %add3A_308 = arith.constant 9 : i32
      %add3A_309 = arith.addi %mul3A_307, %add3A_308 : i32
      %mul3A_310 = arith.constant 16 : i32
      %mul3A_311 = arith.muli %add3A_309, %mul3A_310 : i32
      %get3A_312 = arith.index_cast %mul3A_311 : i32 to index
      %get3A_313 = tpu.vector_load %arg11[%get3A_312] {strides = array<i32>} : memref<3200xf32, #tpu.memory_space<vmem>>, vector<16xf32>,
      %broadcast_in_dim3A = arith.constant -1.000000e+00 : f32
      %broadcast_in_dim3A_314 = vector.broadcast %broadcast_in_dim3A : f32 to vector<16xf32>
      %scan3A_315 = arith.constant 0 : i32
      %scan3A_316 = arith.constant 35 : i32
      %scan3A_317 = arith.addi %scan3A_315, %scan3A_316 : i32
      %scan3A_318 = arith.constant 1 : i32
      %scan3A_319 = scf.for %scan3A_325 = %scan3A_315 to %scan3A_317 step %scan3A_318 iter_args(%scan3A_326 = %broadcast_in_dim3A_314) -> (vector<16xf32>)  : i32 {
        %mul3A_327 = arith.constant 32 : i32
        %mul3A_328 = arith.muli %scan3A_325, %mul3A_327 : i32
        %add3A_329 = arith.constant 0 : i32
        %add3A_330 = arith.addi %mul3A_328, %add3A_329 : i32
        %add3A_331 = arith.constant 2240 : i32
        %add3A_332 = arith.addi %add3A_331, %add3A_330 : i32
        %get3A_333 = arith.index_cast %add3A_332 : i32 to index
        %get3A_334 = tpu.vector_load %arg10[%get3A_333] {strides = array<i32>} : memref<13440xf32, #tpu.memory_space<vmem>>, vector<16xf32>,
        %min3A = arith.minimumf %get3A_334, %get3A_257 : vector<16xf32>
        %add3A_335 = arith.constant 0 : i32
        %add3A_336 = arith.addi %add3A_335, %add3A_330 : i32
        %get3A_337 = arith.index_cast %add3A_336 : i32 to index
        %get3A_338 = tpu.vector_load %arg10[%get3A_337] {strides = array<i32>} : memref<13440xf32, #tpu.memory_space<vmem>>, vector<16xf32>,
        %max3A = arith.maximumf %get3A_338, %get3A_241 : vector<16xf32>
        %sub3A = arith.subf %min3A, %max3A : vector<16xf32>
        %add3A_339 = arith.constant 1.000000e+00 : f32
        %add3A_340 = vector.broadcast %add3A_339 : f32 to vector<16xf32>
        %add3A_341 = arith.addf %sub3A, %add3A_340 : vector<16xf32>
        %add3A_342 = arith.constant 3360 : i32
        %add3A_343 = arith.addi %add3A_342, %add3A_330 : i32
        %get3A_344 = arith.index_cast %add3A_343 : i32 to index
        %get3A_345 = tpu.vector_load %arg10[%get3A_344] {strides = array<i32>} : memref<13440xf32, #tpu.memory_space<vmem>>, vector<16xf32>,
        %min3A_346 = arith.minimumf %get3A_345, %get3A_265 : vector<16xf32>
        %add3A_347 = arith.constant 1120 : i32
        %add3A_348 = arith.addi %add3A_347, %add3A_330 : i32
        %get3A_349 = arith.index_cast %add3A_348 : i32 to index
        %get3A_350 = tpu.vector_load %arg10[%get3A_349] {strides = array<i32>} : memref<13440xf32, #tpu.memory_space<vmem>>, vector<16xf32>,
        %max3A_351 = arith.maximumf %get3A_350, %get3A_249 : vector<16xf32>
        %sub3A_352 = arith.subf %min3A_346, %max3A_351 : vector<16xf32>
        %add3A_353 = arith.constant 1.000000e+00 : f32
        %add3A_354 = vector.broadcast %add3A_353 : f32 to vector<16xf32>
        %add3A_355 = arith.addf %sub3A_352, %add3A_354 : vector<16xf32>
        %max3A_356 = arith.constant 0.000000e+00 : f32
        %max3A_357 = vector.broadcast %max3A_356 : f32 to vector<16xf32>
        %max3A_358 = arith.maximumf %add3A_341, %max3A_357 : vector<16xf32>
        %max3A_359 = arith.constant 0.000000e+00 : f32
        %max3A_360 = vector.broadcast %max3A_359 : f32 to vector<16xf32>
        %max3A_361 = arith.maximumf %add3A_355, %max3A_360 : vector<16xf32>
        %mul3A_362 = arith.mulf %max3A_358, %max3A_361 : vector<16xf32>
        %add3A_363 = arith.constant 4480 : i32
        %add3A_364 = arith.addi %add3A_363, %add3A_330 : i32
        %get3A_365 = arith.index_cast %add3A_364 : i32 to index
        %get3A_366 = tpu.vector_load %arg10[%get3A_365] {strides = array<i32>} : memref<13440xf32, #tpu.memory_space<vmem>>, vector<16xf32>,
        %add3A_367 = arith.addf %get3A_366, %get3A_273 : vector<16xf32>
        %sub3A_368 = arith.subf %add3A_367, %mul3A_362 : vector<16xf32>
        %div3A = arith.divf %mul3A_362, %sub3A_368 : vector<16xf32>
        %mul3A_369 = arith.mulf %div3A, %get3A_313 : vector<16xf32>
        %mul3A_370 = arith.constant 1120 : i32
        %mul3A_371 = arith.muli %scan3A_232, %mul3A_370 : i32
        %add3A_372 = arith.addi %mul3A_371, %add3A_330 : i32
        %swap3A_373 = arith.index_cast %add3A_372 : i32 to index
        %swap3A_374 = tpu.vector_load %arg12[%swap3A_373] {strides = array<i32>} : memref<22400xf32, #tpu.memory_space<vmem>>, vector<16xf32>,
        tpu.vector_store %arg12[%swap3A_373], %mul3A_369 {strides = array<i32>} : memref<22400xf32, #tpu.memory_space<vmem>>, vector<16xf32>,
        %add3A_375 = arith.constant 0 : i32
        %add3A_376 = arith.addi %add3A_375, %add3A_330 : i32
        %get3A_377 = arith.index_cast %add3A_376 : i32 to index
        %get3A_378 = tpu.vector_load %arg13[%get3A_377] {strides = array<i32>} : memref<17920xf32, #tpu.memory_space<vmem>>, vector<16xf32>,
        %gt3A = arith.cmpf ogt, %mul3A_369, %get3A_378 : vector<16xf32>
        %add3A_379 = arith.constant 10080 : i32
        %add3A_380 = arith.addi %add3A_379, %add3A_330 : i32
        %get3A_381 = arith.index_cast %add3A_380 : i32 to index
        %get3A_382 = tpu.vector_load %arg13[%get3A_381] {strides = array<i32>} : memref<17920xf32, #tpu.memory_space<vmem>>, vector<16xf32>,
        %select_n3A = arith.select %gt3A, %get3A_281, %get3A_382 : vector<16xi1>, vector<16xf32>
        %add3A_383 = arith.constant 10080 : i32
        %add3A_384 = arith.addi %add3A_383, %add3A_330 : i32
        %swap3A_385 = arith.index_cast %add3A_384 : i32 to index
        %swap3A_386 = tpu.vector_load %arg13[%swap3A_385] {strides = array<i32>} : memref<17920xf32, #tpu.memory_space<vmem>>, vector<16xf32>,
        tpu.vector_store %arg13[%swap3A_385], %select_n3A {strides = array<i32>} : memref<17920xf32, #tpu.memory_space<vmem>>, vector<16xf32>,
        %add3A_387 = arith.constant 11200 : i32
        %add3A_388 = arith.addi %add3A_387, %add3A_330 : i32
        %get3A_389 = arith.index_cast %add3A_388 : i32 to index
        %get3A_390 = tpu.vector_load %arg13[%get3A_389] {strides = array<i32>} : memref<17920xf32, #tpu.memory_space<vmem>>, vector<16xf32>,
        %select_n3A_391 = arith.select %gt3A, %get3A_289, %get3A_390 : vector<16xi1>, vector<16xf32>
        %add3A_392 = arith.constant 11200 : i32
        %add3A_393 = arith.addi %add3A_392, %add3A_330 : i32
        %swap3A_394 = arith.index_cast %add3A_393 : i32 to index
        %swap3A_395 = tpu.vector_load %arg13[%swap3A_394] {strides = array<i32>} : memref<17920xf32, #tpu.memory_space<vmem>>, vector<16xf32>,
        tpu.vector_store %arg13[%swap3A_394], %select_n3A_391 {strides = array<i32>} : memref<17920xf32, #tpu.memory_space<vmem>>, vector<16xf32>,
        %add3A_396 = arith.constant 12320 : i32
        %add3A_397 = arith.addi %add3A_396, %add3A_330 : i32
        %get3A_398 = arith.index_cast %add3A_397 : i32 to index
        %get3A_399 = tpu.vector_load %arg13[%get3A_398] {strides = array<i32>} : memref<17920xf32, #tpu.memory_space<vmem>>, vector<16xf32>,
        %select_n3A_400 = arith.select %gt3A, %get3A_297, %get3A_399 : vector<16xi1>, vector<16xf32>
        %add3A_401 = arith.constant 12320 : i32
        %add3A_402 = arith.addi %add3A_401, %add3A_330 : i32
        %swap3A_403 = arith.index_cast %add3A_402 : i32 to index
        %swap3A_404 = tpu.vector_load %arg13[%swap3A_403] {strides = array<i32>} : memref<17920xf32, #tpu.memory_space<vmem>>, vector<16xf32>,
        tpu.vector_store %arg13[%swap3A_403], %select_n3A_400 {strides = array<i32>} : memref<17920xf32, #tpu.memory_space<vmem>>, vector<16xf32>,
        %add3A_405 = arith.constant 13440 : i32
        %add3A_406 = arith.addi %add3A_405, %add3A_330 : i32
        %get3A_407 = arith.index_cast %add3A_406 : i32 to index
        %get3A_408 = tpu.vector_load %arg13[%get3A_407] {strides = array<i32>} : memref<17920xf32, #tpu.memory_space<vmem>>, vector<16xf32>,
        %select_n3A_409 = arith.select %gt3A, %get3A_305, %get3A_408 : vector<16xi1>, vector<16xf32>
        %add3A_410 = arith.constant 13440 : i32
        %add3A_411 = arith.addi %add3A_410, %add3A_330 : i32
        %swap3A_412 = arith.index_cast %add3A_411 : i32 to index
        %swap3A_413 = tpu.vector_load %arg13[%swap3A_412] {strides = array<i32>} : memref<17920xf32, #tpu.memory_space<vmem>>, vector<16xf32>,
        tpu.vector_store %arg13[%swap3A_412], %select_n3A_409 {strides = array<i32>} : memref<17920xf32, #tpu.memory_space<vmem>>, vector<16xf32>,
        %max3A_414 = arith.maximumf %get3A_378, %mul3A_369 : vector<16xf32>
        %add3A_415 = arith.constant 0 : i32
        %add3A_416 = arith.addi %add3A_415, %add3A_330 : i32
        %swap3A_417 = arith.index_cast %add3A_416 : i32 to index
        %swap3A_418 = tpu.vector_load %arg13[%swap3A_417] {strides = array<i32>} : memref<17920xf32, #tpu.memory_space<vmem>>, vector<16xf32>,
        tpu.vector_store %arg13[%swap3A_417], %max3A_414 {strides = array<i32>} : memref<17920xf32, #tpu.memory_space<vmem>>, vector<16xf32>,
        %add3A_419 = arith.constant 12320 : i32
        %add3A_420 = arith.addi %add3A_419, %add3A_330 : i32
        %get3A_421 = arith.index_cast %add3A_420 : i32 to index
        %get3A_422 = tpu.vector_load %arg10[%get3A_421] {strides = array<i32>} : memref<13440xf32, #tpu.memory_space<vmem>>, vector<16xf32>,
        %mul3A_423 = arith.mulf %mul3A_369, %get3A_422 : vector<16xf32>
        %max3A_424 = arith.maximumf %scan3A_326, %mul3A_423 : vector<16xf32>
        %mul3A_425 = arith.constant 32 : i32
        %mul3A_426 = arith.muli %scan3A_325, %mul3A_425 : i32
        %add3A_427 = arith.constant 16 : i32
        %add3A_428 = arith.addi %mul3A_426, %add3A_427 : i32
        %add3A_429 = arith.constant 2240 : i32
        %add3A_430 = arith.addi %add3A_429, %add3A_428 : i32
        %get3A_431 = arith.index_cast %add3A_430 : i32 to index
        %get3A_432 = tpu.vector_load %arg10[%get3A_431] {strides = array<i32>} : memref<13440xf32, #tpu.memory_space<vmem>>, vector<16xf32>,
        %min3A_433 = arith.minimumf %get3A_432, %get3A_257 : vector<16xf32>
        %add3A_434 = arith.constant 0 : i32
        %add3A_435 = arith.addi %add3A_434, %add3A_428 : i32
        %get3A_436 = arith.index_cast %add3A_435 : i32 to index
        %get3A_437 = tpu.vector_load %arg10[%get3A_436] {strides = array<i32>} : memref<13440xf32, #tpu.memory_space<vmem>>, vector<16xf32>,
        %max3A_438 = arith.maximumf %get3A_437, %get3A_241 : vector<16xf32>
        %sub3A_439 = arith.subf %min3A_433, %max3A_438 : vector<16xf32>
        %add3A_440 = arith.constant 1.000000e+00 : f32
        %add3A_441 = vector.broadcast %add3A_440 : f32 to vector<16xf32>
        %add3A_442 = arith.addf %sub3A_439, %add3A_441 : vector<16xf32>
        %add3A_443 = arith.constant 3360 : i32
        %add3A_444 = arith.addi %add3A_443, %add3A_428 : i32
        %get3A_445 = arith.index_cast %add3A_444 : i32 to index
        %get3A_446 = tpu.vector_load %arg10[%get3A_445] {strides = array<i32>} : memref<13440xf32, #tpu.memory_space<vmem>>, vector<16xf32>,
        %min3A_447 = arith.minimumf %get3A_446, %get3A_265 : vector<16xf32>
        %add3A_448 = arith.constant 1120 : i32
        %add3A_449 = arith.addi %add3A_448, %add3A_428 : i32
        %get3A_450 = arith.index_cast %add3A_449 : i32 to index
        %get3A_451 = tpu.vector_load %arg10[%get3A_450] {strides = array<i32>} : memref<13440xf32, #tpu.memory_space<vmem>>, vector<16xf32>,
        %max3A_452 = arith.maximumf %get3A_451, %get3A_249 : vector<16xf32>
        %sub3A_453 = arith.subf %min3A_447, %max3A_452 : vector<16xf32>
        %add3A_454 = arith.constant 1.000000e+00 : f32
        %add3A_455 = vector.broadcast %add3A_454 : f32 to vector<16xf32>
        %add3A_456 = arith.addf %sub3A_453, %add3A_455 : vector<16xf32>
        %max3A_457 = arith.constant 0.000000e+00 : f32
        %max3A_458 = vector.broadcast %max3A_457 : f32 to vector<16xf32>
        %max3A_459 = arith.maximumf %add3A_442, %max3A_458 : vector<16xf32>
        %max3A_460 = arith.constant 0.000000e+00 : f32
        %max3A_461 = vector.broadcast %max3A_460 : f32 to vector<16xf32>
        %max3A_462 = arith.maximumf %add3A_456, %max3A_461 : vector<16xf32>
        %mul3A_463 = arith.mulf %max3A_459, %max3A_462 : vector<16xf32>
        %add3A_464 = arith.constant 4480 : i32
        %add3A_465 = arith.addi %add3A_464, %add3A_428 : i32
        %get3A_466 = arith.index_cast %add3A_465 : i32 to index
        %get3A_467 = tpu.vector_load %arg10[%get3A_466] {strides = array<i32>} : memref<13440xf32, #tpu.memory_space<vmem>>, vector<16xf32>,
        %add3A_468 = arith.addf %get3A_467, %get3A_273 : vector<16xf32>
        %sub3A_469 = arith.subf %add3A_468, %mul3A_463 : vector<16xf32>
        %div3A_470 = arith.divf %mul3A_463, %sub3A_469 : vector<16xf32>
        %mul3A_471 = arith.mulf %div3A_470, %get3A_313 : vector<16xf32>
        %mul3A_472 = arith.constant 1120 : i32
        %mul3A_473 = arith.muli %scan3A_232, %mul3A_472 : i32
        %add3A_474 = arith.addi %mul3A_473, %add3A_428 : i32
        %swap3A_475 = arith.index_cast %add3A_474 : i32 to index
        %swap3A_476 = tpu.vector_load %arg12[%swap3A_475] {strides = array<i32>} : memref<22400xf32, #tpu.memory_space<vmem>>, vector<16xf32>,
        tpu.vector_store %arg12[%swap3A_475], %mul3A_471 {strides = array<i32>} : memref<22400xf32, #tpu.memory_space<vmem>>, vector<16xf32>,
        %add3A_477 = arith.constant 0 : i32
        %add3A_478 = arith.addi %add3A_477, %add3A_428 : i32
        %get3A_479 = arith.index_cast %add3A_478 : i32 to index
        %get3A_480 = tpu.vector_load %arg13[%get3A_479] {strides = array<i32>} : memref<17920xf32, #tpu.memory_space<vmem>>, vector<16xf32>,
        %gt3A_481 = arith.cmpf ogt, %mul3A_471, %get3A_480 : vector<16xf32>
        %add3A_482 = arith.constant 10080 : i32
        %add3A_483 = arith.addi %add3A_482, %add3A_428 : i32
        %get3A_484 = arith.index_cast %add3A_483 : i32 to index
        %get3A_485 = tpu.vector_load %arg13[%get3A_484] {strides = array<i32>} : memref<17920xf32, #tpu.memory_space<vmem>>, vector<16xf32>,
        %select_n3A_486 = arith.select %gt3A_481, %get3A_281, %get3A_485 : vector<16xi1>, vector<16xf32>
        %add3A_487 = arith.constant 10080 : i32
        %add3A_488 = arith.addi %add3A_487, %add3A_428 : i32
        %swap3A_489 = arith.index_cast %add3A_488 : i32 to index
        %swap3A_490 = tpu.vector_load %arg13[%swap3A_489] {strides = array<i32>} : memref<17920xf32, #tpu.memory_space<vmem>>, vector<16xf32>,
        tpu.vector_store %arg13[%swap3A_489], %select_n3A_486 {strides = array<i32>} : memref<17920xf32, #tpu.memory_space<vmem>>, vector<16xf32>,
        %add3A_491 = arith.constant 11200 : i32
        %add3A_492 = arith.addi %add3A_491, %add3A_428 : i32
        %get3A_493 = arith.index_cast %add3A_492 : i32 to index
        %get3A_494 = tpu.vector_load %arg13[%get3A_493] {strides = array<i32>} : memref<17920xf32, #tpu.memory_space<vmem>>, vector<16xf32>,
        %select_n3A_495 = arith.select %gt3A_481, %get3A_289, %get3A_494 : vector<16xi1>, vector<16xf32>
        %add3A_496 = arith.constant 11200 : i32
        %add3A_497 = arith.addi %add3A_496, %add3A_428 : i32
        %swap3A_498 = arith.index_cast %add3A_497 : i32 to index
        %swap3A_499 = tpu.vector_load %arg13[%swap3A_498] {strides = array<i32>} : memref<17920xf32, #tpu.memory_space<vmem>>, vector<16xf32>,
        tpu.vector_store %arg13[%swap3A_498], %select_n3A_495 {strides = array<i32>} : memref<17920xf32, #tpu.memory_space<vmem>>, vector<16xf32>,
        %add3A_500 = arith.constant 12320 : i32
        %add3A_501 = arith.addi %add3A_500, %add3A_428 : i32
        %get3A_502 = arith.index_cast %add3A_501 : i32 to index
        %get3A_503 = tpu.vector_load %arg13[%get3A_502] {strides = array<i32>} : memref<17920xf32, #tpu.memory_space<vmem>>, vector<16xf32>,
        %select_n3A_504 = arith.select %gt3A_481, %get3A_297, %get3A_503 : vector<16xi1>, vector<16xf32>
        %add3A_505 = arith.constant 12320 : i32
        %add3A_506 = arith.addi %add3A_505, %add3A_428 : i32
        %swap3A_507 = arith.index_cast %add3A_506 : i32 to index
        %swap3A_508 = tpu.vector_load %arg13[%swap3A_507] {strides = array<i32>} : memref<17920xf32, #tpu.memory_space<vmem>>, vector<16xf32>,
        tpu.vector_store %arg13[%swap3A_507], %select_n3A_504 {strides = array<i32>} : memref<17920xf32, #tpu.memory_space<vmem>>, vector<16xf32>,
        %add3A_509 = arith.constant 13440 : i32
        %add3A_510 = arith.addi %add3A_509, %add3A_428 : i32
        %get3A_511 = arith.index_cast %add3A_510 : i32 to index
        %get3A_512 = tpu.vector_load %arg13[%get3A_511] {strides = array<i32>} : memref<17920xf32, #tpu.memory_space<vmem>>, vector<16xf32>,
        %select_n3A_513 = arith.select %gt3A_481, %get3A_305, %get3A_512 : vector<16xi1>, vector<16xf32>
        %add3A_514 = arith.constant 13440 : i32
        %add3A_515 = arith.addi %add3A_514, %add3A_428 : i32
        %swap3A_516 = arith.index_cast %add3A_515 : i32 to index
        %swap3A_517 = tpu.vector_load %arg13[%swap3A_516] {strides = array<i32>} : memref<17920xf32, #tpu.memory_space<vmem>>, vector<16xf32>,
        tpu.vector_store %arg13[%swap3A_516], %select_n3A_513 {strides = array<i32>} : memref<17920xf32, #tpu.memory_space<vmem>>, vector<16xf32>,
        %max3A_518 = arith.maximumf %get3A_480, %mul3A_471 : vector<16xf32>
        %add3A_519 = arith.constant 0 : i32
        %add3A_520 = arith.addi %add3A_519, %add3A_428 : i32
        %swap3A_521 = arith.index_cast %add3A_520 : i32 to index
        %swap3A_522 = tpu.vector_load %arg13[%swap3A_521] {strides = array<i32>} : memref<17920xf32, #tpu.memory_space<vmem>>, vector<16xf32>,
        tpu.vector_store %arg13[%swap3A_521], %max3A_518 {strides = array<i32>} : memref<17920xf32, #tpu.memory_space<vmem>>, vector<16xf32>,
        %add3A_523 = arith.constant 12320 : i32
        %add3A_524 = arith.addi %add3A_523, %add3A_428 : i32
        %get3A_525 = arith.index_cast %add3A_524 : i32 to index
        %get3A_526 = tpu.vector_load %arg10[%get3A_525] {strides = array<i32>} : memref<13440xf32, #tpu.memory_space<vmem>>, vector<16xf32>,
        %mul3A_527 = arith.mulf %mul3A_471, %get3A_526 : vector<16xf32>
        %max3A_528 = arith.maximumf %max3A_424, %mul3A_527 : vector<16xf32>
        scf.yield %max3A_528 : vector<16xf32>
      }
      %scan3A_320 = arith.constant 35 : i32
      %mul3A_321 = arith.constant 16 : i32
      %mul3A_322 = arith.muli %scan3A_232, %mul3A_321 : i32
      %swap3A = arith.index_cast %mul3A_322 : i32 to index
      %swap3A_323 = tpu.vector_load %arg14[%swap3A] {strides = array<i32>} : memref<320xf32, #tpu.memory_space<vmem>>, vector<16xf32>,
      tpu.vector_store %arg14[%swap3A], %scan3A_319 {strides = array<i32>} : memref<320xf32, #tpu.memory_space<vmem>>, vector<16xf32>,
      %scan3A_324 = arith.constant 0 : i32
      scf.yield %scan3A_324 : i32
    }
    %scan3A_83 = arith.constant 20 : i32
    %mul3A_84 = arith.constant 320 : i32
    %mul3A_85 = arith.muli %arg1, %mul3A_84 : i32
    "tpu.region"() ({
      %run_scoped3A = tpu.sem_alloc : memref<!tpu.dma_semaphore, #tpu.memory_space<semaphore_mem>>
      %dma_start3A = tpu.memref_slice %arg20[%mul3A_85] : memref<5120xf32, #tpu.memory_space<vmem_shared>> -> memref<320xf32, #tpu.memory_space<vmem_shared>>
      %dma_start3A_232 = tpu.memref_slice %arg20[%mul3A_85] : memref<5120xf32, #tpu.memory_space<vmem_shared>> -> memref<320xf32, #tpu.memory_space<vmem_shared>>
      tpu.enqueue_dma source(%arg14 : memref<320xf32, #tpu.memory_space<vmem>>) target(%dma_start3A_232 : memref<320xf32, #tpu.memory_space<vmem_shared>>) target_semaphore(%run_scoped3A : memref<!tpu.dma_semaphore, #tpu.memory_space<semaphore_mem>>)
      %dma_wait3A = tpu.memref_slice %arg20[%mul3A_85] : memref<5120xf32, #tpu.memory_space<vmem_shared>> -> memref<320xf32, #tpu.memory_space<vmem_shared>>
      %dma_wait3A_233 = tpu.memref_slice %arg20[%mul3A_85] : memref<5120xf32, #tpu.memory_space<vmem_shared>> -> memref<320xf32, #tpu.memory_space<vmem_shared>>
      tpu.wait_dma2 semaphore(%run_scoped3A : memref<!tpu.dma_semaphore, #tpu.memory_space<semaphore_mem>>) src(%arg14 : memref<320xf32, #tpu.memory_space<vmem>>) dst(%dma_wait3A_233 : memref<320xf32, #tpu.memory_space<vmem_shared>>)
      tpu.yield
    }) : () -> ()
    %barrier3A_86 = arith.constant 0 : index
    tpu.barrier barrier_id(%barrier3A_86)
    "tpu.region"() ({
      %run_scoped3A = tpu.sem_alloc : memref<!tpu.dma_semaphore, #tpu.memory_space<semaphore_mem>>
      tpu.enqueue_dma source(%arg20 : memref<5120xf32, #tpu.memory_space<vmem_shared>>) target(%arg15 : memref<5120xf32, #tpu.memory_space<vmem>>) target_semaphore(%run_scoped3A : memref<!tpu.dma_semaphore, #tpu.memory_space<semaphore_mem>>)
      tpu.wait_dma2 semaphore(%run_scoped3A : memref<!tpu.dma_semaphore, #tpu.memory_space<semaphore_mem>>) src(%arg20 : memref<5120xf32, #tpu.memory_space<vmem_shared>>) dst(%arg15 : memref<5120xf32, #tpu.memory_space<vmem>>)
      tpu.yield
    }) : () -> ()
    %barrier3A_87 = arith.constant 0 : index
    tpu.barrier barrier_id(%barrier3A_87)
    %scan3A_88 = arith.constant 0 : i32
    %scan3A_89 = arith.constant 0 : i32
    %scan3A_90 = arith.constant 20 : i32
    %scan3A_91 = arith.addi %scan3A_89, %scan3A_90 : i32
    %scan3A_92 = arith.constant 1 : i32
    %scan3A_93 = scf.for %scan3A_232 = %scan3A_89 to %scan3A_91 step %scan3A_92 iter_args(%scan3A_233 = %scan3A_88) -> (i32)  : i32 {
      %mul3A_234 = arith.constant 16 : i32
      %mul3A_235 = arith.muli %scan3A_232, %mul3A_234 : i32
      %get3A_236 = arith.index_cast %mul3A_235 : i32 to index
      %get3A_237 = tpu.vector_load %arg15[%get3A_236] {strides = array<i32>} : memref<5120xf32, #tpu.memory_space<vmem>>, vector<16xf32>,
      %scan3A_238 = arith.constant 1 : i32
      %scan3A_239 = arith.constant 15 : i32
      %scan3A_240 = arith.addi %scan3A_238, %scan3A_239 : i32
      %scan3A_241 = arith.constant 1 : i32
      %scan3A_242 = scf.for %scan3A_264 = %scan3A_238 to %scan3A_240 step %scan3A_241 iter_args(%scan3A_265 = %get3A_237) -> (vector<16xf32>)  : i32 {
        %mul3A_266 = arith.constant 20 : i32
        %mul3A_267 = arith.muli %scan3A_264, %mul3A_266 : i32
        %add3A_268 = arith.addi %mul3A_267, %scan3A_232 : i32
        %mul3A_269 = arith.constant 16 : i32
        %mul3A_270 = arith.muli %add3A_268, %mul3A_269 : i32
        %get3A_271 = arith.index_cast %mul3A_270 : i32 to index
        %get3A_272 = tpu.vector_load %arg15[%get3A_271] {strides = array<i32>} : memref<5120xf32, #tpu.memory_space<vmem>>, vector<16xf32>,
        %max3A = arith.maximumf %scan3A_265, %get3A_272 : vector<16xf32>
        scf.yield %max3A : vector<16xf32>
      }
      %scan3A_243 = arith.constant 15 : i32
      %broadcast_in_dim3A = arith.constant true
      %broadcast_in_dim3A_244 = vector.broadcast %broadcast_in_dim3A : i1 to vector<16xi1>
      %masked_cummax3A = tpu.scan <max>, %scan3A_242 masked %broadcast_in_dim3A_244 : vector<16xf32>, vector<16xi1> -> vector<16xf32>
      %rev3A = arith.constant 15 : i32
      %rev3A_245 = vector.broadcast %rev3A : i32 to vector<16xi32>
      %rev3A_246 = tpu.iota {dimensions = array<i32: 0>} : vector<16xi32>
      %rev3A_247 = arith.subi %rev3A_245, %rev3A_246 : vector<16xi32>
      %rev3A_248 = tpu.dynamic_gather %masked_cummax3A[%rev3A_247] in [0] : vector<16xf32>, vector<16xi32> -> vector<16xf32>
      %broadcast_in_dim3A_249 = arith.constant true
      %broadcast_in_dim3A_250 = vector.broadcast %broadcast_in_dim3A_249 : i1 to vector<16xi1>
      %masked_cummax3A_251 = tpu.scan <max>, %rev3A_248 masked %broadcast_in_dim3A_250 : vector<16xf32>, vector<16xi1> -> vector<16xf32>
      %eq3A_252 = arith.constant 0.000000e+00 : f32
      %eq3A_253 = vector.broadcast %eq3A_252 : f32 to vector<16xf32>
      %eq3A_254 = arith.cmpf oeq, %masked_cummax3A_251, %eq3A_253 : vector<16xf32>
      %jit3A = arith.constant 9.99999974E-6 : f32
      %broadcast_in_dim3A_255 = vector.broadcast %jit3A : f32 to vector<16xf32>
      %select_n3A = arith.select %eq3A_254, %broadcast_in_dim3A_255, %masked_cummax3A_251 : vector<16xi1>, vector<16xf32>
      %scan3A_256 = arith.constant 0 : i32
      %scan3A_257 = arith.constant 0 : i32
      %scan3A_258 = arith.constant 35 : i32
      %scan3A_259 = arith.addi %scan3A_257, %scan3A_258 : i32
      %scan3A_260 = arith.constant 1 : i32
      %scan3A_261 = scf.for %scan3A_264 = %scan3A_257 to %scan3A_259 step %scan3A_260 iter_args(%scan3A_265 = %scan3A_256) -> (i32)  : i32 {
        %mul3A_266 = arith.constant 32 : i32
        %mul3A_267 = arith.muli %scan3A_264, %mul3A_266 : i32
        %add3A_268 = arith.constant 0 : i32
        %add3A_269 = arith.addi %mul3A_267, %add3A_268 : i32
        %add3A_270 = arith.constant 1120 : i32
        %add3A_271 = arith.addi %add3A_270, %add3A_269 : i32
        %get3A_272 = arith.index_cast %add3A_271 : i32 to index
        %get3A_273 = tpu.vector_load %arg13[%get3A_272] {strides = array<i32>} : memref<17920xf32, #tpu.memory_space<vmem>>, vector<16xf32>,
        %mul3A_274 = arith.constant 1120 : i32
        %mul3A_275 = arith.muli %scan3A_232, %mul3A_274 : i32
        %add3A_276 = arith.addi %mul3A_275, %add3A_269 : i32
        %get3A_277 = arith.index_cast %add3A_276 : i32 to index
        %get3A_278 = tpu.vector_load %arg12[%get3A_277] {strides = array<i32>} : memref<22400xf32, #tpu.memory_space<vmem>>, vector<16xf32>,
        %eq3A_279 = arith.cmpf oeq, %get3A_278, %select_n3A : vector<16xf32>
        %jit3A_280 = arith.constant 1.000000e+00 : f32
        %broadcast_in_dim3A_281 = vector.broadcast %jit3A_280 : f32 to vector<16xf32>
        %select_n3A_282 = arith.select %eq3A_279, %broadcast_in_dim3A_281, %get3A_273 : vector<16xi1>, vector<16xf32>
        %swap3A = arith.index_cast %add3A_271 : i32 to index
        %swap3A_283 = tpu.vector_load %arg13[%swap3A] {strides = array<i32>} : memref<17920xf32, #tpu.memory_space<vmem>>, vector<16xf32>,
        tpu.vector_store %arg13[%swap3A], %select_n3A_282 {strides = array<i32>} : memref<17920xf32, #tpu.memory_space<vmem>>, vector<16xf32>,
        %mul3A_284 = arith.constant 32 : i32
        %mul3A_285 = arith.muli %scan3A_264, %mul3A_284 : i32
        %add3A_286 = arith.constant 16 : i32
        %add3A_287 = arith.addi %mul3A_285, %add3A_286 : i32
        %add3A_288 = arith.constant 1120 : i32
        %add3A_289 = arith.addi %add3A_288, %add3A_287 : i32
        %get3A_290 = arith.index_cast %add3A_289 : i32 to index
        %get3A_291 = tpu.vector_load %arg13[%get3A_290] {strides = array<i32>} : memref<17920xf32, #tpu.memory_space<vmem>>, vector<16xf32>,
        %mul3A_292 = arith.constant 1120 : i32
        %mul3A_293 = arith.muli %scan3A_232, %mul3A_292 : i32
        %add3A_294 = arith.addi %mul3A_293, %add3A_287 : i32
        %get3A_295 = arith.index_cast %add3A_294 : i32 to index
        %get3A_296 = tpu.vector_load %arg12[%get3A_295] {strides = array<i32>} : memref<22400xf32, #tpu.memory_space<vmem>>, vector<16xf32>,
        %eq3A_297 = arith.cmpf oeq, %get3A_296, %select_n3A : vector<16xf32>
        %jit3A_298 = arith.constant 1.000000e+00 : f32
        %broadcast_in_dim3A_299 = vector.broadcast %jit3A_298 : f32 to vector<16xf32>
        %select_n3A_300 = arith.select %eq3A_297, %broadcast_in_dim3A_299, %get3A_291 : vector<16xi1>, vector<16xf32>
        %swap3A_301 = arith.index_cast %add3A_289 : i32 to index
        %swap3A_302 = tpu.vector_load %arg13[%swap3A_301] {strides = array<i32>} : memref<17920xf32, #tpu.memory_space<vmem>>, vector<16xf32>,
        tpu.vector_store %arg13[%swap3A_301], %select_n3A_300 {strides = array<i32>} : memref<17920xf32, #tpu.memory_space<vmem>>, vector<16xf32>,
        %scan3A_303 = arith.constant 0 : i32
        scf.yield %scan3A_303 : i32
      }
      %scan3A_262 = arith.constant 35 : i32
      %scan3A_263 = arith.constant 0 : i32
      scf.yield %scan3A_263 : i32
    }
    %scan3A_94 = arith.constant 20 : i32
    %scan3A_95 = arith.constant 0 : i32
    %scan3A_96 = arith.constant 0 : i32
    %scan3A_97 = arith.constant 70 : i32
    %scan3A_98 = arith.addi %scan3A_96, %scan3A_97 : i32
    %scan3A_99 = arith.constant 1 : i32
    %scan3A_100 = scf.for %scan3A_232 = %scan3A_96 to %scan3A_98 step %scan3A_99 iter_args(%scan3A_233 = %scan3A_95) -> (i32)  : i32 {
      %mul3A_234 = arith.constant 16 : i32
      %mul3A_235 = arith.muli %scan3A_232, %mul3A_234 : i32
      %add3A_236 = arith.constant 12320 : i32
      %add3A_237 = arith.addi %add3A_236, %mul3A_235 : i32
      %get3A_238 = arith.index_cast %add3A_237 : i32 to index
      %get3A_239 = tpu.vector_load %arg10[%get3A_238] {strides = array<i32>} : memref<13440xf32, #tpu.memory_space<vmem>>, vector<16xf32>,
      %gt3A = arith.constant 0.000000e+00 : f32
      %gt3A_240 = vector.broadcast %gt3A : f32 to vector<16xf32>
      %gt3A_241 = arith.cmpf ogt, %get3A_239, %gt3A_240 : vector<16xf32>
      %add3A_242 = arith.constant 0 : i32
      %add3A_243 = arith.addi %add3A_242, %mul3A_235 : i32
      %get3A_244 = arith.index_cast %add3A_243 : i32 to index
      %get3A_245 = tpu.vector_load %arg13[%get3A_244] {strides = array<i32>} : memref<17920xf32, #tpu.memory_space<vmem>>, vector<16xf32>,
      %lt3A = arith.constant 3.000000e-01 : f32
      %lt3A_246 = vector.broadcast %lt3A : f32 to vector<16xf32>
      %lt3A_247 = arith.cmpf olt, %get3A_245, %lt3A_246 : vector<16xf32>
      %and3A = arith.andi %gt3A_241, %lt3A_247 : vector<16xi1>
      %jit3A = arith.constant 0.000000e+00 : f32
      %jit3A_248 = arith.constant -1.000000e+00 : f32
      %broadcast_in_dim3A = vector.broadcast %jit3A : f32 to vector<16xf32>
      %broadcast_in_dim3A_249 = vector.broadcast %jit3A_248 : f32 to vector<16xf32>
      %select_n3A = arith.select %and3A, %broadcast_in_dim3A, %broadcast_in_dim3A_249 : vector<16xi1>, vector<16xf32>
      %add3A_250 = arith.constant 1120 : i32
      %add3A_251 = arith.addi %add3A_250, %mul3A_235 : i32
      %get3A_252 = arith.index_cast %add3A_251 : i32 to index
      %get3A_253 = tpu.vector_load %arg13[%get3A_252] {strides = array<i32>} : memref<17920xf32, #tpu.memory_space<vmem>>, vector<16xf32>,
      %gt3A_254 = arith.constant 0.000000e+00 : f32
      %gt3A_255 = vector.broadcast %gt3A_254 : f32 to vector<16xf32>
      %gt3A_256 = arith.cmpf ogt, %get3A_253, %gt3A_255 : vector<16xf32>
      %ge3A = arith.constant 0.699999988 : f32
      %ge3A_257 = vector.broadcast %ge3A : f32 to vector<16xf32>
      %ge3A_258 = arith.cmpf oge, %get3A_245, %ge3A_257 : vector<16xf32>
      %or3A = arith.ori %gt3A_256, %ge3A_258 : vector<16xi1>
      %and3A_259 = arith.andi %gt3A_241, %or3A : vector<16xi1>
      %jit3A_260 = arith.constant 1.000000e+00 : f32
      %broadcast_in_dim3A_261 = vector.broadcast %jit3A_260 : f32 to vector<16xf32>
      %select_n3A_262 = arith.select %and3A_259, %broadcast_in_dim3A_261, %select_n3A : vector<16xi1>, vector<16xf32>
      %add3A_263 = arith.constant 14560 : i32
      %add3A_264 = arith.addi %add3A_263, %mul3A_235 : i32
      %swap3A = arith.index_cast %add3A_264 : i32 to index
      %swap3A_265 = tpu.vector_load %arg13[%swap3A] {strides = array<i32>} : memref<17920xf32, #tpu.memory_space<vmem>>, vector<16xf32>,
      tpu.vector_store %arg13[%swap3A], %select_n3A_262 {strides = array<i32>} : memref<17920xf32, #tpu.memory_space<vmem>>, vector<16xf32>,
      %eq3A_266 = arith.constant 1.000000e+00 : f32
      %eq3A_267 = vector.broadcast %eq3A_266 : f32 to vector<16xf32>
      %eq3A_268 = arith.cmpf oeq, %select_n3A_262, %eq3A_267 : vector<16xf32>
      %jit3A_269 = arith.constant 1.000000e+00 : f32
      %jit3A_270 = arith.constant 0.000000e+00 : f32
      %broadcast_in_dim3A_271 = vector.broadcast %jit3A_269 : f32 to vector<16xf32>
      %broadcast_in_dim3A_272 = vector.broadcast %jit3A_270 : f32 to vector<16xf32>
      %select_n3A_273 = arith.select %eq3A_268, %broadcast_in_dim3A_271, %broadcast_in_dim3A_272 : vector<16xi1>, vector<16xf32>
      %add3A_274 = arith.constant 15680 : i32
      %add3A_275 = arith.addi %add3A_274, %mul3A_235 : i32
      %swap3A_276 = arith.index_cast %add3A_275 : i32 to index
      %swap3A_277 = tpu.vector_load %arg13[%swap3A_276] {strides = array<i32>} : memref<17920xf32, #tpu.memory_space<vmem>>, vector<16xf32>,
      tpu.vector_store %arg13[%swap3A_276], %select_n3A_273 {strides = array<i32>} : memref<17920xf32, #tpu.memory_space<vmem>>, vector<16xf32>,
      %eq3A_278 = arith.constant 0.000000e+00 : f32
      %eq3A_279 = vector.broadcast %eq3A_278 : f32 to vector<16xf32>
      %eq3A_280 = arith.cmpf oeq, %select_n3A_262, %eq3A_279 : vector<16xf32>
      %jit3A_281 = arith.constant 1.000000e+00 : f32
      %jit3A_282 = arith.constant 0.000000e+00 : f32
      %broadcast_in_dim3A_283 = vector.broadcast %jit3A_281 : f32 to vector<16xf32>
      %broadcast_in_dim3A_284 = vector.broadcast %jit3A_282 : f32 to vector<16xf32>
      %select_n3A_285 = arith.select %eq3A_280, %broadcast_in_dim3A_283, %broadcast_in_dim3A_284 : vector<16xi1>, vector<16xf32>
      %add3A_286 = arith.constant 16800 : i32
      %add3A_287 = arith.addi %add3A_286, %mul3A_235 : i32
      %swap3A_288 = arith.index_cast %add3A_287 : i32 to index
      %swap3A_289 = tpu.vector_load %arg13[%swap3A_288] {strides = array<i32>} : memref<17920xf32, #tpu.memory_space<vmem>>, vector<16xf32>,
      tpu.vector_store %arg13[%swap3A_288], %select_n3A_285 {strides = array<i32>} : memref<17920xf32, #tpu.memory_space<vmem>>, vector<16xf32>,
      %scan3A_290 = arith.constant 0 : i32
      scf.yield %scan3A_290 : i32
    }
    %scan3A_101 = arith.constant 70 : i32
    %add3A_102 = arith.constant 35840 : i32
    %add3A_103 = arith.addi %add3A_102, %mul3A_0 : i32
    "tpu.region"() ({
      %run_scoped3A = tpu.sem_alloc : memref<!tpu.dma_semaphore, #tpu.memory_space<semaphore_mem>>
      %dma_start3A = arith.constant 15680 : i32
      %dma_start3A_232 = tpu.memref_slice %arg13[%dma_start3A] : memref<17920xf32, #tpu.memory_space<vmem>> -> memref<1120xf32, #tpu.memory_space<vmem>>
      %dma_start3A_233 = tpu.memref_slice %arg21[%add3A_103] : memref<71680xf32, #tpu.memory_space<vmem_shared>> -> memref<1120xf32, #tpu.memory_space<vmem_shared>>
      %dma_start3A_234 = tpu.memref_slice %arg21[%add3A_103] : memref<71680xf32, #tpu.memory_space<vmem_shared>> -> memref<1120xf32, #tpu.memory_space<vmem_shared>>
      %dma_start3A_235 = arith.constant 15680 : i32
      %dma_start3A_236 = tpu.memref_slice %arg13[%dma_start3A_235] : memref<17920xf32, #tpu.memory_space<vmem>> -> memref<1120xf32, #tpu.memory_space<vmem>>
      tpu.enqueue_dma source(%dma_start3A_236 : memref<1120xf32, #tpu.memory_space<vmem>>) target(%dma_start3A_234 : memref<1120xf32, #tpu.memory_space<vmem_shared>>) target_semaphore(%run_scoped3A : memref<!tpu.dma_semaphore, #tpu.memory_space<semaphore_mem>>)
      %dma_wait3A = arith.constant 15680 : i32
      %dma_wait3A_237 = tpu.memref_slice %arg13[%dma_wait3A] : memref<17920xf32, #tpu.memory_space<vmem>> -> memref<1120xf32, #tpu.memory_space<vmem>>
      %dma_wait3A_238 = tpu.memref_slice %arg21[%add3A_103] : memref<71680xf32, #tpu.memory_space<vmem_shared>> -> memref<1120xf32, #tpu.memory_space<vmem_shared>>
      %dma_wait3A_239 = tpu.memref_slice %arg21[%add3A_103] : memref<71680xf32, #tpu.memory_space<vmem_shared>> -> memref<1120xf32, #tpu.memory_space<vmem_shared>>
      %dma_wait3A_240 = arith.constant 15680 : i32
      %dma_wait3A_241 = tpu.memref_slice %arg13[%dma_wait3A_240] : memref<17920xf32, #tpu.memory_space<vmem>> -> memref<1120xf32, #tpu.memory_space<vmem>>
      tpu.wait_dma2 semaphore(%run_scoped3A : memref<!tpu.dma_semaphore, #tpu.memory_space<semaphore_mem>>) src(%dma_wait3A_241 : memref<1120xf32, #tpu.memory_space<vmem>>) dst(%dma_wait3A_239 : memref<1120xf32, #tpu.memory_space<vmem_shared>>)
      tpu.yield
    }) : () -> ()
    %add3A_104 = arith.constant 53760 : i32
    %add3A_105 = arith.addi %add3A_104, %mul3A_0 : i32
    "tpu.region"() ({
      %run_scoped3A = tpu.sem_alloc : memref<!tpu.dma_semaphore, #tpu.memory_space<semaphore_mem>>
      %dma_start3A = arith.constant 16800 : i32
      %dma_start3A_232 = tpu.memref_slice %arg13[%dma_start3A] : memref<17920xf32, #tpu.memory_space<vmem>> -> memref<1120xf32, #tpu.memory_space<vmem>>
      %dma_start3A_233 = tpu.memref_slice %arg21[%add3A_105] : memref<71680xf32, #tpu.memory_space<vmem_shared>> -> memref<1120xf32, #tpu.memory_space<vmem_shared>>
      %dma_start3A_234 = tpu.memref_slice %arg21[%add3A_105] : memref<71680xf32, #tpu.memory_space<vmem_shared>> -> memref<1120xf32, #tpu.memory_space<vmem_shared>>
      %dma_start3A_235 = arith.constant 16800 : i32
      %dma_start3A_236 = tpu.memref_slice %arg13[%dma_start3A_235] : memref<17920xf32, #tpu.memory_space<vmem>> -> memref<1120xf32, #tpu.memory_space<vmem>>
      tpu.enqueue_dma source(%dma_start3A_236 : memref<1120xf32, #tpu.memory_space<vmem>>) target(%dma_start3A_234 : memref<1120xf32, #tpu.memory_space<vmem_shared>>) target_semaphore(%run_scoped3A : memref<!tpu.dma_semaphore, #tpu.memory_space<semaphore_mem>>)
      %dma_wait3A = arith.constant 16800 : i32
      %dma_wait3A_237 = tpu.memref_slice %arg13[%dma_wait3A] : memref<17920xf32, #tpu.memory_space<vmem>> -> memref<1120xf32, #tpu.memory_space<vmem>>
      %dma_wait3A_238 = tpu.memref_slice %arg21[%add3A_105] : memref<71680xf32, #tpu.memory_space<vmem_shared>> -> memref<1120xf32, #tpu.memory_space<vmem_shared>>
      %dma_wait3A_239 = tpu.memref_slice %arg21[%add3A_105] : memref<71680xf32, #tpu.memory_space<vmem_shared>> -> memref<1120xf32, #tpu.memory_space<vmem_shared>>
      %dma_wait3A_240 = arith.constant 16800 : i32
      %dma_wait3A_241 = tpu.memref_slice %arg13[%dma_wait3A_240] : memref<17920xf32, #tpu.memory_space<vmem>> -> memref<1120xf32, #tpu.memory_space<vmem>>
      tpu.wait_dma2 semaphore(%run_scoped3A : memref<!tpu.dma_semaphore, #tpu.memory_space<semaphore_mem>>) src(%dma_wait3A_241 : memref<1120xf32, #tpu.memory_space<vmem>>) dst(%dma_wait3A_239 : memref<1120xf32, #tpu.memory_space<vmem_shared>>)
      tpu.yield
    }) : () -> ()
    %barrier3A_106 = arith.constant 0 : index
    tpu.barrier barrier_id(%barrier3A_106)
    %eq3A = arith.constant 0 : i32
    %eq3A_107 = arith.cmpi eq, %arg1, %eq3A : i32
    %convert_element_type3A = arith.extui %eq3A_107 : i1 to i32
    %cond3A = arith.constant 0 : i32
    %cond3A_108 = arith.cmpi ne, %convert_element_type3A, %cond3A : i32
    scf.if %cond3A_108 {
      %mul3A_232 = arith.constant 2 : i32
      %mul3A_233 = arith.muli %arg0, %mul3A_232 : i32
      %add3A_234 = arith.constant 0 : i32
      %add3A_235 = arith.addi %mul3A_233, %add3A_234 : i32
      %mul3A_236 = arith.constant 12848 : i32
      %mul3A_237 = arith.muli %add3A_235, %mul3A_236 : i32
      "tpu.region"() ({
        %run_scoped3A = tpu.sem_alloc : memref<!tpu.dma_semaphore, #tpu.memory_space<semaphore_mem>>
        %dma_start3A = tpu.memref_slice %arg4[%mul3A_237] : memref<51392xi32, #tpu.memory_space<hbm>> -> memref<12848xi32, #tpu.memory_space<hbm>>
        %dma_start3A_263 = tpu.memref_slice %arg4[%mul3A_237] : memref<51392xi32, #tpu.memory_space<hbm>> -> memref<12848xi32, #tpu.memory_space<hbm>>
        tpu.enqueue_dma source(%dma_start3A_263 : memref<12848xi32, #tpu.memory_space<hbm>>) target(%arg17 : memref<12848xi32, #tpu.memory_space<vmem>>) target_semaphore(%run_scoped3A : memref<!tpu.dma_semaphore, #tpu.memory_space<semaphore_mem>>)
        %dma_wait3A = tpu.memref_slice %arg4[%mul3A_237] : memref<51392xi32, #tpu.memory_space<hbm>> -> memref<12848xi32, #tpu.memory_space<hbm>>
        %dma_wait3A_264 = tpu.memref_slice %arg4[%mul3A_237] : memref<51392xi32, #tpu.memory_space<hbm>> -> memref<12848xi32, #tpu.memory_space<hbm>>
        tpu.wait_dma2 semaphore(%run_scoped3A : memref<!tpu.dma_semaphore, #tpu.memory_space<semaphore_mem>>) src(%dma_wait3A_264 : memref<12848xi32, #tpu.memory_space<hbm>>) dst(%arg17 : memref<12848xi32, #tpu.memory_space<vmem>>)
        tpu.yield
      }) : () -> ()
      "tpu.region"() ({
        %run_scoped3A = tpu.sem_alloc : memref<!tpu.dma_semaphore, #tpu.memory_space<semaphore_mem>>
        %dma_start3A = arith.constant 0 : i32
        %dma_start3A_263 = tpu.memref_slice %arg21[%dma_start3A] : memref<71680xf32, #tpu.memory_space<vmem_shared>> -> memref<17920xf32, #tpu.memory_space<vmem_shared>>
        %dma_start3A_264 = arith.constant 0 : i32
        %dma_start3A_265 = tpu.memref_slice %arg21[%dma_start3A_264] : memref<71680xf32, #tpu.memory_space<vmem_shared>> -> memref<17920xf32, #tpu.memory_space<vmem_shared>>
        tpu.enqueue_dma source(%dma_start3A_265 : memref<17920xf32, #tpu.memory_space<vmem_shared>>) target(%arg16 : memref<17920xf32, #tpu.memory_space<vmem>>) target_semaphore(%run_scoped3A : memref<!tpu.dma_semaphore, #tpu.memory_space<semaphore_mem>>)
        %dma_wait3A = arith.constant 0 : i32
        %dma_wait3A_266 = tpu.memref_slice %arg21[%dma_wait3A] : memref<71680xf32, #tpu.memory_space<vmem_shared>> -> memref<17920xf32, #tpu.memory_space<vmem_shared>>
        %dma_wait3A_267 = arith.constant 0 : i32
        %dma_wait3A_268 = tpu.memref_slice %arg21[%dma_wait3A_267] : memref<71680xf32, #tpu.memory_space<vmem_shared>> -> memref<17920xf32, #tpu.memory_space<vmem_shared>>
        tpu.wait_dma2 semaphore(%run_scoped3A : memref<!tpu.dma_semaphore, #tpu.memory_space<semaphore_mem>>) src(%dma_wait3A_268 : memref<17920xf32, #tpu.memory_space<vmem_shared>>) dst(%arg16 : memref<17920xf32, #tpu.memory_space<vmem>>)
        tpu.yield
      }) : () -> ()
      %broadcast_in_dim3A = arith.constant 1.280000e+02 : f32
      %broadcast_in_dim3A_238 = vector.broadcast %broadcast_in_dim3A : f32 to vector<16xf32>
      %broadcast_in_dim3A_239 = arith.constant 0.000000e+00 : f32
      %broadcast_in_dim3A_240 = vector.broadcast %broadcast_in_dim3A_239 : f32 to vector<16xf32>
      %scan3A_241 = arith.constant 0 : i32
      %scan3A_242 = arith.constant 280 : i32
      %scan3A_243 = arith.addi %scan3A_241, %scan3A_242 : i32
      %scan3A_244 = arith.constant 1 : i32
      %scan3A_245 = scf.for %scan3A_263 = %scan3A_241 to %scan3A_243 step %scan3A_244 iter_args(%scan3A_264 = %broadcast_in_dim3A_240) -> (vector<16xf32>)  : i32 {
        %mul3A_265 = arith.constant 64 : i32
        %mul3A_266 = arith.muli %scan3A_263, %mul3A_265 : i32
        %get3A_267 = arith.index_cast %mul3A_266 : i32 to index
        %get3A_268 = tpu.vector_load %arg16[%get3A_267] {strides = array<i32>} : memref<17920xf32, #tpu.memory_space<vmem>>, vector<16xf32>,
        %add3A_269 = arith.addf %scan3A_264, %get3A_268 : vector<16xf32>
        %add3A_270 = arith.constant 16 : i32
        %add3A_271 = arith.addi %mul3A_266, %add3A_270 : i32
        %get3A_272 = arith.index_cast %add3A_271 : i32 to index
        %get3A_273 = tpu.vector_load %arg16[%get3A_272] {strides = array<i32>} : memref<17920xf32, #tpu.memory_space<vmem>>, vector<16xf32>,
        %add3A_274 = arith.addf %add3A_269, %get3A_273 : vector<16xf32>
        %add3A_275 = arith.constant 32 : i32
        %add3A_276 = arith.addi %mul3A_266, %add3A_275 : i32
        %get3A_277 = arith.index_cast %add3A_276 : i32 to index
        %get3A_278 = tpu.vector_load %arg16[%get3A_277] {strides = array<i32>} : memref<17920xf32, #tpu.memory_space<vmem>>, vector<16xf32>,
        %add3A_279 = arith.addf %add3A_274, %get3A_278 : vector<16xf32>
        %add3A_280 = arith.constant 48 : i32
        %add3A_281 = arith.addi %mul3A_266, %add3A_280 : i32
        %get3A_282 = arith.index_cast %add3A_281 : i32 to index
        %get3A_283 = tpu.vector_load %arg16[%get3A_282] {strides = array<i32>} : memref<17920xf32, #tpu.memory_space<vmem>>, vector<16xf32>,
        %add3A_284 = arith.addf %add3A_279, %get3A_283 : vector<16xf32>
        scf.yield %add3A_284 : vector<16xf32>
      }
      %scan3A_246 = arith.constant 280 : i32
      %broadcast_in_dim3A_247 = arith.constant true
      %broadcast_in_dim3A_248 = vector.broadcast %broadcast_in_dim3A_247 : i1 to vector<16xi1>
      %masked_cumsum3A = tpu.scan <sum>, %scan3A_245 masked %broadcast_in_dim3A_248 : vector<16xf32>, vector<16xi1> -> vector<16xf32>
      %rev3A = arith.constant 15 : i32
      %rev3A_249 = vector.broadcast %rev3A : i32 to vector<16xi32>
      %rev3A_250 = tpu.iota {dimensions = array<i32: 0>} : vector<16xi32>
      %rev3A_251 = arith.subi %rev3A_249, %rev3A_250 : vector<16xi32>
      %rev3A_252 = tpu.dynamic_gather %masked_cumsum3A[%rev3A_251] in [0] : vector<16xf32>, vector<16xi32> -> vector<16xf32>
      %broadcast_in_dim3A_253 = arith.constant true
      %broadcast_in_dim3A_254 = vector.broadcast %broadcast_in_dim3A_253 : i1 to vector<16xi1>
      %masked_cummax3A = tpu.scan <max>, %rev3A_252 masked %broadcast_in_dim3A_254 : vector<16xf32>, vector<16xi1> -> vector<16xf32>
      %min3A = arith.minimumf %broadcast_in_dim3A_238, %masked_cummax3A : vector<16xf32>
      %broadcast_in_dim3A_255 = arith.constant 0.000000e+00 : f32
      %broadcast_in_dim3A_256 = vector.broadcast %broadcast_in_dim3A_255 : f32 to vector<16xf32>
      %scan3A_257 = arith.constant 0 : i32
      %scan3A_258 = arith.constant 803 : i32
      %scan3A_259 = arith.addi %scan3A_257, %scan3A_258 : i32
      %scan3A_260 = arith.constant 1 : i32
      %scan3A_261 = scf.for %scan3A_263 = %scan3A_257 to %scan3A_259 step %scan3A_260 iter_args(%scan3A_264 = %broadcast_in_dim3A_256) -> (vector<16xf32>)  : i32 {
        %mul3A_265 = arith.constant 16 : i32
        %mul3A_266 = arith.muli %scan3A_263, %mul3A_265 : i32
        %get3A_267 = arith.index_cast %mul3A_266 : i32 to index
        %get3A_268 = tpu.vector_load %arg17[%get3A_267] {strides = array<i32>} : memref<12848xi32, #tpu.memory_space<vmem>>, vector<16xi32>,
        %gather3A = tpu.vector_load_idx %arg16[%get3A_268] : memref<17920xf32, #tpu.memory_space<vmem>>[vector<16xi32>], vector<16xf32>,
        %broadcast_in_dim3A_269 = arith.constant true
        %broadcast_in_dim3A_270 = vector.broadcast %broadcast_in_dim3A_269 : i1 to vector<16xi1>
        %masked_cumsum3A_271 = tpu.scan <sum>, %gather3A masked %broadcast_in_dim3A_270 : vector<16xf32>, vector<16xi1> -> vector<16xf32>
        %sub3A = arith.subf %masked_cumsum3A_271, %gather3A : vector<16xf32>
        %add3A_272 = arith.addf %sub3A, %scan3A_264 : vector<16xf32>
        %gt3A = arith.constant 0.000000e+00 : f32
        %gt3A_273 = vector.broadcast %gt3A : f32 to vector<16xf32>
        %gt3A_274 = arith.cmpf ogt, %gather3A, %gt3A_273 : vector<16xf32>
        %lt3A = arith.cmpf olt, %add3A_272, %min3A : vector<16xf32>
        %and3A = arith.andi %gt3A_274, %lt3A : vector<16xi1>
        %jit3A = arith.constant 1.000000e+00 : f32
        %jit3A_275 = arith.constant 0.000000e+00 : f32
        %broadcast_in_dim3A_276 = vector.broadcast %jit3A : f32 to vector<16xf32>
        %broadcast_in_dim3A_277 = vector.broadcast %jit3A_275 : f32 to vector<16xf32>
        %select_n3A = arith.select %and3A, %broadcast_in_dim3A_276, %broadcast_in_dim3A_277 : vector<16xi1>, vector<16xf32>
        tpu.vector_store_idx %arg16[%get3A_268], %select_n3A : memref<17920xf32, #tpu.memory_space<vmem>>[vector<16xi32>], vector<16xf32>,
        %rev3A_278 = arith.constant 15 : i32
        %rev3A_279 = vector.broadcast %rev3A_278 : i32 to vector<16xi32>
        %rev3A_280 = tpu.iota {dimensions = array<i32: 0>} : vector<16xi32>
        %rev3A_281 = arith.subi %rev3A_279, %rev3A_280 : vector<16xi32>
        %rev3A_282 = tpu.dynamic_gather %masked_cumsum3A_271[%rev3A_281] in [0] : vector<16xf32>, vector<16xi32> -> vector<16xf32>
        %broadcast_in_dim3A_283 = arith.constant true
        %broadcast_in_dim3A_284 = vector.broadcast %broadcast_in_dim3A_283 : i1 to vector<16xi1>
        %masked_cummax3A_285 = tpu.scan <max>, %rev3A_282 masked %broadcast_in_dim3A_284 : vector<16xf32>, vector<16xi1> -> vector<16xf32>
        %add3A_286 = arith.addf %scan3A_264, %masked_cummax3A_285 : vector<16xf32>
        scf.yield %add3A_286 : vector<16xf32>
      }
      %scan3A_262 = arith.constant 803 : i32
      "tpu.region"() ({
        %run_scoped3A = tpu.sem_alloc : memref<!tpu.dma_semaphore, #tpu.memory_space<semaphore_mem>>
        %dma_start3A = arith.constant 0 : i32
        %dma_start3A_263 = tpu.memref_slice %arg22[%dma_start3A] : memref<71680xf32, #tpu.memory_space<vmem_shared>> -> memref<17920xf32, #tpu.memory_space<vmem_shared>>
        %dma_start3A_264 = arith.constant 0 : i32
        %dma_start3A_265 = tpu.memref_slice %arg22[%dma_start3A_264] : memref<71680xf32, #tpu.memory_space<vmem_shared>> -> memref<17920xf32, #tpu.memory_space<vmem_shared>>
        tpu.enqueue_dma source(%arg16 : memref<17920xf32, #tpu.memory_space<vmem>>) target(%dma_start3A_265 : memref<17920xf32, #tpu.memory_space<vmem_shared>>) target_semaphore(%run_scoped3A : memref<!tpu.dma_semaphore, #tpu.memory_space<semaphore_mem>>)
        %dma_wait3A = arith.constant 0 : i32
        %dma_wait3A_266 = tpu.memref_slice %arg22[%dma_wait3A] : memref<71680xf32, #tpu.memory_space<vmem_shared>> -> memref<17920xf32, #tpu.memory_space<vmem_shared>>
        %dma_wait3A_267 = arith.constant 0 : i32
        %dma_wait3A_268 = tpu.memref_slice %arg22[%dma_wait3A_267] : memref<71680xf32, #tpu.memory_space<vmem_shared>> -> memref<17920xf32, #tpu.memory_space<vmem_shared>>
        tpu.wait_dma2 semaphore(%run_scoped3A : memref<!tpu.dma_semaphore, #tpu.memory_space<semaphore_mem>>) src(%arg16 : memref<17920xf32, #tpu.memory_space<vmem>>) dst(%dma_wait3A_268 : memref<17920xf32, #tpu.memory_space<vmem_shared>>)
        tpu.yield
      }) : () -> ()
    } else {
    }
    %eq3A_109 = arith.constant 1 : i32
    %eq3A_110 = arith.cmpi eq, %arg1, %eq3A_109 : i32
    %convert_element_type3A_111 = arith.extui %eq3A_110 : i1 to i32
    %cond3A_112 = arith.constant 0 : i32
    %cond3A_113 = arith.cmpi ne, %convert_element_type3A_111, %cond3A_112 : i32
    scf.if %cond3A_113 {
      %mul3A_232 = arith.constant 2 : i32
      %mul3A_233 = arith.muli %arg0, %mul3A_232 : i32
      %add3A_234 = arith.constant 0 : i32
      %add3A_235 = arith.addi %mul3A_233, %add3A_234 : i32
      %mul3A_236 = arith.constant 12848 : i32
      %mul3A_237 = arith.muli %add3A_235, %mul3A_236 : i32
      "tpu.region"() ({
        %run_scoped3A = tpu.sem_alloc : memref<!tpu.dma_semaphore, #tpu.memory_space<semaphore_mem>>
        %dma_start3A = tpu.memref_slice %arg5[%mul3A_237] : memref<51392xi32, #tpu.memory_space<hbm>> -> memref<12848xi32, #tpu.memory_space<hbm>>
        %dma_start3A_291 = tpu.memref_slice %arg5[%mul3A_237] : memref<51392xi32, #tpu.memory_space<hbm>> -> memref<12848xi32, #tpu.memory_space<hbm>>
        tpu.enqueue_dma source(%dma_start3A_291 : memref<12848xi32, #tpu.memory_space<hbm>>) target(%arg17 : memref<12848xi32, #tpu.memory_space<vmem>>) target_semaphore(%run_scoped3A : memref<!tpu.dma_semaphore, #tpu.memory_space<semaphore_mem>>)
        %dma_wait3A = tpu.memref_slice %arg5[%mul3A_237] : memref<51392xi32, #tpu.memory_space<hbm>> -> memref<12848xi32, #tpu.memory_space<hbm>>
        %dma_wait3A_292 = tpu.memref_slice %arg5[%mul3A_237] : memref<51392xi32, #tpu.memory_space<hbm>> -> memref<12848xi32, #tpu.memory_space<hbm>>
        tpu.wait_dma2 semaphore(%run_scoped3A : memref<!tpu.dma_semaphore, #tpu.memory_space<semaphore_mem>>) src(%dma_wait3A_292 : memref<12848xi32, #tpu.memory_space<hbm>>) dst(%arg17 : memref<12848xi32, #tpu.memory_space<vmem>>)
        tpu.yield
      }) : () -> ()
      "tpu.region"() ({
        %run_scoped3A = tpu.sem_alloc : memref<!tpu.dma_semaphore, #tpu.memory_space<semaphore_mem>>
        %dma_start3A = arith.constant 0 : i32
        %dma_start3A_291 = tpu.memref_slice %arg21[%dma_start3A] : memref<71680xf32, #tpu.memory_space<vmem_shared>> -> memref<17920xf32, #tpu.memory_space<vmem_shared>>
        %dma_start3A_292 = arith.constant 0 : i32
        %dma_start3A_293 = tpu.memref_slice %arg21[%dma_start3A_292] : memref<71680xf32, #tpu.memory_space<vmem_shared>> -> memref<17920xf32, #tpu.memory_space<vmem_shared>>
        tpu.enqueue_dma source(%dma_start3A_293 : memref<17920xf32, #tpu.memory_space<vmem_shared>>) target(%arg16 : memref<17920xf32, #tpu.memory_space<vmem>>) target_semaphore(%run_scoped3A : memref<!tpu.dma_semaphore, #tpu.memory_space<semaphore_mem>>)
        %dma_wait3A = arith.constant 0 : i32
        %dma_wait3A_294 = tpu.memref_slice %arg21[%dma_wait3A] : memref<71680xf32, #tpu.memory_space<vmem_shared>> -> memref<17920xf32, #tpu.memory_space<vmem_shared>>
        %dma_wait3A_295 = arith.constant 0 : i32
        %dma_wait3A_296 = tpu.memref_slice %arg21[%dma_wait3A_295] : memref<71680xf32, #tpu.memory_space<vmem_shared>> -> memref<17920xf32, #tpu.memory_space<vmem_shared>>
        tpu.wait_dma2 semaphore(%run_scoped3A : memref<!tpu.dma_semaphore, #tpu.memory_space<semaphore_mem>>) src(%dma_wait3A_296 : memref<17920xf32, #tpu.memory_space<vmem_shared>>) dst(%arg16 : memref<17920xf32, #tpu.memory_space<vmem>>)
        tpu.yield
      }) : () -> ()
      %broadcast_in_dim3A = arith.constant 1.280000e+02 : f32
      %broadcast_in_dim3A_238 = vector.broadcast %broadcast_in_dim3A : f32 to vector<16xf32>
      %broadcast_in_dim3A_239 = arith.constant 0.000000e+00 : f32
      %broadcast_in_dim3A_240 = vector.broadcast %broadcast_in_dim3A_239 : f32 to vector<16xf32>
      %scan3A_241 = arith.constant 0 : i32
      %scan3A_242 = arith.constant 280 : i32
      %scan3A_243 = arith.addi %scan3A_241, %scan3A_242 : i32
      %scan3A_244 = arith.constant 1 : i32
      %scan3A_245 = scf.for %scan3A_291 = %scan3A_241 to %scan3A_243 step %scan3A_244 iter_args(%scan3A_292 = %broadcast_in_dim3A_240) -> (vector<16xf32>)  : i32 {
        %mul3A_293 = arith.constant 64 : i32
        %mul3A_294 = arith.muli %scan3A_291, %mul3A_293 : i32
        %get3A_295 = arith.index_cast %mul3A_294 : i32 to index
        %get3A_296 = tpu.vector_load %arg16[%get3A_295] {strides = array<i32>} : memref<17920xf32, #tpu.memory_space<vmem>>, vector<16xf32>,
        %add3A_297 = arith.addf %scan3A_292, %get3A_296 : vector<16xf32>
        %add3A_298 = arith.constant 16 : i32
        %add3A_299 = arith.addi %mul3A_294, %add3A_298 : i32
        %get3A_300 = arith.index_cast %add3A_299 : i32 to index
        %get3A_301 = tpu.vector_load %arg16[%get3A_300] {strides = array<i32>} : memref<17920xf32, #tpu.memory_space<vmem>>, vector<16xf32>,
        %add3A_302 = arith.addf %add3A_297, %get3A_301 : vector<16xf32>
        %add3A_303 = arith.constant 32 : i32
        %add3A_304 = arith.addi %mul3A_294, %add3A_303 : i32
        %get3A_305 = arith.index_cast %add3A_304 : i32 to index
        %get3A_306 = tpu.vector_load %arg16[%get3A_305] {strides = array<i32>} : memref<17920xf32, #tpu.memory_space<vmem>>, vector<16xf32>,
        %add3A_307 = arith.addf %add3A_302, %get3A_306 : vector<16xf32>
        %add3A_308 = arith.constant 48 : i32
        %add3A_309 = arith.addi %mul3A_294, %add3A_308 : i32
        %get3A_310 = arith.index_cast %add3A_309 : i32 to index
        %get3A_311 = tpu.vector_load %arg16[%get3A_310] {strides = array<i32>} : memref<17920xf32, #tpu.memory_space<vmem>>, vector<16xf32>,
        %add3A_312 = arith.addf %add3A_307, %get3A_311 : vector<16xf32>
        scf.yield %add3A_312 : vector<16xf32>
      }
      %scan3A_246 = arith.constant 280 : i32
      %broadcast_in_dim3A_247 = arith.constant true
      %broadcast_in_dim3A_248 = vector.broadcast %broadcast_in_dim3A_247 : i1 to vector<16xi1>
      %masked_cumsum3A = tpu.scan <sum>, %scan3A_245 masked %broadcast_in_dim3A_248 : vector<16xf32>, vector<16xi1> -> vector<16xf32>
      %rev3A = arith.constant 15 : i32
      %rev3A_249 = vector.broadcast %rev3A : i32 to vector<16xi32>
      %rev3A_250 = tpu.iota {dimensions = array<i32: 0>} : vector<16xi32>
      %rev3A_251 = arith.subi %rev3A_249, %rev3A_250 : vector<16xi32>
      %rev3A_252 = tpu.dynamic_gather %masked_cumsum3A[%rev3A_251] in [0] : vector<16xf32>, vector<16xi32> -> vector<16xf32>
      %broadcast_in_dim3A_253 = arith.constant true
      %broadcast_in_dim3A_254 = vector.broadcast %broadcast_in_dim3A_253 : i1 to vector<16xi1>
      %masked_cummax3A = tpu.scan <max>, %rev3A_252 masked %broadcast_in_dim3A_254 : vector<16xf32>, vector<16xi1> -> vector<16xf32>
      %min3A = arith.minimumf %broadcast_in_dim3A_238, %masked_cummax3A : vector<16xf32>
      "tpu.region"() ({
        %run_scoped3A = tpu.sem_alloc : memref<!tpu.dma_semaphore, #tpu.memory_space<semaphore_mem>>
        %dma_start3A = arith.constant 17920 : i32
        %dma_start3A_291 = tpu.memref_slice %arg21[%dma_start3A] : memref<71680xf32, #tpu.memory_space<vmem_shared>> -> memref<17920xf32, #tpu.memory_space<vmem_shared>>
        %dma_start3A_292 = arith.constant 17920 : i32
        %dma_start3A_293 = tpu.memref_slice %arg21[%dma_start3A_292] : memref<71680xf32, #tpu.memory_space<vmem_shared>> -> memref<17920xf32, #tpu.memory_space<vmem_shared>>
        tpu.enqueue_dma source(%dma_start3A_293 : memref<17920xf32, #tpu.memory_space<vmem_shared>>) target(%arg16 : memref<17920xf32, #tpu.memory_space<vmem>>) target_semaphore(%run_scoped3A : memref<!tpu.dma_semaphore, #tpu.memory_space<semaphore_mem>>)
        %dma_wait3A = arith.constant 17920 : i32
        %dma_wait3A_294 = tpu.memref_slice %arg21[%dma_wait3A] : memref<71680xf32, #tpu.memory_space<vmem_shared>> -> memref<17920xf32, #tpu.memory_space<vmem_shared>>
        %dma_wait3A_295 = arith.constant 17920 : i32
        %dma_wait3A_296 = tpu.memref_slice %arg21[%dma_wait3A_295] : memref<71680xf32, #tpu.memory_space<vmem_shared>> -> memref<17920xf32, #tpu.memory_space<vmem_shared>>
        tpu.wait_dma2 semaphore(%run_scoped3A : memref<!tpu.dma_semaphore, #tpu.memory_space<semaphore_mem>>) src(%dma_wait3A_296 : memref<17920xf32, #tpu.memory_space<vmem_shared>>) dst(%arg16 : memref<17920xf32, #tpu.memory_space<vmem>>)
        tpu.yield
      }) : () -> ()
      %broadcast_in_dim3A_255 = arith.constant 0.000000e+00 : f32
      %broadcast_in_dim3A_256 = vector.broadcast %broadcast_in_dim3A_255 : f32 to vector<16xf32>
      %scan3A_257 = arith.constant 0 : i32
      %scan3A_258 = arith.constant 280 : i32
      %scan3A_259 = arith.addi %scan3A_257, %scan3A_258 : i32
      %scan3A_260 = arith.constant 1 : i32
      %scan3A_261 = scf.for %scan3A_291 = %scan3A_257 to %scan3A_259 step %scan3A_260 iter_args(%scan3A_292 = %broadcast_in_dim3A_256) -> (vector<16xf32>)  : i32 {
        %mul3A_293 = arith.constant 64 : i32
        %mul3A_294 = arith.muli %scan3A_291, %mul3A_293 : i32
        %get3A_295 = arith.index_cast %mul3A_294 : i32 to index
        %get3A_296 = tpu.vector_load %arg16[%get3A_295] {strides = array<i32>} : memref<17920xf32, #tpu.memory_space<vmem>>, vector<16xf32>,
        %add3A_297 = arith.addf %scan3A_292, %get3A_296 : vector<16xf32>
        %add3A_298 = arith.constant 16 : i32
        %add3A_299 = arith.addi %mul3A_294, %add3A_298 : i32
        %get3A_300 = arith.index_cast %add3A_299 : i32 to index
        %get3A_301 = tpu.vector_load %arg16[%get3A_300] {strides = array<i32>} : memref<17920xf32, #tpu.memory_space<vmem>>, vector<16xf32>,
        %add3A_302 = arith.addf %add3A_297, %get3A_301 : vector<16xf32>
        %add3A_303 = arith.constant 32 : i32
        %add3A_304 = arith.addi %mul3A_294, %add3A_303 : i32
        %get3A_305 = arith.index_cast %add3A_304 : i32 to index
        %get3A_306 = tpu.vector_load %arg16[%get3A_305] {strides = array<i32>} : memref<17920xf32, #tpu.memory_space<vmem>>, vector<16xf32>,
        %add3A_307 = arith.addf %add3A_302, %get3A_306 : vector<16xf32>
        %add3A_308 = arith.constant 48 : i32
        %add3A_309 = arith.addi %mul3A_294, %add3A_308 : i32
        %get3A_310 = arith.index_cast %add3A_309 : i32 to index
        %get3A_311 = tpu.vector_load %arg16[%get3A_310] {strides = array<i32>} : memref<17920xf32, #tpu.memory_space<vmem>>, vector<16xf32>,
        %add3A_312 = arith.addf %add3A_307, %get3A_311 : vector<16xf32>
        scf.yield %add3A_312 : vector<16xf32>
      }
      %scan3A_262 = arith.constant 280 : i32
      %broadcast_in_dim3A_263 = arith.constant true
      %broadcast_in_dim3A_264 = vector.broadcast %broadcast_in_dim3A_263 : i1 to vector<16xi1>
      %masked_cumsum3A_265 = tpu.scan <sum>, %scan3A_261 masked %broadcast_in_dim3A_264 : vector<16xf32>, vector<16xi1> -> vector<16xf32>
      %rev3A_266 = arith.constant 15 : i32
      %rev3A_267 = vector.broadcast %rev3A_266 : i32 to vector<16xi32>
      %rev3A_268 = tpu.iota {dimensions = array<i32: 0>} : vector<16xi32>
      %rev3A_269 = arith.subi %rev3A_267, %rev3A_268 : vector<16xi32>
      %rev3A_270 = tpu.dynamic_gather %masked_cumsum3A_265[%rev3A_269] in [0] : vector<16xf32>, vector<16xi32> -> vector<16xf32>
      %broadcast_in_dim3A_271 = arith.constant true
      %broadcast_in_dim3A_272 = vector.broadcast %broadcast_in_dim3A_271 : i1 to vector<16xi1>
      %masked_cummax3A_273 = tpu.scan <max>, %rev3A_270 masked %broadcast_in_dim3A_272 : vector<16xf32>, vector<16xi1> -> vector<16xf32>
      %broadcast_in_dim3A_274 = arith.constant 2.560000e+02 : f32
      %broadcast_in_dim3A_275 = vector.broadcast %broadcast_in_dim3A_274 : f32 to vector<16xf32>
      %sub3A = arith.subf %broadcast_in_dim3A_275, %min3A : vector<16xf32>
      %min3A_276 = arith.minimumf %sub3A, %masked_cummax3A_273 : vector<16xf32>
      %broadcast_in_dim3A_277 = arith.constant 0.000000e+00 : f32
      %broadcast_in_dim3A_278 = vector.broadcast %broadcast_in_dim3A_277 : f32 to vector<16xf32>
      %scan3A_279 = arith.constant 0 : i32
      %scan3A_280 = arith.constant 803 : i32
      %scan3A_281 = arith.addi %scan3A_279, %scan3A_280 : i32
      %scan3A_282 = arith.constant 1 : i32
      %scan3A_283 = scf.for %scan3A_291 = %scan3A_279 to %scan3A_281 step %scan3A_282 iter_args(%scan3A_292 = %broadcast_in_dim3A_278) -> (vector<16xf32>)  : i32 {
        %mul3A_293 = arith.constant 16 : i32
        %mul3A_294 = arith.muli %scan3A_291, %mul3A_293 : i32
        %get3A_295 = arith.index_cast %mul3A_294 : i32 to index
        %get3A_296 = tpu.vector_load %arg17[%get3A_295] {strides = array<i32>} : memref<12848xi32, #tpu.memory_space<vmem>>, vector<16xi32>,
        %gather3A = tpu.vector_load_idx %arg16[%get3A_296] : memref<17920xf32, #tpu.memory_space<vmem>>[vector<16xi32>], vector<16xf32>,
        %broadcast_in_dim3A_297 = arith.constant true
        %broadcast_in_dim3A_298 = vector.broadcast %broadcast_in_dim3A_297 : i1 to vector<16xi1>
        %masked_cumsum3A_299 = tpu.scan <sum>, %gather3A masked %broadcast_in_dim3A_298 : vector<16xf32>, vector<16xi1> -> vector<16xf32>
        %sub3A_300 = arith.subf %masked_cumsum3A_299, %gather3A : vector<16xf32>
        %add3A_301 = arith.addf %sub3A_300, %scan3A_292 : vector<16xf32>
        %gt3A = arith.constant 0.000000e+00 : f32
        %gt3A_302 = vector.broadcast %gt3A : f32 to vector<16xf32>
        %gt3A_303 = arith.cmpf ogt, %gather3A, %gt3A_302 : vector<16xf32>
        %lt3A = arith.cmpf olt, %add3A_301, %min3A_276 : vector<16xf32>
        %and3A = arith.andi %gt3A_303, %lt3A : vector<16xi1>
        %jit3A = arith.constant 1.000000e+00 : f32
        %jit3A_304 = arith.constant 0.000000e+00 : f32
        %broadcast_in_dim3A_305 = vector.broadcast %jit3A : f32 to vector<16xf32>
        %broadcast_in_dim3A_306 = vector.broadcast %jit3A_304 : f32 to vector<16xf32>
        %select_n3A = arith.select %and3A, %broadcast_in_dim3A_305, %broadcast_in_dim3A_306 : vector<16xi1>, vector<16xf32>
        tpu.vector_store_idx %arg16[%get3A_296], %select_n3A : memref<17920xf32, #tpu.memory_space<vmem>>[vector<16xi32>], vector<16xf32>,
        %rev3A_307 = arith.constant 15 : i32
        %rev3A_308 = vector.broadcast %rev3A_307 : i32 to vector<16xi32>
        %rev3A_309 = tpu.iota {dimensions = array<i32: 0>} : vector<16xi32>
        %rev3A_310 = arith.subi %rev3A_308, %rev3A_309 : vector<16xi32>
        %rev3A_311 = tpu.dynamic_gather %masked_cumsum3A_299[%rev3A_310] in [0] : vector<16xf32>, vector<16xi32> -> vector<16xf32>
        %broadcast_in_dim3A_312 = arith.constant true
        %broadcast_in_dim3A_313 = vector.broadcast %broadcast_in_dim3A_312 : i1 to vector<16xi1>
        %masked_cummax3A_314 = tpu.scan <max>, %rev3A_311 masked %broadcast_in_dim3A_313 : vector<16xf32>, vector<16xi1> -> vector<16xf32>
        %add3A_315 = arith.addf %scan3A_292, %masked_cummax3A_314 : vector<16xf32>
        scf.yield %add3A_315 : vector<16xf32>
      }
      %scan3A_284 = arith.constant 803 : i32
      %add3A_285 = arith.addf %min3A, %min3A_276 : vector<16xf32>
      %max3A = arith.constant 1.000000e+00 : f32
      %max3A_286 = vector.broadcast %max3A : f32 to vector<16xf32>
      %max3A_287 = arith.maximumf %add3A_285, %max3A_286 : vector<16xf32>
      %div3A = arith.constant 1.000000e+00 : f32
      %div3A_288 = vector.broadcast %div3A : f32 to vector<16xf32>
      %div3A_289 = arith.divf %div3A_288, %max3A_287 : vector<16xf32>
      %swap3A = arith.constant 0 : index
      %swap3A_290 = tpu.vector_load %arg19[%swap3A] {strides = array<i32>} : memref<16xf32, #tpu.memory_space<vmem>>, vector<16xf32>,
      tpu.vector_store %arg19[%swap3A], %div3A_289 {strides = array<i32>} : memref<16xf32, #tpu.memory_space<vmem>>, vector<16xf32>,
      "tpu.region"() ({
        %run_scoped3A = tpu.sem_alloc : memref<!tpu.dma_semaphore, #tpu.memory_space<semaphore_mem>>
        %dma_start3A = arith.constant 0 : i32
        %dma_start3A_291 = tpu.memref_slice %arg23[%dma_start3A] : memref<32xf32, #tpu.memory_space<vmem_shared>> -> memref<16xf32, #tpu.memory_space<vmem_shared>>
        %dma_start3A_292 = arith.constant 0 : i32
        %dma_start3A_293 = tpu.memref_slice %arg23[%dma_start3A_292] : memref<32xf32, #tpu.memory_space<vmem_shared>> -> memref<16xf32, #tpu.memory_space<vmem_shared>>
        tpu.enqueue_dma source(%arg19 : memref<16xf32, #tpu.memory_space<vmem>>) target(%dma_start3A_293 : memref<16xf32, #tpu.memory_space<vmem_shared>>) target_semaphore(%run_scoped3A : memref<!tpu.dma_semaphore, #tpu.memory_space<semaphore_mem>>)
        %dma_wait3A = arith.constant 0 : i32
        %dma_wait3A_294 = tpu.memref_slice %arg23[%dma_wait3A] : memref<32xf32, #tpu.memory_space<vmem_shared>> -> memref<16xf32, #tpu.memory_space<vmem_shared>>
        %dma_wait3A_295 = arith.constant 0 : i32
        %dma_wait3A_296 = tpu.memref_slice %arg23[%dma_wait3A_295] : memref<32xf32, #tpu.memory_space<vmem_shared>> -> memref<16xf32, #tpu.memory_space<vmem_shared>>
        tpu.wait_dma2 semaphore(%run_scoped3A : memref<!tpu.dma_semaphore, #tpu.memory_space<semaphore_mem>>) src(%arg19 : memref<16xf32, #tpu.memory_space<vmem>>) dst(%dma_wait3A_296 : memref<16xf32, #tpu.memory_space<vmem_shared>>)
        tpu.yield
      }) : () -> ()
      "tpu.region"() ({
        %run_scoped3A = tpu.sem_alloc : memref<!tpu.dma_semaphore, #tpu.memory_space<semaphore_mem>>
        %dma_start3A = arith.constant 17920 : i32
        %dma_start3A_291 = tpu.memref_slice %arg22[%dma_start3A] : memref<71680xf32, #tpu.memory_space<vmem_shared>> -> memref<17920xf32, #tpu.memory_space<vmem_shared>>
        %dma_start3A_292 = arith.constant 17920 : i32
        %dma_start3A_293 = tpu.memref_slice %arg22[%dma_start3A_292] : memref<71680xf32, #tpu.memory_space<vmem_shared>> -> memref<17920xf32, #tpu.memory_space<vmem_shared>>
        tpu.enqueue_dma source(%arg16 : memref<17920xf32, #tpu.memory_space<vmem>>) target(%dma_start3A_293 : memref<17920xf32, #tpu.memory_space<vmem_shared>>) target_semaphore(%run_scoped3A : memref<!tpu.dma_semaphore, #tpu.memory_space<semaphore_mem>>)
        %dma_wait3A = arith.constant 17920 : i32
        %dma_wait3A_294 = tpu.memref_slice %arg22[%dma_wait3A] : memref<71680xf32, #tpu.memory_space<vmem_shared>> -> memref<17920xf32, #tpu.memory_space<vmem_shared>>
        %dma_wait3A_295 = arith.constant 17920 : i32
        %dma_wait3A_296 = tpu.memref_slice %arg22[%dma_wait3A_295] : memref<71680xf32, #tpu.memory_space<vmem_shared>> -> memref<17920xf32, #tpu.memory_space<vmem_shared>>
        tpu.wait_dma2 semaphore(%run_scoped3A : memref<!tpu.dma_semaphore, #tpu.memory_space<semaphore_mem>>) src(%arg16 : memref<17920xf32, #tpu.memory_space<vmem>>) dst(%dma_wait3A_296 : memref<17920xf32, #tpu.memory_space<vmem_shared>>)
        tpu.yield
      }) : () -> ()
    } else {
    }
    %eq3A_114 = arith.constant 2 : i32
    %eq3A_115 = arith.cmpi eq, %arg1, %eq3A_114 : i32
    %convert_element_type3A_116 = arith.extui %eq3A_115 : i1 to i32
    %cond3A_117 = arith.constant 0 : i32
    %cond3A_118 = arith.cmpi ne, %convert_element_type3A_116, %cond3A_117 : i32
    scf.if %cond3A_118 {
      %mul3A_232 = arith.constant 2 : i32
      %mul3A_233 = arith.muli %arg0, %mul3A_232 : i32
      %add3A_234 = arith.constant 1 : i32
      %add3A_235 = arith.addi %mul3A_233, %add3A_234 : i32
      %mul3A_236 = arith.constant 12848 : i32
      %mul3A_237 = arith.muli %add3A_235, %mul3A_236 : i32
      "tpu.region"() ({
        %run_scoped3A = tpu.sem_alloc : memref<!tpu.dma_semaphore, #tpu.memory_space<semaphore_mem>>
        %dma_start3A = tpu.memref_slice %arg4[%mul3A_237] : memref<51392xi32, #tpu.memory_space<hbm>> -> memref<12848xi32, #tpu.memory_space<hbm>>
        %dma_start3A_263 = tpu.memref_slice %arg4[%mul3A_237] : memref<51392xi32, #tpu.memory_space<hbm>> -> memref<12848xi32, #tpu.memory_space<hbm>>
        tpu.enqueue_dma source(%dma_start3A_263 : memref<12848xi32, #tpu.memory_space<hbm>>) target(%arg17 : memref<12848xi32, #tpu.memory_space<vmem>>) target_semaphore(%run_scoped3A : memref<!tpu.dma_semaphore, #tpu.memory_space<semaphore_mem>>)
        %dma_wait3A = tpu.memref_slice %arg4[%mul3A_237] : memref<51392xi32, #tpu.memory_space<hbm>> -> memref<12848xi32, #tpu.memory_space<hbm>>
        %dma_wait3A_264 = tpu.memref_slice %arg4[%mul3A_237] : memref<51392xi32, #tpu.memory_space<hbm>> -> memref<12848xi32, #tpu.memory_space<hbm>>
        tpu.wait_dma2 semaphore(%run_scoped3A : memref<!tpu.dma_semaphore, #tpu.memory_space<semaphore_mem>>) src(%dma_wait3A_264 : memref<12848xi32, #tpu.memory_space<hbm>>) dst(%arg17 : memref<12848xi32, #tpu.memory_space<vmem>>)
        tpu.yield
      }) : () -> ()
      "tpu.region"() ({
        %run_scoped3A = tpu.sem_alloc : memref<!tpu.dma_semaphore, #tpu.memory_space<semaphore_mem>>
        %dma_start3A = arith.constant 35840 : i32
        %dma_start3A_263 = tpu.memref_slice %arg21[%dma_start3A] : memref<71680xf32, #tpu.memory_space<vmem_shared>> -> memref<17920xf32, #tpu.memory_space<vmem_shared>>
        %dma_start3A_264 = arith.constant 35840 : i32
        %dma_start3A_265 = tpu.memref_slice %arg21[%dma_start3A_264] : memref<71680xf32, #tpu.memory_space<vmem_shared>> -> memref<17920xf32, #tpu.memory_space<vmem_shared>>
        tpu.enqueue_dma source(%dma_start3A_265 : memref<17920xf32, #tpu.memory_space<vmem_shared>>) target(%arg16 : memref<17920xf32, #tpu.memory_space<vmem>>) target_semaphore(%run_scoped3A : memref<!tpu.dma_semaphore, #tpu.memory_space<semaphore_mem>>)
        %dma_wait3A = arith.constant 35840 : i32
        %dma_wait3A_266 = tpu.memref_slice %arg21[%dma_wait3A] : memref<71680xf32, #tpu.memory_space<vmem_shared>> -> memref<17920xf32, #tpu.memory_space<vmem_shared>>
        %dma_wait3A_267 = arith.constant 35840 : i32
        %dma_wait3A_268 = tpu.memref_slice %arg21[%dma_wait3A_267] : memref<71680xf32, #tpu.memory_space<vmem_shared>> -> memref<17920xf32, #tpu.memory_space<vmem_shared>>
        tpu.wait_dma2 semaphore(%run_scoped3A : memref<!tpu.dma_semaphore, #tpu.memory_space<semaphore_mem>>) src(%dma_wait3A_268 : memref<17920xf32, #tpu.memory_space<vmem_shared>>) dst(%arg16 : memref<17920xf32, #tpu.memory_space<vmem>>)
        tpu.yield
      }) : () -> ()
      %broadcast_in_dim3A = arith.constant 1.280000e+02 : f32
      %broadcast_in_dim3A_238 = vector.broadcast %broadcast_in_dim3A : f32 to vector<16xf32>
      %broadcast_in_dim3A_239 = arith.constant 0.000000e+00 : f32
      %broadcast_in_dim3A_240 = vector.broadcast %broadcast_in_dim3A_239 : f32 to vector<16xf32>
      %scan3A_241 = arith.constant 0 : i32
      %scan3A_242 = arith.constant 280 : i32
      %scan3A_243 = arith.addi %scan3A_241, %scan3A_242 : i32
      %scan3A_244 = arith.constant 1 : i32
      %scan3A_245 = scf.for %scan3A_263 = %scan3A_241 to %scan3A_243 step %scan3A_244 iter_args(%scan3A_264 = %broadcast_in_dim3A_240) -> (vector<16xf32>)  : i32 {
        %mul3A_265 = arith.constant 64 : i32
        %mul3A_266 = arith.muli %scan3A_263, %mul3A_265 : i32
        %get3A_267 = arith.index_cast %mul3A_266 : i32 to index
        %get3A_268 = tpu.vector_load %arg16[%get3A_267] {strides = array<i32>} : memref<17920xf32, #tpu.memory_space<vmem>>, vector<16xf32>,
        %add3A_269 = arith.addf %scan3A_264, %get3A_268 : vector<16xf32>
        %add3A_270 = arith.constant 16 : i32
        %add3A_271 = arith.addi %mul3A_266, %add3A_270 : i32
        %get3A_272 = arith.index_cast %add3A_271 : i32 to index
        %get3A_273 = tpu.vector_load %arg16[%get3A_272] {strides = array<i32>} : memref<17920xf32, #tpu.memory_space<vmem>>, vector<16xf32>,
        %add3A_274 = arith.addf %add3A_269, %get3A_273 : vector<16xf32>
        %add3A_275 = arith.constant 32 : i32
        %add3A_276 = arith.addi %mul3A_266, %add3A_275 : i32
        %get3A_277 = arith.index_cast %add3A_276 : i32 to index
        %get3A_278 = tpu.vector_load %arg16[%get3A_277] {strides = array<i32>} : memref<17920xf32, #tpu.memory_space<vmem>>, vector<16xf32>,
        %add3A_279 = arith.addf %add3A_274, %get3A_278 : vector<16xf32>
        %add3A_280 = arith.constant 48 : i32
        %add3A_281 = arith.addi %mul3A_266, %add3A_280 : i32
        %get3A_282 = arith.index_cast %add3A_281 : i32 to index
        %get3A_283 = tpu.vector_load %arg16[%get3A_282] {strides = array<i32>} : memref<17920xf32, #tpu.memory_space<vmem>>, vector<16xf32>,
        %add3A_284 = arith.addf %add3A_279, %get3A_283 : vector<16xf32>
        scf.yield %add3A_284 : vector<16xf32>
      }
      %scan3A_246 = arith.constant 280 : i32
      %broadcast_in_dim3A_247 = arith.constant true
      %broadcast_in_dim3A_248 = vector.broadcast %broadcast_in_dim3A_247 : i1 to vector<16xi1>
      %masked_cumsum3A = tpu.scan <sum>, %scan3A_245 masked %broadcast_in_dim3A_248 : vector<16xf32>, vector<16xi1> -> vector<16xf32>
      %rev3A = arith.constant 15 : i32
      %rev3A_249 = vector.broadcast %rev3A : i32 to vector<16xi32>
      %rev3A_250 = tpu.iota {dimensions = array<i32: 0>} : vector<16xi32>
      %rev3A_251 = arith.subi %rev3A_249, %rev3A_250 : vector<16xi32>
      %rev3A_252 = tpu.dynamic_gather %masked_cumsum3A[%rev3A_251] in [0] : vector<16xf32>, vector<16xi32> -> vector<16xf32>
      %broadcast_in_dim3A_253 = arith.constant true
      %broadcast_in_dim3A_254 = vector.broadcast %broadcast_in_dim3A_253 : i1 to vector<16xi1>
      %masked_cummax3A = tpu.scan <max>, %rev3A_252 masked %broadcast_in_dim3A_254 : vector<16xf32>, vector<16xi1> -> vector<16xf32>
      %min3A = arith.minimumf %broadcast_in_dim3A_238, %masked_cummax3A : vector<16xf32>
      %broadcast_in_dim3A_255 = arith.constant 0.000000e+00 : f32
      %broadcast_in_dim3A_256 = vector.broadcast %broadcast_in_dim3A_255 : f32 to vector<16xf32>
      %scan3A_257 = arith.constant 0 : i32
      %scan3A_258 = arith.constant 803 : i32
      %scan3A_259 = arith.addi %scan3A_257, %scan3A_258 : i32
      %scan3A_260 = arith.constant 1 : i32
      %scan3A_261 = scf.for %scan3A_263 = %scan3A_257 to %scan3A_259 step %scan3A_260 iter_args(%scan3A_264 = %broadcast_in_dim3A_256) -> (vector<16xf32>)  : i32 {
        %mul3A_265 = arith.constant 16 : i32
        %mul3A_266 = arith.muli %scan3A_263, %mul3A_265 : i32
        %get3A_267 = arith.index_cast %mul3A_266 : i32 to index
        %get3A_268 = tpu.vector_load %arg17[%get3A_267] {strides = array<i32>} : memref<12848xi32, #tpu.memory_space<vmem>>, vector<16xi32>,
        %gather3A = tpu.vector_load_idx %arg16[%get3A_268] : memref<17920xf32, #tpu.memory_space<vmem>>[vector<16xi32>], vector<16xf32>,
        %broadcast_in_dim3A_269 = arith.constant true
        %broadcast_in_dim3A_270 = vector.broadcast %broadcast_in_dim3A_269 : i1 to vector<16xi1>
        %masked_cumsum3A_271 = tpu.scan <sum>, %gather3A masked %broadcast_in_dim3A_270 : vector<16xf32>, vector<16xi1> -> vector<16xf32>
        %sub3A = arith.subf %masked_cumsum3A_271, %gather3A : vector<16xf32>
        %add3A_272 = arith.addf %sub3A, %scan3A_264 : vector<16xf32>
        %gt3A = arith.constant 0.000000e+00 : f32
        %gt3A_273 = vector.broadcast %gt3A : f32 to vector<16xf32>
        %gt3A_274 = arith.cmpf ogt, %gather3A, %gt3A_273 : vector<16xf32>
        %lt3A = arith.cmpf olt, %add3A_272, %min3A : vector<16xf32>
        %and3A = arith.andi %gt3A_274, %lt3A : vector<16xi1>
        %jit3A = arith.constant 1.000000e+00 : f32
        %jit3A_275 = arith.constant 0.000000e+00 : f32
        %broadcast_in_dim3A_276 = vector.broadcast %jit3A : f32 to vector<16xf32>
        %broadcast_in_dim3A_277 = vector.broadcast %jit3A_275 : f32 to vector<16xf32>
        %select_n3A = arith.select %and3A, %broadcast_in_dim3A_276, %broadcast_in_dim3A_277 : vector<16xi1>, vector<16xf32>
        tpu.vector_store_idx %arg16[%get3A_268], %select_n3A : memref<17920xf32, #tpu.memory_space<vmem>>[vector<16xi32>], vector<16xf32>,
        %rev3A_278 = arith.constant 15 : i32
        %rev3A_279 = vector.broadcast %rev3A_278 : i32 to vector<16xi32>
        %rev3A_280 = tpu.iota {dimensions = array<i32: 0>} : vector<16xi32>
        %rev3A_281 = arith.subi %rev3A_279, %rev3A_280 : vector<16xi32>
        %rev3A_282 = tpu.dynamic_gather %masked_cumsum3A_271[%rev3A_281] in [0] : vector<16xf32>, vector<16xi32> -> vector<16xf32>
        %broadcast_in_dim3A_283 = arith.constant true
        %broadcast_in_dim3A_284 = vector.broadcast %broadcast_in_dim3A_283 : i1 to vector<16xi1>
        %masked_cummax3A_285 = tpu.scan <max>, %rev3A_282 masked %broadcast_in_dim3A_284 : vector<16xf32>, vector<16xi1> -> vector<16xf32>
        %add3A_286 = arith.addf %scan3A_264, %masked_cummax3A_285 : vector<16xf32>
        scf.yield %add3A_286 : vector<16xf32>
      }
      %scan3A_262 = arith.constant 803 : i32
      "tpu.region"() ({
        %run_scoped3A = tpu.sem_alloc : memref<!tpu.dma_semaphore, #tpu.memory_space<semaphore_mem>>
        %dma_start3A = arith.constant 35840 : i32
        %dma_start3A_263 = tpu.memref_slice %arg22[%dma_start3A] : memref<71680xf32, #tpu.memory_space<vmem_shared>> -> memref<17920xf32, #tpu.memory_space<vmem_shared>>
        %dma_start3A_264 = arith.constant 35840 : i32
        %dma_start3A_265 = tpu.memref_slice %arg22[%dma_start3A_264] : memref<71680xf32, #tpu.memory_space<vmem_shared>> -> memref<17920xf32, #tpu.memory_space<vmem_shared>>
        tpu.enqueue_dma source(%arg16 : memref<17920xf32, #tpu.memory_space<vmem>>) target(%dma_start3A_265 : memref<17920xf32, #tpu.memory_space<vmem_shared>>) target_semaphore(%run_scoped3A : memref<!tpu.dma_semaphore, #tpu.memory_space<semaphore_mem>>)
        %dma_wait3A = arith.constant 35840 : i32
        %dma_wait3A_266 = tpu.memref_slice %arg22[%dma_wait3A] : memref<71680xf32, #tpu.memory_space<vmem_shared>> -> memref<17920xf32, #tpu.memory_space<vmem_shared>>
        %dma_wait3A_267 = arith.constant 35840 : i32
        %dma_wait3A_268 = tpu.memref_slice %arg22[%dma_wait3A_267] : memref<71680xf32, #tpu.memory_space<vmem_shared>> -> memref<17920xf32, #tpu.memory_space<vmem_shared>>
        tpu.wait_dma2 semaphore(%run_scoped3A : memref<!tpu.dma_semaphore, #tpu.memory_space<semaphore_mem>>) src(%arg16 : memref<17920xf32, #tpu.memory_space<vmem>>) dst(%dma_wait3A_268 : memref<17920xf32, #tpu.memory_space<vmem_shared>>)
        tpu.yield
      }) : () -> ()
    } else {
    }
    %eq3A_119 = arith.constant 3 : i32
    %eq3A_120 = arith.cmpi eq, %arg1, %eq3A_119 : i32
    %convert_element_type3A_121 = arith.extui %eq3A_120 : i1 to i32
    %cond3A_122 = arith.constant 0 : i32
    %cond3A_123 = arith.cmpi ne, %convert_element_type3A_121, %cond3A_122 : i32
    scf.if %cond3A_123 {
      %mul3A_232 = arith.constant 2 : i32
      %mul3A_233 = arith.muli %arg0, %mul3A_232 : i32
      %add3A_234 = arith.constant 1 : i32
      %add3A_235 = arith.addi %mul3A_233, %add3A_234 : i32
      %mul3A_236 = arith.constant 12848 : i32
      %mul3A_237 = arith.muli %add3A_235, %mul3A_236 : i32
      "tpu.region"() ({
        %run_scoped3A = tpu.sem_alloc : memref<!tpu.dma_semaphore, #tpu.memory_space<semaphore_mem>>
        %dma_start3A = tpu.memref_slice %arg5[%mul3A_237] : memref<51392xi32, #tpu.memory_space<hbm>> -> memref<12848xi32, #tpu.memory_space<hbm>>
        %dma_start3A_291 = tpu.memref_slice %arg5[%mul3A_237] : memref<51392xi32, #tpu.memory_space<hbm>> -> memref<12848xi32, #tpu.memory_space<hbm>>
        tpu.enqueue_dma source(%dma_start3A_291 : memref<12848xi32, #tpu.memory_space<hbm>>) target(%arg17 : memref<12848xi32, #tpu.memory_space<vmem>>) target_semaphore(%run_scoped3A : memref<!tpu.dma_semaphore, #tpu.memory_space<semaphore_mem>>)
        %dma_wait3A = tpu.memref_slice %arg5[%mul3A_237] : memref<51392xi32, #tpu.memory_space<hbm>> -> memref<12848xi32, #tpu.memory_space<hbm>>
        %dma_wait3A_292 = tpu.memref_slice %arg5[%mul3A_237] : memref<51392xi32, #tpu.memory_space<hbm>> -> memref<12848xi32, #tpu.memory_space<hbm>>
        tpu.wait_dma2 semaphore(%run_scoped3A : memref<!tpu.dma_semaphore, #tpu.memory_space<semaphore_mem>>) src(%dma_wait3A_292 : memref<12848xi32, #tpu.memory_space<hbm>>) dst(%arg17 : memref<12848xi32, #tpu.memory_space<vmem>>)
        tpu.yield
      }) : () -> ()
      "tpu.region"() ({
        %run_scoped3A = tpu.sem_alloc : memref<!tpu.dma_semaphore, #tpu.memory_space<semaphore_mem>>
        %dma_start3A = arith.constant 35840 : i32
        %dma_start3A_291 = tpu.memref_slice %arg21[%dma_start3A] : memref<71680xf32, #tpu.memory_space<vmem_shared>> -> memref<17920xf32, #tpu.memory_space<vmem_shared>>
        %dma_start3A_292 = arith.constant 35840 : i32
        %dma_start3A_293 = tpu.memref_slice %arg21[%dma_start3A_292] : memref<71680xf32, #tpu.memory_space<vmem_shared>> -> memref<17920xf32, #tpu.memory_space<vmem_shared>>
        tpu.enqueue_dma source(%dma_start3A_293 : memref<17920xf32, #tpu.memory_space<vmem_shared>>) target(%arg16 : memref<17920xf32, #tpu.memory_space<vmem>>) target_semaphore(%run_scoped3A : memref<!tpu.dma_semaphore, #tpu.memory_space<semaphore_mem>>)
        %dma_wait3A = arith.constant 35840 : i32
        %dma_wait3A_294 = tpu.memref_slice %arg21[%dma_wait3A] : memref<71680xf32, #tpu.memory_space<vmem_shared>> -> memref<17920xf32, #tpu.memory_space<vmem_shared>>
        %dma_wait3A_295 = arith.constant 35840 : i32
        %dma_wait3A_296 = tpu.memref_slice %arg21[%dma_wait3A_295] : memref<71680xf32, #tpu.memory_space<vmem_shared>> -> memref<17920xf32, #tpu.memory_space<vmem_shared>>
        tpu.wait_dma2 semaphore(%run_scoped3A : memref<!tpu.dma_semaphore, #tpu.memory_space<semaphore_mem>>) src(%dma_wait3A_296 : memref<17920xf32, #tpu.memory_space<vmem_shared>>) dst(%arg16 : memref<17920xf32, #tpu.memory_space<vmem>>)
        tpu.yield
      }) : () -> ()
      %broadcast_in_dim3A = arith.constant 1.280000e+02 : f32
      %broadcast_in_dim3A_238 = vector.broadcast %broadcast_in_dim3A : f32 to vector<16xf32>
      %broadcast_in_dim3A_239 = arith.constant 0.000000e+00 : f32
      %broadcast_in_dim3A_240 = vector.broadcast %broadcast_in_dim3A_239 : f32 to vector<16xf32>
      %scan3A_241 = arith.constant 0 : i32
      %scan3A_242 = arith.constant 280 : i32
      %scan3A_243 = arith.addi %scan3A_241, %scan3A_242 : i32
      %scan3A_244 = arith.constant 1 : i32
      %scan3A_245 = scf.for %scan3A_291 = %scan3A_241 to %scan3A_243 step %scan3A_244 iter_args(%scan3A_292 = %broadcast_in_dim3A_240) -> (vector<16xf32>)  : i32 {
        %mul3A_293 = arith.constant 64 : i32
        %mul3A_294 = arith.muli %scan3A_291, %mul3A_293 : i32
        %get3A_295 = arith.index_cast %mul3A_294 : i32 to index
        %get3A_296 = tpu.vector_load %arg16[%get3A_295] {strides = array<i32>} : memref<17920xf32, #tpu.memory_space<vmem>>, vector<16xf32>,
        %add3A_297 = arith.addf %scan3A_292, %get3A_296 : vector<16xf32>
        %add3A_298 = arith.constant 16 : i32
        %add3A_299 = arith.addi %mul3A_294, %add3A_298 : i32
        %get3A_300 = arith.index_cast %add3A_299 : i32 to index
        %get3A_301 = tpu.vector_load %arg16[%get3A_300] {strides = array<i32>} : memref<17920xf32, #tpu.memory_space<vmem>>, vector<16xf32>,
        %add3A_302 = arith.addf %add3A_297, %get3A_301 : vector<16xf32>
        %add3A_303 = arith.constant 32 : i32
        %add3A_304 = arith.addi %mul3A_294, %add3A_303 : i32
        %get3A_305 = arith.index_cast %add3A_304 : i32 to index
        %get3A_306 = tpu.vector_load %arg16[%get3A_305] {strides = array<i32>} : memref<17920xf32, #tpu.memory_space<vmem>>, vector<16xf32>,
        %add3A_307 = arith.addf %add3A_302, %get3A_306 : vector<16xf32>
        %add3A_308 = arith.constant 48 : i32
        %add3A_309 = arith.addi %mul3A_294, %add3A_308 : i32
        %get3A_310 = arith.index_cast %add3A_309 : i32 to index
        %get3A_311 = tpu.vector_load %arg16[%get3A_310] {strides = array<i32>} : memref<17920xf32, #tpu.memory_space<vmem>>, vector<16xf32>,
        %add3A_312 = arith.addf %add3A_307, %get3A_311 : vector<16xf32>
        scf.yield %add3A_312 : vector<16xf32>
      }
      %scan3A_246 = arith.constant 280 : i32
      %broadcast_in_dim3A_247 = arith.constant true
      %broadcast_in_dim3A_248 = vector.broadcast %broadcast_in_dim3A_247 : i1 to vector<16xi1>
      %masked_cumsum3A = tpu.scan <sum>, %scan3A_245 masked %broadcast_in_dim3A_248 : vector<16xf32>, vector<16xi1> -> vector<16xf32>
      %rev3A = arith.constant 15 : i32
      %rev3A_249 = vector.broadcast %rev3A : i32 to vector<16xi32>
      %rev3A_250 = tpu.iota {dimensions = array<i32: 0>} : vector<16xi32>
      %rev3A_251 = arith.subi %rev3A_249, %rev3A_250 : vector<16xi32>
      %rev3A_252 = tpu.dynamic_gather %masked_cumsum3A[%rev3A_251] in [0] : vector<16xf32>, vector<16xi32> -> vector<16xf32>
      %broadcast_in_dim3A_253 = arith.constant true
      %broadcast_in_dim3A_254 = vector.broadcast %broadcast_in_dim3A_253 : i1 to vector<16xi1>
      %masked_cummax3A = tpu.scan <max>, %rev3A_252 masked %broadcast_in_dim3A_254 : vector<16xf32>, vector<16xi1> -> vector<16xf32>
      %min3A = arith.minimumf %broadcast_in_dim3A_238, %masked_cummax3A : vector<16xf32>
      "tpu.region"() ({
        %run_scoped3A = tpu.sem_alloc : memref<!tpu.dma_semaphore, #tpu.memory_space<semaphore_mem>>
        %dma_start3A = arith.constant 53760 : i32
        %dma_start3A_291 = tpu.memref_slice %arg21[%dma_start3A] : memref<71680xf32, #tpu.memory_space<vmem_shared>> -> memref<17920xf32, #tpu.memory_space<vmem_shared>>
        %dma_start3A_292 = arith.constant 53760 : i32
        %dma_start3A_293 = tpu.memref_slice %arg21[%dma_start3A_292] : memref<71680xf32, #tpu.memory_space<vmem_shared>> -> memref<17920xf32, #tpu.memory_space<vmem_shared>>
        tpu.enqueue_dma source(%dma_start3A_293 : memref<17920xf32, #tpu.memory_space<vmem_shared>>) target(%arg16 : memref<17920xf32, #tpu.memory_space<vmem>>) target_semaphore(%run_scoped3A : memref<!tpu.dma_semaphore, #tpu.memory_space<semaphore_mem>>)
        %dma_wait3A = arith.constant 53760 : i32
        %dma_wait3A_294 = tpu.memref_slice %arg21[%dma_wait3A] : memref<71680xf32, #tpu.memory_space<vmem_shared>> -> memref<17920xf32, #tpu.memory_space<vmem_shared>>
        %dma_wait3A_295 = arith.constant 53760 : i32
        %dma_wait3A_296 = tpu.memref_slice %arg21[%dma_wait3A_295] : memref<71680xf32, #tpu.memory_space<vmem_shared>> -> memref<17920xf32, #tpu.memory_space<vmem_shared>>
        tpu.wait_dma2 semaphore(%run_scoped3A : memref<!tpu.dma_semaphore, #tpu.memory_space<semaphore_mem>>) src(%dma_wait3A_296 : memref<17920xf32, #tpu.memory_space<vmem_shared>>) dst(%arg16 : memref<17920xf32, #tpu.memory_space<vmem>>)
        tpu.yield
      }) : () -> ()
      %broadcast_in_dim3A_255 = arith.constant 0.000000e+00 : f32
      %broadcast_in_dim3A_256 = vector.broadcast %broadcast_in_dim3A_255 : f32 to vector<16xf32>
      %scan3A_257 = arith.constant 0 : i32
      %scan3A_258 = arith.constant 280 : i32
      %scan3A_259 = arith.addi %scan3A_257, %scan3A_258 : i32
      %scan3A_260 = arith.constant 1 : i32
      %scan3A_261 = scf.for %scan3A_291 = %scan3A_257 to %scan3A_259 step %scan3A_260 iter_args(%scan3A_292 = %broadcast_in_dim3A_256) -> (vector<16xf32>)  : i32 {
        %mul3A_293 = arith.constant 64 : i32
        %mul3A_294 = arith.muli %scan3A_291, %mul3A_293 : i32
        %get3A_295 = arith.index_cast %mul3A_294 : i32 to index
        %get3A_296 = tpu.vector_load %arg16[%get3A_295] {strides = array<i32>} : memref<17920xf32, #tpu.memory_space<vmem>>, vector<16xf32>,
        %add3A_297 = arith.addf %scan3A_292, %get3A_296 : vector<16xf32>
        %add3A_298 = arith.constant 16 : i32
        %add3A_299 = arith.addi %mul3A_294, %add3A_298 : i32
        %get3A_300 = arith.index_cast %add3A_299 : i32 to index
        %get3A_301 = tpu.vector_load %arg16[%get3A_300] {strides = array<i32>} : memref<17920xf32, #tpu.memory_space<vmem>>, vector<16xf32>,
        %add3A_302 = arith.addf %add3A_297, %get3A_301 : vector<16xf32>
        %add3A_303 = arith.constant 32 : i32
        %add3A_304 = arith.addi %mul3A_294, %add3A_303 : i32
        %get3A_305 = arith.index_cast %add3A_304 : i32 to index
        %get3A_306 = tpu.vector_load %arg16[%get3A_305] {strides = array<i32>} : memref<17920xf32, #tpu.memory_space<vmem>>, vector<16xf32>,
        %add3A_307 = arith.addf %add3A_302, %get3A_306 : vector<16xf32>
        %add3A_308 = arith.constant 48 : i32
        %add3A_309 = arith.addi %mul3A_294, %add3A_308 : i32
        %get3A_310 = arith.index_cast %add3A_309 : i32 to index
        %get3A_311 = tpu.vector_load %arg16[%get3A_310] {strides = array<i32>} : memref<17920xf32, #tpu.memory_space<vmem>>, vector<16xf32>,
        %add3A_312 = arith.addf %add3A_307, %get3A_311 : vector<16xf32>
        scf.yield %add3A_312 : vector<16xf32>
      }
      %scan3A_262 = arith.constant 280 : i32
      %broadcast_in_dim3A_263 = arith.constant true
      %broadcast_in_dim3A_264 = vector.broadcast %broadcast_in_dim3A_263 : i1 to vector<16xi1>
      %masked_cumsum3A_265 = tpu.scan <sum>, %scan3A_261 masked %broadcast_in_dim3A_264 : vector<16xf32>, vector<16xi1> -> vector<16xf32>
      %rev3A_266 = arith.constant 15 : i32
      %rev3A_267 = vector.broadcast %rev3A_266 : i32 to vector<16xi32>
      %rev3A_268 = tpu.iota {dimensions = array<i32: 0>} : vector<16xi32>
      %rev3A_269 = arith.subi %rev3A_267, %rev3A_268 : vector<16xi32>
      %rev3A_270 = tpu.dynamic_gather %masked_cumsum3A_265[%rev3A_269] in [0] : vector<16xf32>, vector<16xi32> -> vector<16xf32>
      %broadcast_in_dim3A_271 = arith.constant true
      %broadcast_in_dim3A_272 = vector.broadcast %broadcast_in_dim3A_271 : i1 to vector<16xi1>
      %masked_cummax3A_273 = tpu.scan <max>, %rev3A_270 masked %broadcast_in_dim3A_272 : vector<16xf32>, vector<16xi1> -> vector<16xf32>
      %broadcast_in_dim3A_274 = arith.constant 2.560000e+02 : f32
      %broadcast_in_dim3A_275 = vector.broadcast %broadcast_in_dim3A_274 : f32 to vector<16xf32>
      %sub3A = arith.subf %broadcast_in_dim3A_275, %min3A : vector<16xf32>
      %min3A_276 = arith.minimumf %sub3A, %masked_cummax3A_273 : vector<16xf32>
      %broadcast_in_dim3A_277 = arith.constant 0.000000e+00 : f32
      %broadcast_in_dim3A_278 = vector.broadcast %broadcast_in_dim3A_277 : f32 to vector<16xf32>
      %scan3A_279 = arith.constant 0 : i32
      %scan3A_280 = arith.constant 803 : i32
      %scan3A_281 = arith.addi %scan3A_279, %scan3A_280 : i32
      %scan3A_282 = arith.constant 1 : i32
      %scan3A_283 = scf.for %scan3A_291 = %scan3A_279 to %scan3A_281 step %scan3A_282 iter_args(%scan3A_292 = %broadcast_in_dim3A_278) -> (vector<16xf32>)  : i32 {
        %mul3A_293 = arith.constant 16 : i32
        %mul3A_294 = arith.muli %scan3A_291, %mul3A_293 : i32
        %get3A_295 = arith.index_cast %mul3A_294 : i32 to index
        %get3A_296 = tpu.vector_load %arg17[%get3A_295] {strides = array<i32>} : memref<12848xi32, #tpu.memory_space<vmem>>, vector<16xi32>,
        %gather3A = tpu.vector_load_idx %arg16[%get3A_296] : memref<17920xf32, #tpu.memory_space<vmem>>[vector<16xi32>], vector<16xf32>,
        %broadcast_in_dim3A_297 = arith.constant true
        %broadcast_in_dim3A_298 = vector.broadcast %broadcast_in_dim3A_297 : i1 to vector<16xi1>
        %masked_cumsum3A_299 = tpu.scan <sum>, %gather3A masked %broadcast_in_dim3A_298 : vector<16xf32>, vector<16xi1> -> vector<16xf32>
        %sub3A_300 = arith.subf %masked_cumsum3A_299, %gather3A : vector<16xf32>
        %add3A_301 = arith.addf %sub3A_300, %scan3A_292 : vector<16xf32>
        %gt3A = arith.constant 0.000000e+00 : f32
        %gt3A_302 = vector.broadcast %gt3A : f32 to vector<16xf32>
        %gt3A_303 = arith.cmpf ogt, %gather3A, %gt3A_302 : vector<16xf32>
        %lt3A = arith.cmpf olt, %add3A_301, %min3A_276 : vector<16xf32>
        %and3A = arith.andi %gt3A_303, %lt3A : vector<16xi1>
        %jit3A = arith.constant 1.000000e+00 : f32
        %jit3A_304 = arith.constant 0.000000e+00 : f32
        %broadcast_in_dim3A_305 = vector.broadcast %jit3A : f32 to vector<16xf32>
        %broadcast_in_dim3A_306 = vector.broadcast %jit3A_304 : f32 to vector<16xf32>
        %select_n3A = arith.select %and3A, %broadcast_in_dim3A_305, %broadcast_in_dim3A_306 : vector<16xi1>, vector<16xf32>
        tpu.vector_store_idx %arg16[%get3A_296], %select_n3A : memref<17920xf32, #tpu.memory_space<vmem>>[vector<16xi32>], vector<16xf32>,
        %rev3A_307 = arith.constant 15 : i32
        %rev3A_308 = vector.broadcast %rev3A_307 : i32 to vector<16xi32>
        %rev3A_309 = tpu.iota {dimensions = array<i32: 0>} : vector<16xi32>
        %rev3A_310 = arith.subi %rev3A_308, %rev3A_309 : vector<16xi32>
        %rev3A_311 = tpu.dynamic_gather %masked_cumsum3A_299[%rev3A_310] in [0] : vector<16xf32>, vector<16xi32> -> vector<16xf32>
        %broadcast_in_dim3A_312 = arith.constant true
        %broadcast_in_dim3A_313 = vector.broadcast %broadcast_in_dim3A_312 : i1 to vector<16xi1>
        %masked_cummax3A_314 = tpu.scan <max>, %rev3A_311 masked %broadcast_in_dim3A_313 : vector<16xf32>, vector<16xi1> -> vector<16xf32>
        %add3A_315 = arith.addf %scan3A_292, %masked_cummax3A_314 : vector<16xf32>
        scf.yield %add3A_315 : vector<16xf32>
      }
      %scan3A_284 = arith.constant 803 : i32
      %add3A_285 = arith.addf %min3A, %min3A_276 : vector<16xf32>
      %max3A = arith.constant 1.000000e+00 : f32
      %max3A_286 = vector.broadcast %max3A : f32 to vector<16xf32>
      %max3A_287 = arith.maximumf %add3A_285, %max3A_286 : vector<16xf32>
      %div3A = arith.constant 1.000000e+00 : f32
      %div3A_288 = vector.broadcast %div3A : f32 to vector<16xf32>
      %div3A_289 = arith.divf %div3A_288, %max3A_287 : vector<16xf32>
      %swap3A = arith.constant 0 : index
      %swap3A_290 = tpu.vector_load %arg19[%swap3A] {strides = array<i32>} : memref<16xf32, #tpu.memory_space<vmem>>, vector<16xf32>,
      tpu.vector_store %arg19[%swap3A], %div3A_289 {strides = array<i32>} : memref<16xf32, #tpu.memory_space<vmem>>, vector<16xf32>,
      "tpu.region"() ({
        %run_scoped3A = tpu.sem_alloc : memref<!tpu.dma_semaphore, #tpu.memory_space<semaphore_mem>>
        %dma_start3A = arith.constant 16 : i32
        %dma_start3A_291 = tpu.memref_slice %arg23[%dma_start3A] : memref<32xf32, #tpu.memory_space<vmem_shared>> -> memref<16xf32, #tpu.memory_space<vmem_shared>>
        %dma_start3A_292 = arith.constant 16 : i32
        %dma_start3A_293 = tpu.memref_slice %arg23[%dma_start3A_292] : memref<32xf32, #tpu.memory_space<vmem_shared>> -> memref<16xf32, #tpu.memory_space<vmem_shared>>
        tpu.enqueue_dma source(%arg19 : memref<16xf32, #tpu.memory_space<vmem>>) target(%dma_start3A_293 : memref<16xf32, #tpu.memory_space<vmem_shared>>) target_semaphore(%run_scoped3A : memref<!tpu.dma_semaphore, #tpu.memory_space<semaphore_mem>>)
        %dma_wait3A = arith.constant 16 : i32
        %dma_wait3A_294 = tpu.memref_slice %arg23[%dma_wait3A] : memref<32xf32, #tpu.memory_space<vmem_shared>> -> memref<16xf32, #tpu.memory_space<vmem_shared>>
        %dma_wait3A_295 = arith.constant 16 : i32
        %dma_wait3A_296 = tpu.memref_slice %arg23[%dma_wait3A_295] : memref<32xf32, #tpu.memory_space<vmem_shared>> -> memref<16xf32, #tpu.memory_space<vmem_shared>>
        tpu.wait_dma2 semaphore(%run_scoped3A : memref<!tpu.dma_semaphore, #tpu.memory_space<semaphore_mem>>) src(%arg19 : memref<16xf32, #tpu.memory_space<vmem>>) dst(%dma_wait3A_296 : memref<16xf32, #tpu.memory_space<vmem_shared>>)
        tpu.yield
      }) : () -> ()
      "tpu.region"() ({
        %run_scoped3A = tpu.sem_alloc : memref<!tpu.dma_semaphore, #tpu.memory_space<semaphore_mem>>
        %dma_start3A = arith.constant 53760 : i32
        %dma_start3A_291 = tpu.memref_slice %arg22[%dma_start3A] : memref<71680xf32, #tpu.memory_space<vmem_shared>> -> memref<17920xf32, #tpu.memory_space<vmem_shared>>
        %dma_start3A_292 = arith.constant 53760 : i32
        %dma_start3A_293 = tpu.memref_slice %arg22[%dma_start3A_292] : memref<71680xf32, #tpu.memory_space<vmem_shared>> -> memref<17920xf32, #tpu.memory_space<vmem_shared>>
        tpu.enqueue_dma source(%arg16 : memref<17920xf32, #tpu.memory_space<vmem>>) target(%dma_start3A_293 : memref<17920xf32, #tpu.memory_space<vmem_shared>>) target_semaphore(%run_scoped3A : memref<!tpu.dma_semaphore, #tpu.memory_space<semaphore_mem>>)
        %dma_wait3A = arith.constant 53760 : i32
        %dma_wait3A_294 = tpu.memref_slice %arg22[%dma_wait3A] : memref<71680xf32, #tpu.memory_space<vmem_shared>> -> memref<17920xf32, #tpu.memory_space<vmem_shared>>
        %dma_wait3A_295 = arith.constant 53760 : i32
        %dma_wait3A_296 = tpu.memref_slice %arg22[%dma_wait3A_295] : memref<71680xf32, #tpu.memory_space<vmem_shared>> -> memref<17920xf32, #tpu.memory_space<vmem_shared>>
        tpu.wait_dma2 semaphore(%run_scoped3A : memref<!tpu.dma_semaphore, #tpu.memory_space<semaphore_mem>>) src(%arg16 : memref<17920xf32, #tpu.memory_space<vmem>>) dst(%dma_wait3A_296 : memref<17920xf32, #tpu.memory_space<vmem_shared>>)
        tpu.yield
      }) : () -> ()
    } else {
    }
    %barrier3A_124 = arith.constant 0 : index
    tpu.barrier barrier_id(%barrier3A_124)
    %mul3A_125 = arith.constant 2 : i32
    %mul3A_126 = arith.muli %arg0, %mul3A_125 : i32
    %add3A_127 = arith.constant 0 : i32
    %add3A_128 = arith.addi %mul3A_126, %add3A_127 : i32
    %add3A_129 = arith.constant 0 : i32
    %add3A_130 = arith.addi %add3A_129, %mul3A_0 : i32
    "tpu.region"() ({
      %run_scoped3A = tpu.sem_alloc : memref<!tpu.dma_semaphore, #tpu.memory_space<semaphore_mem>>
      %dma_start3A = arith.constant 0 : i32
      %dma_start3A_232 = tpu.memref_slice %arg18[%dma_start3A] : memref<2240xf32, #tpu.memory_space<vmem>> -> memref<1120xf32, #tpu.memory_space<vmem>>
      %dma_start3A_233 = tpu.memref_slice %arg22[%add3A_130] : memref<71680xf32, #tpu.memory_space<vmem_shared>> -> memref<1120xf32, #tpu.memory_space<vmem_shared>>
      %dma_start3A_234 = arith.constant 0 : i32
      %dma_start3A_235 = tpu.memref_slice %arg18[%dma_start3A_234] : memref<2240xf32, #tpu.memory_space<vmem>> -> memref<1120xf32, #tpu.memory_space<vmem>>
      %dma_start3A_236 = tpu.memref_slice %arg22[%add3A_130] : memref<71680xf32, #tpu.memory_space<vmem_shared>> -> memref<1120xf32, #tpu.memory_space<vmem_shared>>
      tpu.enqueue_dma source(%dma_start3A_236 : memref<1120xf32, #tpu.memory_space<vmem_shared>>) target(%dma_start3A_235 : memref<1120xf32, #tpu.memory_space<vmem>>) target_semaphore(%run_scoped3A : memref<!tpu.dma_semaphore, #tpu.memory_space<semaphore_mem>>)
      %dma_wait3A = arith.constant 0 : i32
      %dma_wait3A_237 = tpu.memref_slice %arg18[%dma_wait3A] : memref<2240xf32, #tpu.memory_space<vmem>> -> memref<1120xf32, #tpu.memory_space<vmem>>
      %dma_wait3A_238 = tpu.memref_slice %arg22[%add3A_130] : memref<71680xf32, #tpu.memory_space<vmem_shared>> -> memref<1120xf32, #tpu.memory_space<vmem_shared>>
      %dma_wait3A_239 = arith.constant 0 : i32
      %dma_wait3A_240 = tpu.memref_slice %arg18[%dma_wait3A_239] : memref<2240xf32, #tpu.memory_space<vmem>> -> memref<1120xf32, #tpu.memory_space<vmem>>
      %dma_wait3A_241 = tpu.memref_slice %arg22[%add3A_130] : memref<71680xf32, #tpu.memory_space<vmem_shared>> -> memref<1120xf32, #tpu.memory_space<vmem_shared>>
      tpu.wait_dma2 semaphore(%run_scoped3A : memref<!tpu.dma_semaphore, #tpu.memory_space<semaphore_mem>>) src(%dma_wait3A_241 : memref<1120xf32, #tpu.memory_space<vmem_shared>>) dst(%dma_wait3A_240 : memref<1120xf32, #tpu.memory_space<vmem>>)
      tpu.yield
    }) : () -> ()
    %add3A_131 = arith.constant 17920 : i32
    %add3A_132 = arith.addi %add3A_131, %mul3A_0 : i32
    "tpu.region"() ({
      %run_scoped3A = tpu.sem_alloc : memref<!tpu.dma_semaphore, #tpu.memory_space<semaphore_mem>>
      %dma_start3A = arith.constant 1120 : i32
      %dma_start3A_232 = tpu.memref_slice %arg18[%dma_start3A] : memref<2240xf32, #tpu.memory_space<vmem>> -> memref<1120xf32, #tpu.memory_space<vmem>>
      %dma_start3A_233 = tpu.memref_slice %arg22[%add3A_132] : memref<71680xf32, #tpu.memory_space<vmem_shared>> -> memref<1120xf32, #tpu.memory_space<vmem_shared>>
      %dma_start3A_234 = arith.constant 1120 : i32
      %dma_start3A_235 = tpu.memref_slice %arg18[%dma_start3A_234] : memref<2240xf32, #tpu.memory_space<vmem>> -> memref<1120xf32, #tpu.memory_space<vmem>>
      %dma_start3A_236 = tpu.memref_slice %arg22[%add3A_132] : memref<71680xf32, #tpu.memory_space<vmem_shared>> -> memref<1120xf32, #tpu.memory_space<vmem_shared>>
      tpu.enqueue_dma source(%dma_start3A_236 : memref<1120xf32, #tpu.memory_space<vmem_shared>>) target(%dma_start3A_235 : memref<1120xf32, #tpu.memory_space<vmem>>) target_semaphore(%run_scoped3A : memref<!tpu.dma_semaphore, #tpu.memory_space<semaphore_mem>>)
      %dma_wait3A = arith.constant 1120 : i32
      %dma_wait3A_237 = tpu.memref_slice %arg18[%dma_wait3A] : memref<2240xf32, #tpu.memory_space<vmem>> -> memref<1120xf32, #tpu.memory_space<vmem>>
      %dma_wait3A_238 = tpu.memref_slice %arg22[%add3A_132] : memref<71680xf32, #tpu.memory_space<vmem_shared>> -> memref<1120xf32, #tpu.memory_space<vmem_shared>>
      %dma_wait3A_239 = arith.constant 1120 : i32
      %dma_wait3A_240 = tpu.memref_slice %arg18[%dma_wait3A_239] : memref<2240xf32, #tpu.memory_space<vmem>> -> memref<1120xf32, #tpu.memory_space<vmem>>
      %dma_wait3A_241 = tpu.memref_slice %arg22[%add3A_132] : memref<71680xf32, #tpu.memory_space<vmem_shared>> -> memref<1120xf32, #tpu.memory_space<vmem_shared>>
      tpu.wait_dma2 semaphore(%run_scoped3A : memref<!tpu.dma_semaphore, #tpu.memory_space<semaphore_mem>>) src(%dma_wait3A_241 : memref<1120xf32, #tpu.memory_space<vmem_shared>>) dst(%dma_wait3A_240 : memref<1120xf32, #tpu.memory_space<vmem>>)
      tpu.yield
    }) : () -> ()
    "tpu.region"() ({
      %run_scoped3A = tpu.sem_alloc : memref<!tpu.dma_semaphore, #tpu.memory_space<semaphore_mem>>
      %dma_start3A = arith.constant 0 : i32
      %dma_start3A_232 = tpu.memref_slice %arg23[%dma_start3A] : memref<32xf32, #tpu.memory_space<vmem_shared>> -> memref<16xf32, #tpu.memory_space<vmem_shared>>
      %dma_start3A_233 = arith.constant 0 : i32
      %dma_start3A_234 = tpu.memref_slice %arg23[%dma_start3A_233] : memref<32xf32, #tpu.memory_space<vmem_shared>> -> memref<16xf32, #tpu.memory_space<vmem_shared>>
      tpu.enqueue_dma source(%dma_start3A_234 : memref<16xf32, #tpu.memory_space<vmem_shared>>) target(%arg19 : memref<16xf32, #tpu.memory_space<vmem>>) target_semaphore(%run_scoped3A : memref<!tpu.dma_semaphore, #tpu.memory_space<semaphore_mem>>)
      %dma_wait3A = arith.constant 0 : i32
      %dma_wait3A_235 = tpu.memref_slice %arg23[%dma_wait3A] : memref<32xf32, #tpu.memory_space<vmem_shared>> -> memref<16xf32, #tpu.memory_space<vmem_shared>>
      %dma_wait3A_236 = arith.constant 0 : i32
      %dma_wait3A_237 = tpu.memref_slice %arg23[%dma_wait3A_236] : memref<32xf32, #tpu.memory_space<vmem_shared>> -> memref<16xf32, #tpu.memory_space<vmem_shared>>
      tpu.wait_dma2 semaphore(%run_scoped3A : memref<!tpu.dma_semaphore, #tpu.memory_space<semaphore_mem>>) src(%dma_wait3A_237 : memref<16xf32, #tpu.memory_space<vmem_shared>>) dst(%arg19 : memref<16xf32, #tpu.memory_space<vmem>>)
      tpu.yield
    }) : () -> ()
    %get3A = arith.constant 0 : index
    %get3A_133 = tpu.vector_load %arg19[%get3A] {strides = array<i32>} : memref<16xf32, #tpu.memory_space<vmem>>, vector<16xf32>,
    %scan3A_134 = arith.constant 0 : i32
    %scan3A_135 = arith.constant 0 : i32
    %scan3A_136 = arith.constant 70 : i32
    %scan3A_137 = arith.addi %scan3A_135, %scan3A_136 : i32
    %scan3A_138 = arith.constant 1 : i32
    %scan3A_139 = scf.for %scan3A_232 = %scan3A_135 to %scan3A_137 step %scan3A_138 iter_args(%scan3A_233 = %scan3A_134) -> (i32)  : i32 {
      %mul3A_234 = arith.constant 16 : i32
      %mul3A_235 = arith.muli %scan3A_232, %mul3A_234 : i32
      %add3A_236 = arith.constant 7840 : i32
      %add3A_237 = arith.addi %add3A_236, %mul3A_235 : i32
      %get3A_238 = arith.index_cast %add3A_237 : i32 to index
      %get3A_239 = tpu.vector_load %arg13[%get3A_238] {strides = array<i32>} : memref<17920xf32, #tpu.memory_space<vmem>>, vector<16xf32>,
      %gt3A = arith.constant 0.000000e+00 : f32
      %gt3A_240 = vector.broadcast %gt3A : f32 to vector<16xf32>
      %gt3A_241 = arith.cmpf ogt, %get3A_239, %gt3A_240 : vector<16xf32>
      %add3A_242 = arith.constant 8960 : i32
      %add3A_243 = arith.addi %add3A_242, %mul3A_235 : i32
      %get3A_244 = arith.index_cast %add3A_243 : i32 to index
      %get3A_245 = tpu.vector_load %arg13[%get3A_244] {strides = array<i32>} : memref<17920xf32, #tpu.memory_space<vmem>>, vector<16xf32>,
      %gt3A_246 = arith.constant 0.000000e+00 : f32
      %gt3A_247 = vector.broadcast %gt3A_246 : f32 to vector<16xf32>
      %gt3A_248 = arith.cmpf ogt, %get3A_245, %gt3A_247 : vector<16xf32>
      %add3A_249 = arith.constant 6720 : i32
      %add3A_250 = arith.addi %add3A_249, %mul3A_235 : i32
      %get3A_251 = arith.index_cast %add3A_250 : i32 to index
      %get3A_252 = tpu.vector_load %arg13[%get3A_251] {strides = array<i32>} : memref<17920xf32, #tpu.memory_space<vmem>>, vector<16xf32>,
      %get3A_253 = arith.index_cast %mul3A_235 : i32 to index
      %get3A_254 = tpu.vector_load %arg18[%get3A_253] {strides = array<i32>} : memref<2240xf32, #tpu.memory_space<vmem>>, vector<16xf32>,
      %lt3A = arith.constant 5.000000e-01 : f32
      %lt3A_255 = vector.broadcast %lt3A : f32 to vector<16xf32>
      %lt3A_256 = arith.cmpf olt, %get3A_254, %lt3A_255 : vector<16xf32>
      %and3A = arith.andi %gt3A_241, %lt3A_256 : vector<16xi1>
      %jit3A = arith.constant -1.000000e+00 : f32
      %broadcast_in_dim3A = vector.broadcast %jit3A : f32 to vector<16xf32>
      %select_n3A = arith.select %and3A, %broadcast_in_dim3A, %get3A_252 : vector<16xi1>, vector<16xf32>
      %add3A_257 = arith.constant 1120 : i32
      %add3A_258 = arith.addi %add3A_257, %mul3A_235 : i32
      %get3A_259 = arith.index_cast %add3A_258 : i32 to index
      %get3A_260 = tpu.vector_load %arg18[%get3A_259] {strides = array<i32>} : memref<2240xf32, #tpu.memory_space<vmem>>, vector<16xf32>,
      %lt3A_261 = arith.constant 5.000000e-01 : f32
      %lt3A_262 = vector.broadcast %lt3A_261 : f32 to vector<16xf32>
      %lt3A_263 = arith.cmpf olt, %get3A_260, %lt3A_262 : vector<16xf32>
      %and3A_264 = arith.andi %gt3A_248, %lt3A_263 : vector<16xi1>
      %jit3A_265 = arith.constant -1.000000e+00 : f32
      %broadcast_in_dim3A_266 = vector.broadcast %jit3A_265 : f32 to vector<16xf32>
      %select_n3A_267 = arith.select %and3A_264, %broadcast_in_dim3A_266, %select_n3A : vector<16xi1>, vector<16xf32>
      %add3A_268 = arith.constant 6720 : i32
      %add3A_269 = arith.addi %add3A_268, %mul3A_235 : i32
      %swap3A = arith.index_cast %add3A_269 : i32 to index
      %swap3A_270 = tpu.vector_load %arg13[%swap3A] {strides = array<i32>} : memref<17920xf32, #tpu.memory_space<vmem>>, vector<16xf32>,
      tpu.vector_store %arg13[%swap3A], %select_n3A_267 {strides = array<i32>} : memref<17920xf32, #tpu.memory_space<vmem>>, vector<16xf32>,
      %eq3A_271 = arith.constant 1.000000e+00 : f32
      %eq3A_272 = vector.broadcast %eq3A_271 : f32 to vector<16xf32>
      %eq3A_273 = arith.cmpf oeq, %select_n3A_267, %eq3A_272 : vector<16xf32>
      %jit3A_274 = arith.constant 1.000000e+00 : f32
      %jit3A_275 = arith.constant 0.000000e+00 : f32
      %broadcast_in_dim3A_276 = vector.broadcast %jit3A_274 : f32 to vector<16xf32>
      %broadcast_in_dim3A_277 = vector.broadcast %jit3A_275 : f32 to vector<16xf32>
      %select_n3A_278 = arith.select %eq3A_273, %broadcast_in_dim3A_276, %broadcast_in_dim3A_277 : vector<16xi1>, vector<16xf32>
      %add3A_279 = arith.constant 7840 : i32
      %add3A_280 = arith.addi %add3A_279, %mul3A_235 : i32
      %swap3A_281 = arith.index_cast %add3A_280 : i32 to index
      %swap3A_282 = tpu.vector_load %arg13[%swap3A_281] {strides = array<i32>} : memref<17920xf32, #tpu.memory_space<vmem>>, vector<16xf32>,
      tpu.vector_store %arg13[%swap3A_281], %select_n3A_278 {strides = array<i32>} : memref<17920xf32, #tpu.memory_space<vmem>>, vector<16xf32>,
      %ge3A = arith.constant 0.000000e+00 : f32
      %ge3A_283 = vector.broadcast %ge3A : f32 to vector<16xf32>
      %ge3A_284 = arith.cmpf oge, %select_n3A_267, %ge3A_283 : vector<16xf32>
      %jit3A_285 = arith.constant 0.000000e+00 : f32
      %broadcast_in_dim3A_286 = vector.broadcast %jit3A_285 : f32 to vector<16xf32>
      %select_n3A_287 = arith.select %ge3A_284, %get3A_133, %broadcast_in_dim3A_286 : vector<16xi1>, vector<16xf32>
      %add3A_288 = arith.constant 8960 : i32
      %add3A_289 = arith.addi %add3A_288, %mul3A_235 : i32
      %swap3A_290 = arith.index_cast %add3A_289 : i32 to index
      %swap3A_291 = tpu.vector_load %arg13[%swap3A_290] {strides = array<i32>} : memref<17920xf32, #tpu.memory_space<vmem>>, vector<16xf32>,
      tpu.vector_store %arg13[%swap3A_290], %select_n3A_287 {strides = array<i32>} : memref<17920xf32, #tpu.memory_space<vmem>>, vector<16xf32>,
      %add3A_292 = arith.constant 12320 : i32
      %add3A_293 = arith.addi %add3A_292, %mul3A_235 : i32
      %get3A_294 = arith.index_cast %add3A_293 : i32 to index
      %get3A_295 = tpu.vector_load %arg10[%get3A_294] {strides = array<i32>} : memref<13440xf32, #tpu.memory_space<vmem>>, vector<16xf32>,
      %add3A_296 = arith.constant 2240 : i32
      %add3A_297 = arith.addi %add3A_296, %mul3A_235 : i32
      %get3A_298 = arith.index_cast %add3A_297 : i32 to index
      %get3A_299 = tpu.vector_load %arg13[%get3A_298] {strides = array<i32>} : memref<17920xf32, #tpu.memory_space<vmem>>, vector<16xf32>,
      %add3A_300 = arith.constant 5600 : i32
      %add3A_301 = arith.addi %add3A_300, %mul3A_235 : i32
      %get3A_302 = arith.index_cast %add3A_301 : i32 to index
      %get3A_303 = tpu.vector_load %arg10[%get3A_302] {strides = array<i32>} : memref<13440xf32, #tpu.memory_space<vmem>>, vector<16xf32>,
      %sub3A = arith.subf %get3A_299, %get3A_303 : vector<16xf32>
      %add3A_304 = arith.constant 7840 : i32
      %add3A_305 = arith.addi %add3A_304, %mul3A_235 : i32
      %get3A_306 = arith.index_cast %add3A_305 : i32 to index
      %get3A_307 = tpu.vector_load %arg10[%get3A_306] {strides = array<i32>} : memref<13440xf32, #tpu.memory_space<vmem>>, vector<16xf32>,
      %mul3A_308 = arith.mulf %sub3A, %get3A_307 : vector<16xf32>
      %mul3A_309 = arith.mulf %mul3A_308, %get3A_295 : vector<16xf32>
      %add3A_310 = arith.constant 0 : i32
      %add3A_311 = arith.addi %add3A_310, %mul3A_235 : i32
      %swap3A_312 = arith.index_cast %add3A_311 : i32 to index
      %swap3A_313 = tpu.vector_load %arg12[%swap3A_312] {strides = array<i32>} : memref<22400xf32, #tpu.memory_space<vmem>>, vector<16xf32>,
      tpu.vector_store %arg12[%swap3A_312], %mul3A_309 {strides = array<i32>} : memref<22400xf32, #tpu.memory_space<vmem>>, vector<16xf32>,
      %add3A_314 = arith.constant 3360 : i32
      %add3A_315 = arith.addi %add3A_314, %mul3A_235 : i32
      %get3A_316 = arith.index_cast %add3A_315 : i32 to index
      %get3A_317 = tpu.vector_load %arg13[%get3A_316] {strides = array<i32>} : memref<17920xf32, #tpu.memory_space<vmem>>, vector<16xf32>,
      %add3A_318 = arith.constant 6720 : i32
      %add3A_319 = arith.addi %add3A_318, %mul3A_235 : i32
      %get3A_320 = arith.index_cast %add3A_319 : i32 to index
      %get3A_321 = tpu.vector_load %arg10[%get3A_320] {strides = array<i32>} : memref<13440xf32, #tpu.memory_space<vmem>>, vector<16xf32>,
      %sub3A_322 = arith.subf %get3A_317, %get3A_321 : vector<16xf32>
      %add3A_323 = arith.constant 8960 : i32
      %add3A_324 = arith.addi %add3A_323, %mul3A_235 : i32
      %get3A_325 = arith.index_cast %add3A_324 : i32 to index
      %get3A_326 = tpu.vector_load %arg10[%get3A_325] {strides = array<i32>} : memref<13440xf32, #tpu.memory_space<vmem>>, vector<16xf32>,
      %mul3A_327 = arith.mulf %sub3A_322, %get3A_326 : vector<16xf32>
      %mul3A_328 = arith.mulf %mul3A_327, %get3A_295 : vector<16xf32>
      %add3A_329 = arith.constant 1120 : i32
      %add3A_330 = arith.addi %add3A_329, %mul3A_235 : i32
      %swap3A_331 = arith.index_cast %add3A_330 : i32 to index
      %swap3A_332 = tpu.vector_load %arg12[%swap3A_331] {strides = array<i32>} : memref<22400xf32, #tpu.memory_space<vmem>>, vector<16xf32>,
      tpu.vector_store %arg12[%swap3A_331], %mul3A_328 {strides = array<i32>} : memref<22400xf32, #tpu.memory_space<vmem>>, vector<16xf32>,
      %add3A_333 = arith.constant 4480 : i32
      %add3A_334 = arith.addi %add3A_333, %mul3A_235 : i32
      %get3A_335 = arith.index_cast %add3A_334 : i32 to index
      %get3A_336 = tpu.vector_load %arg13[%get3A_335] {strides = array<i32>} : memref<17920xf32, #tpu.memory_space<vmem>>, vector<16xf32>,
      %add3A_337 = arith.constant 10080 : i32
      %add3A_338 = arith.addi %add3A_337, %mul3A_235 : i32
      %get3A_339 = arith.index_cast %add3A_338 : i32 to index
      %get3A_340 = tpu.vector_load %arg10[%get3A_339] {strides = array<i32>} : memref<13440xf32, #tpu.memory_space<vmem>>, vector<16xf32>,
      %sub3A_341 = arith.subf %get3A_336, %get3A_340 : vector<16xf32>
      %mul3A_342 = arith.mulf %sub3A_341, %get3A_295 : vector<16xf32>
      %add3A_343 = arith.constant 2240 : i32
      %add3A_344 = arith.addi %add3A_343, %mul3A_235 : i32
      %swap3A_345 = arith.index_cast %add3A_344 : i32 to index
      %swap3A_346 = tpu.vector_load %arg12[%swap3A_345] {strides = array<i32>} : memref<22400xf32, #tpu.memory_space<vmem>>, vector<16xf32>,
      tpu.vector_store %arg12[%swap3A_345], %mul3A_342 {strides = array<i32>} : memref<22400xf32, #tpu.memory_space<vmem>>, vector<16xf32>,
      %add3A_347 = arith.constant 5600 : i32
      %add3A_348 = arith.addi %add3A_347, %mul3A_235 : i32
      %get3A_349 = arith.index_cast %add3A_348 : i32 to index
      %get3A_350 = tpu.vector_load %arg13[%get3A_349] {strides = array<i32>} : memref<17920xf32, #tpu.memory_space<vmem>>, vector<16xf32>,
      %add3A_351 = arith.constant 11200 : i32
      %add3A_352 = arith.addi %add3A_351, %mul3A_235 : i32
      %get3A_353 = arith.index_cast %add3A_352 : i32 to index
      %get3A_354 = tpu.vector_load %arg10[%get3A_353] {strides = array<i32>} : memref<13440xf32, #tpu.memory_space<vmem>>, vector<16xf32>,
      %sub3A_355 = arith.subf %get3A_350, %get3A_354 : vector<16xf32>
      %mul3A_356 = arith.mulf %sub3A_355, %get3A_295 : vector<16xf32>
      %add3A_357 = arith.constant 3360 : i32
      %add3A_358 = arith.addi %add3A_357, %mul3A_235 : i32
      %swap3A_359 = arith.index_cast %add3A_358 : i32 to index
      %swap3A_360 = tpu.vector_load %arg12[%swap3A_359] {strides = array<i32>} : memref<22400xf32, #tpu.memory_space<vmem>>, vector<16xf32>,
      tpu.vector_store %arg12[%swap3A_359], %mul3A_356 {strides = array<i32>} : memref<22400xf32, #tpu.memory_space<vmem>>, vector<16xf32>,
      %scan3A_361 = arith.constant 0 : i32
      scf.yield %scan3A_361 : i32
    }
    %scan3A_140 = arith.constant 70 : i32
    %mul3A_141 = arith.constant 17920 : i32
    %mul3A_142 = arith.muli %add3A_128, %mul3A_141 : i32
    %add3A_143 = arith.addi %mul3A_142, %mul3A_0 : i32
    "tpu.region"() ({
      %run_scoped3A = tpu.sem_alloc : memref<!tpu.dma_semaphore, #tpu.memory_space<semaphore_mem>>
      %dma_start3A = arith.constant 6720 : i32
      %dma_start3A_232 = tpu.memref_slice %arg13[%dma_start3A] : memref<17920xf32, #tpu.memory_space<vmem>> -> memref<1120xf32, #tpu.memory_space<vmem>>
      %dma_start3A_233 = tpu.memref_slice %arg6[%add3A_143] : memref<71680xf32, #tpu.memory_space<hbm>> -> memref<1120xf32, #tpu.memory_space<hbm>>
      %dma_start3A_234 = tpu.memref_slice %arg6[%add3A_143] : memref<71680xf32, #tpu.memory_space<hbm>> -> memref<1120xf32, #tpu.memory_space<hbm>>
      %dma_start3A_235 = arith.constant 6720 : i32
      %dma_start3A_236 = tpu.memref_slice %arg13[%dma_start3A_235] : memref<17920xf32, #tpu.memory_space<vmem>> -> memref<1120xf32, #tpu.memory_space<vmem>>
      tpu.enqueue_dma source(%dma_start3A_236 : memref<1120xf32, #tpu.memory_space<vmem>>) target(%dma_start3A_234 : memref<1120xf32, #tpu.memory_space<hbm>>) target_semaphore(%run_scoped3A : memref<!tpu.dma_semaphore, #tpu.memory_space<semaphore_mem>>)
      %dma_wait3A = arith.constant 6720 : i32
      %dma_wait3A_237 = tpu.memref_slice %arg13[%dma_wait3A] : memref<17920xf32, #tpu.memory_space<vmem>> -> memref<1120xf32, #tpu.memory_space<vmem>>
      %dma_wait3A_238 = tpu.memref_slice %arg6[%add3A_143] : memref<71680xf32, #tpu.memory_space<hbm>> -> memref<1120xf32, #tpu.memory_space<hbm>>
      %dma_wait3A_239 = tpu.memref_slice %arg6[%add3A_143] : memref<71680xf32, #tpu.memory_space<hbm>> -> memref<1120xf32, #tpu.memory_space<hbm>>
      %dma_wait3A_240 = arith.constant 6720 : i32
      %dma_wait3A_241 = tpu.memref_slice %arg13[%dma_wait3A_240] : memref<17920xf32, #tpu.memory_space<vmem>> -> memref<1120xf32, #tpu.memory_space<vmem>>
      tpu.wait_dma2 semaphore(%run_scoped3A : memref<!tpu.dma_semaphore, #tpu.memory_space<semaphore_mem>>) src(%dma_wait3A_241 : memref<1120xf32, #tpu.memory_space<vmem>>) dst(%dma_wait3A_239 : memref<1120xf32, #tpu.memory_space<hbm>>)
      tpu.yield
    }) : () -> ()
    %mul3A_144 = arith.constant 17920 : i32
    %mul3A_145 = arith.muli %add3A_128, %mul3A_144 : i32
    %add3A_146 = arith.addi %mul3A_145, %mul3A_0 : i32
    "tpu.region"() ({
      %run_scoped3A = tpu.sem_alloc : memref<!tpu.dma_semaphore, #tpu.memory_space<semaphore_mem>>
      %dma_start3A = arith.constant 7840 : i32
      %dma_start3A_232 = tpu.memref_slice %arg13[%dma_start3A] : memref<17920xf32, #tpu.memory_space<vmem>> -> memref<1120xf32, #tpu.memory_space<vmem>>
      %dma_start3A_233 = tpu.memref_slice %arg8[%add3A_146] : memref<71680xf32, #tpu.memory_space<hbm>> -> memref<1120xf32, #tpu.memory_space<hbm>>
      %dma_start3A_234 = tpu.memref_slice %arg8[%add3A_146] : memref<71680xf32, #tpu.memory_space<hbm>> -> memref<1120xf32, #tpu.memory_space<hbm>>
      %dma_start3A_235 = arith.constant 7840 : i32
      %dma_start3A_236 = tpu.memref_slice %arg13[%dma_start3A_235] : memref<17920xf32, #tpu.memory_space<vmem>> -> memref<1120xf32, #tpu.memory_space<vmem>>
      tpu.enqueue_dma source(%dma_start3A_236 : memref<1120xf32, #tpu.memory_space<vmem>>) target(%dma_start3A_234 : memref<1120xf32, #tpu.memory_space<hbm>>) target_semaphore(%run_scoped3A : memref<!tpu.dma_semaphore, #tpu.memory_space<semaphore_mem>>)
      %dma_wait3A = arith.constant 7840 : i32
      %dma_wait3A_237 = tpu.memref_slice %arg13[%dma_wait3A] : memref<17920xf32, #tpu.memory_space<vmem>> -> memref<1120xf32, #tpu.memory_space<vmem>>
      %dma_wait3A_238 = tpu.memref_slice %arg8[%add3A_146] : memref<71680xf32, #tpu.memory_space<hbm>> -> memref<1120xf32, #tpu.memory_space<hbm>>
      %dma_wait3A_239 = tpu.memref_slice %arg8[%add3A_146] : memref<71680xf32, #tpu.memory_space<hbm>> -> memref<1120xf32, #tpu.memory_space<hbm>>
      %dma_wait3A_240 = arith.constant 7840 : i32
      %dma_wait3A_241 = tpu.memref_slice %arg13[%dma_wait3A_240] : memref<17920xf32, #tpu.memory_space<vmem>> -> memref<1120xf32, #tpu.memory_space<vmem>>
      tpu.wait_dma2 semaphore(%run_scoped3A : memref<!tpu.dma_semaphore, #tpu.memory_space<semaphore_mem>>) src(%dma_wait3A_241 : memref<1120xf32, #tpu.memory_space<vmem>>) dst(%dma_wait3A_239 : memref<1120xf32, #tpu.memory_space<hbm>>)
      tpu.yield
    }) : () -> ()
    %mul3A_147 = arith.constant 17920 : i32
    %mul3A_148 = arith.muli %add3A_128, %mul3A_147 : i32
    %add3A_149 = arith.addi %mul3A_148, %mul3A_0 : i32
    "tpu.region"() ({
      %run_scoped3A = tpu.sem_alloc : memref<!tpu.dma_semaphore, #tpu.memory_space<semaphore_mem>>
      %dma_start3A = arith.constant 8960 : i32
      %dma_start3A_232 = tpu.memref_slice %arg13[%dma_start3A] : memref<17920xf32, #tpu.memory_space<vmem>> -> memref<1120xf32, #tpu.memory_space<vmem>>
      %dma_start3A_233 = tpu.memref_slice %arg9[%add3A_149] : memref<71680xf32, #tpu.memory_space<hbm>> -> memref<1120xf32, #tpu.memory_space<hbm>>
      %dma_start3A_234 = tpu.memref_slice %arg9[%add3A_149] : memref<71680xf32, #tpu.memory_space<hbm>> -> memref<1120xf32, #tpu.memory_space<hbm>>
      %dma_start3A_235 = arith.constant 8960 : i32
      %dma_start3A_236 = tpu.memref_slice %arg13[%dma_start3A_235] : memref<17920xf32, #tpu.memory_space<vmem>> -> memref<1120xf32, #tpu.memory_space<vmem>>
      tpu.enqueue_dma source(%dma_start3A_236 : memref<1120xf32, #tpu.memory_space<vmem>>) target(%dma_start3A_234 : memref<1120xf32, #tpu.memory_space<hbm>>) target_semaphore(%run_scoped3A : memref<!tpu.dma_semaphore, #tpu.memory_space<semaphore_mem>>)
      %dma_wait3A = arith.constant 8960 : i32
      %dma_wait3A_237 = tpu.memref_slice %arg13[%dma_wait3A] : memref<17920xf32, #tpu.memory_space<vmem>> -> memref<1120xf32, #tpu.memory_space<vmem>>
      %dma_wait3A_238 = tpu.memref_slice %arg9[%add3A_149] : memref<71680xf32, #tpu.memory_space<hbm>> -> memref<1120xf32, #tpu.memory_space<hbm>>
      %dma_wait3A_239 = tpu.memref_slice %arg9[%add3A_149] : memref<71680xf32, #tpu.memory_space<hbm>> -> memref<1120xf32, #tpu.memory_space<hbm>>
      %dma_wait3A_240 = arith.constant 8960 : i32
      %dma_wait3A_241 = tpu.memref_slice %arg13[%dma_wait3A_240] : memref<17920xf32, #tpu.memory_space<vmem>> -> memref<1120xf32, #tpu.memory_space<vmem>>
      tpu.wait_dma2 semaphore(%run_scoped3A : memref<!tpu.dma_semaphore, #tpu.memory_space<semaphore_mem>>) src(%dma_wait3A_241 : memref<1120xf32, #tpu.memory_space<vmem>>) dst(%dma_wait3A_239 : memref<1120xf32, #tpu.memory_space<hbm>>)
      tpu.yield
    }) : () -> ()
    %mul3A_150 = arith.constant 4 : i32
    %mul3A_151 = arith.muli %add3A_128, %mul3A_150 : i32
    %add3A_152 = arith.constant 0 : i32
    %add3A_153 = arith.addi %mul3A_151, %add3A_152 : i32
    %mul3A_154 = arith.constant 17920 : i32
    %mul3A_155 = arith.muli %add3A_153, %mul3A_154 : i32
    %add3A_156 = arith.addi %mul3A_155, %mul3A_0 : i32
    "tpu.region"() ({
      %run_scoped3A = tpu.sem_alloc : memref<!tpu.dma_semaphore, #tpu.memory_space<semaphore_mem>>
      %dma_start3A = arith.constant 0 : i32
      %dma_start3A_232 = tpu.memref_slice %arg12[%dma_start3A] : memref<22400xf32, #tpu.memory_space<vmem>> -> memref<1120xf32, #tpu.memory_space<vmem>>
      %dma_start3A_233 = tpu.memref_slice %arg7[%add3A_156] : memref<286720xf32, #tpu.memory_space<hbm>> -> memref<1120xf32, #tpu.memory_space<hbm>>
      %dma_start3A_234 = tpu.memref_slice %arg7[%add3A_156] : memref<286720xf32, #tpu.memory_space<hbm>> -> memref<1120xf32, #tpu.memory_space<hbm>>
      %dma_start3A_235 = arith.constant 0 : i32
      %dma_start3A_236 = tpu.memref_slice %arg12[%dma_start3A_235] : memref<22400xf32, #tpu.memory_space<vmem>> -> memref<1120xf32, #tpu.memory_space<vmem>>
      tpu.enqueue_dma source(%dma_start3A_236 : memref<1120xf32, #tpu.memory_space<vmem>>) target(%dma_start3A_234 : memref<1120xf32, #tpu.memory_space<hbm>>) target_semaphore(%run_scoped3A : memref<!tpu.dma_semaphore, #tpu.memory_space<semaphore_mem>>)
      %dma_wait3A = arith.constant 0 : i32
      %dma_wait3A_237 = tpu.memref_slice %arg12[%dma_wait3A] : memref<22400xf32, #tpu.memory_space<vmem>> -> memref<1120xf32, #tpu.memory_space<vmem>>
      %dma_wait3A_238 = tpu.memref_slice %arg7[%add3A_156] : memref<286720xf32, #tpu.memory_space<hbm>> -> memref<1120xf32, #tpu.memory_space<hbm>>
      %dma_wait3A_239 = tpu.memref_slice %arg7[%add3A_156] : memref<286720xf32, #tpu.memory_space<hbm>> -> memref<1120xf32, #tpu.memory_space<hbm>>
      %dma_wait3A_240 = arith.constant 0 : i32
      %dma_wait3A_241 = tpu.memref_slice %arg12[%dma_wait3A_240] : memref<22400xf32, #tpu.memory_space<vmem>> -> memref<1120xf32, #tpu.memory_space<vmem>>
      tpu.wait_dma2 semaphore(%run_scoped3A : memref<!tpu.dma_semaphore, #tpu.memory_space<semaphore_mem>>) src(%dma_wait3A_241 : memref<1120xf32, #tpu.memory_space<vmem>>) dst(%dma_wait3A_239 : memref<1120xf32, #tpu.memory_space<hbm>>)
      tpu.yield
    }) : () -> ()
    %mul3A_157 = arith.constant 4 : i32
    %mul3A_158 = arith.muli %add3A_128, %mul3A_157 : i32
    %add3A_159 = arith.constant 1 : i32
    %add3A_160 = arith.addi %mul3A_158, %add3A_159 : i32
    %mul3A_161 = arith.constant 17920 : i32
    %mul3A_162 = arith.muli %add3A_160, %mul3A_161 : i32
    %add3A_163 = arith.addi %mul3A_162, %mul3A_0 : i32
    "tpu.region"() ({
      %run_scoped3A = tpu.sem_alloc : memref<!tpu.dma_semaphore, #tpu.memory_space<semaphore_mem>>
      %dma_start3A = arith.constant 1120 : i32
      %dma_start3A_232 = tpu.memref_slice %arg12[%dma_start3A] : memref<22400xf32, #tpu.memory_space<vmem>> -> memref<1120xf32, #tpu.memory_space<vmem>>
      %dma_start3A_233 = tpu.memref_slice %arg7[%add3A_163] : memref<286720xf32, #tpu.memory_space<hbm>> -> memref<1120xf32, #tpu.memory_space<hbm>>
      %dma_start3A_234 = tpu.memref_slice %arg7[%add3A_163] : memref<286720xf32, #tpu.memory_space<hbm>> -> memref<1120xf32, #tpu.memory_space<hbm>>
      %dma_start3A_235 = arith.constant 1120 : i32
      %dma_start3A_236 = tpu.memref_slice %arg12[%dma_start3A_235] : memref<22400xf32, #tpu.memory_space<vmem>> -> memref<1120xf32, #tpu.memory_space<vmem>>
      tpu.enqueue_dma source(%dma_start3A_236 : memref<1120xf32, #tpu.memory_space<vmem>>) target(%dma_start3A_234 : memref<1120xf32, #tpu.memory_space<hbm>>) target_semaphore(%run_scoped3A : memref<!tpu.dma_semaphore, #tpu.memory_space<semaphore_mem>>)
      %dma_wait3A = arith.constant 1120 : i32
      %dma_wait3A_237 = tpu.memref_slice %arg12[%dma_wait3A] : memref<22400xf32, #tpu.memory_space<vmem>> -> memref<1120xf32, #tpu.memory_space<vmem>>
      %dma_wait3A_238 = tpu.memref_slice %arg7[%add3A_163] : memref<286720xf32, #tpu.memory_space<hbm>> -> memref<1120xf32, #tpu.memory_space<hbm>>
      %dma_wait3A_239 = tpu.memref_slice %arg7[%add3A_163] : memref<286720xf32, #tpu.memory_space<hbm>> -> memref<1120xf32, #tpu.memory_space<hbm>>
      %dma_wait3A_240 = arith.constant 1120 : i32
      %dma_wait3A_241 = tpu.memref_slice %arg12[%dma_wait3A_240] : memref<22400xf32, #tpu.memory_space<vmem>> -> memref<1120xf32, #tpu.memory_space<vmem>>
      tpu.wait_dma2 semaphore(%run_scoped3A : memref<!tpu.dma_semaphore, #tpu.memory_space<semaphore_mem>>) src(%dma_wait3A_241 : memref<1120xf32, #tpu.memory_space<vmem>>) dst(%dma_wait3A_239 : memref<1120xf32, #tpu.memory_space<hbm>>)
      tpu.yield
    }) : () -> ()
    %mul3A_164 = arith.constant 4 : i32
    %mul3A_165 = arith.muli %add3A_128, %mul3A_164 : i32
    %add3A_166 = arith.constant 2 : i32
    %add3A_167 = arith.addi %mul3A_165, %add3A_166 : i32
    %mul3A_168 = arith.constant 17920 : i32
    %mul3A_169 = arith.muli %add3A_167, %mul3A_168 : i32
    %add3A_170 = arith.addi %mul3A_169, %mul3A_0 : i32
    "tpu.region"() ({
      %run_scoped3A = tpu.sem_alloc : memref<!tpu.dma_semaphore, #tpu.memory_space<semaphore_mem>>
      %dma_start3A = arith.constant 2240 : i32
      %dma_start3A_232 = tpu.memref_slice %arg12[%dma_start3A] : memref<22400xf32, #tpu.memory_space<vmem>> -> memref<1120xf32, #tpu.memory_space<vmem>>
      %dma_start3A_233 = tpu.memref_slice %arg7[%add3A_170] : memref<286720xf32, #tpu.memory_space<hbm>> -> memref<1120xf32, #tpu.memory_space<hbm>>
      %dma_start3A_234 = tpu.memref_slice %arg7[%add3A_170] : memref<286720xf32, #tpu.memory_space<hbm>> -> memref<1120xf32, #tpu.memory_space<hbm>>
      %dma_start3A_235 = arith.constant 2240 : i32
      %dma_start3A_236 = tpu.memref_slice %arg12[%dma_start3A_235] : memref<22400xf32, #tpu.memory_space<vmem>> -> memref<1120xf32, #tpu.memory_space<vmem>>
      tpu.enqueue_dma source(%dma_start3A_236 : memref<1120xf32, #tpu.memory_space<vmem>>) target(%dma_start3A_234 : memref<1120xf32, #tpu.memory_space<hbm>>) target_semaphore(%run_scoped3A : memref<!tpu.dma_semaphore, #tpu.memory_space<semaphore_mem>>)
      %dma_wait3A = arith.constant 2240 : i32
      %dma_wait3A_237 = tpu.memref_slice %arg12[%dma_wait3A] : memref<22400xf32, #tpu.memory_space<vmem>> -> memref<1120xf32, #tpu.memory_space<vmem>>
      %dma_wait3A_238 = tpu.memref_slice %arg7[%add3A_170] : memref<286720xf32, #tpu.memory_space<hbm>> -> memref<1120xf32, #tpu.memory_space<hbm>>
      %dma_wait3A_239 = tpu.memref_slice %arg7[%add3A_170] : memref<286720xf32, #tpu.memory_space<hbm>> -> memref<1120xf32, #tpu.memory_space<hbm>>
      %dma_wait3A_240 = arith.constant 2240 : i32
      %dma_wait3A_241 = tpu.memref_slice %arg12[%dma_wait3A_240] : memref<22400xf32, #tpu.memory_space<vmem>> -> memref<1120xf32, #tpu.memory_space<vmem>>
      tpu.wait_dma2 semaphore(%run_scoped3A : memref<!tpu.dma_semaphore, #tpu.memory_space<semaphore_mem>>) src(%dma_wait3A_241 : memref<1120xf32, #tpu.memory_space<vmem>>) dst(%dma_wait3A_239 : memref<1120xf32, #tpu.memory_space<hbm>>)
      tpu.yield
    }) : () -> ()
    %mul3A_171 = arith.constant 4 : i32
    %mul3A_172 = arith.muli %add3A_128, %mul3A_171 : i32
    %add3A_173 = arith.constant 3 : i32
    %add3A_174 = arith.addi %mul3A_172, %add3A_173 : i32
    %mul3A_175 = arith.constant 17920 : i32
    %mul3A_176 = arith.muli %add3A_174, %mul3A_175 : i32
    %add3A_177 = arith.addi %mul3A_176, %mul3A_0 : i32
    "tpu.region"() ({
      %run_scoped3A = tpu.sem_alloc : memref<!tpu.dma_semaphore, #tpu.memory_space<semaphore_mem>>
      %dma_start3A = arith.constant 3360 : i32
      %dma_start3A_232 = tpu.memref_slice %arg12[%dma_start3A] : memref<22400xf32, #tpu.memory_space<vmem>> -> memref<1120xf32, #tpu.memory_space<vmem>>
      %dma_start3A_233 = tpu.memref_slice %arg7[%add3A_177] : memref<286720xf32, #tpu.memory_space<hbm>> -> memref<1120xf32, #tpu.memory_space<hbm>>
      %dma_start3A_234 = tpu.memref_slice %arg7[%add3A_177] : memref<286720xf32, #tpu.memory_space<hbm>> -> memref<1120xf32, #tpu.memory_space<hbm>>
      %dma_start3A_235 = arith.constant 3360 : i32
      %dma_start3A_236 = tpu.memref_slice %arg12[%dma_start3A_235] : memref<22400xf32, #tpu.memory_space<vmem>> -> memref<1120xf32, #tpu.memory_space<vmem>>
      tpu.enqueue_dma source(%dma_start3A_236 : memref<1120xf32, #tpu.memory_space<vmem>>) target(%dma_start3A_234 : memref<1120xf32, #tpu.memory_space<hbm>>) target_semaphore(%run_scoped3A : memref<!tpu.dma_semaphore, #tpu.memory_space<semaphore_mem>>)
      %dma_wait3A = arith.constant 3360 : i32
      %dma_wait3A_237 = tpu.memref_slice %arg12[%dma_wait3A] : memref<22400xf32, #tpu.memory_space<vmem>> -> memref<1120xf32, #tpu.memory_space<vmem>>
      %dma_wait3A_238 = tpu.memref_slice %arg7[%add3A_177] : memref<286720xf32, #tpu.memory_space<hbm>> -> memref<1120xf32, #tpu.memory_space<hbm>>
      %dma_wait3A_239 = tpu.memref_slice %arg7[%add3A_177] : memref<286720xf32, #tpu.memory_space<hbm>> -> memref<1120xf32, #tpu.memory_space<hbm>>
      %dma_wait3A_240 = arith.constant 3360 : i32
      %dma_wait3A_241 = tpu.memref_slice %arg12[%dma_wait3A_240] : memref<22400xf32, #tpu.memory_space<vmem>> -> memref<1120xf32, #tpu.memory_space<vmem>>
      tpu.wait_dma2 semaphore(%run_scoped3A : memref<!tpu.dma_semaphore, #tpu.memory_space<semaphore_mem>>) src(%dma_wait3A_241 : memref<1120xf32, #tpu.memory_space<vmem>>) dst(%dma_wait3A_239 : memref<1120xf32, #tpu.memory_space<hbm>>)
      tpu.yield
    }) : () -> ()
    %mul3A_178 = arith.constant 2 : i32
    %mul3A_179 = arith.muli %arg0, %mul3A_178 : i32
    %add3A_180 = arith.constant 1 : i32
    %add3A_181 = arith.addi %mul3A_179, %add3A_180 : i32
    %add3A_182 = arith.constant 35840 : i32
    %add3A_183 = arith.addi %add3A_182, %mul3A_0 : i32
    "tpu.region"() ({
      %run_scoped3A = tpu.sem_alloc : memref<!tpu.dma_semaphore, #tpu.memory_space<semaphore_mem>>
      %dma_start3A = arith.constant 0 : i32
      %dma_start3A_232 = tpu.memref_slice %arg18[%dma_start3A] : memref<2240xf32, #tpu.memory_space<vmem>> -> memref<1120xf32, #tpu.memory_space<vmem>>
      %dma_start3A_233 = tpu.memref_slice %arg22[%add3A_183] : memref<71680xf32, #tpu.memory_space<vmem_shared>> -> memref<1120xf32, #tpu.memory_space<vmem_shared>>
      %dma_start3A_234 = arith.constant 0 : i32
      %dma_start3A_235 = tpu.memref_slice %arg18[%dma_start3A_234] : memref<2240xf32, #tpu.memory_space<vmem>> -> memref<1120xf32, #tpu.memory_space<vmem>>
      %dma_start3A_236 = tpu.memref_slice %arg22[%add3A_183] : memref<71680xf32, #tpu.memory_space<vmem_shared>> -> memref<1120xf32, #tpu.memory_space<vmem_shared>>
      tpu.enqueue_dma source(%dma_start3A_236 : memref<1120xf32, #tpu.memory_space<vmem_shared>>) target(%dma_start3A_235 : memref<1120xf32, #tpu.memory_space<vmem>>) target_semaphore(%run_scoped3A : memref<!tpu.dma_semaphore, #tpu.memory_space<semaphore_mem>>)
      %dma_wait3A = arith.constant 0 : i32
      %dma_wait3A_237 = tpu.memref_slice %arg18[%dma_wait3A] : memref<2240xf32, #tpu.memory_space<vmem>> -> memref<1120xf32, #tpu.memory_space<vmem>>
      %dma_wait3A_238 = tpu.memref_slice %arg22[%add3A_183] : memref<71680xf32, #tpu.memory_space<vmem_shared>> -> memref<1120xf32, #tpu.memory_space<vmem_shared>>
      %dma_wait3A_239 = arith.constant 0 : i32
      %dma_wait3A_240 = tpu.memref_slice %arg18[%dma_wait3A_239] : memref<2240xf32, #tpu.memory_space<vmem>> -> memref<1120xf32, #tpu.memory_space<vmem>>
      %dma_wait3A_241 = tpu.memref_slice %arg22[%add3A_183] : memref<71680xf32, #tpu.memory_space<vmem_shared>> -> memref<1120xf32, #tpu.memory_space<vmem_shared>>
      tpu.wait_dma2 semaphore(%run_scoped3A : memref<!tpu.dma_semaphore, #tpu.memory_space<semaphore_mem>>) src(%dma_wait3A_241 : memref<1120xf32, #tpu.memory_space<vmem_shared>>) dst(%dma_wait3A_240 : memref<1120xf32, #tpu.memory_space<vmem>>)
      tpu.yield
    }) : () -> ()
    %add3A_184 = arith.constant 53760 : i32
    %add3A_185 = arith.addi %add3A_184, %mul3A_0 : i32
    "tpu.region"() ({
      %run_scoped3A = tpu.sem_alloc : memref<!tpu.dma_semaphore, #tpu.memory_space<semaphore_mem>>
      %dma_start3A = arith.constant 1120 : i32
      %dma_start3A_232 = tpu.memref_slice %arg18[%dma_start3A] : memref<2240xf32, #tpu.memory_space<vmem>> -> memref<1120xf32, #tpu.memory_space<vmem>>
      %dma_start3A_233 = tpu.memref_slice %arg22[%add3A_185] : memref<71680xf32, #tpu.memory_space<vmem_shared>> -> memref<1120xf32, #tpu.memory_space<vmem_shared>>
      %dma_start3A_234 = arith.constant 1120 : i32
      %dma_start3A_235 = tpu.memref_slice %arg18[%dma_start3A_234] : memref<2240xf32, #tpu.memory_space<vmem>> -> memref<1120xf32, #tpu.memory_space<vmem>>
      %dma_start3A_236 = tpu.memref_slice %arg22[%add3A_185] : memref<71680xf32, #tpu.memory_space<vmem_shared>> -> memref<1120xf32, #tpu.memory_space<vmem_shared>>
      tpu.enqueue_dma source(%dma_start3A_236 : memref<1120xf32, #tpu.memory_space<vmem_shared>>) target(%dma_start3A_235 : memref<1120xf32, #tpu.memory_space<vmem>>) target_semaphore(%run_scoped3A : memref<!tpu.dma_semaphore, #tpu.memory_space<semaphore_mem>>)
      %dma_wait3A = arith.constant 1120 : i32
      %dma_wait3A_237 = tpu.memref_slice %arg18[%dma_wait3A] : memref<2240xf32, #tpu.memory_space<vmem>> -> memref<1120xf32, #tpu.memory_space<vmem>>
      %dma_wait3A_238 = tpu.memref_slice %arg22[%add3A_185] : memref<71680xf32, #tpu.memory_space<vmem_shared>> -> memref<1120xf32, #tpu.memory_space<vmem_shared>>
      %dma_wait3A_239 = arith.constant 1120 : i32
      %dma_wait3A_240 = tpu.memref_slice %arg18[%dma_wait3A_239] : memref<2240xf32, #tpu.memory_space<vmem>> -> memref<1120xf32, #tpu.memory_space<vmem>>
      %dma_wait3A_241 = tpu.memref_slice %arg22[%add3A_185] : memref<71680xf32, #tpu.memory_space<vmem_shared>> -> memref<1120xf32, #tpu.memory_space<vmem_shared>>
      tpu.wait_dma2 semaphore(%run_scoped3A : memref<!tpu.dma_semaphore, #tpu.memory_space<semaphore_mem>>) src(%dma_wait3A_241 : memref<1120xf32, #tpu.memory_space<vmem_shared>>) dst(%dma_wait3A_240 : memref<1120xf32, #tpu.memory_space<vmem>>)
      tpu.yield
    }) : () -> ()
    "tpu.region"() ({
      %run_scoped3A = tpu.sem_alloc : memref<!tpu.dma_semaphore, #tpu.memory_space<semaphore_mem>>
      %dma_start3A = arith.constant 16 : i32
      %dma_start3A_232 = tpu.memref_slice %arg23[%dma_start3A] : memref<32xf32, #tpu.memory_space<vmem_shared>> -> memref<16xf32, #tpu.memory_space<vmem_shared>>
      %dma_start3A_233 = arith.constant 16 : i32
      %dma_start3A_234 = tpu.memref_slice %arg23[%dma_start3A_233] : memref<32xf32, #tpu.memory_space<vmem_shared>> -> memref<16xf32, #tpu.memory_space<vmem_shared>>
      tpu.enqueue_dma source(%dma_start3A_234 : memref<16xf32, #tpu.memory_space<vmem_shared>>) target(%arg19 : memref<16xf32, #tpu.memory_space<vmem>>) target_semaphore(%run_scoped3A : memref<!tpu.dma_semaphore, #tpu.memory_space<semaphore_mem>>)
      %dma_wait3A = arith.constant 16 : i32
      %dma_wait3A_235 = tpu.memref_slice %arg23[%dma_wait3A] : memref<32xf32, #tpu.memory_space<vmem_shared>> -> memref<16xf32, #tpu.memory_space<vmem_shared>>
      %dma_wait3A_236 = arith.constant 16 : i32
      %dma_wait3A_237 = tpu.memref_slice %arg23[%dma_wait3A_236] : memref<32xf32, #tpu.memory_space<vmem_shared>> -> memref<16xf32, #tpu.memory_space<vmem_shared>>
      tpu.wait_dma2 semaphore(%run_scoped3A : memref<!tpu.dma_semaphore, #tpu.memory_space<semaphore_mem>>) src(%dma_wait3A_237 : memref<16xf32, #tpu.memory_space<vmem_shared>>) dst(%arg19 : memref<16xf32, #tpu.memory_space<vmem>>)
      tpu.yield
    }) : () -> ()
    %get3A_186 = arith.constant 0 : index
    %get3A_187 = tpu.vector_load %arg19[%get3A_186] {strides = array<i32>} : memref<16xf32, #tpu.memory_space<vmem>>, vector<16xf32>,
    %scan3A_188 = arith.constant 0 : i32
    %scan3A_189 = arith.constant 0 : i32
    %scan3A_190 = arith.constant 70 : i32
    %scan3A_191 = arith.addi %scan3A_189, %scan3A_190 : i32
    %scan3A_192 = arith.constant 1 : i32
    %scan3A_193 = scf.for %scan3A_232 = %scan3A_189 to %scan3A_191 step %scan3A_192 iter_args(%scan3A_233 = %scan3A_188) -> (i32)  : i32 {
      %mul3A_234 = arith.constant 16 : i32
      %mul3A_235 = arith.muli %scan3A_232, %mul3A_234 : i32
      %add3A_236 = arith.constant 15680 : i32
      %add3A_237 = arith.addi %add3A_236, %mul3A_235 : i32
      %get3A_238 = arith.index_cast %add3A_237 : i32 to index
      %get3A_239 = tpu.vector_load %arg13[%get3A_238] {strides = array<i32>} : memref<17920xf32, #tpu.memory_space<vmem>>, vector<16xf32>,
      %gt3A = arith.constant 0.000000e+00 : f32
      %gt3A_240 = vector.broadcast %gt3A : f32 to vector<16xf32>
      %gt3A_241 = arith.cmpf ogt, %get3A_239, %gt3A_240 : vector<16xf32>
      %add3A_242 = arith.constant 16800 : i32
      %add3A_243 = arith.addi %add3A_242, %mul3A_235 : i32
      %get3A_244 = arith.index_cast %add3A_243 : i32 to index
      %get3A_245 = tpu.vector_load %arg13[%get3A_244] {strides = array<i32>} : memref<17920xf32, #tpu.memory_space<vmem>>, vector<16xf32>,
      %gt3A_246 = arith.constant 0.000000e+00 : f32
      %gt3A_247 = vector.broadcast %gt3A_246 : f32 to vector<16xf32>
      %gt3A_248 = arith.cmpf ogt, %get3A_245, %gt3A_247 : vector<16xf32>
      %add3A_249 = arith.constant 14560 : i32
      %add3A_250 = arith.addi %add3A_249, %mul3A_235 : i32
      %get3A_251 = arith.index_cast %add3A_250 : i32 to index
      %get3A_252 = tpu.vector_load %arg13[%get3A_251] {strides = array<i32>} : memref<17920xf32, #tpu.memory_space<vmem>>, vector<16xf32>,
      %get3A_253 = arith.index_cast %mul3A_235 : i32 to index
      %get3A_254 = tpu.vector_load %arg18[%get3A_253] {strides = array<i32>} : memref<2240xf32, #tpu.memory_space<vmem>>, vector<16xf32>,
      %lt3A = arith.constant 5.000000e-01 : f32
      %lt3A_255 = vector.broadcast %lt3A : f32 to vector<16xf32>
      %lt3A_256 = arith.cmpf olt, %get3A_254, %lt3A_255 : vector<16xf32>
      %and3A = arith.andi %gt3A_241, %lt3A_256 : vector<16xi1>
      %jit3A = arith.constant -1.000000e+00 : f32
      %broadcast_in_dim3A = vector.broadcast %jit3A : f32 to vector<16xf32>
      %select_n3A = arith.select %and3A, %broadcast_in_dim3A, %get3A_252 : vector<16xi1>, vector<16xf32>
      %add3A_257 = arith.constant 1120 : i32
      %add3A_258 = arith.addi %add3A_257, %mul3A_235 : i32
      %get3A_259 = arith.index_cast %add3A_258 : i32 to index
      %get3A_260 = tpu.vector_load %arg18[%get3A_259] {strides = array<i32>} : memref<2240xf32, #tpu.memory_space<vmem>>, vector<16xf32>,
      %lt3A_261 = arith.constant 5.000000e-01 : f32
      %lt3A_262 = vector.broadcast %lt3A_261 : f32 to vector<16xf32>
      %lt3A_263 = arith.cmpf olt, %get3A_260, %lt3A_262 : vector<16xf32>
      %and3A_264 = arith.andi %gt3A_248, %lt3A_263 : vector<16xi1>
      %jit3A_265 = arith.constant -1.000000e+00 : f32
      %broadcast_in_dim3A_266 = vector.broadcast %jit3A_265 : f32 to vector<16xf32>
      %select_n3A_267 = arith.select %and3A_264, %broadcast_in_dim3A_266, %select_n3A : vector<16xi1>, vector<16xf32>
      %add3A_268 = arith.constant 14560 : i32
      %add3A_269 = arith.addi %add3A_268, %mul3A_235 : i32
      %swap3A = arith.index_cast %add3A_269 : i32 to index
      %swap3A_270 = tpu.vector_load %arg13[%swap3A] {strides = array<i32>} : memref<17920xf32, #tpu.memory_space<vmem>>, vector<16xf32>,
      tpu.vector_store %arg13[%swap3A], %select_n3A_267 {strides = array<i32>} : memref<17920xf32, #tpu.memory_space<vmem>>, vector<16xf32>,
      %eq3A_271 = arith.constant 1.000000e+00 : f32
      %eq3A_272 = vector.broadcast %eq3A_271 : f32 to vector<16xf32>
      %eq3A_273 = arith.cmpf oeq, %select_n3A_267, %eq3A_272 : vector<16xf32>
      %jit3A_274 = arith.constant 1.000000e+00 : f32
      %jit3A_275 = arith.constant 0.000000e+00 : f32
      %broadcast_in_dim3A_276 = vector.broadcast %jit3A_274 : f32 to vector<16xf32>
      %broadcast_in_dim3A_277 = vector.broadcast %jit3A_275 : f32 to vector<16xf32>
      %select_n3A_278 = arith.select %eq3A_273, %broadcast_in_dim3A_276, %broadcast_in_dim3A_277 : vector<16xi1>, vector<16xf32>
      %add3A_279 = arith.constant 15680 : i32
      %add3A_280 = arith.addi %add3A_279, %mul3A_235 : i32
      %swap3A_281 = arith.index_cast %add3A_280 : i32 to index
      %swap3A_282 = tpu.vector_load %arg13[%swap3A_281] {strides = array<i32>} : memref<17920xf32, #tpu.memory_space<vmem>>, vector<16xf32>,
      tpu.vector_store %arg13[%swap3A_281], %select_n3A_278 {strides = array<i32>} : memref<17920xf32, #tpu.memory_space<vmem>>, vector<16xf32>,
      %ge3A = arith.constant 0.000000e+00 : f32
      %ge3A_283 = vector.broadcast %ge3A : f32 to vector<16xf32>
      %ge3A_284 = arith.cmpf oge, %select_n3A_267, %ge3A_283 : vector<16xf32>
      %jit3A_285 = arith.constant 0.000000e+00 : f32
      %broadcast_in_dim3A_286 = vector.broadcast %jit3A_285 : f32 to vector<16xf32>
      %select_n3A_287 = arith.select %ge3A_284, %get3A_187, %broadcast_in_dim3A_286 : vector<16xi1>, vector<16xf32>
      %add3A_288 = arith.constant 16800 : i32
      %add3A_289 = arith.addi %add3A_288, %mul3A_235 : i32
      %swap3A_290 = arith.index_cast %add3A_289 : i32 to index
      %swap3A_291 = tpu.vector_load %arg13[%swap3A_290] {strides = array<i32>} : memref<17920xf32, #tpu.memory_space<vmem>>, vector<16xf32>,
      tpu.vector_store %arg13[%swap3A_290], %select_n3A_287 {strides = array<i32>} : memref<17920xf32, #tpu.memory_space<vmem>>, vector<16xf32>,
      %add3A_292 = arith.constant 12320 : i32
      %add3A_293 = arith.addi %add3A_292, %mul3A_235 : i32
      %get3A_294 = arith.index_cast %add3A_293 : i32 to index
      %get3A_295 = tpu.vector_load %arg10[%get3A_294] {strides = array<i32>} : memref<13440xf32, #tpu.memory_space<vmem>>, vector<16xf32>,
      %add3A_296 = arith.constant 10080 : i32
      %add3A_297 = arith.addi %add3A_296, %mul3A_235 : i32
      %get3A_298 = arith.index_cast %add3A_297 : i32 to index
      %get3A_299 = tpu.vector_load %arg13[%get3A_298] {strides = array<i32>} : memref<17920xf32, #tpu.memory_space<vmem>>, vector<16xf32>,
      %add3A_300 = arith.constant 5600 : i32
      %add3A_301 = arith.addi %add3A_300, %mul3A_235 : i32
      %get3A_302 = arith.index_cast %add3A_301 : i32 to index
      %get3A_303 = tpu.vector_load %arg10[%get3A_302] {strides = array<i32>} : memref<13440xf32, #tpu.memory_space<vmem>>, vector<16xf32>,
      %sub3A = arith.subf %get3A_299, %get3A_303 : vector<16xf32>
      %add3A_304 = arith.constant 7840 : i32
      %add3A_305 = arith.addi %add3A_304, %mul3A_235 : i32
      %get3A_306 = arith.index_cast %add3A_305 : i32 to index
      %get3A_307 = tpu.vector_load %arg10[%get3A_306] {strides = array<i32>} : memref<13440xf32, #tpu.memory_space<vmem>>, vector<16xf32>,
      %mul3A_308 = arith.mulf %sub3A, %get3A_307 : vector<16xf32>
      %mul3A_309 = arith.mulf %mul3A_308, %get3A_295 : vector<16xf32>
      %add3A_310 = arith.constant 0 : i32
      %add3A_311 = arith.addi %add3A_310, %mul3A_235 : i32
      %swap3A_312 = arith.index_cast %add3A_311 : i32 to index
      %swap3A_313 = tpu.vector_load %arg12[%swap3A_312] {strides = array<i32>} : memref<22400xf32, #tpu.memory_space<vmem>>, vector<16xf32>,
      tpu.vector_store %arg12[%swap3A_312], %mul3A_309 {strides = array<i32>} : memref<22400xf32, #tpu.memory_space<vmem>>, vector<16xf32>,
      %add3A_314 = arith.constant 11200 : i32
      %add3A_315 = arith.addi %add3A_314, %mul3A_235 : i32
      %get3A_316 = arith.index_cast %add3A_315 : i32 to index
      %get3A_317 = tpu.vector_load %arg13[%get3A_316] {strides = array<i32>} : memref<17920xf32, #tpu.memory_space<vmem>>, vector<16xf32>,
      %add3A_318 = arith.constant 6720 : i32
      %add3A_319 = arith.addi %add3A_318, %mul3A_235 : i32
      %get3A_320 = arith.index_cast %add3A_319 : i32 to index
      %get3A_321 = tpu.vector_load %arg10[%get3A_320] {strides = array<i32>} : memref<13440xf32, #tpu.memory_space<vmem>>, vector<16xf32>,
      %sub3A_322 = arith.subf %get3A_317, %get3A_321 : vector<16xf32>
      %add3A_323 = arith.constant 8960 : i32
      %add3A_324 = arith.addi %add3A_323, %mul3A_235 : i32
      %get3A_325 = arith.index_cast %add3A_324 : i32 to index
      %get3A_326 = tpu.vector_load %arg10[%get3A_325] {strides = array<i32>} : memref<13440xf32, #tpu.memory_space<vmem>>, vector<16xf32>,
      %mul3A_327 = arith.mulf %sub3A_322, %get3A_326 : vector<16xf32>
      %mul3A_328 = arith.mulf %mul3A_327, %get3A_295 : vector<16xf32>
      %add3A_329 = arith.constant 1120 : i32
      %add3A_330 = arith.addi %add3A_329, %mul3A_235 : i32
      %swap3A_331 = arith.index_cast %add3A_330 : i32 to index
      %swap3A_332 = tpu.vector_load %arg12[%swap3A_331] {strides = array<i32>} : memref<22400xf32, #tpu.memory_space<vmem>>, vector<16xf32>,
      tpu.vector_store %arg12[%swap3A_331], %mul3A_328 {strides = array<i32>} : memref<22400xf32, #tpu.memory_space<vmem>>, vector<16xf32>,
      %add3A_333 = arith.constant 12320 : i32
      %add3A_334 = arith.addi %add3A_333, %mul3A_235 : i32
      %get3A_335 = arith.index_cast %add3A_334 : i32 to index
      %get3A_336 = tpu.vector_load %arg13[%get3A_335] {strides = array<i32>} : memref<17920xf32, #tpu.memory_space<vmem>>, vector<16xf32>,
      %add3A_337 = arith.constant 10080 : i32
      %add3A_338 = arith.addi %add3A_337, %mul3A_235 : i32
      %get3A_339 = arith.index_cast %add3A_338 : i32 to index
      %get3A_340 = tpu.vector_load %arg10[%get3A_339] {strides = array<i32>} : memref<13440xf32, #tpu.memory_space<vmem>>, vector<16xf32>,
      %sub3A_341 = arith.subf %get3A_336, %get3A_340 : vector<16xf32>
      %mul3A_342 = arith.mulf %sub3A_341, %get3A_295 : vector<16xf32>
      %add3A_343 = arith.constant 2240 : i32
      %add3A_344 = arith.addi %add3A_343, %mul3A_235 : i32
      %swap3A_345 = arith.index_cast %add3A_344 : i32 to index
      %swap3A_346 = tpu.vector_load %arg12[%swap3A_345] {strides = array<i32>} : memref<22400xf32, #tpu.memory_space<vmem>>, vector<16xf32>,
      tpu.vector_store %arg12[%swap3A_345], %mul3A_342 {strides = array<i32>} : memref<22400xf32, #tpu.memory_space<vmem>>, vector<16xf32>,
      %add3A_347 = arith.constant 13440 : i32
      %add3A_348 = arith.addi %add3A_347, %mul3A_235 : i32
      %get3A_349 = arith.index_cast %add3A_348 : i32 to index
      %get3A_350 = tpu.vector_load %arg13[%get3A_349] {strides = array<i32>} : memref<17920xf32, #tpu.memory_space<vmem>>, vector<16xf32>,
      %add3A_351 = arith.constant 11200 : i32
      %add3A_352 = arith.addi %add3A_351, %mul3A_235 : i32
      %get3A_353 = arith.index_cast %add3A_352 : i32 to index
      %get3A_354 = tpu.vector_load %arg10[%get3A_353] {strides = array<i32>} : memref<13440xf32, #tpu.memory_space<vmem>>, vector<16xf32>,
      %sub3A_355 = arith.subf %get3A_350, %get3A_354 : vector<16xf32>
      %mul3A_356 = arith.mulf %sub3A_355, %get3A_295 : vector<16xf32>
      %add3A_357 = arith.constant 3360 : i32
      %add3A_358 = arith.addi %add3A_357, %mul3A_235 : i32
      %swap3A_359 = arith.index_cast %add3A_358 : i32 to index
      %swap3A_360 = tpu.vector_load %arg12[%swap3A_359] {strides = array<i32>} : memref<22400xf32, #tpu.memory_space<vmem>>, vector<16xf32>,
      tpu.vector_store %arg12[%swap3A_359], %mul3A_356 {strides = array<i32>} : memref<22400xf32, #tpu.memory_space<vmem>>, vector<16xf32>,
      %scan3A_361 = arith.constant 0 : i32
      scf.yield %scan3A_361 : i32
    }
    %scan3A_194 = arith.constant 70 : i32
    %mul3A_195 = arith.constant 17920 : i32
    %mul3A_196 = arith.muli %add3A_181, %mul3A_195 : i32
    %add3A_197 = arith.addi %mul3A_196, %mul3A_0 : i32
    "tpu.region"() ({
      %run_scoped3A = tpu.sem_alloc : memref<!tpu.dma_semaphore, #tpu.memory_space<semaphore_mem>>
      %dma_start3A = arith.constant 14560 : i32
      %dma_start3A_232 = tpu.memref_slice %arg13[%dma_start3A] : memref<17920xf32, #tpu.memory_space<vmem>> -> memref<1120xf32, #tpu.memory_space<vmem>>
      %dma_start3A_233 = tpu.memref_slice %arg6[%add3A_197] : memref<71680xf32, #tpu.memory_space<hbm>> -> memref<1120xf32, #tpu.memory_space<hbm>>
      %dma_start3A_234 = tpu.memref_slice %arg6[%add3A_197] : memref<71680xf32, #tpu.memory_space<hbm>> -> memref<1120xf32, #tpu.memory_space<hbm>>
      %dma_start3A_235 = arith.constant 14560 : i32
      %dma_start3A_236 = tpu.memref_slice %arg13[%dma_start3A_235] : memref<17920xf32, #tpu.memory_space<vmem>> -> memref<1120xf32, #tpu.memory_space<vmem>>
      tpu.enqueue_dma source(%dma_start3A_236 : memref<1120xf32, #tpu.memory_space<vmem>>) target(%dma_start3A_234 : memref<1120xf32, #tpu.memory_space<hbm>>) target_semaphore(%run_scoped3A : memref<!tpu.dma_semaphore, #tpu.memory_space<semaphore_mem>>)
      %dma_wait3A = arith.constant 14560 : i32
      %dma_wait3A_237 = tpu.memref_slice %arg13[%dma_wait3A] : memref<17920xf32, #tpu.memory_space<vmem>> -> memref<1120xf32, #tpu.memory_space<vmem>>
      %dma_wait3A_238 = tpu.memref_slice %arg6[%add3A_197] : memref<71680xf32, #tpu.memory_space<hbm>> -> memref<1120xf32, #tpu.memory_space<hbm>>
      %dma_wait3A_239 = tpu.memref_slice %arg6[%add3A_197] : memref<71680xf32, #tpu.memory_space<hbm>> -> memref<1120xf32, #tpu.memory_space<hbm>>
      %dma_wait3A_240 = arith.constant 14560 : i32
      %dma_wait3A_241 = tpu.memref_slice %arg13[%dma_wait3A_240] : memref<17920xf32, #tpu.memory_space<vmem>> -> memref<1120xf32, #tpu.memory_space<vmem>>
      tpu.wait_dma2 semaphore(%run_scoped3A : memref<!tpu.dma_semaphore, #tpu.memory_space<semaphore_mem>>) src(%dma_wait3A_241 : memref<1120xf32, #tpu.memory_space<vmem>>) dst(%dma_wait3A_239 : memref<1120xf32, #tpu.memory_space<hbm>>)
      tpu.yield
    }) : () -> ()
    %mul3A_198 = arith.constant 17920 : i32
    %mul3A_199 = arith.muli %add3A_181, %mul3A_198 : i32
    %add3A_200 = arith.addi %mul3A_199, %mul3A_0 : i32
    "tpu.region"() ({
      %run_scoped3A = tpu.sem_alloc : memref<!tpu.dma_semaphore, #tpu.memory_space<semaphore_mem>>
      %dma_start3A = arith.constant 15680 : i32
      %dma_start3A_232 = tpu.memref_slice %arg13[%dma_start3A] : memref<17920xf32, #tpu.memory_space<vmem>> -> memref<1120xf32, #tpu.memory_space<vmem>>
      %dma_start3A_233 = tpu.memref_slice %arg8[%add3A_200] : memref<71680xf32, #tpu.memory_space<hbm>> -> memref<1120xf32, #tpu.memory_space<hbm>>
      %dma_start3A_234 = tpu.memref_slice %arg8[%add3A_200] : memref<71680xf32, #tpu.memory_space<hbm>> -> memref<1120xf32, #tpu.memory_space<hbm>>
      %dma_start3A_235 = arith.constant 15680 : i32
      %dma_start3A_236 = tpu.memref_slice %arg13[%dma_start3A_235] : memref<17920xf32, #tpu.memory_space<vmem>> -> memref<1120xf32, #tpu.memory_space<vmem>>
      tpu.enqueue_dma source(%dma_start3A_236 : memref<1120xf32, #tpu.memory_space<vmem>>) target(%dma_start3A_234 : memref<1120xf32, #tpu.memory_space<hbm>>) target_semaphore(%run_scoped3A : memref<!tpu.dma_semaphore, #tpu.memory_space<semaphore_mem>>)
      %dma_wait3A = arith.constant 15680 : i32
      %dma_wait3A_237 = tpu.memref_slice %arg13[%dma_wait3A] : memref<17920xf32, #tpu.memory_space<vmem>> -> memref<1120xf32, #tpu.memory_space<vmem>>
      %dma_wait3A_238 = tpu.memref_slice %arg8[%add3A_200] : memref<71680xf32, #tpu.memory_space<hbm>> -> memref<1120xf32, #tpu.memory_space<hbm>>
      %dma_wait3A_239 = tpu.memref_slice %arg8[%add3A_200] : memref<71680xf32, #tpu.memory_space<hbm>> -> memref<1120xf32, #tpu.memory_space<hbm>>
      %dma_wait3A_240 = arith.constant 15680 : i32
      %dma_wait3A_241 = tpu.memref_slice %arg13[%dma_wait3A_240] : memref<17920xf32, #tpu.memory_space<vmem>> -> memref<1120xf32, #tpu.memory_space<vmem>>
      tpu.wait_dma2 semaphore(%run_scoped3A : memref<!tpu.dma_semaphore, #tpu.memory_space<semaphore_mem>>) src(%dma_wait3A_241 : memref<1120xf32, #tpu.memory_space<vmem>>) dst(%dma_wait3A_239 : memref<1120xf32, #tpu.memory_space<hbm>>)
      tpu.yield
    }) : () -> ()
    %mul3A_201 = arith.constant 17920 : i32
    %mul3A_202 = arith.muli %add3A_181, %mul3A_201 : i32
    %add3A_203 = arith.addi %mul3A_202, %mul3A_0 : i32
    "tpu.region"() ({
      %run_scoped3A = tpu.sem_alloc : memref<!tpu.dma_semaphore, #tpu.memory_space<semaphore_mem>>
      %dma_start3A = arith.constant 16800 : i32
      %dma_start3A_232 = tpu.memref_slice %arg13[%dma_start3A] : memref<17920xf32, #tpu.memory_space<vmem>> -> memref<1120xf32, #tpu.memory_space<vmem>>
      %dma_start3A_233 = tpu.memref_slice %arg9[%add3A_203] : memref<71680xf32, #tpu.memory_space<hbm>> -> memref<1120xf32, #tpu.memory_space<hbm>>
      %dma_start3A_234 = tpu.memref_slice %arg9[%add3A_203] : memref<71680xf32, #tpu.memory_space<hbm>> -> memref<1120xf32, #tpu.memory_space<hbm>>
      %dma_start3A_235 = arith.constant 16800 : i32
      %dma_start3A_236 = tpu.memref_slice %arg13[%dma_start3A_235] : memref<17920xf32, #tpu.memory_space<vmem>> -> memref<1120xf32, #tpu.memory_space<vmem>>
      tpu.enqueue_dma source(%dma_start3A_236 : memref<1120xf32, #tpu.memory_space<vmem>>) target(%dma_start3A_234 : memref<1120xf32, #tpu.memory_space<hbm>>) target_semaphore(%run_scoped3A : memref<!tpu.dma_semaphore, #tpu.memory_space<semaphore_mem>>)
      %dma_wait3A = arith.constant 16800 : i32
      %dma_wait3A_237 = tpu.memref_slice %arg13[%dma_wait3A] : memref<17920xf32, #tpu.memory_space<vmem>> -> memref<1120xf32, #tpu.memory_space<vmem>>
      %dma_wait3A_238 = tpu.memref_slice %arg9[%add3A_203] : memref<71680xf32, #tpu.memory_space<hbm>> -> memref<1120xf32, #tpu.memory_space<hbm>>
      %dma_wait3A_239 = tpu.memref_slice %arg9[%add3A_203] : memref<71680xf32, #tpu.memory_space<hbm>> -> memref<1120xf32, #tpu.memory_space<hbm>>
      %dma_wait3A_240 = arith.constant 16800 : i32
      %dma_wait3A_241 = tpu.memref_slice %arg13[%dma_wait3A_240] : memref<17920xf32, #tpu.memory_space<vmem>> -> memref<1120xf32, #tpu.memory_space<vmem>>
      tpu.wait_dma2 semaphore(%run_scoped3A : memref<!tpu.dma_semaphore, #tpu.memory_space<semaphore_mem>>) src(%dma_wait3A_241 : memref<1120xf32, #tpu.memory_space<vmem>>) dst(%dma_wait3A_239 : memref<1120xf32, #tpu.memory_space<hbm>>)
      tpu.yield
    }) : () -> ()
    %mul3A_204 = arith.constant 4 : i32
    %mul3A_205 = arith.muli %add3A_181, %mul3A_204 : i32
    %add3A_206 = arith.constant 0 : i32
    %add3A_207 = arith.addi %mul3A_205, %add3A_206 : i32
    %mul3A_208 = arith.constant 17920 : i32
    %mul3A_209 = arith.muli %add3A_207, %mul3A_208 : i32
    %add3A_210 = arith.addi %mul3A_209, %mul3A_0 : i32
    "tpu.region"() ({
      %run_scoped3A = tpu.sem_alloc : memref<!tpu.dma_semaphore, #tpu.memory_space<semaphore_mem>>
      %dma_start3A = arith.constant 0 : i32
      %dma_start3A_232 = tpu.memref_slice %arg12[%dma_start3A] : memref<22400xf32, #tpu.memory_space<vmem>> -> memref<1120xf32, #tpu.memory_space<vmem>>
      %dma_start3A_233 = tpu.memref_slice %arg7[%add3A_210] : memref<286720xf32, #tpu.memory_space<hbm>> -> memref<1120xf32, #tpu.memory_space<hbm>>
      %dma_start3A_234 = tpu.memref_slice %arg7[%add3A_210] : memref<286720xf32, #tpu.memory_space<hbm>> -> memref<1120xf32, #tpu.memory_space<hbm>>
      %dma_start3A_235 = arith.constant 0 : i32
      %dma_start3A_236 = tpu.memref_slice %arg12[%dma_start3A_235] : memref<22400xf32, #tpu.memory_space<vmem>> -> memref<1120xf32, #tpu.memory_space<vmem>>
      tpu.enqueue_dma source(%dma_start3A_236 : memref<1120xf32, #tpu.memory_space<vmem>>) target(%dma_start3A_234 : memref<1120xf32, #tpu.memory_space<hbm>>) target_semaphore(%run_scoped3A : memref<!tpu.dma_semaphore, #tpu.memory_space<semaphore_mem>>)
      %dma_wait3A = arith.constant 0 : i32
      %dma_wait3A_237 = tpu.memref_slice %arg12[%dma_wait3A] : memref<22400xf32, #tpu.memory_space<vmem>> -> memref<1120xf32, #tpu.memory_space<vmem>>
      %dma_wait3A_238 = tpu.memref_slice %arg7[%add3A_210] : memref<286720xf32, #tpu.memory_space<hbm>> -> memref<1120xf32, #tpu.memory_space<hbm>>
      %dma_wait3A_239 = tpu.memref_slice %arg7[%add3A_210] : memref<286720xf32, #tpu.memory_space<hbm>> -> memref<1120xf32, #tpu.memory_space<hbm>>
      %dma_wait3A_240 = arith.constant 0 : i32
      %dma_wait3A_241 = tpu.memref_slice %arg12[%dma_wait3A_240] : memref<22400xf32, #tpu.memory_space<vmem>> -> memref<1120xf32, #tpu.memory_space<vmem>>
      tpu.wait_dma2 semaphore(%run_scoped3A : memref<!tpu.dma_semaphore, #tpu.memory_space<semaphore_mem>>) src(%dma_wait3A_241 : memref<1120xf32, #tpu.memory_space<vmem>>) dst(%dma_wait3A_239 : memref<1120xf32, #tpu.memory_space<hbm>>)
      tpu.yield
    }) : () -> ()
    %mul3A_211 = arith.constant 4 : i32
    %mul3A_212 = arith.muli %add3A_181, %mul3A_211 : i32
    %add3A_213 = arith.constant 1 : i32
    %add3A_214 = arith.addi %mul3A_212, %add3A_213 : i32
    %mul3A_215 = arith.constant 17920 : i32
    %mul3A_216 = arith.muli %add3A_214, %mul3A_215 : i32
    %add3A_217 = arith.addi %mul3A_216, %mul3A_0 : i32
    "tpu.region"() ({
      %run_scoped3A = tpu.sem_alloc : memref<!tpu.dma_semaphore, #tpu.memory_space<semaphore_mem>>
      %dma_start3A = arith.constant 1120 : i32
      %dma_start3A_232 = tpu.memref_slice %arg12[%dma_start3A] : memref<22400xf32, #tpu.memory_space<vmem>> -> memref<1120xf32, #tpu.memory_space<vmem>>
      %dma_start3A_233 = tpu.memref_slice %arg7[%add3A_217] : memref<286720xf32, #tpu.memory_space<hbm>> -> memref<1120xf32, #tpu.memory_space<hbm>>
      %dma_start3A_234 = tpu.memref_slice %arg7[%add3A_217] : memref<286720xf32, #tpu.memory_space<hbm>> -> memref<1120xf32, #tpu.memory_space<hbm>>
      %dma_start3A_235 = arith.constant 1120 : i32
      %dma_start3A_236 = tpu.memref_slice %arg12[%dma_start3A_235] : memref<22400xf32, #tpu.memory_space<vmem>> -> memref<1120xf32, #tpu.memory_space<vmem>>
      tpu.enqueue_dma source(%dma_start3A_236 : memref<1120xf32, #tpu.memory_space<vmem>>) target(%dma_start3A_234 : memref<1120xf32, #tpu.memory_space<hbm>>) target_semaphore(%run_scoped3A : memref<!tpu.dma_semaphore, #tpu.memory_space<semaphore_mem>>)
      %dma_wait3A = arith.constant 1120 : i32
      %dma_wait3A_237 = tpu.memref_slice %arg12[%dma_wait3A] : memref<22400xf32, #tpu.memory_space<vmem>> -> memref<1120xf32, #tpu.memory_space<vmem>>
      %dma_wait3A_238 = tpu.memref_slice %arg7[%add3A_217] : memref<286720xf32, #tpu.memory_space<hbm>> -> memref<1120xf32, #tpu.memory_space<hbm>>
      %dma_wait3A_239 = tpu.memref_slice %arg7[%add3A_217] : memref<286720xf32, #tpu.memory_space<hbm>> -> memref<1120xf32, #tpu.memory_space<hbm>>
      %dma_wait3A_240 = arith.constant 1120 : i32
      %dma_wait3A_241 = tpu.memref_slice %arg12[%dma_wait3A_240] : memref<22400xf32, #tpu.memory_space<vmem>> -> memref<1120xf32, #tpu.memory_space<vmem>>
      tpu.wait_dma2 semaphore(%run_scoped3A : memref<!tpu.dma_semaphore, #tpu.memory_space<semaphore_mem>>) src(%dma_wait3A_241 : memref<1120xf32, #tpu.memory_space<vmem>>) dst(%dma_wait3A_239 : memref<1120xf32, #tpu.memory_space<hbm>>)
      tpu.yield
    }) : () -> ()
    %mul3A_218 = arith.constant 4 : i32
    %mul3A_219 = arith.muli %add3A_181, %mul3A_218 : i32
    %add3A_220 = arith.constant 2 : i32
    %add3A_221 = arith.addi %mul3A_219, %add3A_220 : i32
    %mul3A_222 = arith.constant 17920 : i32
    %mul3A_223 = arith.muli %add3A_221, %mul3A_222 : i32
    %add3A_224 = arith.addi %mul3A_223, %mul3A_0 : i32
    "tpu.region"() ({
      %run_scoped3A = tpu.sem_alloc : memref<!tpu.dma_semaphore, #tpu.memory_space<semaphore_mem>>
      %dma_start3A = arith.constant 2240 : i32
      %dma_start3A_232 = tpu.memref_slice %arg12[%dma_start3A] : memref<22400xf32, #tpu.memory_space<vmem>> -> memref<1120xf32, #tpu.memory_space<vmem>>
      %dma_start3A_233 = tpu.memref_slice %arg7[%add3A_224] : memref<286720xf32, #tpu.memory_space<hbm>> -> memref<1120xf32, #tpu.memory_space<hbm>>
      %dma_start3A_234 = tpu.memref_slice %arg7[%add3A_224] : memref<286720xf32, #tpu.memory_space<hbm>> -> memref<1120xf32, #tpu.memory_space<hbm>>
      %dma_start3A_235 = arith.constant 2240 : i32
      %dma_start3A_236 = tpu.memref_slice %arg12[%dma_start3A_235] : memref<22400xf32, #tpu.memory_space<vmem>> -> memref<1120xf32, #tpu.memory_space<vmem>>
      tpu.enqueue_dma source(%dma_start3A_236 : memref<1120xf32, #tpu.memory_space<vmem>>) target(%dma_start3A_234 : memref<1120xf32, #tpu.memory_space<hbm>>) target_semaphore(%run_scoped3A : memref<!tpu.dma_semaphore, #tpu.memory_space<semaphore_mem>>)
      %dma_wait3A = arith.constant 2240 : i32
      %dma_wait3A_237 = tpu.memref_slice %arg12[%dma_wait3A] : memref<22400xf32, #tpu.memory_space<vmem>> -> memref<1120xf32, #tpu.memory_space<vmem>>
      %dma_wait3A_238 = tpu.memref_slice %arg7[%add3A_224] : memref<286720xf32, #tpu.memory_space<hbm>> -> memref<1120xf32, #tpu.memory_space<hbm>>
      %dma_wait3A_239 = tpu.memref_slice %arg7[%add3A_224] : memref<286720xf32, #tpu.memory_space<hbm>> -> memref<1120xf32, #tpu.memory_space<hbm>>
      %dma_wait3A_240 = arith.constant 2240 : i32
      %dma_wait3A_241 = tpu.memref_slice %arg12[%dma_wait3A_240] : memref<22400xf32, #tpu.memory_space<vmem>> -> memref<1120xf32, #tpu.memory_space<vmem>>
      tpu.wait_dma2 semaphore(%run_scoped3A : memref<!tpu.dma_semaphore, #tpu.memory_space<semaphore_mem>>) src(%dma_wait3A_241 : memref<1120xf32, #tpu.memory_space<vmem>>) dst(%dma_wait3A_239 : memref<1120xf32, #tpu.memory_space<hbm>>)
      tpu.yield
    }) : () -> ()
    %mul3A_225 = arith.constant 4 : i32
    %mul3A_226 = arith.muli %add3A_181, %mul3A_225 : i32
    %add3A_227 = arith.constant 3 : i32
    %add3A_228 = arith.addi %mul3A_226, %add3A_227 : i32
    %mul3A_229 = arith.constant 17920 : i32
    %mul3A_230 = arith.muli %add3A_228, %mul3A_229 : i32
    %add3A_231 = arith.addi %mul3A_230, %mul3A_0 : i32
    "tpu.region"() ({
      %run_scoped3A = tpu.sem_alloc : memref<!tpu.dma_semaphore, #tpu.memory_space<semaphore_mem>>
      %dma_start3A = arith.constant 3360 : i32
      %dma_start3A_232 = tpu.memref_slice %arg12[%dma_start3A] : memref<22400xf32, #tpu.memory_space<vmem>> -> memref<1120xf32, #tpu.memory_space<vmem>>
      %dma_start3A_233 = tpu.memref_slice %arg7[%add3A_231] : memref<286720xf32, #tpu.memory_space<hbm>> -> memref<1120xf32, #tpu.memory_space<hbm>>
      %dma_start3A_234 = tpu.memref_slice %arg7[%add3A_231] : memref<286720xf32, #tpu.memory_space<hbm>> -> memref<1120xf32, #tpu.memory_space<hbm>>
      %dma_start3A_235 = arith.constant 3360 : i32
      %dma_start3A_236 = tpu.memref_slice %arg12[%dma_start3A_235] : memref<22400xf32, #tpu.memory_space<vmem>> -> memref<1120xf32, #tpu.memory_space<vmem>>
      tpu.enqueue_dma source(%dma_start3A_236 : memref<1120xf32, #tpu.memory_space<vmem>>) target(%dma_start3A_234 : memref<1120xf32, #tpu.memory_space<hbm>>) target_semaphore(%run_scoped3A : memref<!tpu.dma_semaphore, #tpu.memory_space<semaphore_mem>>)
      %dma_wait3A = arith.constant 3360 : i32
      %dma_wait3A_237 = tpu.memref_slice %arg12[%dma_wait3A] : memref<22400xf32, #tpu.memory_space<vmem>> -> memref<1120xf32, #tpu.memory_space<vmem>>
      %dma_wait3A_238 = tpu.memref_slice %arg7[%add3A_231] : memref<286720xf32, #tpu.memory_space<hbm>> -> memref<1120xf32, #tpu.memory_space<hbm>>
      %dma_wait3A_239 = tpu.memref_slice %arg7[%add3A_231] : memref<286720xf32, #tpu.memory_space<hbm>> -> memref<1120xf32, #tpu.memory_space<hbm>>
      %dma_wait3A_240 = arith.constant 3360 : i32
      %dma_wait3A_241 = tpu.memref_slice %arg12[%dma_wait3A_240] : memref<22400xf32, #tpu.memory_space<vmem>> -> memref<1120xf32, #tpu.memory_space<vmem>>
      tpu.wait_dma2 semaphore(%run_scoped3A : memref<!tpu.dma_semaphore, #tpu.memory_space<semaphore_mem>>) src(%dma_wait3A_241 : memref<1120xf32, #tpu.memory_space<vmem>>) dst(%dma_wait3A_239 : memref<1120xf32, #tpu.memory_space<hbm>>)
      tpu.yield
    }) : () -> ()
    return
  }
}

</mosaic_0001>

<sc_bundles>
// kernel: kernel.3.cloned.1.call-start
scs
__scs_entry_jumppad:
0x0: {  	(pc) =	sbr.rel $0x88, $3  }
0x1: {  	(tag) =	ssettag $0x0;
	lr =	simm.s32 $0x1  }
0x2: {  	[smem:$0x3FA0] =	sst lr;
	_ =	strace $0xD0000000  }
0x3: {  	_ = 	snop  }
0x4: {  	_ = 	snop  }
0x5: {  	_ = 	snop  }
0x6: {  	_ = 	snop  }
0x7: {  	_ = 	snop  }
__scs_overlays_trampoline_lowered:
0x8: {  	[smem:$0x3FAF] =	sst s0  }
0x9: {  	[smem:$0x3FB0] =	sst s1  }
0xa: {  	[smem:$0x3FB1] =	sst s2  }
0xb: {  	[smem:$0x3FB2] =	sst s3  }
0xc: {  	[smem:$0x3FB3] =	sst s4  }
0xd: {  	[smem:$0x3FB4] =	sst s5  }
0xe: {  	[smem:$0x3FB5] =	sst s6  }
0xf: {  	[smem:$0x3FB6] =	sst s7  }
0x10: {  	[smem:$0x3FB7] =	sst s8  }
0x11: {  	[smem:$0x3FB8] =	sst s9;
	s0 =	simm.s32 @!p0 $0x0  }
0x12: {  	s1 =	sld [smem:$0x3F9E];
	s0 =	simm.s32 @p0 $0x1  }
0x13: {  	[smem:$0x3FB9] =	sst s0;
	s0 =	simm.s32 @!p1 $0x0  }
0x14: {  	s2 =	sld [smem:$0x3F9D];
	s0 =	simm.s32 @p1 $0x1  }
0x15: {  	[smem:$0x3FBA] =	sst s0;
	s0 =	simm.s32 @!p2 $0x0  }
0x16: {  	s3 =	sld [smem:$0x3FDB];
	s0 =	simm.s32 @p2 $0x1  }
0x17: {  	s4 =	simm.s32 $0x1BF5;
	[smem:$0x3FBC] =	sst s0  }
0x18: {  	s0 =	sld [smem:$0x3F9F];
	_ =	swait.ge [sflag:s4], $0x0  }
0x19: {  	s7 =	sld [smem:$0x3FA0]  }
0x1a: {  	s8 =	sadd.s32 $0xFFFFE003, lr  }
0x1b: {  	s9 =	sadd.s32 $0xFFFFFEF7, lr;
	s5 =	simm.s32 $0xFFFFFFFF;
	p2 =	slt.u32 s8, $0xFFFFF086  }
0x1c: {  	p1 =	slt.u32 s9, $0xF7A;
	s5 =	simm.s32 @!p2 $0x0  }
0x1d: {  	s5 =	simm.s32 @p1 $0x1;
	p0 =	seq.s32 s7, s2  }
0x1e: {  	s7 =	smul.u32 @!p0 $0xF7A, s2;
	p2 =	seq.s32 @!p0 s5, $0x0  }
0x1f: {  	s9 =	smul.u32 $0xF7A, s1;
	s8 =	simm.s32 @!p0 $0x1BF5;
	p2 =	por !p2, p0  }
0x20: {  	[sflag:s8] =	ssyncset.s32 @!p0 $0xFFFFF086;
	s6 =	sadd.s32 @!p0 s3, s7;
	s7 =	simm.s32 @!p0 $0x108  }
0x21: {  	s3 =	sadd.s32 s3, s9;
	s6 =	sadd.s32 @!p0 $0x88, s6;
	s7 =	simm.s32 @p2 $0x1082  }
0x22: {  	[simem:s7], [sflag:s8] =	dma.local @!p0 [hbm:s6], $0xF7A  }
0x23: {  	s9 =	sor.u32 $0xD0000000, s2;
	s6 =	simm.s32 $0x108;
	_ =	swait.ge @!p0 [sflag:s8], $0x0  }
0x24: {  	s3 =	sadd.s32 $0x88, s3;
	s6 =	simm.s32 @!p1 $0x1082;
	[sflag:s4] =	ssyncset.s32 $0xFFFFF086  }
0x25: {  	[simem:s6], [sflag:s4] =	dma.local [hbm:s3], $0xF7A  }
0x26: {  	[smem:$0x3FA0] =	sst s1;
	(tag) =	ssettag s2;
	_ =	strace s9  }
0x27: {  	s1 =	sld [smem:$0x3FB0]  }
0x28: {  	s2 =	sld [smem:$0x3FB1]  }
0x29: {  	s4 =	sld [smem:$0x3FB3]  }
0x2a: {  	p0 =	seq.s32 s5, $0x0;
	s5 =	sld [smem:$0x3FB4]  }
0x2b: {  	s6 =	sld [smem:$0x3FB5]  }
0x2c: {  	s7 =	sld [smem:$0x3FB6]  }
0x2d: {  	s3 =	simm.s32 $0x108;
	s8 =	sld [smem:$0x3FB7]  }
0x2e: {  	s3 =	simm.s32 @!p0 $0x1082;
	s9 =	sld [smem:$0x3FB8]  }
0x2f: {  	lr =	sadd.s32 s0, s3;
	s0 =	sld [smem:$0x3FAF]  }
0x30: {  	s3 =	sld [smem:$0x3FB2]  }
0x31: {  	[smem:$0x3FBB] =	sst s10  }
0x32: {  	s10 =	sld [smem:$0x3FB9];
	_ =	sdelay $0x3  }
0x33: {  	p0 =	seq.s32 s10, $0x1;
	s10 =	sld [smem:$0x3FBB];
	_ =	sdelay $0x3  }
0x34: {  	[smem:$0x3FBB] =	sst s10  }
0x35: {  	s10 =	sld [smem:$0x3FBA];
	_ =	sdelay $0x3  }
0x36: {  	p1 =	seq.s32 s10, $0x1;
	s10 =	sld [smem:$0x3FBB];
	_ =	sdelay $0x3  }
0x37: {  	[smem:$0x3FBB] =	sst s10  }
0x38: {  	s10 =	sld [smem:$0x3FBC]  }
0x39: {  	_ = 	snop;
	(pc) =	sbr.ind lr, $3  }
0x3a: {  	_ = 	snop  }
0x3b: {  	_ = 	snop  }
0x3c: {  	p2 =	seq.s32 s10, $0x1;
	s10 =	sld [smem:$0x3FBB]  }
0x3d: {  	_ =	shalt  }
0x3e: {  	_ =	shalt  }
0x3f: {  	_ =	shalt  }
0x40: {  	_ =	shalt  }
0x41: {  	_ =	shalt  }
0x42: {  	_ =	shalt  }
0x43: {  	_ =	shalt  }
0x44: {  	_ =	shalt  }
0x45: {  	_ =	shalt  }
0x46: {  	_ =	shalt  }
0x47: {  	_ =	shalt  }
0x48: {  	_ =	shalt  }
0x49: {  	_ =	shalt  }
0x4a: {  	_ =	shalt  }
0x4b: {  	_ =	shalt  }
0x4c: {  	_ =	shalt  }
0x4d: {  	_ =	shalt  }
0x4e: {  	_ =	shalt  }
0x4f: {  	_ =	shalt  }
0x50: {  	_ =	shalt  }
0x51: {  	_ =	shalt  }
0x52: {  	_ =	shalt  }
0x53: {  	_ =	shalt  }
0x54: {  	_ =	shalt  }
0x55: {  	_ =	shalt  }
0x56: {  	_ =	shalt  }
0x57: {  	_ =	shalt  }
0x58: {  	_ =	shalt  }
0x59: {  	_ =	shalt  }
0x5a: {  	_ =	shalt  }
0x5b: {  	_ =	shalt  }
0x5c: {  	_ =	shalt  }
0x5d: {  	_ =	shalt  }
0x5e: {  	_ =	shalt  }
0x5f: {  	_ =	shalt  }
0x60: {  	_ =	shalt  }
0x61: {  	_ =	shalt  }
0x62: {  	_ =	shalt  }
0x63: {  	_ =	shalt  }
0x64: {  	_ =	shalt  }
0x65: {  	_ =	shalt  }
0x66: {  	_ =	shalt  }
0x67: {  	_ =	shalt  }
0x68: {  	_ =	shalt  }
0x69: {  	_ =	shalt  }
0x6a: {  	_ =	shalt  }
0x6b: {  	_ =	shalt  }
0x6c: {  	_ =	shalt  }
0x6d: {  	_ =	shalt  }
0x6e: {  	_ =	shalt  }
0x6f: {  	_ =	shalt  }
0x70: {  	_ =	shalt  }
0x71: {  	_ =	shalt  }
0x72: {  	_ =	shalt  }
0x73: {  	_ =	shalt  }
0x74: {  	_ =	shalt  }
0x75: {  	_ =	shalt  }
0x76: {  	_ =	shalt  }
0x77: {  	_ =	shalt  }
0x78: {  	_ =	shalt  }
0x79: {  	_ =	shalt  }
0x7a: {  	_ =	shalt  }
0x7b: {  	_ =	shalt  }
0x7c: {  	_ =	shalt  }
0x7d: {  	_ =	shalt  }
0x7e: {  	_ =	shalt  }
0x7f: {  	_ =	shalt  }
0x80: {  	_ =	shalt  }
0x81: {  	_ =	shalt  }
0x82: {  	_ =	shalt  }
0x83: {  	_ =	shalt  }
0x84: {  	_ =	shalt  }
0x85: {  	_ =	shalt  }
0x86: {  	_ =	shalt  }
0x87: {  	_ =	shalt  }
.Lfunc_end0:
.L_simem_size_0:
called_computation_lowered:
.L_overlay_start_0:
0x88: {  	s2 =	sld [smem:$0x3FD9]  }
0x89: {  	s3 =	sld [smem:$0x3FFE];
	_ =	sdelay $0x1  }
0x8a: {  	s1 =	srdreg.scid  }
0x8b: {  	s0 =	sand.u32 $0x1, s1  }
0x8c: {  	s14 =	sshll.u32 s0, $0xA;
	s2 =	sadd.s32 s3, s2  }
0x8d: {  	s2 =	sadd.s32 s2, s14  }
0x8e: {  	[smem:$0x3FC7] =	sst s2  }
0x8f: {  	_ = 	snop  }
0x90: {  	s2 =	sld [smem:$0x3FD0];
	_ =	sdelay $0x2  }
0x91: {  	s15 =	simm.s32 $0xA;
	s4 =	simm.s32 $0x10  }
0x92: {  	[smem:s4], [sflag:s15] =	dma.local [hbm:s2], $0x1  }
0x93: {  	_ =	swait.eq [sflag:s15], $0x1  }
0x94: {  	s16 =	sld [smem:$0x10]  }
0x95: {  	s17 =	sld [smem:$0x11];
	[sflag:s15] =	ssyncset.done $0x0  }
0x96: {  	s5 =	sld [smem:$0x12];
	[sflag:s15] =	ssyncadd.s32 $0xFFFFFFFF  }
0x97: {  	s18 =	sld [smem:$0x13];
	(tm) =	ssettm $0x1  }
0x98: {  	s6 =	sld [smem:$0x3FFB];
	_ =	sdelay $0x3  }
0x99: {  	_ =	strace s6  }
0x9a: {  	s6 =	sld [smem:$0x3FFC];
	_ =	sdelay $0x3  }
0x9b: {  	_ =	strace s6  }
0x9c: {  	s6 =	sld [smem:$0x3FFD];
	_ =	sdelay $0x3  }
0x9d: {  	_ =	strace s6  }
0x9e: {  	_ =	strace $0x8FFFFFFF  }
0x9f: {  	s19 =	sld [smem:$0x3FDB];
	_ =	sdelay $0x1  }
0xa0: {  	s7 =	simm.s32 $_scs_section_size  }
0xa1: {  	s8 =	simm.s32 $_size__tile_overlayer_lowered;
	s9 =	simm.s32 $_tile_overlayer_lowered  }
0xa2: {  	s22 =	simm.s32 $0x1BFF;
	s21 =	sshll.u32 s9, $0x1;
	s6 =	sadd.s32 s7, s19  }
0xa3: {  	s10 =	simm.s32 $0x0;
	s20 =	sshll.u32 s8, $0x1;
	s8 =	sadd.s32 s21, s6  }
0xa4: {  	[timem:s10], [sflag:s22] =	dma.local [hbm:s8], s20  }
0xa5: {  	_ =	swait.ge [sflag:s22], s20  }
0xa6: {  	s7 =	ssub.s32 $0x0, s20;
	[sflag:s22] =	ssyncset.done $0x0  }
0xa7: {  	[sflag:s22] =	ssyncadd.s32 s7;
	_ =	sdelay $0x1  }
0xa8: {  	s23 =	simm.s32 $0x1B8B  }
0xa9: {  	_ =	swait.ge [sflag:s23], $0x1  }
0xaa: {  	[sflag:s23] =	ssyncset.done $0x0  }
0xab: {  	s25 =	simm.s32 $0x1B8E;
	s24 =	sld [smem:$0x3FFE];
	[sflag:s23] =	ssyncadd.s32 $0xFFFFFFFF  }
0xac: {  	s26 =	simm.s32 $execute0_lowered;
	[smem:$0x3FD2] =	sst s25  }
0xad: {  	s8 =	sshll.u32 s26, $0x1;
	_ =	strace $0x80000046;
	[dreg:$0x1] =	wrdreg $0xFFFFFFFF  }
0xae: {  	s28 =	simm.s32 $_size_execute0_lowered;
	s6 =	sadd.s32 s6, s8;
	[dreg:$0x0] =	wrdreg $0x0  }
0xaf: {  	s8 =	sshll.u32 s28, $0x1;
	[dreg:$0x2] =	wrdreg s6  }
0xb0: {  	[dreg:$0x3] =	wrdreg s8  }
0xb1: {  	[dreg:$0x4] =	wrdreg $0xC0  }
0xb2: {  	_ =	task [dreg:s10], $0x5FFFF  }
0xb3: {  	[dreg:$0x1] =	wrdreg $0xFFFFFFFF  }
0xb4: {  	[dreg:$0x0] =	wrdreg $0x60  }
0xb5: {  	[dreg:$0x2] =	wrdreg s5  }
0xb6: {  	[dreg:$0x3] =	wrdreg s24  }
0xb7: {  	[dreg:$0x4] =	wrdreg s17  }
0xb8: {  	[dreg:$0x5] =	wrdreg s16  }
0xb9: {  	[dreg:$0x6] =	wrdreg s18  }
0xba: {  	[dreg:$0x7] =	wrdreg $0x176000  }
0xbb: {  	[dreg:$0x8] =	wrdreg $0x177400  }
0xbc: {  	[dreg:$0x9] =	wrdreg $0x188C00  }
0xbd: {  	[dreg:$0xa] =	wrdreg $0x19A400  }
0xbe: {  	[dreg:$0xb] =	wrdreg $0x9  }
0xbf: {  	_ =	task.clear_ibuf [dreg:s10], $0xCFFFF;
	_ =	strace $0x90000046  }
0xc0: {  	s29 =	simm.s32 $0x9;
	_ =	strace $0x80000048  }
0xc1: {  	_ =	swait.ge [sflag:s29], $0x1  }
0xc2: {  	[sflag:s29] =	ssyncadd.s32 $0xFFFFFFFF  }
0xc3: {  	_ =	strace $0x90000048  }
0xc4: {  	_ =	sfence  }
0xc5: {  	s30 =	sld [smem:$0x0];
	_ =	sdelay $0x2  }
0xc6: {  	s31 =	sshll.u32 s1, $0xD;
	s1 =	sshrl.u32 s1, $0x2  }
0xc7: {  	s3 =	sand.u32 $0x4000, s31;
	s1 =	sadd.s32 s1, s30  }
0xc8: {  	s0 =	sor.u32 s3, s0;
	s1 =	sshll.u32 s1, $0x11  }
0xc9: {  	s0 =	sor.u32 s1, s0  }
0xca: {  	s0 =	sadd.s32 $0x8F2B, s0  }
0xcb: {  	[sflag:s0] =	ssyncadd.remote.s32 $0x1  }
0xcc: {  	_ =	sfence.sel $0xFFFF  }
0xcd: {  	[dreg:$0x0] =	wrdreg $0xFFFFFFFF;
	(pc) =	sbr.abs _section_cstart, $3  }
0xce: {  	[dreg:$0x1] =	wrdreg $0xFFFFFFFF  }
0xcf: {  	_ =	task.clear_ibuf [dreg:s10], $0x2FFFF;
	_ =	strace $0x9FFFFFFF  }
0xd0: {  	(tm) =	ssettm $0x7FFFFFFF  }
0xd1: {  	_ =	shalt  }
tec
execute0_lowered:
.L_overlay_start_1:
0x0: {  	(tag) =	ssettag $0x1  }
0x1: {  	s5 =	rddreg [dreg:$0x0]  }
0x2: {  	s0 =	rddreg [dreg:$0x1]  }
0x3: {  	s6 =	rddreg [dreg:$0x2]  }
0x4: {  	s7 =	rddreg [dreg:$0x3];
	s1 =	srdreg.scid  }
0x5: {  	s2 =	rddreg [dreg:$0x4];
	s22 =	stileid.u32;
	s8 =	sand.u32 $0x1, s1  }
0x6: {  	s9 =	sadd.s32 $0x1600, s0;
	s3 =	smul.u32 $0x460, s22;
	s10 =	sadd.s32 $0x1E00, s0  }
0x7: {  	s11 =	sadd.s32 $0x3800, s0;
	s12 =	sadd.s32 $0x5C00, s0;
	s13 =	smul.u32 $0x320, s8  }
0x8: {  	s1 =	ssub.s32 $0x2, s8;
	s14 =	sshllo.u32 s8, $0x1;
	s17 =	smul.u32 $0xC8C, s8  }
0x9: {  	s21 =	smul.u32 $0x8C00, s8;
	s4 =	sshrl.u32 s1, $0x1;
	s30 =	sshrl.u32 s3, $0x3  }
0xa: {  	s16 =	smul.u32 $0x190, s14;
	s19 =	sadd.s32 $0xD200, s3;
	s13 =	sadd.s32 s9, s13  }
0xb: {  	s20 =	smul.u32 $0x646, s14;
	s23 =	sadd.s32 s10, s17;
	[dreg:$0xd] =	wrdreg s13  }
0xc: {  	s0 =	ssub.s32 s1, s4;
	s4 =	sadd.s32 $0x4600, s3;
	[dreg:$0xf] =	wrdreg s23  }
0xd: {  	s15 =	sshrl.u32 s4, $0x3;
	s24 =	sadd.s32 s6, s20;
	s23 =	rddreg [dreg:$0x5]  }
0xe: {  	s1 =	sadd.s32 s5, s30;
	s15 =	sadd.s32 s5, s15;
	[dreg:$0x10] =	wrdreg s24  }
0xf: {  	s26 =	sadd.s32 s10, s20;
	[dreg:$0xa] =	wrdreg s15;
	s15 =	sadd.s32 $0x8C00, s3  }
0x10: {  	s6 =	sadd.s32 s6, s17;
	[dreg:$0x11] =	wrdreg s26;
	s18 =	sshrl.u32 s15, $0x3  }
0x11: {  	s31 =	sshrl.u32 s19, $0x3;
	[dreg:$0x12] =	wrdreg s6;
	s18 =	sadd.s32 s5, s18  }
0x12: {  	s5 =	sadd.s32 s5, s31;
	s31 =	smul.u32 $0x23000, s8;
	s8 =	rddreg [dreg:$0x8]  }
0x13: {  	s28 =	smul.u32 $0x4600, s14;
	s25 =	sadd.s32 s3, s21;
	[dreg:$0xb] =	wrdreg s18  }
0x14: {  	[dreg:$0xc] =	wrdreg s5;
	s18 =	sadd.s32 s9, s16;
	s5 =	sshrl.u32 s25, $0x3  }
0x15: {  	[dreg:$0xe] =	wrdreg s18;
	s30 =	sadd.s32 s7, s5  }
0x16: {  	s13 =	sadd.s32 s3, s28;
	s10 =	sadd.s32 s11, s5;
	[dreg:$0x13] =	wrdreg s30  }
0x17: {  	s16 =	smul.u32 $0x11800, s14;
	s5 =	sadd.s32 s12, s5;
	[dreg:$0x14] =	wrdreg s10  }
0x18: {  	s6 =	sadd.s32 s3, s31;
	[dreg:$0x15] =	wrdreg s5;
	s5 =	sshrl.u32 s13, $0x3  }
0x19: {  	s18 =	sshrl.u32 s6, $0x3;
	s20 =	sadd.s32 s3, s16;
	s10 =	rddreg [dreg:$0x6]  }
0x1a: {  	s24 =	sadd.s32 s16, s4;
	s13 =	rddreg [dreg:$0x7];
	s7 =	sadd.s32 s7, s5  }
0x1b: {  	s25 =	sadd.s32 s16, s15;
	s17 =	sadd.s32 s11, s5;
	[dreg:$0x16] =	wrdreg s7  }
0x1c: {  	s5 =	sadd.s32 s12, s5;
	s21 =	sshrl.u32 s20, $0x3;
	[dreg:$0x17] =	wrdreg s17  }
0x1d: {  	s28 =	sadd.s32 s16, s19;
	[dreg:$0x18] =	wrdreg s5;
	s5 =	sadd.s32 s2, s21  }
0x1e: {  	s17 =	simm.s32 $0x0;
	[dreg:$0x19] =	wrdreg s5;
	s5 =	sshrl.u32 s24, $0x3  }
0x1f: {  	s26 =	sshrl.u32 s25, $0x3;
	[smem:$0x7FF] =	sst s17;
	s5 =	sadd.s32 s2, s5  }
0x20: {  	s31 =	sshrl.u32 s28, $0x3;
	[dreg:$0x1a] =	wrdreg s5;
	s5 =	sadd.s32 s2, s26  }
0x21: {  	s18 =	sadd.s32 s2, s18;
	s2 =	sadd.s32 s2, s31;
	[dreg:$0x1b] =	wrdreg s5  }
0x22: {  	s7 =	sadd.s32 s3, s10;
	[dreg:$0x1c] =	wrdreg s2  }
0x23: {  	s9 =	sadd.s32 s3, s13;
	_ =	strace $0x80000047;
	[dreg:$0x1d] =	wrdreg s7  }
0x24: {  	s11 =	sadd.s32 s4, s10;
	[dreg:$0x1e] =	wrdreg s9  }
0x25: {  	s12 =	sadd.s32 s4, s13;
	[dreg:$0x1f] =	wrdreg s11  }
0x26: {  	p0 =	sgt.s32 s22, $0x1;
	s14 =	sadd.s32 s15, s10;
	[smem:$0x7EF] =	sst s12  }
0x27: {  	p1 =	seq.s32 s22, $0x0;
	s15 =	sadd.s32 s15, s13;
	[smem:$0x7F0] =	sst s14  }
0x28: {  	p2 =	seq.s32 s22, $0x1;
	s16 =	sadd.s32 s19, s10;
	[smem:$0x7F1] =	sst s15  }
0x29: {  	p3 =	seq.s32 s22, $0x2;
	s20 =	sadd.s32 s19, s13;
	[smem:$0x7F2] =	sst s16  }
0x2a: {  	s0 =	smax.u32 s0, $0x1;
	s30 =	smul.u32 $0x500, s22;
	[smem:$0x7F3] =	sst s20  }
0x2b: {  	p4 =	seq.s32 s22, $0x3;
	s21 =	sadd.s32 $0x2300, s1;
	[smem:$0x7F4] =	sst s0  }
0x2c: {  	s22 =	sadd.s32 $0x2BC0, s1;
	s6 =	sshrl.u32 s30, $0x2;
	[smem:$0x7F5] =	sst s21  }
0x2d: {  	s29 =	sadd.s32 s6, s23;
	s23 =	sadd.s32 $0x3480, s1;
	[smem:$0x7F6] =	sst s22  }
0x2e: {  	s4 =	sadd.s32 $0x4600, s1;
	s24 =	sadd.s32 $0x4600, s10;
	[smem:$0x7F7] =	sst s23  }
0x2f: {  	s25 =	sadd.s32 $0x4600, s13;
	s28 =	sadd.s32 $0x8C00, s13;
	[smem:$0x7F8] =	sst s24  }
0x30: {  	s3 =	sadd.s32 $0x3D40, s1;
	s26 =	sadd.s32 $0x8C00, s10;
	[smem:$0x7F9] =	sst s25  }
0x31: {  	s30 =	sadd.s32 $0xD200, s10;
	s6 =	sadd.s32 $0x5780, s1;
	[smem:$0x7FA] =	sst s26  }
0x32: {  	s31 =	sadd.s32 $0xD200, s13;
	s13 =	sadd.s32 $0x8C0, s18;
	[smem:$0x7FB] =	sst s28  }
0x33: {  	s10 =	simm.s32 $0x0;
	s5 =	sadd.s32 $0x4EC0, s1;
	[smem:$0x7FC] =	sst s30  }
0x34: {  	v0 =	vlaneseq.u32;
	s11 =	sadd.s32 $0x6040, s1;
	s12 =	sadd.s32 $0x10, s8;
	[smem:$0x7FD] =	sst s31  }
0x35: {  	v2 =	vmul.u32 $0xFFFFFFFF, v0;
	s14 =	sadd.s32 $0x1180, s18;
	s15 =	sadd.s32 $0x1A40, s18;
	s16 =	simm.s32 $0x1  }
0x36: {  	s23 =	simm.s32 $0xF400;
	s0 =	simm.s32 $0x170E0;
	s24 =	simm.s32 $0x17580  }
0x37: {  	v1 =	vimm.f32 $0.0e+00;
	v0 =	vimm.f32 $-1.000000000e+00;
	v2 =	vadd.s32 $0xF, v2;
	s7 =	simm.s32 $0x4100;
	s8 =	simm.s32 $0x4560;
	s9 =	simm.s32 $0x4E20  }
.LBB2_1:
0x38: {  	[tilespmem:s17], [sflag:$0x1] =	stream.linear.gather [hbm4b:s1+s17], $0x460, $0x38;
	[tilespmem:$0x19A48] =	vst v63  }
0x39: {  	_ =	swait.ge [sflag:s16], $0x460  }
0x3a: {  	[sflag:s16] =	ssyncset.done $0x0  }
0x3b: {  	s19 =	simm.s32 $0x460;
	s2 =	rddreg [dreg:$0xa];
	[sflag:s16] =	ssyncadd.s32 $0xFFFFFBA0  }
0x3c: {  	[tilespmem:s19], [sflag:$0x1] =	stream.linear.gather [hbm4b:s2+s17], $0x460, $0x38;
	[tilespmem:$0x19A48] =	vst v63  }
0x3d: {  	_ =	swait.ge [sflag:s16], $0x460  }
0x3e: {  	[sflag:s16] =	ssyncset.done $0x0  }
0x3f: {  	s21 =	simm.s32 $0x8C0;
	s20 =	rddreg [dreg:$0xb];
	[sflag:s16] =	ssyncadd.s32 $0xFFFFFBA0  }
0x40: {  	[tilespmem:s21], [sflag:$0x1] =	stream.linear.gather [hbm4b:s20+s17], $0x460, $0x38;
	[tilespmem:$0x19A48] =	vst v63  }
0x41: {  	_ =	swait.ge [sflag:s16], $0x460  }
0x42: {  	[sflag:s16] =	ssyncset.done $0x0  }
0x43: {  	s25 =	simm.s32 $0xD20;
	s22 =	rddreg [dreg:$0xc];
	[sflag:s16] =	ssyncadd.s32 $0xFFFFFBA0  }
0x44: {  	[tilespmem:s25], [sflag:$0x1] =	stream.linear.gather [hbm4b:s22+s17], $0x460, $0x38;
	[tilespmem:$0x19A48] =	vst v63  }
0x45: {  	_ =	swait.ge [sflag:s16], $0x460  }
0x46: {  	s26 =	sld [smem:$0x7F5]  }
0x47: {  	[sflag:s16] =	ssyncset.done $0x0  }
0x48: {  	s28 =	simm.s32 $0x1180;
	[sflag:s16] =	ssyncadd.s32 $0xFFFFFBA0  }
0x49: {  	[tilespmem:s28], [sflag:$0x1] =	stream.linear.gather [hbm4b:s26+s17], $0x460, $0x38;
	[tilespmem:$0x19A48] =	vst v63  }
0x4a: {  	_ =	swait.ge [sflag:s16], $0x460  }
0x4b: {  	s30 =	sld [smem:$0x7F6]  }
0x4c: {  	[sflag:s16] =	ssyncset.done $0x0  }
0x4d: {  	s31 =	simm.s32 $0x15E0;
	[sflag:s16] =	ssyncadd.s32 $0xFFFFFBA0  }
0x4e: {  	[tilespmem:s31], [sflag:$0x1] =	stream.linear.gather [hbm4b:s30+s17], $0x460, $0x38;
	[tilespmem:$0x19A48] =	vst v63  }
0x4f: {  	_ =	swait.ge [sflag:s16], $0x460  }
0x50: {  	s19 =	sld [smem:$0x7F7]  }
0x51: {  	[sflag:s16] =	ssyncset.done $0x0  }
0x52: {  	s20 =	simm.s32 $0x1A40;
	[sflag:s16] =	ssyncadd.s32 $0xFFFFFBA0  }
0x53: {  	[tilespmem:s20], [sflag:$0x1] =	stream.linear.gather [hbm4b:s19+s17], $0x460, $0x38;
	[tilespmem:$0x19A48] =	vst v63  }
0x54: {  	_ =	swait.ge [sflag:s16], $0x460  }
0x55: {  	[sflag:s16] =	ssyncset.done $0x0  }
0x56: {  	s21 =	simm.s32 $0x1EA0;
	[sflag:s16] =	ssyncadd.s32 $0xFFFFFBA0  }
0x57: {  	[tilespmem:s21], [sflag:$0x1] =	stream.linear.gather [hbm4b:s3+s17], $0x460, $0x38;
	[tilespmem:$0x19A48] =	vst v63  }
0x58: {  	_ =	swait.ge [sflag:s16], $0x460  }
0x59: {  	[sflag:s16] =	ssyncset.done $0x0  }
0x5a: {  	s22 =	simm.s32 $0x2300;
	[sflag:s16] =	ssyncadd.s32 $0xFFFFFBA0  }
0x5b: {  	[tilespmem:s22], [sflag:$0x1] =	stream.linear.gather [hbm4b:s4+s17], $0x460, $0x38;
	[tilespmem:$0x19A48] =	vst v63  }
0x5c: {  	_ =	swait.ge [sflag:s16], $0x460  }
0x5d: {  	[sflag:s16] =	ssyncset.done $0x0  }
0x5e: {  	s25 =	simm.s32 $0x2760;
	[sflag:s16] =	ssyncadd.s32 $0xFFFFFBA0  }
0x5f: {  	[tilespmem:s25], [sflag:$0x1] =	stream.linear.gather [hbm4b:s5+s17], $0x460, $0x38;
	[tilespmem:$0x19A48] =	vst v63  }
0x60: {  	_ =	swait.ge [sflag:s16], $0x460  }
0x61: {  	[sflag:s16] =	ssyncset.done $0x0  }
0x62: {  	s26 =	simm.s32 $0x2BC0;
	[sflag:s16] =	ssyncadd.s32 $0xFFFFFBA0  }
0x63: {  	[tilespmem:s26], [sflag:$0x1] =	stream.linear.gather [hbm4b:s6+s17], $0x460, $0x38;
	[tilespmem:$0x19A48] =	vst v63  }
0x64: {  	_ =	swait.ge [sflag:s16], $0x460  }
0x65: {  	[sflag:s16] =	ssyncset.done $0x0  }
0x66: {  	s28 =	simm.s32 $0x3020;
	[sflag:s16] =	ssyncadd.s32 $0xFFFFFBA0  }
0x67: {  	[tilespmem:s28], [sflag:$0x1] =	stream.linear.gather [hbm4b:s11+s17], $0x460, $0x38;
	[tilespmem:$0x19A48] =	vst v63  }
0x68: {  	_ =	swait.ge [sflag:s16], $0x460  }
0x69: {  	[sflag:s16] =	ssyncset.done $0x0  }
0x6a: {  	s31 =	simm.s32 $0x3480;
	s30 =	rddreg [dreg:$0xd];
	[sflag:s16] =	ssyncadd.s32 $0xFFFFFBA0  }
0x6b: {  	[tilespmem:s31], [sflag:$0x1] =	stream.linear.gather [hbm4b:s30+s17], $0xC80, $0x38;
	[tilespmem:$0x19A48] =	vst v63  }
0x6c: {  	_ =	swait.ge [sflag:s16], $0xC80  }
0x6d: {  	[sflag:s16] =	ssyncset.done $0x0  }
0x6e: {  	s2 =	simm.s32 $0x0;
	[sflag:s16] =	ssyncadd.s32 $0xFFFFF380  }
.LBB2_2:
0x6f: {  	p5 =	sne.s32 s2, $0x1140  }
.Ltmp0:
0x70: {  	_ = 	snop;
	(pc) =	sbr.rel @p5 .LBB2_2-.Ltmp0, $4  }
0x71: {  	_ = 	snop  }
0x72: {  	s19 =	sshra.s32 s2, $0x2  }
0x73: {  	[tilespmem:s19+$0x9880] =	vst v0  }
0x74: {  	s2 =	sadd.s32 $0x40, s2;
	[tilespmem:s19+$0x9CE0] =	vst v1  }
0x75: {  	s19 =	simm.s32 $0x0;
	s31 =	simm.s32 $0x4110;
	s22 =	simm.s32 $0x0  }
.LBB2_4:
0x76: {  	v8 =	vld [tilespmem:s19+$0x8C0]  }
0x77: {  	s2 =	smul.u32 $0x280, s22;
	v9 =	vld [tilespmem:s19+$0x460]  }
0x78: {  	v7 =	vld [tilespmem:s19+$0xD20]  }
0x79: {  	v10 =	vld [tilespmem:s19+$0x0];
	s2 =	sshra.s32 s2, $0x2  }
0x7a: {  	v3 =	vld [tilespmem:s2+$0x3480]  }
0x7b: {  	v4 =	vld [tilespmem:s2+$0x3490]  }
0x7c: {  	v6 =	vld [tilespmem:s2+$0x34B0]  }
0x7d: {  	v5 =	vld [tilespmem:s2+$0x34A0];
	_ =	sdelay $0x3  }
0x7e: {  	v11 =	vmin.f32 v7, v6  }
0x7f: {  	s20 =	sand.u32 $0x7E0, s19;
	v7 =	vld [tilespmem:s2+$0x34C0];
	v9 =	vmax.f32 v9, v4;
	v8 =	vmin.f32 v8, v5;
	v10 =	vmax.f32 v10, v3  }
0x80: {  	v9 =	vsub.f32 v11, v9;
	v8 =	vsub.f32 v8, v10;
	v10 =	vld [tilespmem:s20+$0x1180];
	_ =	sdelay $0x1  }
0x81: {  	v9 =	vadd.f32 $1.000000000e+00, v9;
	v8 =	vadd.f32 $1.000000000e+00, v8;
	_ =	sdelay $0x1  }
0x82: {  	v8 =	vmax.f32 v8, $0.0e+00;
	v9 =	vmax.f32 v9, $0.0e+00  }
0x83: {  	v11 =	vmul.f32 v9, v8;
	v8 =	vadd.f32 v10, v7;
	_ =	sdelay $0x1  }
0x84: {  	v8 =	vsub.f32 v8, v11;
	_ =	sdelay $0x1  }
0x85: {  	(erf) = vrcp.f32 v8;
	_ =	sdelay $0x6  }
0x86: {  	v8 =	vld [tilespmem:s2+$0x3510];
	_ =	sdelay $0x1  }
0x87: {  	v10 =	vpop (erf)  }
0x88: {  	v12 =	vmul.f32 v10, v11  }
0x89: {  	s21 =	smul.u32 $0xA0, s22;
	v9 =	vld [tilespmem:s2+$0x34D0]  }
0x8a: {  	v10 =	vld [tilespmem:s2+$0x34E0];
	v13 =	vmul.f32 v12, v8  }
0x8b: {  	s26 =	sand.u32 $0x1FE0, s21;
	v11 =	vld [tilespmem:s2+$0x34F0]  }
0x8c: {  	v12 =	vld [tilespmem:s26+$0x3500];
	s26 =	simm.s32 $0xA5A0;
	[tilespmem:s31+$0xFFFFFFF0] =	vst v13  }
0x8d: {  	v14 =	vld [tilespmem:s26+$0xFFFFF2E0]  }
0x8e: {  	v15 =	vld [tilespmem:s26+$0xFFFFFBA0]  }
0x8f: {  	v16 =	vld [tilespmem:s26+$0x0];
	_ =	sdelay $0x2  }
0x90: {  	vm0 =	vgt.f32 v13, v14  }
0x91: {  	v15 =	vsel vm0, v9, v15  }
0x92: {  	v16 =	vsel vm0, v10, v16;
	[tilespmem:s26+$0xFFFFFBA0] =	vst v15  }
0x93: {  	[tilespmem:s26+$0x0] =	vst v16  }
0x94: {  	v15 =	vld [tilespmem:s20+$0xAA00];
	_ =	sdelay $0x4  }
0x95: {  	v15 =	vsel vm0, v11, v15  }
0x96: {  	[tilespmem:s20+$0xAA00] =	vst v15  }
0x97: {  	v15 =	vld [tilespmem:s26+$0x8C0];
	_ =	sdelay $0x3  }
0x98: {  	v14 =	vmax.f32 v14, v13  }
0x99: {  	[tilespmem:s26+$0xFFFFF2E0] =	vst v14;
	v14 =	vsel vm0, v12, v15  }
0x9a: {  	[tilespmem:s26+$0x8C0] =	vst v14  }
0x9b: {  	v14 =	vld [tilespmem:s19+$0x470]  }
0x9c: {  	v15 =	vld [tilespmem:s19+$0xD30]  }
0x9d: {  	v16 =	vld [tilespmem:s19+$0x10]  }
0x9e: {  	v17 =	vld [tilespmem:s19+$0x8D0];
	_ =	sdelay $0x3  }
0x9f: {  	v16 =	vmax.f32 v16, v3  }
0xa0: {  	v15 =	vmin.f32 v15, v6;
	v14 =	vmax.f32 v14, v4;
	v17 =	vmin.f32 v17, v5  }
0xa1: {  	v14 =	vsub.f32 v15, v14;
	v15 =	vsub.f32 v17, v16;
	v16 =	vld [tilespmem:s19+$0x1190];
	_ =	sdelay $0x1  }
0xa2: {  	v14 =	vadd.f32 $1.000000000e+00, v14;
	v15 =	vadd.f32 $1.000000000e+00, v15;
	_ =	sdelay $0x1  }
0xa3: {  	v14 =	vmax.f32 v14, $0.0e+00;
	v15 =	vmax.f32 v15, $0.0e+00  }
0xa4: {  	v14 =	vmul.f32 v14, v15;
	v15 =	vadd.f32 v16, v7;
	_ =	sdelay $0x1  }
0xa5: {  	v15 =	vsub.f32 v15, v14;
	_ =	sdelay $0x1  }
0xa6: {  	(erf) = vrcp.f32 v15;
	_ =	sdelay $0x8  }
0xa7: {  	v15 =	vpop (erf)  }
0xa8: {  	v14 =	vmul.f32 v15, v14;
	_ =	sdelay $0x1  }
0xa9: {  	v14 =	vmul.f32 v14, v8;
	_ =	sdelay $0x1  }
0xaa: {  	v15 =	vld [tilespmem:s19+$0x3020];
	[tilespmem:s31+$0x0] =	vst v14  }
0xab: {  	v17 =	vld [tilespmem:s26+$0x470]  }
0xac: {  	v16 =	vld [tilespmem:s26+$0x10]  }
0xad: {  	v18 =	vld [tilespmem:s26+$0xFFFFF2F0]  }
0xae: {  	v19 =	vld [tilespmem:s26+$0xFFFFFBB0]  }
0xaf: {  	v20 =	vld [tilespmem:s26+$0x8D0];
	_ =	sdelay $0x2  }
0xb0: {  	vm15 =	vgt.f32 v14, v18;
	v18 =	vmax.f32 v18, v14  }
0xb1: {  	s28 =	simm.s32 $0x20;
	s25 =	simm.s32 $0x0;
	v15 =	vmul.f32 v15, v13;
	v13 =	vimm.f32 $-1.000000000e+00;
	v19 =	vsel vm15, v9, v19;
	[tilespmem:s26+$0xFFFFF2F0] =	vst v18  }
0xb2: {  	s30 =	simm.s32 $0x0;
	s21 =	simm.s32 $0xA5A0;
	s20 =	smov.u32 s31;
	v16 =	vsel vm15, v10, v16;
	v18 =	vsel vm15, v11, v17;
	v17 =	vsel vm15, v12, v20;
	[tilespmem:s26+$0xFFFFFBB0] =	vst v19  }
.LBB2_5:
0xb3: {  	[tilespmem:s26+$0x470] =	vst v18;
	s21 =	sadd.s32 $0x20, s21;
	s25 =	sadd.s32 $0x20, s25;
	s20 =	sadd.s32 $0x20, s20  }
0xb4: {  	p5 =	sne.s32 s28, $0x440;
	s2 =	smov.u32 s28;
	s28 =	sadd.s32 $0x20, s28;
	[tilespmem:s26+$0x8D0] =	vst v17  }
0xb5: {  	[tilespmem:s26+$0x10] =	vst v16;
	s26 =	smov.u32 s21  }
0xb6: {  	v16 =	vld [tilespmem:s30+$0x3030];
	s30 =	smov.u32 s25  }
0xb7: {  	v17 =	vld [tilespmem:s25+$0x8C0]  }
0xb8: {  	v18 =	vld [tilespmem:s25+$0x460]  }
0xb9: {  	v19 =	vld [tilespmem:s25+$0xD20]  }
0xba: {  	v20 =	vld [tilespmem:s25+$0x0]  }
0xbb: {  	v13 =	vmax.f32 v13, v15;
	v14 =	vmul.f32 v16, v14;
	_ =	sdelay $0x1  }
0xbc: {  	v13 =	vmax.f32 v13, v14  }
0xbd: {  	v15 =	vmax.f32 v18, v4;
	v14 =	vmin.f32 v19, v6  }
0xbe: {  	s2 =	sand.u32 $0x7E0, s2;
	v16 =	vmin.f32 v17, v5;
	v17 =	vmax.f32 v20, v3;
	v14 =	vsub.f32 v14, v15  }
0xbf: {  	v15 =	vsub.f32 v16, v17;
	v16 =	vld [tilespmem:s2+$0x1180]  }
0xc0: {  	v14 =	vadd.f32 $1.000000000e+00, v14  }
0xc1: {  	v15 =	vadd.f32 $1.000000000e+00, v15;
	_ =	sdelay $0x1  }
0xc2: {  	v14 =	vmax.f32 v14, $0.0e+00;
	v15 =	vmax.f32 v15, $0.0e+00  }
0xc3: {  	v14 =	vmul.f32 v14, v15;
	v15 =	vadd.f32 v16, v7;
	_ =	sdelay $0x1  }
0xc4: {  	v15 =	vsub.f32 v15, v14;
	_ =	sdelay $0x1  }
0xc5: {  	(erf) = vrcp.f32 v15;
	_ =	sdelay $0x8  }
0xc6: {  	v15 =	vpop (erf)  }
0xc7: {  	v14 =	vmul.f32 v15, v14;
	_ =	sdelay $0x1  }
0xc8: {  	v15 =	vmul.f32 v14, v8;
	_ =	sdelay $0x1  }
0xc9: {  	[tilespmem:s20+$0xFFFFFFF0] =	vst v15  }
0xca: {  	v14 =	vld [tilespmem:s21+$0xFFFFFBA0]  }
0xcb: {  	v16 =	vld [tilespmem:s21+$0xFFFFF2E0]  }
0xcc: {  	v17 =	vld [tilespmem:s21+$0x0];
	_ =	sdelay $0x3  }
0xcd: {  	vm0 =	vgt.f32 v15, v16;
	v16 =	vmax.f32 v16, v15  }
0xce: {  	v14 =	vsel vm0, v9, v14;
	v17 =	vsel vm0, v10, v17  }
0xcf: {  	[tilespmem:s21+$0xFFFFFBA0] =	vst v14  }
0xd0: {  	[tilespmem:s21+$0x0] =	vst v17  }
0xd1: {  	v14 =	vld [tilespmem:s2+$0xAA00];
	_ =	sdelay $0x4  }
0xd2: {  	v14 =	vsel vm0, v11, v14  }
0xd3: {  	[tilespmem:s2+$0xAA00] =	vst v14  }
0xd4: {  	v14 =	vld [tilespmem:s21+$0x8C0];
	[tilespmem:s21+$0xFFFFF2E0] =	vst v16;
	_ =	sdelay $0x4  }
0xd5: {  	v14 =	vsel vm0, v12, v14  }
0xd6: {  	[tilespmem:s21+$0x8C0] =	vst v14  }
0xd7: {  	v14 =	vld [tilespmem:s25+$0x470]  }
0xd8: {  	v16 =	vld [tilespmem:s25+$0xD30]  }
0xd9: {  	v17 =	vld [tilespmem:s25+$0x10]  }
0xda: {  	v18 =	vld [tilespmem:s25+$0x8D0];
	_ =	sdelay $0x3  }
0xdb: {  	v14 =	vmax.f32 v14, v4;
	v16 =	vmin.f32 v16, v6;
	v17 =	vmax.f32 v17, v3  }
0xdc: {  	v14 =	vsub.f32 v16, v14;
	v18 =	vmin.f32 v18, v5  }
0xdd: {  	v16 =	vsub.f32 v18, v17;
	v17 =	vld [tilespmem:s25+$0x1190]  }
0xde: {  	v14 =	vadd.f32 $1.000000000e+00, v14  }
0xdf: {  	v16 =	vadd.f32 $1.000000000e+00, v16  }
0xe0: {  	v14 =	vmax.f32 v14, $0.0e+00  }
0xe1: {  	v16 =	vmax.f32 v16, $0.0e+00  }
0xe2: {  	v14 =	vmul.f32 v14, v16;
	v16 =	vadd.f32 v17, v7;
	_ =	sdelay $0x1  }
0xe3: {  	v16 =	vsub.f32 v16, v14;
	_ =	sdelay $0x1  }
0xe4: {  	(erf) = vrcp.f32 v16;
	_ =	sdelay $0x8  }
0xe5: {  	v16 =	vpop (erf)  }
0xe6: {  	v14 =	vmul.f32 v16, v14;
	_ =	sdelay $0x1  }
0xe7: {  	v14 =	vmul.f32 v14, v8  }
0xe8: {  	v16 =	vld [tilespmem:s25+$0x3020]  }
0xe9: {  	[tilespmem:s20+$0x0] =	vst v14  }
0xea: {  	v17 =	vld [tilespmem:s21+$0x470]  }
0xeb: {  	v18 =	vld [tilespmem:s21+$0x10]  }
0xec: {  	v19 =	vld [tilespmem:s21+$0xFFFFF2F0]  }
0xed: {  	v15 =	vmul.f32 v16, v15;
	v16 =	vld [tilespmem:s21+$0xFFFFFBB0]  }
0xee: {  	v20 =	vld [tilespmem:s21+$0x8D0]  }
.Ltmp1:
0xef: {  	(pc) =	sbr.rel @p5 .LBB2_5-.Ltmp1, $4  }
0xf0: {  	_ = 	snop  }
0xf1: {  	vm0 =	vgt.f32 v14, v19;
	v19 =	vmax.f32 v19, v14  }
0xf2: {  	v21 =	vsel vm0, v9, v16;
	v16 =	vsel vm0, v10, v18;
	v18 =	vsel vm0, v11, v17;
	[tilespmem:s21+$0xFFFFF2F0] =	vst v19  }
0xf3: {  	[tilespmem:s21+$0xFFFFFBB0] =	vst v21;
	v17 =	vsel vm0, v12, v20  }
0xf4: {  	[tilespmem:s26+$0x470] =	vst v18  }
0xf5: {  	[tilespmem:s26+$0x8D0] =	vst v17  }
0xf6: {  	[tilespmem:s26+$0x10] =	vst v16  }
0xf7: {  	v3 =	vld [tilespmem:s30+$0x3030];
	_ =	sdelay $0x1  }
0xf8: {  	s2 =	sshll.u32 s22, $0x4;
	s22 =	sadd.s32 $0x1, s22  }
0xf9: {  	p5 =	sne.s32 s22, $0x14  }
.Ltmp2:
0xfa: {  	_ = 	snop;
	(pc) =	sbr.rel @p5 .LBB2_4-.Ltmp2, $4  }
0xfb: {  	v3 =	vmul.f32 v3, v14  }
0xfc: {  	v4 =	vmax.f32 v13, v15  }
0xfd: {  	s2 =	sand.u32 $0x3FFFFFF0, s2;
	v3 =	vmax.f32 v4, v3  }
0xfe: {  	s31 =	sadd.s32 $0x460, s31;
	[tilespmem:s2+$0xDE80] =	vst v3  }
0xff: {  	s2 =	simm.s32 $0xDE80  }
0x100: {  	[spmem:s29] =	stream.linear.scatter [tilespmem:s2], [sflag:$0x1], $0x140, $0x38;
	[tilespmem:$0x19A48] =	vst v63  }
0x101: {  	_ =	swait.ge [sflag:s16], $0x140  }
0x102: {  	[sflag:s16] =	ssyncset.done $0x0  }
0x103: {  	[sflag:s16] =	ssyncadd.s32 $0xFFFFFEC0  }
0x104: {  	[bflag:$0x0] =	sbarrier.arrive $0xFFFF  }
0x105: {  	s19 =	simm.s32 $0xE000;
	s31 =	rddreg [dreg:$0x5]  }
0x106: {  	[tilespmem:s19], [sflag:$0x1] =	stream.linear.gather [spmem:s31], $0x1400, $0x38;
	[tilespmem:$0x19A48] =	vst v63  }
0x107: {  	_ =	swait.ge [sflag:s16], $0x1400  }
0x108: {  	[sflag:s16] =	ssyncset.done $0x0  }
0x109: {  	[sflag:s16] =	ssyncadd.s32 $0xFFFFEC00  }
0x10a: {  	s20 =	simm.s32 $0x4100;
	s19 =	simm.s32 $0x0;
	[bflag:$0x0] =	sbarrier.arrive $0xFFFF  }
.LBB2_8:
0x10b: {  	s2 =	sshll.u32 s19, $0x4  }
0x10c: {  	s2 =	sand.u32 $0x3FFFFFF0, s2  }
0x10d: {  	v3 =	vld [tilespmem:s2+$0xE000]  }
0x10e: {  	v4 =	vld [tilespmem:s2+$0xE140]  }
0x10f: {  	v5 =	vld [tilespmem:s2+$0xE280]  }
0x110: {  	v6 =	vld [tilespmem:s2+$0xE3C0]  }
0x111: {  	v7 =	vld [tilespmem:s2+$0xE500]  }
0x112: {  	v8 =	vld [tilespmem:s2+$0xE640]  }
0x113: {  	v3 =	vmax.f32 v3, v4;
	v4 =	vld [tilespmem:s2+$0xE780]  }
0x114: {  	v3 =	vmax.f32 v3, v5;
	v5 =	vld [tilespmem:s2+$0xE8C0]  }
0x115: {  	v3 =	vmax.f32 v3, v6;
	v6 =	vld [tilespmem:s2+$0xEA00]  }
0x116: {  	v3 =	vmax.f32 v3, v7;
	v7 =	vld [tilespmem:s2+$0xEB40]  }
0x117: {  	v62 =	vld [tilespmem:s2+$0xEC80];
	v3 =	vmax.f32 v3, v8  }
0x118: {  	v3 =	vmax.f32 v3, v4;
	v4 =	vld [tilespmem:s2+$0xEDC0]  }
0x119: {  	v3 =	vmax.f32 v3, v5;
	v5 =	vld [tilespmem:s2+$0xEF00]  }
0x11a: {  	v3 =	vmax.f32 v3, v6;
	v6 =	vld [tilespmem:s2+$0xF040]  }
0x11b: {  	v3 =	vmax.f32 v3, v7;
	v7 =	vld [tilespmem:s2+$0xF180]  }
0x11c: {  	v63 =	vld [tilespmem:s2+$0xF2C0];
	v3 =	vmax.f32 v3, v62  }
0x11d: {  	v3 =	vmax.f32 v3, v4  }
0x11e: {  	v3 =	vmax.f32 v3, v5  }
0x11f: {  	v3 =	vmax.f32 v3, v6  }
0x120: {  	v3 =	vmax.f32 v3, v7  }
0x121: {  	v3 =	vmax.f32 v3, v63  }
0x122: {  	(xrf0) =	vmax.scan.msk.f32 $0xffff, v3;
	_ =	sdelay $0x5  }
0x123: {  	v3, _, _ =	vpop (xrf0)  }
0x124: {  	v3 =	vperm.xlane v3, v2;
	_ =	sdelay $0x1  }
0x125: {  	(xrf0) =	vmax.scan.msk.f32 $0xffff, v3;
	_ =	sdelay $0x3  }
0x126: {  	v4 =	vmov s20;
	_ =	sdelay $0x1  }
0x127: {  	v3, _, _ =	vpop (xrf0)  }
0x128: {  	vm0 =	veq.f32 v3, $0.0e+00  }
0x129: {  	s21 =	simm.s32 $0x80;
	s2 =	simm.s32 $0x0;
	v3 =	vsel vm0, $0x3727C5AC, v3  }
.LBB2_9:
0x12a: {  	p5 =	sne.s32 s21, $0x1100;
	v5 =	vld.idx.msk [tilespmem:v4+s2+$0x0 ss:$0x1], $0xffff;
	_ =	sdelay $0x1  }
0x12b: {  	v6 =	vld [tilespmem:s2+$0x9CE0];
	_ =	sdelay $0x3  }
0x12c: {  	vm0 =	veq.f32 v5, v3  }
0x12d: {  	v5 =	vsel vm0, $0x3F800000, v6  }
0x12e: {  	[tilespmem:s2+$0x9CE0] =	vst v5  }
0x12f: {  	v5 =	vld.idx.msk [tilespmem:v4+s2+$0x10 ss:$0x1], $0xffff;
	_ =	sdelay $0x1  }
0x130: {  	v6 =	vld [tilespmem:s2+$0x9CF0];
	_ =	sdelay $0x1  }
.Ltmp3:
0x131: {  	(pc) =	sbr.rel @p5 .LBB2_9-.Ltmp3, $4  }
0x132: {  	_ = 	snop  }
0x133: {  	vm0 =	veq.f32 v5, v3  }
0x134: {  	v5 =	vsel vm0, $0x3F800000, v6  }
0x135: {  	[tilespmem:s2+$0x9CF0] =	vst v5;
	s2 =	sshra.s32 s21, $0x2;
	s21 =	sadd.s32 $0x80, s21  }
0x136: {  	_ =	sdelay $0x3  }
0x137: {  	v5 =	vld.idx.msk [tilespmem:v4+s2+$0x0 ss:$0x1], $0xffff  }
0x138: {  	v6 =	vld [tilespmem:s2+$0x9CE0];
	_ =	sdelay $0x3  }
0x139: {  	vm0 =	veq.f32 v5, v3  }
0x13a: {  	v5 =	vsel vm0, $0x3F800000, v6  }
0x13b: {  	[tilespmem:s2+$0x9CE0] =	vst v5  }
0x13c: {  	v62 =	vld.idx.msk [tilespmem:v4+s2+$0x10 ss:$0x1], $0xffff  }
0x13d: {  	v63 =	vld [tilespmem:s2+$0x9CF0];
	s19 =	sadd.s32 $0x1, s19  }
0x13e: {  	p5 =	sne.s32 s19, $0x14  }
.Ltmp4:
0x13f: {  	_ = 	snop;
	(pc) =	sbr.rel @p5 .LBB2_8-.Ltmp4, $4  }
0x140: {  	_ = 	snop  }
0x141: {  	vm15 =	veq.f32 v62, v3  }
0x142: {  	v3 =	vsel vm15, $0x3F800000, v63  }
0x143: {  	s20 =	sadd.s32 $0x460, s20;
	[tilespmem:s2+$0x9CF0] =	vst v3  }
0x144: {  	s2 =	simm.s32 $0x9880  }
0x145: {  	s20 =	simm.s32 $0x3020;
	v3 =	vld [tilespmem:s2+$0x460]  }
0x146: {  	v4 =	vld [tilespmem:s20+$0x0]  }
0x147: {  	s19 =	simm.s32 $0x0;
	s21 =	simm.s32 $0x10;
	v5 =	vld [tilespmem:s2+$0x0]  }
.LBB2_12:
0x148: {  	p5 =	sne.s32 s21, $0x450;
	_ =	sdelay $0x2  }
0x149: {  	vm0 =	vgt.f32 v3, $0.0e+00  }
0x14a: {  	vm1 =	vgt.f32 v4, $0.0e+00;
	vm2 =	vlt.f32 v5, $3.000000120e-01;
	vm3 =	vge.f32 v5, $6.999999880e-01  }
0x14b: {  	vm2 =	vmand vm1, vm2;
	vm0 =	vmor vm3, vm0  }
0x14c: {  	v3 =	vsel vm2, $0x0, v0;
	vm0 =	vmand vm1, vm0  }
0x14d: {  	v3 =	vsel vm0, $0x3F800000, v3  }
0x14e: {  	v4 =	vsel vm0, $0x3F800000, v1;
	[tilespmem:s2+$0x1A40] =	vst v3;
	vm0 =	veq.f32 v3, $0.0e+00  }
.Ltmp5:
0x14f: {  	s22 =	sand.u32 $0x7F0, s19;
	s19 =	smov.u32 s21;
	[tilespmem:s2+$0x1EA0] =	vst v4;
	v3 =	vsel vm0, $0x3F800000, v1;
	(pc) =	sbr.rel @p5 .LBB2_12-.Ltmp5, $4  }
0x150: {  	s2 =	sadd.s32 $0x10, s2;
	[tilespmem:s22+$0xBB80] =	vst v3  }
0x151: {  	s20 =	sadd.s32 $0x10, s20;
	v3 =	vld [tilespmem:s2+$0x460]  }
0x152: {  	v4 =	vld [tilespmem:s20+$0x0]  }
0x153: {  	s21 =	sadd.s32 $0x10, s21;
	v5 =	vld [tilespmem:s2+$0x0]  }
0x154: {  	_ =	sdelay $0x2  }
0x155: {  	vm0 =	vgt.f32 v3, $0.0e+00  }
0x156: {  	vm1 =	vgt.f32 v4, $0.0e+00;
	vm2 =	vlt.f32 v5, $3.000000120e-01;
	vm3 =	vge.f32 v5, $6.999999880e-01  }
0x157: {  	vm2 =	vmand vm1, vm2;
	vm0 =	vmor vm3, vm0  }
0x158: {  	v3 =	vsel vm2, $0x0, v0;
	vm0 =	vmand vm1, vm0  }
0x159: {  	v3 =	vsel vm0, $0x3F800000, v3  }
0x15a: {  	v63 =	vsel vm0, $0x3F800000, v1;
	[tilespmem:s2+$0x1A40] =	vst v3;
	vm15 =	veq.f32 v3, $0.0e+00  }
0x15b: {  	s22 =	sand.u32 $0x7F0, s19;
	[tilespmem:s2+$0x1EA0] =	vst v63;
	v3 =	vsel vm15, $0x3F800000, v1  }
0x15c: {  	s25 =	rddreg [dreg:$0x1d];
	s26 =	simm.s32 $0xB720;
	[tilespmem:s22+$0xBB80] =	vst v3  }
0x15d: {  	[spmem:s25] =	stream.linear.scatter [tilespmem:s26], [sflag:$0x1], $0x460, $0x38;
	[tilespmem:$0x19A48] =	vst v63  }
0x15e: {  	_ =	swait.ge [sflag:s16], $0x460  }
0x15f: {  	[sflag:s16] =	ssyncset.done $0x0  }
0x160: {  	s30 =	simm.s32 $0xBB80;
	s28 =	rddreg [dreg:$0x1f];
	[sflag:s16] =	ssyncadd.s32 $0xFFFFFBA0  }
0x161: {  	[spmem:s28] =	stream.linear.scatter [tilespmem:s30], [sflag:$0x1], $0x460, $0x38;
	[tilespmem:$0x19A48] =	vst v63  }
0x162: {  	_ =	swait.ge [sflag:s16], $0x460  }
0x163: {  	s19 =	simm.s32 $0x0;
	[sflag:s16] =	ssyncset.done $0x0  }
0x164: {  	s20 =	simm.s32 $0x3480;
	s31 =	rddreg [dreg:$0xe];
	[sflag:s16] =	ssyncadd.s32 $0xFFFFFBA0  }
0x165: {  	[tilespmem:s20], [sflag:$0x1] =	stream.linear.gather [hbm4b:s31+s19], $0xC80, $0x38;
	[tilespmem:$0x19A48] =	vst v63  }
0x166: {  	_ =	swait.ge [sflag:s16], $0xC80  }
0x167: {  	[sflag:s16] =	ssyncset.done $0x0  }
0x168: {  	s2 =	simm.s32 $0x0;
	[sflag:s16] =	ssyncadd.s32 $0xFFFFF380  }
.LBB2_14:
0x169: {  	p5 =	sne.s32 s2, $0x1140  }
.Ltmp6:
0x16a: {  	_ = 	snop;
	(pc) =	sbr.rel @p5 .LBB2_14-.Ltmp6, $4  }
0x16b: {  	_ = 	snop  }
0x16c: {  	s20 =	sshra.s32 s2, $0x2  }
0x16d: {  	[tilespmem:s20+$0x9880] =	vst v0  }
0x16e: {  	s2 =	sadd.s32 $0x40, s2;
	[tilespmem:s20+$0x9CE0] =	vst v1  }
0x16f: {  	s20 =	simm.s32 $0x4110  }
.LBB2_16:
0x170: {  	s22 =	simm.s32 $0x0  }
0x171: {  	v7 =	vld [tilespmem:s22+$0x460]  }
0x172: {  	s2 =	smul.u32 $0x280, s19;
	v8 =	vld [tilespmem:s22+$0x0]  }
0x173: {  	v9 =	vld [tilespmem:s22+$0x8C0]  }
0x174: {  	v10 =	vld [tilespmem:s22+$0xD20];
	s2 =	sshra.s32 s2, $0x2  }
0x175: {  	v3 =	vld [tilespmem:s2+$0x3480]  }
0x176: {  	v4 =	vld [tilespmem:s2+$0x3490]  }
0x177: {  	v5 =	vld [tilespmem:s2+$0x34A0]  }
0x178: {  	v6 =	vld [tilespmem:s2+$0x34B0];
	_ =	sdelay $0x3  }
0x179: {  	v11 =	vmax.f32 v7, v4  }
0x17a: {  	s21 =	sand.u32 $0x7E0, s22;
	v7 =	vld [tilespmem:s2+$0x34C0];
	v9 =	vmin.f32 v9, v5;
	v8 =	vmax.f32 v8, v3;
	v10 =	vmin.f32 v10, v6  }
0x17b: {  	v8 =	vsub.f32 v9, v8;
	v9 =	vsub.f32 v10, v11;
	v10 =	vld [tilespmem:s21+$0x1180];
	_ =	sdelay $0x1  }
0x17c: {  	v8 =	vadd.f32 $1.000000000e+00, v8;
	v9 =	vadd.f32 $1.000000000e+00, v9;
	_ =	sdelay $0x1  }
0x17d: {  	v8 =	vmax.f32 v8, $0.0e+00;
	v9 =	vmax.f32 v9, $0.0e+00  }
0x17e: {  	v11 =	vmul.f32 v9, v8;
	v8 =	vadd.f32 v10, v7;
	_ =	sdelay $0x1  }
0x17f: {  	v8 =	vsub.f32 v8, v11;
	_ =	sdelay $0x1  }
0x180: {  	(erf) = vrcp.f32 v8;
	_ =	sdelay $0x6  }
0x181: {  	v8 =	vld [tilespmem:s2+$0x3510];
	_ =	sdelay $0x1  }
0x182: {  	v10 =	vpop (erf)  }
0x183: {  	v12 =	vmul.f32 v10, v11  }
0x184: {  	s25 =	smul.u32 $0xA0, s19;
	v9 =	vld [tilespmem:s2+$0x34D0]  }
0x185: {  	v10 =	vld [tilespmem:s2+$0x34E0];
	v15 =	vmul.f32 v12, v8  }
0x186: {  	s31 =	sand.u32 $0x1FE0, s25;
	v11 =	vld [tilespmem:s2+$0x34F0]  }
0x187: {  	s26 =	simm.s32 $0xBFE0;
	v12 =	vld [tilespmem:s31+$0x3500];
	[tilespmem:s20+$0xFFFFFFF0] =	vst v15  }
0x188: {  	v13 =	vld [tilespmem:s26+$0xFFFFD8A0]  }
0x189: {  	v14 =	vld [tilespmem:s26+$0x0]  }
0x18a: {  	v16 =	vld [tilespmem:s26+$0x8C0]  }
0x18b: {  	v17 =	vld [tilespmem:s26+$0x460];
	_ =	sdelay $0x1  }
0x18c: {  	vm0 =	vgt.f32 v15, v13  }
0x18d: {  	v14 =	vsel vm0, v9, v14  }
0x18e: {  	[tilespmem:s26+$0x0] =	vst v14;
	v14 =	vsel vm0, v11, v16  }
0x18f: {  	v16 =	vsel vm0, v10, v17;
	[tilespmem:s26+$0x8C0] =	vst v14  }
0x190: {  	[tilespmem:s26+$0x460] =	vst v16  }
0x191: {  	v14 =	vld [tilespmem:s21+$0xCD00];
	_ =	sdelay $0x4  }
0x192: {  	v14 =	vsel vm0, v12, v14  }
0x193: {  	v13 =	vmax.f32 v13, v15;
	[tilespmem:s21+$0xCD00] =	vst v14  }
0x194: {  	[tilespmem:s26+$0xFFFFD8A0] =	vst v13  }
0x195: {  	v13 =	vld [tilespmem:s22+$0x8D0]  }
0x196: {  	v14 =	vld [tilespmem:s22+$0x10]  }
0x197: {  	v16 =	vld [tilespmem:s22+$0xD30]  }
0x198: {  	v17 =	vld [tilespmem:s22+$0x470];
	_ =	sdelay $0x3  }
0x199: {  	v13 =	vmin.f32 v13, v5  }
0x19a: {  	v14 =	vmax.f32 v14, v3;
	v16 =	vmin.f32 v16, v6;
	v17 =	vmax.f32 v17, v4  }
0x19b: {  	v13 =	vsub.f32 v13, v14;
	v14 =	vsub.f32 v16, v17;
	v16 =	vld [tilespmem:s22+$0x1190];
	_ =	sdelay $0x1  }
0x19c: {  	v13 =	vadd.f32 $1.000000000e+00, v13;
	v14 =	vadd.f32 $1.000000000e+00, v14;
	_ =	sdelay $0x1  }
0x19d: {  	v13 =	vmax.f32 v13, $0.0e+00;
	v14 =	vmax.f32 v14, $0.0e+00  }
0x19e: {  	v13 =	vmul.f32 v14, v13;
	v14 =	vadd.f32 v16, v7;
	_ =	sdelay $0x1  }
0x19f: {  	v14 =	vsub.f32 v14, v13;
	_ =	sdelay $0x1  }
0x1a0: {  	(erf) = vrcp.f32 v14;
	_ =	sdelay $0x8  }
0x1a1: {  	v14 =	vpop (erf)  }
0x1a2: {  	v13 =	vmul.f32 v14, v13;
	_ =	sdelay $0x1  }
0x1a3: {  	v14 =	vmul.f32 v13, v8;
	_ =	sdelay $0x1  }
0x1a4: {  	v16 =	vld [tilespmem:s22+$0x3020];
	[tilespmem:s20+$0x0] =	vst v14  }
0x1a5: {  	v13 =	vld [tilespmem:s26+$0xFFFFD8B0]  }
0x1a6: {  	v17 =	vld [tilespmem:s26+$0x10]  }
0x1a7: {  	v18 =	vld [tilespmem:s26+$0xD30]  }
0x1a8: {  	v19 =	vld [tilespmem:s26+$0x8D0];
	_ =	sdelay $0x1  }
0x1a9: {  	vm0 =	vgt.f32 v14, v13;
	v13 =	vmax.f32 v13, v14  }
0x1aa: {  	v15 =	vmul.f32 v16, v15;
	v16 =	vld [tilespmem:s26+$0x470];
	v17 =	vsel vm0, v9, v17;
	[tilespmem:s26+$0xFFFFD8B0] =	vst v13  }
0x1ab: {  	s30 =	smov.u32 s20;
	v18 =	vsel vm0, v12, v18;
	[tilespmem:s26+$0x10] =	vst v17  }
0x1ac: {  	s28 =	simm.s32 $0x0;
	s25 =	simm.s32 $0xBFE0;
	s21 =	simm.s32 $0x20;
	v13 =	vimm.f32 $-1.000000000e+00;
	v17 =	vsel vm0, v11, v19;
	[tilespmem:s26+$0xD30] =	vst v18  }
.LBB2_17:
0x1ad: {  	s22 =	sadd.s32 $0x20, s22;
	s26 =	sadd.s32 $0x20, s26;
	s30 =	sadd.s32 $0x20, s30  }
0x1ae: {  	p5 =	sne.s32 s21, $0x440;
	s2 =	smov.u32 s21;
	s21 =	sadd.s32 $0x20, s21  }
0x1af: {  	v16 =	vsel vm0, v10, v16;
	[tilespmem:s25+$0x8D0] =	vst v17  }
0x1b0: {  	[tilespmem:s25+$0x470] =	vst v16;
	s25 =	smov.u32 s26  }
0x1b1: {  	v16 =	vld [tilespmem:s22+$0x460]  }
0x1b2: {  	v17 =	vld [tilespmem:s22+$0x0]  }
0x1b3: {  	v18 =	vld [tilespmem:s22+$0x8C0]  }
0x1b4: {  	s31 =	sand.u32 $0x7E0, s2;
	v19 =	vld [tilespmem:s22+$0xD20]  }
0x1b5: {  	v20 =	vld [tilespmem:s28+$0x3030];
	s28 =	smov.u32 s22;
	_ =	sdelay $0x2  }
0x1b6: {  	v13 =	vmax.f32 v13, v15;
	v16 =	vmax.f32 v16, v4  }
0x1b7: {  	v17 =	vmax.f32 v17, v3;
	v15 =	vmin.f32 v18, v5;
	v18 =	vmin.f32 v19, v6  }
0x1b8: {  	v15 =	vsub.f32 v15, v17;
	v16 =	vsub.f32 v18, v16;
	v17 =	vld [tilespmem:s31+$0x1180];
	v14 =	vmul.f32 v20, v14;
	_ =	sdelay $0x1  }
0x1b9: {  	v15 =	vadd.f32 $1.000000000e+00, v15;
	v16 =	vadd.f32 $1.000000000e+00, v16;
	v13 =	vmax.f32 v13, v14;
	_ =	sdelay $0x1  }
0x1ba: {  	v14 =	vmax.f32 v15, $0.0e+00;
	v15 =	vmax.f32 v16, $0.0e+00  }
0x1bb: {  	v14 =	vmul.f32 v15, v14;
	v15 =	vadd.f32 v17, v7;
	_ =	sdelay $0x1  }
0x1bc: {  	v15 =	vsub.f32 v15, v14;
	_ =	sdelay $0x1  }
0x1bd: {  	(erf) = vrcp.f32 v15;
	_ =	sdelay $0x8  }
0x1be: {  	v15 =	vpop (erf)  }
0x1bf: {  	v14 =	vmul.f32 v15, v14;
	_ =	sdelay $0x1  }
0x1c0: {  	v15 =	vmul.f32 v14, v8;
	_ =	sdelay $0x1  }
0x1c1: {  	[tilespmem:s30+$0xFFFFFFF0] =	vst v15  }
0x1c2: {  	v14 =	vld [tilespmem:s26+$0xFFFFD8A0]  }
0x1c3: {  	v16 =	vld [tilespmem:s26+$0x0]  }
0x1c4: {  	v17 =	vld [tilespmem:s26+$0x8C0]  }
0x1c5: {  	v18 =	vld [tilespmem:s26+$0x460];
	_ =	sdelay $0x1  }
0x1c6: {  	vm0 =	vgt.f32 v15, v14  }
0x1c7: {  	v16 =	vsel vm0, v9, v16  }
0x1c8: {  	[tilespmem:s26+$0x0] =	vst v16;
	v16 =	vsel vm0, v11, v17  }
0x1c9: {  	v17 =	vsel vm0, v10, v18;
	[tilespmem:s26+$0x8C0] =	vst v16  }
0x1ca: {  	[tilespmem:s26+$0x460] =	vst v17  }
0x1cb: {  	v16 =	vld [tilespmem:s31+$0xCD00];
	_ =	sdelay $0x3  }
0x1cc: {  	v14 =	vmax.f32 v14, v15  }
0x1cd: {  	v16 =	vsel vm0, v12, v16  }
0x1ce: {  	[tilespmem:s31+$0xCD00] =	vst v16  }
0x1cf: {  	[tilespmem:s26+$0xFFFFD8A0] =	vst v14  }
0x1d0: {  	v14 =	vld [tilespmem:s22+$0x8D0]  }
0x1d1: {  	v16 =	vld [tilespmem:s22+$0x10]  }
0x1d2: {  	v17 =	vld [tilespmem:s22+$0xD30];
	_ =	sdelay $0x1  }
0x1d3: {  	v18 =	vld [tilespmem:s22+$0x470];
	_ =	sdelay $0x1  }
0x1d4: {  	v14 =	vmin.f32 v14, v5;
	v16 =	vmax.f32 v16, v3  }
0x1d5: {  	v14 =	vsub.f32 v14, v16;
	_ =	sdelay $0x1  }
0x1d6: {  	v16 =	vmin.f32 v17, v6;
	v14 =	vadd.f32 $1.000000000e+00, v14;
	v17 =	vmax.f32 v18, v4  }
0x1d7: {  	v16 =	vsub.f32 v16, v17;
	v17 =	vld [tilespmem:s22+$0x1190];
	_ =	sdelay $0x1  }
0x1d8: {  	v16 =	vadd.f32 $1.000000000e+00, v16;
	_ =	sdelay $0x1  }
0x1d9: {  	v14 =	vmax.f32 v14, $0.0e+00;
	v16 =	vmax.f32 v16, $0.0e+00  }
0x1da: {  	v14 =	vmul.f32 v16, v14;
	v16 =	vadd.f32 v17, v7;
	_ =	sdelay $0x1  }
0x1db: {  	v16 =	vsub.f32 v16, v14;
	_ =	sdelay $0x1  }
0x1dc: {  	(erf) = vrcp.f32 v16;
	_ =	sdelay $0x8  }
0x1dd: {  	v16 =	vpop (erf)  }
0x1de: {  	v14 =	vmul.f32 v16, v14;
	_ =	sdelay $0x1  }
0x1df: {  	v14 =	vmul.f32 v14, v8  }
0x1e0: {  	v16 =	vld [tilespmem:s22+$0x3020]  }
0x1e1: {  	[tilespmem:s30+$0x0] =	vst v14  }
0x1e2: {  	v17 =	vld [tilespmem:s26+$0xFFFFD8B0]  }
0x1e3: {  	v18 =	vld [tilespmem:s26+$0x10]  }
0x1e4: {  	v19 =	vld [tilespmem:s26+$0xD30]  }
0x1e5: {  	v15 =	vmul.f32 v16, v15;
	v20 =	vld [tilespmem:s26+$0x8D0]  }
.Ltmp7:
0x1e6: {  	(pc) =	sbr.rel @p5 .LBB2_17-.Ltmp7, $4  }
0x1e7: {  	vm0 =	vgt.f32 v14, v17;
	v17 =	vmax.f32 v17, v14  }
0x1e8: {  	v18 =	vsel vm0, v9, v18;
	v16 =	vld [tilespmem:s26+$0x470];
	[tilespmem:s26+$0xFFFFD8B0] =	vst v17  }
0x1e9: {  	[tilespmem:s26+$0x10] =	vst v18;
	v18 =	vsel vm0, v12, v19  }
0x1ea: {  	v17 =	vsel vm0, v11, v20;
	[tilespmem:s26+$0xD30] =	vst v18  }
0x1eb: {  	_ =	sdelay $0x1  }
0x1ec: {  	[tilespmem:s25+$0x8D0] =	vst v17;
	v3 =	vsel vm0, v10, v16  }
0x1ed: {  	[tilespmem:s25+$0x470] =	vst v3  }
0x1ee: {  	v3 =	vld [tilespmem:s28+$0x3030];
	_ =	sdelay $0x1  }
0x1ef: {  	s2 =	sshll.u32 s19, $0x4;
	s19 =	sadd.s32 $0x1, s19  }
0x1f0: {  	p5 =	sne.s32 s19, $0x14  }
.Ltmp8:
0x1f1: {  	_ = 	snop;
	(pc) =	sbr.rel @p5 .LBB2_16-.Ltmp8, $4  }
0x1f2: {  	v3 =	vmul.f32 v3, v14  }
0x1f3: {  	v4 =	vmax.f32 v13, v15  }
0x1f4: {  	s2 =	sand.u32 $0x3FFFFFF0, s2;
	v3 =	vmax.f32 v4, v3  }
0x1f5: {  	s20 =	sadd.s32 $0x460, s20;
	[tilespmem:s2+$0xDE80] =	vst v3  }
0x1f6: {  	s2 =	simm.s32 $0xDE80  }
0x1f7: {  	[spmem:s29] =	stream.linear.scatter [tilespmem:s2], [sflag:$0x1], $0x140, $0x38;
	[tilespmem:$0x19A48] =	vst v63  }
0x1f8: {  	_ =	swait.ge [sflag:s16], $0x140  }
0x1f9: {  	[sflag:s16] =	ssyncset.done $0x0  }
0x1fa: {  	[sflag:s16] =	ssyncadd.s32 $0xFFFFFEC0  }
0x1fb: {  	[bflag:$0x0] =	sbarrier.arrive $0xFFFF  }
0x1fc: {  	s19 =	simm.s32 $0xE000;
	s28 =	rddreg [dreg:$0x5]  }
0x1fd: {  	[tilespmem:s19], [sflag:$0x1] =	stream.linear.gather [spmem:s28], $0x1400, $0x38;
	[tilespmem:$0x19A48] =	vst v63  }
0x1fe: {  	_ =	swait.ge [sflag:s16], $0x1400  }
0x1ff: {  	[sflag:s16] =	ssyncset.done $0x0  }
0x200: {  	s20 =	simm.s32 $0x4100;
	s30 =	simm.s32 $0xD5C0;
	[sflag:s16] =	ssyncadd.s32 $0xFFFFEC00  }
0x201: {  	s31 =	simm.s32 $0xDA20;
	s19 =	simm.s32 $0x0;
	[bflag:$0x0] =	sbarrier.arrive $0xFFFF  }
.LBB2_20:
0x202: {  	s2 =	sshll.u32 s19, $0x4  }
0x203: {  	s2 =	sand.u32 $0x3FFFFFF0, s2  }
0x204: {  	v3 =	vld [tilespmem:s2+$0xE000]  }
0x205: {  	v4 =	vld [tilespmem:s2+$0xE140]  }
0x206: {  	v5 =	vld [tilespmem:s2+$0xE280]  }
0x207: {  	v6 =	vld [tilespmem:s2+$0xE3C0]  }
0x208: {  	v7 =	vld [tilespmem:s2+$0xE500]  }
0x209: {  	v8 =	vld [tilespmem:s2+$0xE640]  }
0x20a: {  	v3 =	vmax.f32 v3, v4;
	v4 =	vld [tilespmem:s2+$0xE780]  }
0x20b: {  	v3 =	vmax.f32 v3, v5;
	v5 =	vld [tilespmem:s2+$0xE8C0]  }
0x20c: {  	v3 =	vmax.f32 v3, v6;
	v6 =	vld [tilespmem:s2+$0xEA00]  }
0x20d: {  	v3 =	vmax.f32 v3, v7;
	v7 =	vld [tilespmem:s2+$0xEB40]  }
0x20e: {  	v62 =	vld [tilespmem:s2+$0xEC80];
	v3 =	vmax.f32 v3, v8  }
0x20f: {  	v3 =	vmax.f32 v3, v4;
	v4 =	vld [tilespmem:s2+$0xEDC0]  }
0x210: {  	v3 =	vmax.f32 v3, v5;
	v5 =	vld [tilespmem:s2+$0xEF00]  }
0x211: {  	v3 =	vmax.f32 v3, v6;
	v6 =	vld [tilespmem:s2+$0xF040]  }
0x212: {  	v3 =	vmax.f32 v3, v7;
	v7 =	vld [tilespmem:s2+$0xF180]  }
0x213: {  	v63 =	vld [tilespmem:s2+$0xF2C0];
	v3 =	vmax.f32 v3, v62  }
0x214: {  	v3 =	vmax.f32 v3, v4  }
0x215: {  	v3 =	vmax.f32 v3, v5  }
0x216: {  	v3 =	vmax.f32 v3, v6  }
0x217: {  	v3 =	vmax.f32 v3, v7  }
0x218: {  	v3 =	vmax.f32 v3, v63  }
0x219: {  	(xrf0) =	vmax.scan.msk.f32 $0xffff, v3;
	_ =	sdelay $0x5  }
0x21a: {  	v3, _, _ =	vpop (xrf0)  }
0x21b: {  	v3 =	vperm.xlane v3, v2;
	_ =	sdelay $0x1  }
0x21c: {  	(xrf0) =	vmax.scan.msk.f32 $0xffff, v3;
	_ =	sdelay $0x3  }
0x21d: {  	v4 =	vmov s20;
	_ =	sdelay $0x1  }
0x21e: {  	v3, _, _ =	vpop (xrf0)  }
0x21f: {  	vm0 =	veq.f32 v3, $0.0e+00  }
0x220: {  	s21 =	simm.s32 $0x80;
	s2 =	simm.s32 $0x0;
	v3 =	vsel vm0, $0x3727C5AC, v3  }
.LBB2_21:
0x221: {  	p5 =	sne.s32 s21, $0x1100;
	v5 =	vld.idx.msk [tilespmem:v4+s2+$0x0 ss:$0x1], $0xffff;
	_ =	sdelay $0x1  }
0x222: {  	v6 =	vld [tilespmem:s2+$0x9CE0];
	_ =	sdelay $0x3  }
0x223: {  	vm0 =	veq.f32 v5, v3  }
0x224: {  	v5 =	vsel vm0, $0x3F800000, v6  }
0x225: {  	[tilespmem:s2+$0x9CE0] =	vst v5  }
0x226: {  	v5 =	vld.idx.msk [tilespmem:v4+s2+$0x10 ss:$0x1], $0xffff;
	_ =	sdelay $0x1  }
0x227: {  	v6 =	vld [tilespmem:s2+$0x9CF0];
	_ =	sdelay $0x1  }
.Ltmp9:
0x228: {  	(pc) =	sbr.rel @p5 .LBB2_21-.Ltmp9, $4  }
0x229: {  	_ = 	snop  }
0x22a: {  	vm0 =	veq.f32 v5, v3  }
0x22b: {  	v5 =	vsel vm0, $0x3F800000, v6  }
0x22c: {  	[tilespmem:s2+$0x9CF0] =	vst v5;
	s2 =	sshra.s32 s21, $0x2;
	s21 =	sadd.s32 $0x80, s21  }
0x22d: {  	_ =	sdelay $0x3  }
0x22e: {  	v5 =	vld.idx.msk [tilespmem:v4+s2+$0x0 ss:$0x1], $0xffff  }
0x22f: {  	v6 =	vld [tilespmem:s2+$0x9CE0];
	_ =	sdelay $0x3  }
0x230: {  	vm0 =	veq.f32 v5, v3  }
0x231: {  	v5 =	vsel vm0, $0x3F800000, v6  }
0x232: {  	[tilespmem:s2+$0x9CE0] =	vst v5  }
0x233: {  	v62 =	vld.idx.msk [tilespmem:v4+s2+$0x10 ss:$0x1], $0xffff  }
0x234: {  	v63 =	vld [tilespmem:s2+$0x9CF0];
	s19 =	sadd.s32 $0x1, s19  }
0x235: {  	p5 =	sne.s32 s19, $0x14  }
.Ltmp10:
0x236: {  	_ = 	snop;
	(pc) =	sbr.rel @p5 .LBB2_20-.Ltmp10, $4  }
0x237: {  	_ = 	snop  }
0x238: {  	vm15 =	veq.f32 v62, v3  }
0x239: {  	v3 =	vsel vm15, $0x3F800000, v63  }
0x23a: {  	s20 =	sadd.s32 $0x460, s20;
	[tilespmem:s2+$0x9CF0] =	vst v3  }
0x23b: {  	s2 =	simm.s32 $0x0  }
0x23c: {  	v3 =	vld [tilespmem:s2+$0x3020]  }
0x23d: {  	v4 =	vld [tilespmem:s2+$0x9880]  }
0x23e: {  	v5 =	vld [tilespmem:s2+$0x9CE0];
	_ =	sdelay $0x2  }
0x23f: {  	s19 =	simm.s32 $0x10  }
0x240: {  	vm1 =	vgt.f32 v3, $0.0e+00;
	v3 =	vld [tilespmem:s19+$0x3020]  }
0x241: {  	vm0 =	vlt.f32 v4, $3.000000120e-01;
	vm2 =	vgt.f32 v5, $0.0e+00;
	vm3 =	vge.f32 v4, $6.999999880e-01;
	v4 =	vld [tilespmem:s19+$0x9880]  }
0x242: {  	v5 =	vld [tilespmem:s19+$0x9CE0];
	vm0 =	vmand vm1, vm0;
	vm2 =	vmor vm3, vm2  }
0x243: {  	v6 =	vsel vm0, $0x0, v0;
	vm15 =	vmand vm1, vm2  }
0x244: {  	s20 =	simm.s32 $0x80;
	v7 =	vsel vm15, $0x3F800000, v6;
	v6 =	vsel vm15, $0x3F800000, v1  }
.LBB2_24:
0x245: {  	s21 =	sshra.s32 s20, $0x2;
	[tilespmem:s2+$0xD160] =	vst v7;
	vm0 =	veq.f32 v7, $0.0e+00;
	v7 =	vmov v3;
	p5 =	sne.s32 s20, $0x1140  }
.Ltmp11:
0x246: {  	v3 =	vld [tilespmem:s21+$0x3020];
	vm1 =	vlt.f32 v4, $3.000000120e-01;
	[tilespmem:s2+$0xD5C0] =	vst v6;
	v6 =	vsel vm0, $0x3F800000, v1;
	(pc) =	sbr.rel @p5 .LBB2_24-.Ltmp11, $4  }
0x247: {  	s20 =	sadd.s32 $0x40, s20;
	vm0 =	vgt.f32 v7, $0.0e+00;
	vm3 =	vge.f32 v4, $6.999999880e-01;
	vm2 =	vgt.f32 v5, $0.0e+00;
	v4 =	vld [tilespmem:s21+$0x9880];
	[tilespmem:s2+$0xDA20] =	vst v6;
	s2 =	smov.u32 s19  }
0x248: {  	vm1 =	vmand vm0, vm1;
	s19 =	smov.u32 s21;
	v5 =	vld [tilespmem:s21+$0x9CE0];
	vm2 =	vmor vm3, vm2  }
0x249: {  	v6 =	vsel vm1, $0x0, v0;
	vm0 =	vmand vm0, vm2  }
0x24a: {  	v7 =	vsel vm0, $0x3F800000, v6;
	v6 =	vsel vm0, $0x3F800000, v1  }
0x24b: {  	_ = 	snop  }
0x24c: {  	vm1 =	vgt.f32 v3, $0.0e+00  }
0x24d: {  	vm0 =	vlt.f32 v4, $3.000000120e-01;
	vm3 =	vge.f32 v4, $6.999999880e-01;
	vm2 =	vgt.f32 v5, $0.0e+00  }
0x24e: {  	[tilespmem:s2+$0xD160] =	vst v7;
	vm13 =	veq.f32 v7, $0.0e+00;
	vm0 =	vmand vm1, vm0;
	vm2 =	vmor vm3, vm2  }
0x24f: {  	[tilespmem:s2+$0xD5C0] =	vst v6;
	v3 =	vsel vm13, $0x3F800000, v1;
	v62 =	vsel vm0, $0x0, v0;
	vm14 =	vmand vm1, vm2  }
0x250: {  	[tilespmem:s2+$0xDA20] =	vst v3;
	v3 =	vsel vm14, $0x3F800000, v62  }
0x251: {  	s26 =	sld [smem:$0x7F0];
	v63 =	vsel vm14, $0x3F800000, v1;
	[tilespmem:s19+$0xD160] =	vst v3;
	vm15 =	veq.f32 v3, $0.0e+00  }
0x252: {  	[tilespmem:s19+$0xD5C0] =	vst v63;
	v3 =	vsel vm15, $0x3F800000, v1  }
0x253: {  	[tilespmem:s19+$0xDA20] =	vst v3  }
0x254: {  	[spmem:s26] =	stream.linear.scatter [tilespmem:s30], [sflag:$0x1], $0x460, $0x38;
	[tilespmem:$0x19A48] =	vst v63  }
0x255: {  	_ =	swait.ge [sflag:s16], $0x460  }
0x256: {  	s28 =	sld [smem:$0x7F2]  }
0x257: {  	[sflag:s16] =	ssyncset.done $0x0  }
0x258: {  	[sflag:s16] =	ssyncadd.s32 $0xFFFFFBA0  }
0x259: {  	[spmem:s28] =	stream.linear.scatter [tilespmem:s31], [sflag:$0x1], $0x460, $0x38;
	[tilespmem:$0x19A48] =	vst v63  }
.Ltmp12:
0x25a: {  	_ =	swait.ge [sflag:s16], $0x460;
	(pc) =	sbr.rel @p0 .LBB2_36-.Ltmp12, $3  }
0x25b: {  	[sflag:s16] =	ssyncset.done $0x0  }
0x25c: {  	[sflag:s16] =	ssyncadd.s32 $0xFFFFFBA0  }
0x25d: {  	[bflag:$0x0] =	sbarrier.arrive $0xFFFF;
	_ =	sdelay $0x1  }
.Ltmp13:
0x25e: {  	(pc) =	sbr.rel @p1 .LBB2_45-.Ltmp13, $1  }
0x25f: {  	_ =	sdelay $0x3  }
.Ltmp14:
0x260: {  	(pc) =	sbr.rel @!p2 .LBB2_56-.Ltmp14, $1  }
0x261: {  	_ =	sdelay $0x3  }
0x262: {  	s2 =	simm.s32 $0x0;
	s19 =	rddreg [dreg:$0xf];
	s20 =	simm.s32 $0x13A00  }
0x263: {  	[tilespmem:s20], [sflag:$0x1] =	stream.linear.gather [hbm4b:s19+s2], $0x3230, $0x38;
	[tilespmem:$0x19A48] =	vst v63  }
0x264: {  	_ =	swait.ge [sflag:s16], $0x3230  }
0x265: {  	[sflag:s16] =	ssyncset.done $0x0  }
0x266: {  	[sflag:s16] =	ssyncadd.s32 $0xFFFFCDD0  }
0x267: {  	s26 =	rddreg [dreg:$0x6]  }
0x268: {  	[tilespmem:s23], [sflag:$0x1] =	stream.linear.gather [spmem:s26], $0x4600, $0x38;
	[tilespmem:$0x19A48] =	vst v63  }
0x269: {  	_ =	swait.ge [sflag:s16], $0x4600  }
0x26a: {  	[sflag:s16] =	ssyncset.done $0x0  }
0x26b: {  	s28 =	simm.s32 $0x0;
	[sflag:s16] =	ssyncadd.s32 $0xFFFFBA00  }
0x26c: {  	v3 =	vld [tilespmem:s28+$0xF400];
	_ =	sdelay $0x2  }
0x26d: {  	v5 =	vld [tilespmem:s28+$0xF410]  }
0x26e: {  	v4 =	vimm.f32 $0.0e+00  }
0x26f: {  	v6 =	vadd.f32 v3, v4;
	v4 =	vld [tilespmem:s28+$0xF420];
	_ =	sdelay $0x1  }
0x270: {  	v3 =	vld [tilespmem:s28+$0xF430]  }
0x271: {  	s2 =	simm.s32 $0x40;
	s19 =	simm.s32 $0x200;
	v5 =	vadd.f32 v5, v6  }
.LBB2_29:
0x272: {  	p5 =	sne.s32 s19, $0x11700;
	v6 =	vld [tilespmem:s2+$0xF400]  }
0x273: {  	v4 =	vadd.f32 v4, v5  }
0x274: {  	v5 =	vld [tilespmem:s2+$0xF410]  }
.Ltmp15:
0x275: {  	v3 =	vadd.f32 v3, v4;
	(pc) =	sbr.rel @p5 .LBB2_29-.Ltmp15, $4  }
0x276: {  	v4 =	vld [tilespmem:s2+$0xF420]  }
0x277: {  	v6 =	vadd.f32 v6, v3  }
0x278: {  	v3 =	vld [tilespmem:s2+$0xF430]  }
0x279: {  	s2 =	sshra.s32 s19, $0x2;
	s19 =	sadd.s32 $0x100, s19;
	v5 =	vadd.f32 v5, v6  }
0x27a: {  	v6 =	vld [tilespmem:s2+$0xF400]  }
0x27b: {  	v4 =	vadd.f32 v4, v5  }
0x27c: {  	v5 =	vld [tilespmem:s2+$0xF410]  }
0x27d: {  	v3 =	vadd.f32 v3, v4  }
0x27e: {  	v4 =	vld [tilespmem:s2+$0xF420]  }
0x27f: {  	v3 =	vadd.f32 v6, v3  }
0x280: {  	v6 =	vld [tilespmem:s2+$0xF430]  }
0x281: {  	v3 =	vadd.f32 v5, v3;
	_ =	sdelay $0x1  }
0x282: {  	v3 =	vadd.f32 v4, v3;
	_ =	sdelay $0x1  }
0x283: {  	v3 =	vadd.f32 v6, v3;
	_ =	sdelay $0x1  }
0x284: {  	(xrf2) =	vadd.scan.msk.f32 $0xffff, v3;
	_ =	sdelay $0x6  }
0x285: {  	s26 =	sld [smem:$0x7F8];
	_ =	sdelay $0x2  }
0x286: {  	[tilespmem:s23], [sflag:$0x1] =	stream.linear.gather [spmem:s26], $0x4600, $0x38;
	v3, _, _ =	vpop (xrf2);
	[tilespmem:$0x19A48] =	vst v63  }
0x287: {  	_ =	swait.ge [sflag:s16], $0x4600  }
0x288: {  	[sflag:s16] =	ssyncset.done $0x0  }
0x289: {  	s28 =	simm.s32 $0x0;
	[sflag:s16] =	ssyncadd.s32 $0xFFFFBA00  }
0x28a: {  	v4 =	vld [tilespmem:s28+$0xF400];
	_ =	sdelay $0x2  }
0x28b: {  	v6 =	vld [tilespmem:s28+$0xF410]  }
0x28c: {  	v5 =	vimm.f32 $0.0e+00  }
0x28d: {  	v7 =	vadd.f32 v4, v5;
	v4 =	vld [tilespmem:s28+$0xF420];
	_ =	sdelay $0x1  }
0x28e: {  	v5 =	vld [tilespmem:s28+$0xF430]  }
0x28f: {  	s19 =	simm.s32 $0x200;
	s2 =	simm.s32 $0x40;
	v3 =	vperm.xlane v3, v2;
	v6 =	vadd.f32 v6, v7  }
.LBB2_31:
0x290: {  	p5 =	sne.s32 s19, $0x11700;
	v7 =	vld [tilespmem:s2+$0xF400]  }
0x291: {  	v4 =	vadd.f32 v4, v6  }
0x292: {  	v6 =	vld [tilespmem:s2+$0xF410]  }
.Ltmp16:
0x293: {  	v5 =	vadd.f32 v5, v4;
	(pc) =	sbr.rel @p5 .LBB2_31-.Ltmp16, $4  }
0x294: {  	v4 =	vld [tilespmem:s2+$0xF420]  }
0x295: {  	v7 =	vadd.f32 v7, v5  }
0x296: {  	v5 =	vld [tilespmem:s2+$0xF430]  }
0x297: {  	s2 =	sshra.s32 s19, $0x2;
	s19 =	sadd.s32 $0x100, s19;
	v6 =	vadd.f32 v6, v7  }
0x298: {  	v7 =	vld [tilespmem:s2+$0xF400]  }
0x299: {  	v4 =	vadd.f32 v4, v6  }
0x29a: {  	v6 =	vld [tilespmem:s2+$0xF410]  }
0x29b: {  	v4 =	vadd.f32 v5, v4  }
0x29c: {  	s28 =	simm.s32 $0x0;
	v5 =	vld [tilespmem:s2+$0xF420]  }
0x29d: {  	v8 =	vld [tilespmem:s28+$0x13A00];
	v4 =	vadd.f32 v7, v4  }
0x29e: {  	v7 =	vld [tilespmem:s2+$0xF430]  }
0x29f: {  	v4 =	vadd.f32 v6, v4;
	_ =	sdelay $0x1  }
0x2a0: {  	v4 =	vadd.f32 v5, v4;
	_ =	sdelay $0x1  }
0x2a1: {  	v4 =	vadd.f32 v7, v4;
	_ =	sdelay $0x1  }
0x2a2: {  	v6 =	vld.idx.msk [tilespmem:v8+s23+$0x0], $0xffff;
	(xrf2) =	vadd.scan.msk.f32 $0xffff, v4;
	_ =	sdelay $0x4  }
0x2a3: {  	(xrf2) =	vadd.scan.msk.f32 $0xffff, v6;
	_ =	sdelay $0x4  }
0x2a4: {  	(xrf0) =	vmax.scan.msk.f32 $0xffff, v3;
	v3, _, _ =	vpop (xrf2)  }
0x2a5: {  	v3 =	vperm.xlane v3, v2;
	_ =	sdelay $0x1  }
0x2a6: {  	(xrf0) =	vmax.scan.msk.f32 $0xffff, v3;
	_ =	sdelay $0x1  }
0x2a7: {  	v4, _, _ =	vpop (xrf2)  }
0x2a8: {  	v3, _, _ =	vpop (xrf0)  }
0x2a9: {  	v7 =	vsub.f32 v4, v6;
	v4 =	vperm.xlane v4, v2;
	v3 =	vmin.f32 v3, $1.280000000e+02  }
0x2aa: {  	v5 =	vimm.f32 $0.0e+00;
	v9 =	vsub.f32 $2.560000000e+02, v3  }
0x2ab: {  	v7 =	vadd.f32 v7, v5;
	(xrf0) =	vmax.scan.msk.f32 $0xffff, v4;
	v10, _, _ =	vpop (xrf0)  }
0x2ac: {  	v4 =	vmin.f32 v9, v10  }
0x2ad: {  	vm0 =	vgt.f32 v6, $0.0e+00;
	vm1 =	vlt.f32 v7, v4  }
0x2ae: {  	vm0 =	vmand vm0, vm1  }
0x2af: {  	v6 =	vsel vm0, $0x3F800000, v1  }
0x2b0: {  	s19 =	simm.s32 $0x10;
	[tilespmem:v8+s23+$0x0] =	vst.idx.msk $0xffff, v6  }
0x2b1: {  	s2 =	simm.s32 $0x80;
	v7, _, _ =	vpop (xrf0);
	v6 =	vld [tilespmem:s19+$0x13A00]  }
.LBB2_33:
0x2b2: {  	p5 =	sne.s32 s2, $0xC880;
	v5 =	vadd.f32 v7, v5;
	s19 =	smov.u32 s2;
	s2 =	sadd.s32 $0x40, s2  }
0x2b3: {  	_ =	sdelay $0x5  }
0x2b4: {  	v7 =	vld.idx.msk [tilespmem:v6+s23+$0x0], $0xffff;
	_ =	sdelay $0x5  }
0x2b5: {  	(xrf2) =	vadd.scan.msk.f32 $0xffff, v7;
	_ =	sdelay $0x9  }
0x2b6: {  	v8, _, _ =	vpop (xrf2)  }
0x2b7: {  	v9 =	vsub.f32 v8, v7;
	v8 =	vperm.xlane v8, v2;
	_ =	sdelay $0x1  }
0x2b8: {  	v9 =	vadd.f32 v9, v5;
	(xrf0) =	vmax.scan.msk.f32 $0xffff, v8;
	_ =	sdelay $0x1  }
.Ltmp17:
0x2b9: {  	vm0 =	vgt.f32 v7, $0.0e+00;
	vm1 =	vlt.f32 v9, v4;
	(pc) =	sbr.rel @p5 .LBB2_33-.Ltmp17, $4  }
0x2ba: {  	vm0 =	vmand vm0, vm1  }
0x2bb: {  	v8 =	vsel vm0, $0x3F800000, v1  }
0x2bc: {  	s19 =	sshra.s32 s19, $0x2;
	[tilespmem:v6+s23+$0x0] =	vst.idx.msk $0xffff, v8  }
0x2bd: {  	v6 =	vld [tilespmem:s19+$0x13A00];
	v7, _, _ =	vpop (xrf0)  }
0x2be: {  	_ =	sdelay $0x7  }
0x2bf: {  	v8 =	vld.idx.msk [tilespmem:v6+s23+$0x0], $0xffff;
	_ =	sdelay $0x4  }
0x2c0: {  	(xrf2) =	vadd.scan.msk.f32 $0xffff, v8;
	_ =	sdelay $0x9  }
0x2c1: {  	v9, _, _ =	vpop (xrf2)  }
0x2c2: {  	v5 =	vadd.f32 v7, v5;
	v63 =	vsub.f32 v9, v8  }
0x2c3: {  	v10 =	vperm.xlane v9, v2  }
0x2c4: {  	v5 =	vadd.f32 v63, v5  }
0x2c5: {  	(xrf0) =	vmax.scan.msk.f32 $0xffff, v10  }
0x2c6: {  	vm0 =	vgt.f32 v8, $0.0e+00;
	vm1 =	vlt.f32 v5, v4  }
.Ltmp18:
0x2c7: {  	vm0 =	vmand vm0, vm1;
	(pc) =	sbr.rel .LBB2_35-.Ltmp18, $3  }
0x2c8: {  	v5 =	vsel vm0, $0x3F800000, v1;
	_ =	sdelay $0x1  }
0x2c9: {  	s19 =	rddreg [dreg:$0x8]  }
0x2ca: {  	v3 =	vadd.f32 v4, v3;
	s2 =	sld [smem:$0x7F9];
	[tilespmem:v6+s23+$0x0] =	vst.idx.msk $0xffff, v5;
	v5, _, _ =	vpop (xrf0)  }
.LBB2_36:
.Ltmp19:
0x2cb: {  	(pc) =	sbr.rel @p3 .LBB2_50-.Ltmp19, $1  }
0x2cc: {  	_ =	sdelay $0x3  }
.Ltmp20:
0x2cd: {  	(pc) =	sbr.rel @!p4 .LBB2_56-.Ltmp20, $1  }
0x2ce: {  	_ =	sdelay $0x3  }
0x2cf: {  	s2 =	simm.s32 $0x0;
	s19 =	rddreg [dreg:$0x11];
	s20 =	simm.s32 $0x13A00  }
0x2d0: {  	[tilespmem:s20], [sflag:$0x1] =	stream.linear.gather [hbm4b:s19+s2], $0x3230, $0x38;
	[tilespmem:$0x19A48] =	vst v63  }
0x2d1: {  	_ =	swait.ge [sflag:s16], $0x3230  }
0x2d2: {  	s26 =	sld [smem:$0x7FA]  }
0x2d3: {  	[sflag:s16] =	ssyncset.done $0x0  }
0x2d4: {  	[sflag:s16] =	ssyncadd.s32 $0xFFFFCDD0  }
0x2d5: {  	[tilespmem:s23], [sflag:$0x1] =	stream.linear.gather [spmem:s26], $0x4600, $0x38;
	[tilespmem:$0x19A48] =	vst v63  }
0x2d6: {  	_ =	swait.ge [sflag:s16], $0x4600  }
0x2d7: {  	[sflag:s16] =	ssyncset.done $0x0  }
0x2d8: {  	s28 =	simm.s32 $0x0;
	[sflag:s16] =	ssyncadd.s32 $0xFFFFBA00  }
0x2d9: {  	v3 =	vld [tilespmem:s28+$0xF400];
	_ =	sdelay $0x2  }
0x2da: {  	v5 =	vld [tilespmem:s28+$0xF410]  }
0x2db: {  	v4 =	vimm.f32 $0.0e+00  }
0x2dc: {  	v6 =	vadd.f32 v3, v4;
	v4 =	vld [tilespmem:s28+$0xF420];
	_ =	sdelay $0x1  }
0x2dd: {  	v3 =	vld [tilespmem:s28+$0xF430]  }
0x2de: {  	s2 =	simm.s32 $0x40;
	s19 =	simm.s32 $0x200;
	v5 =	vadd.f32 v5, v6  }
.LBB2_39:
0x2df: {  	p5 =	sne.s32 s19, $0x11700;
	v6 =	vld [tilespmem:s2+$0xF400]  }
0x2e0: {  	v4 =	vadd.f32 v4, v5  }
0x2e1: {  	v5 =	vld [tilespmem:s2+$0xF410]  }
.Ltmp21:
0x2e2: {  	v3 =	vadd.f32 v3, v4;
	(pc) =	sbr.rel @p5 .LBB2_39-.Ltmp21, $4  }
0x2e3: {  	v4 =	vld [tilespmem:s2+$0xF420]  }
0x2e4: {  	v6 =	vadd.f32 v6, v3  }
0x2e5: {  	v3 =	vld [tilespmem:s2+$0xF430]  }
0x2e6: {  	s2 =	sshra.s32 s19, $0x2;
	s19 =	sadd.s32 $0x100, s19;
	v5 =	vadd.f32 v5, v6  }
0x2e7: {  	v6 =	vld [tilespmem:s2+$0xF400]  }
0x2e8: {  	v4 =	vadd.f32 v4, v5  }
0x2e9: {  	v5 =	vld [tilespmem:s2+$0xF410]  }
0x2ea: {  	v3 =	vadd.f32 v3, v4  }
0x2eb: {  	v4 =	vld [tilespmem:s2+$0xF420]  }
0x2ec: {  	v3 =	vadd.f32 v6, v3  }
0x2ed: {  	v6 =	vld [tilespmem:s2+$0xF430]  }
0x2ee: {  	v3 =	vadd.f32 v5, v3;
	_ =	sdelay $0x1  }
0x2ef: {  	v3 =	vadd.f32 v4, v3;
	_ =	sdelay $0x1  }
0x2f0: {  	v3 =	vadd.f32 v6, v3;
	_ =	sdelay $0x1  }
0x2f1: {  	(xrf2) =	vadd.scan.msk.f32 $0xffff, v3;
	_ =	sdelay $0x6  }
0x2f2: {  	s26 =	sld [smem:$0x7FC];
	_ =	sdelay $0x2  }
0x2f3: {  	[tilespmem:s23], [sflag:$0x1] =	stream.linear.gather [spmem:s26], $0x4600, $0x38;
	v3, _, _ =	vpop (xrf2);
	[tilespmem:$0x19A48] =	vst v63  }
0x2f4: {  	_ =	swait.ge [sflag:s16], $0x4600  }
0x2f5: {  	[sflag:s16] =	ssyncset.done $0x0  }
0x2f6: {  	s28 =	simm.s32 $0x0;
	[sflag:s16] =	ssyncadd.s32 $0xFFFFBA00  }
0x2f7: {  	v4 =	vld [tilespmem:s28+$0xF400];
	_ =	sdelay $0x2  }
0x2f8: {  	v6 =	vld [tilespmem:s28+$0xF410]  }
0x2f9: {  	v5 =	vimm.f32 $0.0e+00  }
0x2fa: {  	v7 =	vadd.f32 v4, v5;
	v4 =	vld [tilespmem:s28+$0xF420];
	_ =	sdelay $0x1  }
0x2fb: {  	v5 =	vld [tilespmem:s28+$0xF430]  }
0x2fc: {  	s19 =	simm.s32 $0x200;
	s2 =	simm.s32 $0x40;
	v3 =	vperm.xlane v3, v2;
	v6 =	vadd.f32 v6, v7  }
.LBB2_41:
0x2fd: {  	p5 =	sne.s32 s19, $0x11700;
	v7 =	vld [tilespmem:s2+$0xF400]  }
0x2fe: {  	v4 =	vadd.f32 v4, v6  }
0x2ff: {  	v6 =	vld [tilespmem:s2+$0xF410]  }
.Ltmp22:
0x300: {  	v5 =	vadd.f32 v5, v4;
	(pc) =	sbr.rel @p5 .LBB2_41-.Ltmp22, $4  }
0x301: {  	v4 =	vld [tilespmem:s2+$0xF420]  }
0x302: {  	v7 =	vadd.f32 v7, v5  }
0x303: {  	v5 =	vld [tilespmem:s2+$0xF430]  }
0x304: {  	s2 =	sshra.s32 s19, $0x2;
	s19 =	sadd.s32 $0x100, s19;
	v6 =	vadd.f32 v6, v7  }
0x305: {  	v7 =	vld [tilespmem:s2+$0xF400]  }
0x306: {  	v4 =	vadd.f32 v4, v6  }
0x307: {  	v6 =	vld [tilespmem:s2+$0xF410]  }
0x308: {  	v4 =	vadd.f32 v5, v4  }
0x309: {  	s28 =	simm.s32 $0x0;
	v5 =	vld [tilespmem:s2+$0xF420]  }
0x30a: {  	v8 =	vld [tilespmem:s28+$0x13A00];
	v4 =	vadd.f32 v7, v4  }
0x30b: {  	v7 =	vld [tilespmem:s2+$0xF430]  }
0x30c: {  	v4 =	vadd.f32 v6, v4;
	_ =	sdelay $0x1  }
0x30d: {  	v4 =	vadd.f32 v5, v4;
	_ =	sdelay $0x1  }
0x30e: {  	v4 =	vadd.f32 v7, v4;
	_ =	sdelay $0x1  }
0x30f: {  	v6 =	vld.idx.msk [tilespmem:v8+s23+$0x0], $0xffff;
	(xrf2) =	vadd.scan.msk.f32 $0xffff, v4;
	_ =	sdelay $0x4  }
0x310: {  	(xrf2) =	vadd.scan.msk.f32 $0xffff, v6;
	_ =	sdelay $0x4  }
0x311: {  	(xrf0) =	vmax.scan.msk.f32 $0xffff, v3;
	v3, _, _ =	vpop (xrf2)  }
0x312: {  	v3 =	vperm.xlane v3, v2;
	_ =	sdelay $0x1  }
0x313: {  	(xrf0) =	vmax.scan.msk.f32 $0xffff, v3;
	_ =	sdelay $0x1  }
0x314: {  	v4, _, _ =	vpop (xrf2)  }
0x315: {  	v3, _, _ =	vpop (xrf0)  }
0x316: {  	v7 =	vsub.f32 v4, v6;
	v4 =	vperm.xlane v4, v2;
	v3 =	vmin.f32 v3, $1.280000000e+02  }
0x317: {  	v5 =	vimm.f32 $0.0e+00;
	v9 =	vsub.f32 $2.560000000e+02, v3  }
0x318: {  	v7 =	vadd.f32 v7, v5;
	(xrf0) =	vmax.scan.msk.f32 $0xffff, v4;
	v10, _, _ =	vpop (xrf0)  }
0x319: {  	v4 =	vmin.f32 v9, v10  }
0x31a: {  	vm0 =	vgt.f32 v6, $0.0e+00;
	vm1 =	vlt.f32 v7, v4  }
0x31b: {  	vm0 =	vmand vm0, vm1  }
0x31c: {  	v6 =	vsel vm0, $0x3F800000, v1  }
0x31d: {  	s19 =	simm.s32 $0x10;
	[tilespmem:v8+s23+$0x0] =	vst.idx.msk $0xffff, v6  }
0x31e: {  	s2 =	simm.s32 $0x80;
	v7, _, _ =	vpop (xrf0);
	v6 =	vld [tilespmem:s19+$0x13A00]  }
.LBB2_43:
0x31f: {  	p5 =	sne.s32 s2, $0xC880;
	v5 =	vadd.f32 v7, v5;
	s19 =	smov.u32 s2;
	s2 =	sadd.s32 $0x40, s2  }
0x320: {  	_ =	sdelay $0x5  }
0x321: {  	v7 =	vld.idx.msk [tilespmem:v6+s23+$0x0], $0xffff;
	_ =	sdelay $0x5  }
0x322: {  	(xrf2) =	vadd.scan.msk.f32 $0xffff, v7;
	_ =	sdelay $0x9  }
0x323: {  	v8, _, _ =	vpop (xrf2)  }
0x324: {  	v9 =	vsub.f32 v8, v7;
	v8 =	vperm.xlane v8, v2;
	_ =	sdelay $0x1  }
0x325: {  	v9 =	vadd.f32 v9, v5;
	(xrf0) =	vmax.scan.msk.f32 $0xffff, v8;
	_ =	sdelay $0x1  }
.Ltmp23:
0x326: {  	vm0 =	vgt.f32 v7, $0.0e+00;
	vm1 =	vlt.f32 v9, v4;
	(pc) =	sbr.rel @p5 .LBB2_43-.Ltmp23, $4  }
0x327: {  	vm0 =	vmand vm0, vm1  }
0x328: {  	v8 =	vsel vm0, $0x3F800000, v1  }
0x329: {  	s19 =	sshra.s32 s19, $0x2;
	[tilespmem:v6+s23+$0x0] =	vst.idx.msk $0xffff, v8  }
0x32a: {  	v6 =	vld [tilespmem:s19+$0x13A00];
	v7, _, _ =	vpop (xrf0)  }
0x32b: {  	_ =	sdelay $0x7  }
0x32c: {  	v8 =	vld.idx.msk [tilespmem:v6+s23+$0x0], $0xffff;
	_ =	sdelay $0x4  }
0x32d: {  	(xrf2) =	vadd.scan.msk.f32 $0xffff, v8;
	_ =	sdelay $0x9  }
0x32e: {  	v9, _, _ =	vpop (xrf2)  }
0x32f: {  	v5 =	vadd.f32 v7, v5;
	v63 =	vsub.f32 v9, v8  }
0x330: {  	v10 =	vperm.xlane v9, v2  }
0x331: {  	v5 =	vadd.f32 v63, v5  }
0x332: {  	(xrf0) =	vmax.scan.msk.f32 $0xffff, v10  }
0x333: {  	vm0 =	vgt.f32 v8, $0.0e+00;
	vm1 =	vlt.f32 v5, v4  }
0x334: {  	vm0 =	vmand vm0, vm1  }
0x335: {  	v5 =	vsel vm0, $0x3F800000, v1;
	_ =	sdelay $0x2  }
0x336: {  	v3 =	vadd.f32 v4, v3;
	s19 =	smov.u32 s12;
	s2 =	sld [smem:$0x7FD];
	[tilespmem:v6+s23+$0x0] =	vst.idx.msk $0xffff, v5;
	v5, _, _ =	vpop (xrf0)  }
.LBB2_35:
0x337: {  	_ = 	snop  }
0x338: {  	v3 =	vmax.f32 v3, $1.000000000e+00  }
0x339: {  	(erf) = vrcp.f32 v3;
	_ =	sdelay $0x8  }
0x33a: {  	v3 =	vpop (erf)  }
.Ltmp24:
0x33b: {  	[tilespmem:$0x17580] =	vst v3;
	(pc) =	sbr.rel .LBB2_55-.Ltmp24, $4  }
0x33c: {  	[spmem:s19] =	stream.linear.scatter [tilespmem:s24], [sflag:$0x1], $0x10, $0x38;
	[tilespmem:$0x19A48] =	vst v63  }
0x33d: {  	_ =	swait.ge [sflag:s16], $0x10  }
0x33e: {  	[sflag:s16] =	ssyncset.done $0x0  }
0x33f: {  	[sflag:s16] =	ssyncadd.s32 $0xFFFFFFF0  }
.LBB2_45:
0x340: {  	s2 =	simm.s32 $0x0;
	s19 =	rddreg [dreg:$0x12];
	s20 =	simm.s32 $0x13A00  }
0x341: {  	[tilespmem:s20], [sflag:$0x1] =	stream.linear.gather [hbm4b:s19+s2], $0x3230, $0x38;
	[tilespmem:$0x19A48] =	vst v63  }
0x342: {  	_ =	swait.ge [sflag:s16], $0x3230  }
0x343: {  	[sflag:s16] =	ssyncset.done $0x0  }
0x344: {  	[sflag:s16] =	ssyncadd.s32 $0xFFFFCDD0  }
0x345: {  	s26 =	rddreg [dreg:$0x6]  }
0x346: {  	[tilespmem:s23], [sflag:$0x1] =	stream.linear.gather [spmem:s26], $0x4600, $0x38;
	[tilespmem:$0x19A48] =	vst v63  }
0x347: {  	_ =	swait.ge [sflag:s16], $0x4600  }
0x348: {  	[sflag:s16] =	ssyncset.done $0x0  }
0x349: {  	s28 =	simm.s32 $0x0;
	[sflag:s16] =	ssyncadd.s32 $0xFFFFBA00  }
0x34a: {  	v3 =	vld [tilespmem:s28+$0xF400];
	_ =	sdelay $0x2  }
0x34b: {  	v5 =	vld [tilespmem:s28+$0xF410]  }
0x34c: {  	v4 =	vimm.f32 $0.0e+00  }
0x34d: {  	v6 =	vadd.f32 v3, v4;
	v4 =	vld [tilespmem:s28+$0xF420];
	_ =	sdelay $0x1  }
0x34e: {  	v3 =	vld [tilespmem:s28+$0xF430]  }
0x34f: {  	s2 =	simm.s32 $0x40;
	s19 =	simm.s32 $0x200;
	v5 =	vadd.f32 v5, v6  }
.LBB2_46:
0x350: {  	p5 =	sne.s32 s19, $0x11700;
	v6 =	vld [tilespmem:s2+$0xF400]  }
0x351: {  	v4 =	vadd.f32 v4, v5  }
0x352: {  	v5 =	vld [tilespmem:s2+$0xF410]  }
.Ltmp25:
0x353: {  	v3 =	vadd.f32 v3, v4;
	(pc) =	sbr.rel @p5 .LBB2_46-.Ltmp25, $4  }
0x354: {  	v4 =	vld [tilespmem:s2+$0xF420]  }
0x355: {  	v6 =	vadd.f32 v6, v3  }
0x356: {  	v3 =	vld [tilespmem:s2+$0xF430]  }
0x357: {  	s2 =	sshra.s32 s19, $0x2;
	s19 =	sadd.s32 $0x100, s19;
	v5 =	vadd.f32 v5, v6  }
0x358: {  	v6 =	vld [tilespmem:s2+$0xF400]  }
0x359: {  	v4 =	vadd.f32 v4, v5  }
0x35a: {  	v5 =	vld [tilespmem:s2+$0xF410]  }
0x35b: {  	v3 =	vadd.f32 v3, v4  }
0x35c: {  	s28 =	simm.s32 $0x0;
	v4 =	vld [tilespmem:s2+$0xF420]  }
0x35d: {  	v7 =	vld [tilespmem:s28+$0x13A00];
	v3 =	vadd.f32 v6, v3  }
0x35e: {  	v6 =	vld [tilespmem:s2+$0xF430]  }
0x35f: {  	v3 =	vadd.f32 v5, v3;
	_ =	sdelay $0x1  }
0x360: {  	v3 =	vadd.f32 v4, v3;
	_ =	sdelay $0x1  }
0x361: {  	v3 =	vadd.f32 v6, v3;
	_ =	sdelay $0x1  }
0x362: {  	(xrf2) =	vadd.scan.msk.f32 $0xffff, v3  }
0x363: {  	v5 =	vld.idx.msk [tilespmem:v7+s23+$0x0], $0xffff;
	_ =	sdelay $0x4  }
0x364: {  	(xrf2) =	vadd.scan.msk.f32 $0xffff, v5;
	_ =	sdelay $0x3  }
0x365: {  	v3, _, _ =	vpop (xrf2)  }
0x366: {  	v3 =	vperm.xlane v3, v2;
	_ =	sdelay $0x1  }
0x367: {  	(xrf0) =	vmax.scan.msk.f32 $0xffff, v3;
	_ =	sdelay $0x2  }
0x368: {  	v3, _, _ =	vpop (xrf2)  }
0x369: {  	v6 =	vsub.f32 v3, v5;
	v3 =	vperm.xlane v3, v2  }
0x36a: {  	v4 =	vimm.f32 $0.0e+00  }
0x36b: {  	v6 =	vadd.f32 v6, v4;
	v8, _, _ =	vpop (xrf0);
	(xrf0) =	vmax.scan.msk.f32 $0xffff, v3  }
0x36c: {  	v3 =	vmin.f32 v8, $1.280000000e+02  }
0x36d: {  	vm0 =	vgt.f32 v5, $0.0e+00;
	vm1 =	vlt.f32 v6, v3  }
0x36e: {  	vm0 =	vmand vm0, vm1  }
0x36f: {  	v5 =	vsel vm0, $0x3F800000, v1  }
0x370: {  	s19 =	simm.s32 $0x10;
	[tilespmem:v7+s23+$0x0] =	vst.idx.msk $0xffff, v5  }
0x371: {  	s2 =	simm.s32 $0x80;
	v5 =	vld [tilespmem:s19+$0x13A00];
	v6, _, _ =	vpop (xrf0)  }
.LBB2_48:
0x372: {  	p5 =	seq.s32 s2, $0xC880;
	v4 =	vadd.f32 v6, v4;
	s19 =	smov.u32 s2;
	s2 =	sadd.s32 $0x40, s2  }
0x373: {  	_ =	sdelay $0x5  }
0x374: {  	v6 =	vld.idx.msk [tilespmem:v5+s23+$0x0], $0xffff;
	_ =	sdelay $0x5  }
0x375: {  	(xrf2) =	vadd.scan.msk.f32 $0xffff, v6;
	_ =	sdelay $0x9  }
0x376: {  	v7, _, _ =	vpop (xrf2)  }
0x377: {  	v8 =	vsub.f32 v7, v6;
	v7 =	vperm.xlane v7, v2;
	_ =	sdelay $0x1  }
0x378: {  	v8 =	vadd.f32 v8, v4;
	(xrf0) =	vmax.scan.msk.f32 $0xffff, v7;
	_ =	sdelay $0x1  }
.Ltmp26:
0x379: {  	vm0 =	vgt.f32 v6, $0.0e+00;
	vm1 =	vlt.f32 v8, v3;
	(pc) =	sbr.rel @!p5 .LBB2_48-.Ltmp26, $4  }
0x37a: {  	vm0 =	vmand vm0, vm1  }
0x37b: {  	v7 =	vsel vm0, $0x3F800000, v1  }
0x37c: {  	s19 =	sshra.s32 s19, $0x2;
	[tilespmem:v5+s23+$0x0] =	vst.idx.msk $0xffff, v7  }
0x37d: {  	v5 =	vld [tilespmem:s19+$0x13A00];
	v6, _, _ =	vpop (xrf0)  }
0x37e: {  	_ =	sdelay $0x7  }
0x37f: {  	v7 =	vld.idx.msk [tilespmem:v5+s23+$0x0], $0xffff;
	_ =	sdelay $0x4  }
0x380: {  	(xrf2) =	vadd.scan.msk.f32 $0xffff, v7;
	_ =	sdelay $0x9  }
0x381: {  	v8, _, _ =	vpop (xrf2)  }
0x382: {  	v4 =	vadd.f32 v6, v4;
	v63 =	vsub.f32 v8, v7  }
0x383: {  	v9 =	vperm.xlane v8, v2  }
0x384: {  	v4 =	vadd.f32 v63, v4  }
0x385: {  	(xrf0) =	vmax.scan.msk.f32 $0xffff, v9  }
0x386: {  	vm0 =	vgt.f32 v7, $0.0e+00;
	vm1 =	vlt.f32 v4, v3  }
.Ltmp27:
0x387: {  	vm0 =	vmand vm0, vm1;
	(pc) =	sbr.rel .LBB2_55-.Ltmp27, $2  }
0x388: {  	v3 =	vsel vm0, $0x3F800000, v1;
	_ =	sdelay $0x2  }
0x389: {  	s2 =	rddreg [dreg:$0x7];
	[tilespmem:v5+s23+$0x0] =	vst.idx.msk $0xffff, v3;
	v3, _, _ =	vpop (xrf0)  }
.LBB2_50:
0x38a: {  	s2 =	simm.s32 $0x0;
	s19 =	rddreg [dreg:$0x10];
	s20 =	simm.s32 $0x13A00  }
0x38b: {  	[tilespmem:s20], [sflag:$0x1] =	stream.linear.gather [hbm4b:s19+s2], $0x3230, $0x38;
	[tilespmem:$0x19A48] =	vst v63  }
0x38c: {  	_ =	swait.ge [sflag:s16], $0x3230  }
0x38d: {  	s26 =	sld [smem:$0x7FA]  }
0x38e: {  	[sflag:s16] =	ssyncset.done $0x0  }
0x38f: {  	[sflag:s16] =	ssyncadd.s32 $0xFFFFCDD0  }
0x390: {  	[tilespmem:s23], [sflag:$0x1] =	stream.linear.gather [spmem:s26], $0x4600, $0x38;
	[tilespmem:$0x19A48] =	vst v63  }
0x391: {  	_ =	swait.ge [sflag:s16], $0x4600  }
0x392: {  	[sflag:s16] =	ssyncset.done $0x0  }
0x393: {  	s28 =	simm.s32 $0x0;
	[sflag:s16] =	ssyncadd.s32 $0xFFFFBA00  }
0x394: {  	v3 =	vld [tilespmem:s28+$0xF400];
	_ =	sdelay $0x2  }
0x395: {  	v5 =	vld [tilespmem:s28+$0xF410]  }
0x396: {  	v4 =	vimm.f32 $0.0e+00  }
0x397: {  	v6 =	vadd.f32 v3, v4;
	v4 =	vld [tilespmem:s28+$0xF420];
	_ =	sdelay $0x1  }
0x398: {  	v3 =	vld [tilespmem:s28+$0xF430]  }
0x399: {  	s2 =	simm.s32 $0x40;
	s19 =	simm.s32 $0x200;
	v5 =	vadd.f32 v5, v6  }
.LBB2_51:
0x39a: {  	p5 =	sne.s32 s19, $0x11700;
	v6 =	vld [tilespmem:s2+$0xF400]  }
0x39b: {  	v4 =	vadd.f32 v4, v5  }
0x39c: {  	v5 =	vld [tilespmem:s2+$0xF410]  }
.Ltmp28:
0x39d: {  	v3 =	vadd.f32 v3, v4;
	(pc) =	sbr.rel @p5 .LBB2_51-.Ltmp28, $4  }
0x39e: {  	v4 =	vld [tilespmem:s2+$0xF420]  }
0x39f: {  	v6 =	vadd.f32 v6, v3  }
0x3a0: {  	v3 =	vld [tilespmem:s2+$0xF430]  }
0x3a1: {  	s2 =	sshra.s32 s19, $0x2;
	s19 =	sadd.s32 $0x100, s19;
	v5 =	vadd.f32 v5, v6  }
0x3a2: {  	v6 =	vld [tilespmem:s2+$0xF400]  }
0x3a3: {  	v4 =	vadd.f32 v4, v5  }
0x3a4: {  	v5 =	vld [tilespmem:s2+$0xF410]  }
0x3a5: {  	v3 =	vadd.f32 v3, v4  }
0x3a6: {  	s28 =	simm.s32 $0x0;
	v4 =	vld [tilespmem:s2+$0xF420]  }
0x3a7: {  	v7 =	vld [tilespmem:s28+$0x13A00];
	v3 =	vadd.f32 v6, v3  }
0x3a8: {  	v6 =	vld [tilespmem:s2+$0xF430]  }
0x3a9: {  	v3 =	vadd.f32 v5, v3;
	_ =	sdelay $0x1  }
0x3aa: {  	v3 =	vadd.f32 v4, v3;
	_ =	sdelay $0x1  }
0x3ab: {  	v3 =	vadd.f32 v6, v3;
	_ =	sdelay $0x1  }
0x3ac: {  	(xrf2) =	vadd.scan.msk.f32 $0xffff, v3  }
0x3ad: {  	v5 =	vld.idx.msk [tilespmem:v7+s23+$0x0], $0xffff;
	_ =	sdelay $0x4  }
0x3ae: {  	(xrf2) =	vadd.scan.msk.f32 $0xffff, v5;
	_ =	sdelay $0x3  }
0x3af: {  	v3, _, _ =	vpop (xrf2)  }
0x3b0: {  	v3 =	vperm.xlane v3, v2;
	_ =	sdelay $0x1  }
0x3b1: {  	(xrf0) =	vmax.scan.msk.f32 $0xffff, v3;
	_ =	sdelay $0x2  }
0x3b2: {  	v3, _, _ =	vpop (xrf2)  }
0x3b3: {  	v6 =	vsub.f32 v3, v5;
	v3 =	vperm.xlane v3, v2  }
0x3b4: {  	v4 =	vimm.f32 $0.0e+00  }
0x3b5: {  	v6 =	vadd.f32 v6, v4;
	v8, _, _ =	vpop (xrf0);
	(xrf0) =	vmax.scan.msk.f32 $0xffff, v3  }
0x3b6: {  	v3 =	vmin.f32 v8, $1.280000000e+02  }
0x3b7: {  	vm0 =	vgt.f32 v5, $0.0e+00;
	vm1 =	vlt.f32 v6, v3  }
0x3b8: {  	vm0 =	vmand vm0, vm1  }
0x3b9: {  	v5 =	vsel vm0, $0x3F800000, v1  }
0x3ba: {  	s19 =	simm.s32 $0x10;
	[tilespmem:v7+s23+$0x0] =	vst.idx.msk $0xffff, v5  }
0x3bb: {  	s2 =	simm.s32 $0x80;
	v5 =	vld [tilespmem:s19+$0x13A00];
	v6, _, _ =	vpop (xrf0)  }
.LBB2_53:
0x3bc: {  	p5 =	seq.s32 s2, $0xC880;
	v4 =	vadd.f32 v6, v4;
	s19 =	smov.u32 s2;
	s2 =	sadd.s32 $0x40, s2  }
0x3bd: {  	_ =	sdelay $0x5  }
0x3be: {  	v6 =	vld.idx.msk [tilespmem:v5+s23+$0x0], $0xffff;
	_ =	sdelay $0x5  }
0x3bf: {  	(xrf2) =	vadd.scan.msk.f32 $0xffff, v6;
	_ =	sdelay $0x9  }
0x3c0: {  	v7, _, _ =	vpop (xrf2)  }
0x3c1: {  	v8 =	vsub.f32 v7, v6;
	v7 =	vperm.xlane v7, v2;
	_ =	sdelay $0x1  }
0x3c2: {  	v8 =	vadd.f32 v8, v4;
	(xrf0) =	vmax.scan.msk.f32 $0xffff, v7;
	_ =	sdelay $0x1  }
.Ltmp29:
0x3c3: {  	vm0 =	vgt.f32 v6, $0.0e+00;
	vm1 =	vlt.f32 v8, v3;
	(pc) =	sbr.rel @!p5 .LBB2_53-.Ltmp29, $4  }
0x3c4: {  	vm0 =	vmand vm0, vm1  }
0x3c5: {  	v7 =	vsel vm0, $0x3F800000, v1  }
0x3c6: {  	s19 =	sshra.s32 s19, $0x2;
	[tilespmem:v5+s23+$0x0] =	vst.idx.msk $0xffff, v7  }
0x3c7: {  	v5 =	vld [tilespmem:s19+$0x13A00];
	v6, _, _ =	vpop (xrf0)  }
0x3c8: {  	_ =	sdelay $0x7  }
0x3c9: {  	v7 =	vld.idx.msk [tilespmem:v5+s23+$0x0], $0xffff;
	_ =	sdelay $0x4  }
0x3ca: {  	(xrf2) =	vadd.scan.msk.f32 $0xffff, v7;
	_ =	sdelay $0x9  }
0x3cb: {  	v8, _, _ =	vpop (xrf2)  }
0x3cc: {  	v4 =	vadd.f32 v6, v4;
	v63 =	vsub.f32 v8, v7  }
0x3cd: {  	v9 =	vperm.xlane v8, v2  }
0x3ce: {  	v4 =	vadd.f32 v63, v4  }
0x3cf: {  	(xrf0) =	vmax.scan.msk.f32 $0xffff, v9  }
0x3d0: {  	vm0 =	vgt.f32 v7, $0.0e+00;
	vm1 =	vlt.f32 v4, v3  }
0x3d1: {  	vm0 =	vmand vm0, vm1  }
0x3d2: {  	v3 =	vsel vm0, $0x3F800000, v1;
	_ =	sdelay $0x2  }
0x3d3: {  	s2 =	sld [smem:$0x7FB];
	[tilespmem:v5+s23+$0x0] =	vst.idx.msk $0xffff, v3;
	v3, _, _ =	vpop (xrf0)  }
.LBB2_55:
0x3d4: {  	_ =	sdelay $0x1  }
0x3d5: {  	[spmem:s2] =	stream.linear.scatter [tilespmem:s23], [sflag:$0x1], $0x4600, $0x38;
	[tilespmem:$0x19A48] =	vst v63  }
0x3d6: {  	_ =	swait.ge [sflag:s16], $0x4600  }
0x3d7: {  	[sflag:s16] =	ssyncset.done $0x0  }
0x3d8: {  	[sflag:s16] =	ssyncadd.s32 $0xFFFFBA00  }
.LBB2_56:
0x3d9: {  	[bflag:$0x0] =	sbarrier.arrive $0xFFFF  }
0x3da: {  	s19 =	simm.s32 $0x16C80;
	s2 =	rddreg [dreg:$0x1e]  }
0x3db: {  	[tilespmem:s19], [sflag:$0x1] =	stream.linear.gather [spmem:s2], $0x460, $0x38;
	[tilespmem:$0x19A48] =	vst v63  }
0x3dc: {  	_ =	swait.ge [sflag:s16], $0x460  }
0x3dd: {  	s25 =	sld [smem:$0x7EF]  }
0x3de: {  	[sflag:s16] =	ssyncset.done $0x0  }
0x3df: {  	[sflag:s16] =	ssyncadd.s32 $0xFFFFFBA0  }
0x3e0: {  	[tilespmem:s0], [sflag:$0x1] =	stream.linear.gather [spmem:s25], $0x460, $0x38;
	[tilespmem:$0x19A48] =	vst v63  }
0x3e1: {  	_ =	swait.ge [sflag:s16], $0x460  }
0x3e2: {  	[sflag:s16] =	ssyncset.done $0x0  }
0x3e3: {  	[sflag:s16] =	ssyncadd.s32 $0xFFFFFBA0  }
0x3e4: {  	s26 =	rddreg [dreg:$0x8]  }
0x3e5: {  	[tilespmem:s24], [sflag:$0x1] =	stream.linear.gather [spmem:s26], $0x10, $0x38;
	[tilespmem:$0x19A48] =	vst v63  }
0x3e6: {  	_ =	swait.ge [sflag:s16], $0x10  }
0x3e7: {  	[sflag:s16] =	ssyncset.done $0x0  }
0x3e8: {  	[sflag:s16] =	ssyncadd.s32 $0xFFFFFFF0  }
0x3e9: {  	s28 =	simm.s32 $0x0;
	v3 =	vld [tilespmem:s19+$0x0]  }
0x3ea: {  	s2 =	sand.u32 $0x7F0, s28;
	v4 =	vld [tilespmem:s19+$0x460]  }
0x3eb: {  	s20 =	simm.s32 $0xB720;
	v5 =	vld [tilespmem:s2+$0xBB80]  }
0x3ec: {  	v6 =	vld [tilespmem:s20+$0x0];
	_ =	sdelay $0x2  }
0x3ed: {  	v7 =	vld [tilespmem:s20+$0xFFFFFBA0]  }
0x3ee: {  	vm0 =	vlt.f32 v4, $5.000000000e-01  }
0x3ef: {  	vm1 =	vgt.f32 v5, $0.0e+00;
	vm2 =	vlt.f32 v3, $5.000000000e-01;
	vm3 =	vgt.f32 v6, $0.0e+00  }
0x3f0: {  	v3 =	vld [tilespmem:$0x17580];
	vm0 =	vmand vm1, vm0;
	vm14 =	vmand vm3, vm2  }
0x3f1: {  	vm0 =	vmor vm0, vm14  }
0x3f2: {  	v4 =	vsel vm0, $0xBF800000, v7  }
0x3f3: {  	vm0 =	veq.f32 v4, $1.000000000e+00  }
0x3f4: {  	vm15 =	vge.f32 v4, $0.0e+00;
	[tilespmem:s20+$0xFFFFFBA0] =	vst v4;
	v4 =	vsel vm0, $0x3F800000, v1  }
0x3f5: {  	[tilespmem:s20+$0x0] =	vst v4;
	v4 =	vnsel vm15, $0x0, v3  }
0x3f6: {  	[tilespmem:s2+$0xBB80] =	vst v4  }
0x3f7: {  	s21 =	simm.s32 $0x1A40;
	v5 =	vld [tilespmem:s20+$0xFFFFEA20]  }
0x3f8: {  	v6 =	vld [tilespmem:s21+$0xFFFFFBA0];
	_ =	sdelay $0x1  }
0x3f9: {  	v7 =	vld [tilespmem:s21+$0x460];
	_ =	sdelay $0x1  }
0x3fa: {  	v4 =	vld [tilespmem:s21+$0x15E0]  }
0x3fb: {  	v5 =	vsub.f32 v5, v6;
	_ =	sdelay $0x1  }
0x3fc: {  	v5 =	vmul.f32 v7, v5;
	_ =	sdelay $0x1  }
0x3fd: {  	v5 =	vmul.f32 v5, v4  }
0x3fe: {  	s22 =	simm.s32 $0x49C0  }
0x3ff: {  	[tilespmem:s22+$0xFFFFF740] =	vst v5  }
0x400: {  	v5 =	vld [tilespmem:s20+$0xFFFFEE80]  }
0x401: {  	v6 =	vld [tilespmem:s21+$0x0];
	_ =	sdelay $0x1  }
0x402: {  	v7 =	vld [tilespmem:s2+$0x2300];
	_ =	sdelay $0x2  }
0x403: {  	v5 =	vsub.f32 v5, v6;
	_ =	sdelay $0x1  }
0x404: {  	v5 =	vmul.f32 v7, v5;
	_ =	sdelay $0x1  }
0x405: {  	v5 =	vmul.f32 v5, v4;
	_ =	sdelay $0x1  }
0x406: {  	[tilespmem:s22+$0xFFFFFBA0] =	vst v5  }
0x407: {  	v5 =	vld [tilespmem:s2+$0xAA00]  }
0x408: {  	v6 =	vld [tilespmem:s21+$0xD20];
	_ =	sdelay $0x4  }
0x409: {  	v5 =	vsub.f32 v5, v6;
	_ =	sdelay $0x1  }
0x40a: {  	v5 =	vmul.f32 v5, v4;
	_ =	sdelay $0x1  }
0x40b: {  	[tilespmem:s22+$0x0] =	vst v5  }
0x40c: {  	v5 =	vld [tilespmem:s20+$0xFFFFF740]  }
0x40d: {  	v6 =	vld [tilespmem:s21+$0x1180];
	_ =	sdelay $0x2  }
0x40e: {  	s25 =	simm.s32 $0x10;
	s26 =	simm.s32 $0x49D0  }
.LBB2_57:
0x40f: {  	s20 =	sadd.s32 $0x10, s20;
	s21 =	sadd.s32 $0x10, s21;
	s19 =	sadd.s32 $0x10, s19  }
0x410: {  	p5 =	sne.s32 s25, $0x450;
	s2 =	smov.u32 s25;
	s25 =	sadd.s32 $0x10, s25;
	v5 =	vsub.f32 v5, v6  }
0x411: {  	_ = 	snop  }
0x412: {  	v4 =	vmul.f32 v5, v4;
	_ =	sdelay $0x1  }
0x413: {  	[tilespmem:s22+$0x460] =	vst v4;
	s22 =	smov.u32 s26  }
0x414: {  	v4 =	vld [tilespmem:s19+$0x0]  }
0x415: {  	s28 =	sand.u32 $0x7F0, s2;
	v5 =	vld [tilespmem:s19+$0x460]  }
0x416: {  	v6 =	vld [tilespmem:s28+$0xBB80]  }
0x417: {  	v7 =	vld [tilespmem:s20+$0x0];
	_ =	sdelay $0x2  }
0x418: {  	v8 =	vld [tilespmem:s20+$0xFFFFFBA0];
	vm0 =	vlt.f32 v5, $5.000000000e-01  }
0x419: {  	vm2 =	vlt.f32 v4, $5.000000000e-01;
	vm1 =	vgt.f32 v6, $0.0e+00  }
0x41a: {  	vm3 =	vgt.f32 v7, $0.0e+00;
	vm0 =	vmand vm1, vm0  }
0x41b: {  	vm1 =	vmand vm3, vm2  }
0x41c: {  	vm0 =	vmor vm0, vm1  }
0x41d: {  	v4 =	vsel vm0, $0xBF800000, v8  }
0x41e: {  	vm0 =	veq.f32 v4, $1.000000000e+00;
	vm1 =	vge.f32 v4, $0.0e+00  }
0x41f: {  	[tilespmem:s20+$0xFFFFFBA0] =	vst v4;
	v4 =	vsel vm0, $0x3F800000, v1  }
0x420: {  	[tilespmem:s20+$0x0] =	vst v4;
	v4 =	vnsel vm1, $0x0, v3  }
0x421: {  	[tilespmem:s28+$0xBB80] =	vst v4  }
0x422: {  	v5 =	vld [tilespmem:s20+$0xFFFFEA20]  }
0x423: {  	v6 =	vld [tilespmem:s21+$0xFFFFFBA0];
	_ =	sdelay $0x1  }
0x424: {  	v7 =	vld [tilespmem:s21+$0x460];
	_ =	sdelay $0x1  }
0x425: {  	v4 =	vld [tilespmem:s21+$0x15E0]  }
0x426: {  	v5 =	vsub.f32 v5, v6;
	_ =	sdelay $0x1  }
0x427: {  	v5 =	vmul.f32 v7, v5;
	_ =	sdelay $0x1  }
0x428: {  	v5 =	vmul.f32 v5, v4;
	_ =	sdelay $0x1  }
0x429: {  	[tilespmem:s26+$0xFFFFF740] =	vst v5  }
0x42a: {  	v5 =	vld [tilespmem:s20+$0xFFFFEE80]  }
0x42b: {  	v6 =	vld [tilespmem:s21+$0x0];
	_ =	sdelay $0x1  }
0x42c: {  	v7 =	vld [tilespmem:s28+$0x2300];
	_ =	sdelay $0x2  }
0x42d: {  	v5 =	vsub.f32 v5, v6;
	_ =	sdelay $0x1  }
0x42e: {  	v5 =	vmul.f32 v7, v5;
	_ =	sdelay $0x1  }
0x42f: {  	v5 =	vmul.f32 v5, v4;
	_ =	sdelay $0x1  }
0x430: {  	[tilespmem:s26+$0xFFFFFBA0] =	vst v5  }
0x431: {  	v5 =	vld [tilespmem:s28+$0xAA00]  }
0x432: {  	v6 =	vld [tilespmem:s21+$0xD20];
	_ =	sdelay $0x4  }
0x433: {  	v5 =	vsub.f32 v5, v6;
	_ =	sdelay $0x1  }
0x434: {  	v5 =	vmul.f32 v5, v4;
	_ =	sdelay $0x1  }
0x435: {  	[tilespmem:s26+$0x0] =	vst v5  }
.Ltmp30:
0x436: {  	v5 =	vld [tilespmem:s20+$0xFFFFF740];
	(pc) =	sbr.rel @p5 .LBB2_57-.Ltmp30, $2  }
0x437: {  	v6 =	vld [tilespmem:s21+$0x1180];
	_ =	sdelay $0x2  }
0x438: {  	s26 =	sadd.s32 $0x10, s26  }
0x439: {  	_ = 	snop  }
0x43a: {  	v3 =	vsub.f32 v5, v6;
	_ =	sdelay $0x1  }
0x43b: {  	v3 =	vmul.f32 v3, v4;
	_ =	sdelay $0x1  }
0x43c: {  	s2 =	rddreg [dreg:$0x13];
	s19 =	simm.s32 $0xB2C0;
	[tilespmem:s22+$0x460] =	vst v3;
	s22 =	simm.s32 $0x0  }
0x43d: {  	[hbm4b:s2+s22] =	stream.linear.scatter [tilespmem:s19], [sflag:$0x1], $0x460, $0x38;
	[tilespmem:$0x19A48] =	vst v63  }
0x43e: {  	_ =	swait.ge [sflag:s16], $0x460  }
0x43f: {  	[sflag:s16] =	ssyncset.done $0x0  }
0x440: {  	s28 =	simm.s32 $0xB720;
	s26 =	rddreg [dreg:$0x14];
	[sflag:s16] =	ssyncadd.s32 $0xFFFFFBA0  }
0x441: {  	[hbm4b:s26+s22] =	stream.linear.scatter [tilespmem:s28], [sflag:$0x1], $0x460, $0x38;
	[tilespmem:$0x19A48] =	vst v63  }
0x442: {  	_ =	swait.ge [sflag:s16], $0x460  }
0x443: {  	[sflag:s16] =	ssyncset.done $0x0  }
0x444: {  	s21 =	simm.s32 $0xBB80;
	s20 =	rddreg [dreg:$0x15];
	[sflag:s16] =	ssyncadd.s32 $0xFFFFFBA0  }
0x445: {  	[hbm4b:s20+s22] =	stream.linear.scatter [tilespmem:s21], [sflag:$0x1], $0x460, $0x38;
	[tilespmem:$0x19A48] =	vst v63  }
0x446: {  	_ =	swait.ge [sflag:s16], $0x460  }
0x447: {  	[sflag:s16] =	ssyncset.done $0x0  }
0x448: {  	[sflag:s16] =	ssyncadd.s32 $0xFFFFFBA0  }
0x449: {  	[hbm4b:s18+s22] =	stream.linear.scatter [tilespmem:s7], [sflag:$0x1], $0x460, $0x38;
	[tilespmem:$0x19A48] =	vst v63  }
0x44a: {  	_ =	swait.ge [sflag:s16], $0x460  }
0x44b: {  	[sflag:s16] =	ssyncset.done $0x0  }
0x44c: {  	[sflag:s16] =	ssyncadd.s32 $0xFFFFFBA0  }
0x44d: {  	[hbm4b:s13+s22] =	stream.linear.scatter [tilespmem:s8], [sflag:$0x1], $0x460, $0x38;
	[tilespmem:$0x19A48] =	vst v63  }
0x44e: {  	_ =	swait.ge [sflag:s16], $0x460  }
0x44f: {  	[sflag:s16] =	ssyncset.done $0x0  }
0x450: {  	s19 =	simm.s32 $0x49C0;
	[sflag:s16] =	ssyncadd.s32 $0xFFFFFBA0  }
0x451: {  	[hbm4b:s14+s22] =	stream.linear.scatter [tilespmem:s19], [sflag:$0x1], $0x460, $0x38;
	[tilespmem:$0x19A48] =	vst v63  }
0x452: {  	_ =	swait.ge [sflag:s16], $0x460  }
0x453: {  	[sflag:s16] =	ssyncset.done $0x0  }
0x454: {  	[sflag:s16] =	ssyncadd.s32 $0xFFFFFBA0  }
0x455: {  	[hbm4b:s15+s22] =	stream.linear.scatter [tilespmem:s9], [sflag:$0x1], $0x460, $0x38;
	[tilespmem:$0x19A48] =	vst v63  }
0x456: {  	_ =	swait.ge [sflag:s16], $0x460  }
0x457: {  	s20 =	sld [smem:$0x7F1]  }
0x458: {  	[sflag:s16] =	ssyncset.done $0x0  }
0x459: {  	s25 =	simm.s32 $0x16C80;
	[sflag:s16] =	ssyncadd.s32 $0xFFFFFBA0  }
0x45a: {  	[tilespmem:s25], [sflag:$0x1] =	stream.linear.gather [spmem:s20], $0x460, $0x38;
	[tilespmem:$0x19A48] =	vst v63  }
0x45b: {  	_ =	swait.ge [sflag:s16], $0x460  }
0x45c: {  	s26 =	sld [smem:$0x7F3]  }
0x45d: {  	[sflag:s16] =	ssyncset.done $0x0  }
0x45e: {  	[sflag:s16] =	ssyncadd.s32 $0xFFFFFBA0  }
0x45f: {  	[tilespmem:s0], [sflag:$0x1] =	stream.linear.gather [spmem:s26], $0x460, $0x38;
	[tilespmem:$0x19A48] =	vst v63  }
0x460: {  	_ =	swait.ge [sflag:s16], $0x460  }
0x461: {  	[sflag:s16] =	ssyncset.done $0x0  }
0x462: {  	[sflag:s16] =	ssyncadd.s32 $0xFFFFFBA0  }
0x463: {  	[tilespmem:s24], [sflag:$0x1] =	stream.linear.gather [spmem:s12], $0x10, $0x38;
	[tilespmem:$0x19A48] =	vst v63  }
0x464: {  	_ =	swait.ge [sflag:s16], $0x10  }
0x465: {  	[sflag:s16] =	ssyncset.done $0x0  }
0x466: {  	s20 =	simm.s32 $0xDA20;
	[sflag:s16] =	ssyncadd.s32 $0xFFFFFFF0  }
0x467: {  	v3 =	vld [tilespmem:s20+$0x0]  }
0x468: {  	v4 =	vld [tilespmem:s25+$0x0]  }
0x469: {  	v5 =	vld [tilespmem:s25+$0x460]  }
0x46a: {  	v6 =	vld [tilespmem:s20+$0xFFFFFBA0];
	_ =	sdelay $0x2  }
0x46b: {  	v7 =	vld [tilespmem:s20+$0xFFFFF740]  }
0x46c: {  	vm0 =	vgt.f32 v3, $0.0e+00  }
0x46d: {  	vm1 =	vlt.f32 v4, $5.000000000e-01;
	vm2 =	vgt.f32 v6, $0.0e+00;
	vm3 =	vlt.f32 v5, $5.000000000e-01  }
0x46e: {  	v3 =	vld [tilespmem:$0x17580];
	vm1 =	vmand vm2, vm1;
	vm0 =	vmand vm0, vm3  }
0x46f: {  	vm0 =	vmor vm0, vm1  }
0x470: {  	v4 =	vsel vm0, $0xBF800000, v7  }
0x471: {  	vm0 =	veq.f32 v4, $1.000000000e+00  }
0x472: {  	vm15 =	vge.f32 v4, $0.0e+00;
	[tilespmem:s20+$0xFFFFF740] =	vst v4;
	v4 =	vsel vm0, $0x3F800000, v1  }
0x473: {  	v5 =	vnsel vm15, $0x0, v3;
	[tilespmem:s20+$0xFFFFFBA0] =	vst v4  }
0x474: {  	s21 =	simm.s32 $0x1A40;
	[tilespmem:s20+$0x0] =	vst v5;
	v5 =	vld [tilespmem:s20+$0xFFFFE5C0]  }
0x475: {  	v6 =	vld [tilespmem:s21+$0xFFFFFBA0];
	_ =	sdelay $0x1  }
0x476: {  	v7 =	vld [tilespmem:s21+$0x460];
	_ =	sdelay $0x1  }
0x477: {  	v4 =	vld [tilespmem:s21+$0x15E0]  }
0x478: {  	v5 =	vsub.f32 v5, v6;
	_ =	sdelay $0x1  }
0x479: {  	v5 =	vmul.f32 v7, v5;
	_ =	sdelay $0x1  }
0x47a: {  	v5 =	vmul.f32 v5, v4;
	_ =	sdelay $0x1  }
0x47b: {  	[tilespmem:s19+$0xFFFFF740] =	vst v5  }
0x47c: {  	v5 =	vld [tilespmem:s20+$0xFFFFEA20]  }
0x47d: {  	v6 =	vld [tilespmem:s21+$0x0]  }
0x47e: {  	s28 =	sand.u32 $0x7F0, s22  }
0x47f: {  	v7 =	vld [tilespmem:s28+$0x2300];
	_ =	sdelay $0x2  }
0x480: {  	v5 =	vsub.f32 v5, v6;
	_ =	sdelay $0x1  }
0x481: {  	v5 =	vmul.f32 v7, v5;
	_ =	sdelay $0x1  }
0x482: {  	v5 =	vmul.f32 v5, v4;
	_ =	sdelay $0x1  }
0x483: {  	[tilespmem:s19+$0xFFFFFBA0] =	vst v5  }
0x484: {  	v5 =	vld [tilespmem:s20+$0xFFFFEE80]  }
0x485: {  	v6 =	vld [tilespmem:s21+$0xD20];
	_ =	sdelay $0x4  }
0x486: {  	v5 =	vsub.f32 v5, v6;
	_ =	sdelay $0x1  }
0x487: {  	v5 =	vmul.f32 v5, v4;
	_ =	sdelay $0x1  }
0x488: {  	[tilespmem:s19+$0x0] =	vst v5  }
0x489: {  	v5 =	vld [tilespmem:s28+$0xCD00]  }
0x48a: {  	v6 =	vld [tilespmem:s21+$0x1180];
	_ =	sdelay $0x2  }
0x48b: {  	s22 =	simm.s32 $0x10;
	s26 =	simm.s32 $0x16C90;
	s25 =	simm.s32 $0x49C0  }
.LBB2_59:
0x48c: {  	s21 =	sadd.s32 $0x10, s21;
	s20 =	sadd.s32 $0x10, s20;
	s19 =	sadd.s32 $0x10, s19  }
0x48d: {  	p5 =	sne.s32 s22, $0x450;
	s28 =	smov.u32 s22;
	s22 =	sadd.s32 $0x10, s22;
	v5 =	vsub.f32 v5, v6  }
0x48e: {  	_ = 	snop  }
0x48f: {  	v4 =	vmul.f32 v5, v4;
	_ =	sdelay $0x1  }
0x490: {  	[tilespmem:s25+$0x460] =	vst v4;
	s25 =	smov.u32 s19  }
0x491: {  	v4 =	vld [tilespmem:s20+$0x0]  }
0x492: {  	v5 =	vld [tilespmem:s26+$0x0]  }
0x493: {  	v6 =	vld [tilespmem:s26+$0x460]  }
0x494: {  	v7 =	vld [tilespmem:s20+$0xFFFFFBA0];
	_ =	sdelay $0x2  }
0x495: {  	v8 =	vld [tilespmem:s20+$0xFFFFF740]  }
0x496: {  	vm0 =	vgt.f32 v4, $0.0e+00;
	vm1 =	vlt.f32 v5, $5.000000000e-01  }
0x497: {  	vm3 =	vlt.f32 v6, $5.000000000e-01;
	vm2 =	vgt.f32 v7, $0.0e+00  }
0x498: {  	vm0 =	vmand vm0, vm3;
	vm1 =	vmand vm2, vm1  }
0x499: {  	vm0 =	vmor vm0, vm1  }
0x49a: {  	v4 =	vsel vm0, $0xBF800000, v8  }
0x49b: {  	vm0 =	veq.f32 v4, $1.000000000e+00;
	vm1 =	vge.f32 v4, $0.0e+00  }
0x49c: {  	[tilespmem:s20+$0xFFFFF740] =	vst v4;
	v4 =	vsel vm0, $0x3F800000, v1;
	v5 =	vnsel vm1, $0x0, v3  }
0x49d: {  	[tilespmem:s20+$0xFFFFFBA0] =	vst v4  }
0x49e: {  	[tilespmem:s20+$0x0] =	vst v5;
	v5 =	vld [tilespmem:s20+$0xFFFFE5C0]  }
0x49f: {  	v6 =	vld [tilespmem:s21+$0xFFFFFBA0];
	_ =	sdelay $0x1  }
0x4a0: {  	v7 =	vld [tilespmem:s21+$0x460];
	_ =	sdelay $0x1  }
0x4a1: {  	v4 =	vld [tilespmem:s21+$0x15E0]  }
0x4a2: {  	v5 =	vsub.f32 v5, v6;
	_ =	sdelay $0x1  }
0x4a3: {  	v5 =	vmul.f32 v7, v5;
	_ =	sdelay $0x1  }
0x4a4: {  	v5 =	vmul.f32 v5, v4;
	_ =	sdelay $0x1  }
0x4a5: {  	[tilespmem:s19+$0xFFFFF740] =	vst v5  }
0x4a6: {  	v5 =	vld [tilespmem:s20+$0xFFFFEA20]  }
0x4a7: {  	v6 =	vld [tilespmem:s21+$0x0]  }
0x4a8: {  	s2 =	sand.u32 $0x7F0, s28  }
0x4a9: {  	v7 =	vld [tilespmem:s2+$0x2300];
	_ =	sdelay $0x2  }
0x4aa: {  	v5 =	vsub.f32 v5, v6;
	_ =	sdelay $0x1  }
0x4ab: {  	v5 =	vmul.f32 v7, v5;
	_ =	sdelay $0x1  }
0x4ac: {  	v5 =	vmul.f32 v5, v4;
	_ =	sdelay $0x1  }
0x4ad: {  	[tilespmem:s19+$0xFFFFFBA0] =	vst v5  }
0x4ae: {  	v5 =	vld [tilespmem:s20+$0xFFFFEE80]  }
0x4af: {  	v6 =	vld [tilespmem:s21+$0xD20];
	_ =	sdelay $0x4  }
0x4b0: {  	v5 =	vsub.f32 v5, v6;
	_ =	sdelay $0x1  }
0x4b1: {  	v5 =	vmul.f32 v5, v4;
	_ =	sdelay $0x1  }
0x4b2: {  	[tilespmem:s19+$0x0] =	vst v5  }
.Ltmp31:
0x4b3: {  	v5 =	vld [tilespmem:s2+$0xCD00];
	(pc) =	sbr.rel @p5 .LBB2_59-.Ltmp31, $2  }
0x4b4: {  	v6 =	vld [tilespmem:s21+$0x1180];
	_ =	sdelay $0x2  }
0x4b5: {  	s26 =	sadd.s32 $0x10, s26  }
0x4b6: {  	_ = 	snop  }
0x4b7: {  	v3 =	vsub.f32 v5, v6;
	_ =	sdelay $0x1  }
0x4b8: {  	v3 =	vmul.f32 v3, v4;
	_ =	sdelay $0x1  }
0x4b9: {  	s2 =	rddreg [dreg:$0x16];
	s19 =	simm.s32 $0xD160;
	[tilespmem:s25+$0x460] =	vst v3  }
0x4ba: {  	[hbm4b:s2+s17] =	stream.linear.scatter [tilespmem:s19], [sflag:$0x1], $0x460, $0x38;
	[tilespmem:$0x19A48] =	vst v63  }
0x4bb: {  	_ =	swait.ge [sflag:s16], $0x460  }
0x4bc: {  	[sflag:s16] =	ssyncset.done $0x0  }
0x4bd: {  	s20 =	rddreg [dreg:$0x17];
	[sflag:s16] =	ssyncadd.s32 $0xFFFFFBA0  }
0x4be: {  	[hbm4b:s20+s17] =	stream.linear.scatter [tilespmem:s30], [sflag:$0x1], $0x460, $0x38;
	[tilespmem:$0x19A48] =	vst v63  }
0x4bf: {  	_ =	swait.ge [sflag:s16], $0x460  }
0x4c0: {  	[sflag:s16] =	ssyncset.done $0x0  }
0x4c1: {  	s21 =	rddreg [dreg:$0x18];
	[sflag:s16] =	ssyncadd.s32 $0xFFFFFBA0  }
0x4c2: {  	[hbm4b:s21+s17] =	stream.linear.scatter [tilespmem:s31], [sflag:$0x1], $0x460, $0x38;
	[tilespmem:$0x19A48] =	vst v63  }
0x4c3: {  	_ =	swait.ge [sflag:s16], $0x460  }
0x4c4: {  	[sflag:s16] =	ssyncset.done $0x0  }
0x4c5: {  	s22 =	rddreg [dreg:$0x19];
	[sflag:s16] =	ssyncadd.s32 $0xFFFFFBA0  }
0x4c6: {  	[hbm4b:s22+s17] =	stream.linear.scatter [tilespmem:s7], [sflag:$0x1], $0x460, $0x38;
	[tilespmem:$0x19A48] =	vst v63  }
0x4c7: {  	_ =	swait.ge [sflag:s16], $0x460  }
0x4c8: {  	[sflag:s16] =	ssyncset.done $0x0  }
0x4c9: {  	s25 =	rddreg [dreg:$0x1a];
	[sflag:s16] =	ssyncadd.s32 $0xFFFFFBA0  }
0x4ca: {  	[hbm4b:s25+s17] =	stream.linear.scatter [tilespmem:s8], [sflag:$0x1], $0x460, $0x38;
	[tilespmem:$0x19A48] =	vst v63  }
0x4cb: {  	_ =	swait.ge [sflag:s16], $0x460  }
0x4cc: {  	[sflag:s16] =	ssyncset.done $0x0  }
0x4cd: {  	s28 =	simm.s32 $0x49C0;
	s26 =	rddreg [dreg:$0x1b];
	[sflag:s16] =	ssyncadd.s32 $0xFFFFFBA0  }
0x4ce: {  	[hbm4b:s26+s17] =	stream.linear.scatter [tilespmem:s28], [sflag:$0x1], $0x460, $0x38;
	[tilespmem:$0x19A48] =	vst v63  }
0x4cf: {  	_ =	swait.ge [sflag:s16], $0x460  }
0x4d0: {  	[sflag:s16] =	ssyncset.done $0x0  }
0x4d1: {  	s30 =	rddreg [dreg:$0x1c];
	[sflag:s16] =	ssyncadd.s32 $0xFFFFFBA0  }
0x4d2: {  	[hbm4b:s30+s17] =	stream.linear.scatter [tilespmem:s9], [sflag:$0x1], $0x460, $0x38;
	[tilespmem:$0x19A48] =	vst v63  }
0x4d3: {  	_ =	swait.ge [sflag:s16], $0x460  }
0x4d4: {  	s31 =	sld [smem:$0x7F4];
	_ =	sdelay $0x1  }
0x4d5: {  	s10 =	sadd.s32 $0x1, s10  }
0x4d6: {  	p5 =	sne.s32 s10, s31  }
.Ltmp32:
0x4d7: {  	_ = 	snop;
	(pc) =	sbr.rel @p5 .LBB2_1-.Ltmp32, $3  }
0x4d8: {  	_ =	sdelay $0x1  }
0x4d9: {  	[sflag:s16] =	ssyncset.done $0x0  }
0x4da: {  	[sflag:s16] =	ssyncadd.s32 $0xFFFFFBA0  }
0x4db: {  	_ =	sfence.sel $0x180000  }
0x4dc: {  	[bflag:$0x0] =	sbarrier.arrive $0xFFFF  }
0x4dd: {  	_ =	strace $0x90000047  }
0x4de: {  	s0 =	stileid.u32;
	[bflag:$0x2] =	sbarrier.arrive $0xFFFF  }
0x4df: {  	p0 =	sne.s32 s0, $0x0;
	s0 =	rddreg [dreg:$0x9]  }
0x4e0: {  	s0 =	sadd.s32 @!p0 $0x100000, s0  }
0x4e1: {  	[sflag:s0] =	ssyncadd.tile.s32 @!p0 $0x1;
	_ =	shalt  }
.Lfunc_end2:
_tile_overlayer_lowered:
.L_overlay_start_2:
0x4e2: {  	(tag) =	ssettag $0x2  }
0x4e3: {  	s0 =	rddreg [dreg:$0x0];
	s2 =	stileid.u32  }
0x4e4: {  	s1 =	rddreg [dreg:$0x1];
	p0 =	sne.s32 s2, $0x0  }
0x4e5: {  	s3 =	rddreg [dreg:$0x2];
	[bflag:$0x3] =	sbarrier.arrive $0xFFFF;
	s2 =	simm.s32 @!p0 $0x1C01  }
0x4e6: {  	[timem:s3], [sflag:s2] =	dma.local @!p0 [hbm:s0], s1  }
0x4e7: {  	s0 =	simm.s32 @!p0 $0x1  }
0x4e8: {  	_ =	swait.ge @!p0 [sflag:s0], s1  }
0x4e9: {  	s1 =	ssub.s32 @!p0 $0x0, s1;
	[sflag:s0] =	ssyncset.done @!p0 $0x0  }
0x4ea: {  	[sflag:s0] =	ssyncadd.s32 @!p0 s1  }
0x4eb: {  	[bflag:$0x3] =	sbarrier.arrive $0xFFFF  }
0x4ec: {  	_ =	shalt  }

</sc_bundles>
